<compile_context>
chip_gen: v7x
topology: tpu7x:2x2x1
jax: 0.10.2.dev20260603
libtpu: 0.0.44.dev20260713+nightly
codegen_flags: <defaults>
</compile_context>

<pallas_src>
import jax
import jax.numpy as jnp
from jax import lax
from jax.experimental import pallas as pl
from jax.experimental.pallas import tpu as pltpu
from jax.experimental.pallas import tpu_sc as plsc

B = 16384
D = 32
L = 16
NC, NS = 2, 16
NW = NC * NS
BPW = B // NW
WAVE = 32
NWAVE = BPW // WAVE
CPW = WAVE // L

_DIMNUMS = lax.GatherDimensionNumbers(
    offset_dims=(), collapsed_slice_dims=(0,), start_index_map=(0,))


def _vtake(v, idx):
    return lax.gather(v, idx[:, None], _DIMNUMS, slice_sizes=(1,),
                      mode=lax.GatherScatterMode.PROMISE_IN_BOUNDS)


def _gmf_body(xf_hbm, w_hbm, uid_hbm, iid_hbm, out_hbm,
              xv, u8, i8, wv, outv, sem_u, sem_i):
    wid = lax.axis_index("s") * NC + lax.axis_index("c")
    base = wid * BPW

    pltpu.sync_copy(xf_hbm.at[pl.ds(base * 2, BPW * 2)], xv)
    pltpu.sync_copy(w_hbm, wv)

    lane = lax.iota(jnp.int32, L)
    even = (2 * lane) % L
    lo_half = lane < (L // 2)
    w0 = wv[pl.ds(0, L)]
    w1 = wv[pl.ds(L, L)]
    rev = ((lane & 1) << 3) | ((lane & 2) << 1) | ((lane & 4) >> 1) | ((lane & 8) >> 3)

    def wave(wi, _):
        cps = []
        subs_u = []
        subs_i = []
        for c in range(CPW):
            off = wi * 2 * WAVE + c * 2 * L
            f0 = xv[pl.ds(off, L)]
            f1 = xv[pl.ds(off + L, L)]
            u_ids = jnp.where(lo_half, _vtake(f0, even), _vtake(f1, even))
            i_ids = jnp.where(lo_half, _vtake(f0, even + 1), _vtake(f1, even + 1))
            subs_u.append(u_ids & 7)
            subs_i.append(i_ids & 7)
            gu = u_ids >> 3
            gi = i_ids >> 3
            for k in range(L):
                slot = c * L + k
                cps.append(pltpu.async_copy(
                    uid_hbm.at[gu[k]], u8.at[slot], sem_u))
                cps.append(pltpu.async_copy(
                    iid_hbm.at[gi[k]], i8.at[slot], sem_i))
        for cp in cps:
            cp.wait()

        for c in range(CPW):
            vecs = []
            for k in range(L):
                slot = c * L + k
                su = subs_u[c][k]
                si = subs_i[c][k]
                vecs.append(
                    u8[slot, su, pl.ds(0, L)] * i8[slot, si, pl.ds(0, L)] * w0
                    + u8[slot, su, pl.ds(L, L)] * i8[slot, si, pl.ds(L, L)] * w1)
            s = L // 2
            while len(vecs) > 1:
                pick_a = (lane & s) == 0
                vecs = [jnp.where(pick_a, a + _vtake(a, lane ^ s),
                                  b + _vtake(b, lane ^ s))
                        for a, b in zip(vecs[0::2], vecs[1::2])]
                s //= 2
            outv[pl.ds(wi * WAVE + c * L, L)] = _vtake(vecs[0], rev)
        return _
    lax.fori_loop(0, NWAVE, wave, 0)

    pltpu.sync_copy(outv, out_hbm.at[pl.ds(base, BPW)])


@jax.jit
def _gmf(xf, w_flat, uid_table, iid_table):
    mesh = plsc.VectorSubcoreMesh(
        core_axis_name="c", subcore_axis_name="s", num_cores=NC, num_subcores=NS)
    return pl.kernel(
        _gmf_body,
        out_type=jax.ShapeDtypeStruct((B,), jnp.float32),
        mesh=mesh,
        scratch_types=[
            pltpu.VMEM((BPW * 2,), jnp.int32),
            pltpu.VMEM((WAVE, 8, D), jnp.float32),
            pltpu.VMEM((WAVE, 8, D), jnp.float32),
            pltpu.VMEM((D,), jnp.float32),
            pltpu.VMEM((BPW,), jnp.float32),
            pltpu.SemaphoreType.DMA,
            pltpu.SemaphoreType.DMA,
        ],
    )(xf, w_flat, uid_table, iid_table)


def kernel(x, uid_table, iid_table, W):
    v8 = (uid_table.shape[0] // 8) * 8
    uid3 = uid_table[:v8].reshape(v8 // 8, 8, D)
    iid3 = iid_table[:v8].reshape(v8 // 8, 8, D)
    return _gmf(x.reshape(B * 2), W.reshape(D), uid3, iid3)

# --- scband reference (transcript-rebuilt; emitter-appended) ---
"""Pipeline reference for scband-gmfbase-30142080483363 (READ-ONLY COPY).

The authoritative reference and input builder live on the scoring server;
editing this copy changes nothing except your own understanding.
"""

import jax, jax.numpy as jnp
import numpy as np

UID_ALL = 1000000
IID_ALL = 1000000
EMB_DIM = 32
BATCH = 16384

def setup_inputs(seed: int = 0) -> dict:
    key = jax.random.key(seed)
    k1, k2, k3, k4 = jax.random.split(key, 4)
    x = jax.random.randint(k1, (BATCH, 2), 0, 1000000, dtype=jnp.int64 if jax.config.jax_enable_x64 else jnp.int32).astype(jnp.int32)
    uid_table = jax.random.normal(k2, (UID_ALL, EMB_DIM), dtype=jnp.float32) * 0.02
    iid_table = jax.random.normal(k3, (IID_ALL + 1, EMB_DIM), dtype=jnp.float32) * 0.02
    W = jax.random.normal(k4, (1, EMB_DIM), dtype=jnp.float32) * (1.0 / np.sqrt(EMB_DIM))
    return {"x": x, "uid_table": uid_table, "iid_table": iid_table, "W": W}

def reference(x, uid_table, iid_table, W):
    # LookupEmbedding
    uid_emb = jnp.take(uid_table, x[:, 0], axis=0)  # [B, D]
    iid_emb = jnp.take(iid_table, x[:, 1], axis=0)  # [B, D]
    # GMF: elementwise product then linear (no bias)
    h = uid_emb * iid_emb  # [B, D]
    out = h @ W.T  # [B, 1]
    return out.squeeze(1)

if __name__ == "__main__":
    import jax
    _d = setup_inputs()
    print(jax.jit(kernel)(*tuple(_d.values())))

</pallas_src>

<mosaic_0001>
#map = affine_map<(d0, d1) -> (0)>
#map1 = affine_map<(d0, d1) -> (0, 0, 0)>
module attributes {stable_mosaic.version = 14 : i64} {
  func.func @_gmf_body(%arg0: i32, %arg1: i32, %arg2: memref<32768xi32, #tpu.memory_space<hbm>>, %arg3: memref<32xf32, #tpu.memory_space<hbm>>, %arg4: memref<125000x8x32xf32, #tpu.memory_space<hbm>>, %arg5: memref<125000x8x32xf32, #tpu.memory_space<hbm>>, %arg6: memref<16384xf32, #tpu.memory_space<hbm>>, %arg7: memref<1024xi32, #tpu.memory_space<vmem>>, %arg8: memref<32x8x32xf32, #tpu.memory_space<vmem>>, %arg9: memref<32x8x32xf32, #tpu.memory_space<vmem>>, %arg10: memref<32xf32, #tpu.memory_space<vmem>>, %arg11: memref<512xf32, #tpu.memory_space<vmem>>, %arg12: memref<!tpu.dma_semaphore, #tpu.memory_space<semaphore_mem>>, %arg13: memref<!tpu.dma_semaphore, #tpu.memory_space<semaphore_mem>>) attributes {dimension_semantics = [#tpu.dimension_semantics<core_parallel>, #tpu.dimension_semantics<subcore_parallel>], iteration_bounds = array<i64: 2, 16>, scalar_prefetch = 0 : i64, scratch_operands = 7 : i64, tpu.core_type = #tpu.core_type<sc_vector_subcore>, window_params = [{transform_indices = #map}, {transform_indices = #map}, {transform_indices = #map1}, {transform_indices = #map1}, {transform_indices = #map}]} {
    %mul3A = arith.constant 2 : i32
    %mul3A_0 = arith.muli %arg1, %mul3A : i32
    %add3A = arith.addi %mul3A_0, %arg0 : i32
    %mul3A_1 = arith.constant 512 : i32
    %mul3A_2 = arith.muli %add3A, %mul3A_1 : i32
    %mul3A_3 = arith.constant 2 : i32
    %mul3A_4 = arith.muli %mul3A_2, %mul3A_3 : i32
    "tpu.region"() ({
      %run_scoped3A = tpu.sem_alloc : memref<!tpu.dma_semaphore, #tpu.memory_space<semaphore_mem>>
      %dma_start3A = tpu.memref_slice %arg2[%mul3A_4] : memref<32768xi32, #tpu.memory_space<hbm>> -> memref<1024xi32, #tpu.memory_space<hbm>>
      %dma_start3A_60 = tpu.memref_slice %arg2[%mul3A_4] : memref<32768xi32, #tpu.memory_space<hbm>> -> memref<1024xi32, #tpu.memory_space<hbm>>
      tpu.enqueue_dma source(%dma_start3A_60 : memref<1024xi32, #tpu.memory_space<hbm>>) target(%arg7 : memref<1024xi32, #tpu.memory_space<vmem>>) target_semaphore(%run_scoped3A : memref<!tpu.dma_semaphore, #tpu.memory_space<semaphore_mem>>)
      %dma_wait3A = tpu.memref_slice %arg2[%mul3A_4] : memref<32768xi32, #tpu.memory_space<hbm>> -> memref<1024xi32, #tpu.memory_space<hbm>>
      %dma_wait3A_61 = tpu.memref_slice %arg2[%mul3A_4] : memref<32768xi32, #tpu.memory_space<hbm>> -> memref<1024xi32, #tpu.memory_space<hbm>>
      tpu.wait_dma2 semaphore(%run_scoped3A : memref<!tpu.dma_semaphore, #tpu.memory_space<semaphore_mem>>) src(%dma_wait3A_61 : memref<1024xi32, #tpu.memory_space<hbm>>) dst(%arg7 : memref<1024xi32, #tpu.memory_space<vmem>>)
      tpu.yield
    }) : () -> ()
    "tpu.region"() ({
      %run_scoped3A = tpu.sem_alloc : memref<!tpu.dma_semaphore, #tpu.memory_space<semaphore_mem>>
      tpu.enqueue_dma source(%arg3 : memref<32xf32, #tpu.memory_space<hbm>>) target(%arg10 : memref<32xf32, #tpu.memory_space<vmem>>) target_semaphore(%run_scoped3A : memref<!tpu.dma_semaphore, #tpu.memory_space<semaphore_mem>>)
      tpu.wait_dma2 semaphore(%run_scoped3A : memref<!tpu.dma_semaphore, #tpu.memory_space<semaphore_mem>>) src(%arg3 : memref<32xf32, #tpu.memory_space<hbm>>) dst(%arg10 : memref<32xf32, #tpu.memory_space<vmem>>)
      tpu.yield
    }) : () -> ()
    %iota3A = tpu.iota {dimensions = array<i32: 0>} : vector<16xi32>
    %mul3A_5 = arith.constant 2 : i32
    %mul3A_6 = vector.broadcast %mul3A_5 : i32 to vector<16xi32>
    %mul3A_7 = arith.muli %mul3A_6, %iota3A : vector<16xi32>
    %jit3A = arith.constant 16 : i32
    %eq3A = arith.constant 0 : i32
    %eq3A_8 = arith.cmpi eq, %jit3A, %eq3A : i32
    %jit3A_9 = arith.constant 1 : i32
    %select_n3A = arith.select %eq3A_8, %jit3A_9, %jit3A : i32
    %rem3A = vector.broadcast %select_n3A : i32 to vector<16xi32>
    %rem3A_10 = arith.remsi %mul3A_7, %rem3A : vector<16xi32>
    %ne3A = arith.constant 0 : i32
    %ne3A_11 = vector.broadcast %ne3A : i32 to vector<16xi32>
    %ne3A_12 = arith.cmpi ne, %rem3A_10, %ne3A_11 : vector<16xi32>
    %lt3A = arith.constant 0 : i32
    %lt3A_13 = vector.broadcast %lt3A : i32 to vector<16xi32>
    %lt3A_14 = arith.cmpi slt, %rem3A_10, %lt3A_13 : vector<16xi32>
    %lt3A_15 = arith.constant 0 : i32
    %lt3A_16 = arith.cmpi slt, %select_n3A, %lt3A_15 : i32
    %ne3A_17 = vector.broadcast %lt3A_16 : i1 to vector<16xi1>
    %ne3A_18 = vector.broadcast %ne3A_17 : vector<16xi1> to vector<16xi1>
    %ne3A_19 = arith.xori %lt3A_14, %ne3A_18 : vector<16xi1>
    %and3A = arith.andi %ne3A_19, %ne3A_12 : vector<16xi1>
    %add3A_20 = vector.broadcast %select_n3A : i32 to vector<16xi32>
    %add3A_21 = arith.addi %rem3A_10, %add3A_20 : vector<16xi32>
    %select_n3A_22 = arith.select %and3A, %add3A_21, %rem3A_10 : vector<16xi1>, vector<16xi32>
    %lt3A_23 = arith.constant 8 : i32
    %lt3A_24 = vector.broadcast %lt3A_23 : i32 to vector<16xi32>
    %lt3A_25 = arith.cmpi slt, %iota3A, %lt3A_24 : vector<16xi32>
    %get3A = arith.constant 0 : index
    %get3A_26 = tpu.vector_load %arg10[%get3A] {strides = array<i32>} : memref<32xf32, #tpu.memory_space<vmem>>, vector<16xf32>,
    %get3A_27 = vector.shape_cast %get3A_26 : vector<16xf32> to vector<16xf32>
    %get3A_28 = arith.constant 16 : index
    %get3A_29 = tpu.vector_load %arg10[%get3A_28] {strides = array<i32>} : memref<32xf32, #tpu.memory_space<vmem>>, vector<16xf32>,
    %get3A_30 = vector.shape_cast %get3A_29 : vector<16xf32> to vector<16xf32>
    %and3A_31 = arith.constant 1 : i32
    %and3A_32 = vector.broadcast %and3A_31 : i32 to vector<16xi32>
    %and3A_33 = arith.andi %iota3A, %and3A_32 : vector<16xi32>
    %shift_left3A = arith.constant 3 : i32
    %shift_left3A_34 = vector.broadcast %shift_left3A : i32 to vector<16xi32>
    %shift_left3A_35 = arith.shli %and3A_33, %shift_left3A_34 : vector<16xi32>
    %and3A_36 = arith.constant 2 : i32
    %and3A_37 = vector.broadcast %and3A_36 : i32 to vector<16xi32>
    %and3A_38 = arith.andi %iota3A, %and3A_37 : vector<16xi32>
    %shift_left3A_39 = arith.constant 1 : i32
    %shift_left3A_40 = vector.broadcast %shift_left3A_39 : i32 to vector<16xi32>
    %shift_left3A_41 = arith.shli %and3A_38, %shift_left3A_40 : vector<16xi32>
    %or3A = arith.ori %shift_left3A_35, %shift_left3A_41 : vector<16xi32>
    %and3A_42 = arith.constant 4 : i32
    %and3A_43 = vector.broadcast %and3A_42 : i32 to vector<16xi32>
    %and3A_44 = arith.andi %iota3A, %and3A_43 : vector<16xi32>
    %shift_right_arithmetic3A = arith.constant 1 : i32
    %shift_right_arithmetic3A_45 = vector.broadcast %shift_right_arithmetic3A : i32 to vector<16xi32>
    %shift_right_arithmetic3A_46 = arith.shrsi %and3A_44, %shift_right_arithmetic3A_45 : vector<16xi32>
    %or3A_47 = arith.ori %or3A, %shift_right_arithmetic3A_46 : vector<16xi32>
    %and3A_48 = arith.constant 8 : i32
    %and3A_49 = vector.broadcast %and3A_48 : i32 to vector<16xi32>
    %and3A_50 = arith.andi %iota3A, %and3A_49 : vector<16xi32>
    %shift_right_arithmetic3A_51 = arith.constant 3 : i32
    %shift_right_arithmetic3A_52 = vector.broadcast %shift_right_arithmetic3A_51 : i32 to vector<16xi32>
    %shift_right_arithmetic3A_53 = arith.shrsi %and3A_50, %shift_right_arithmetic3A_52 : vector<16xi32>
    %or3A_54 = arith.ori %or3A_47, %shift_right_arithmetic3A_53 : vector<16xi32>
    %scan3A = arith.constant 0 : i32
    %scan3A_55 = arith.constant 0 : i32
    %scan3A_56 = arith.constant 16 : i32
    %scan3A_57 = arith.addi %scan3A_55, %scan3A_56 : i32
    %scan3A_58 = arith.constant 1 : i32
    scf.for %scan3A_60 = %scan3A_55 to %scan3A_57 step %scan3A_58  : i32 {
      %mul3A_61 = arith.constant 2 : i32
      %mul3A_62 = arith.muli %scan3A_60, %mul3A_61 : i32
      %mul3A_63 = arith.constant 32 : i32
      %mul3A_64 = arith.muli %mul3A_62, %mul3A_63 : i32
      %add3A_65 = arith.constant 0 : i32
      %add3A_66 = arith.addi %mul3A_64, %add3A_65 : i32
      %get3A_67 = arith.index_cast %add3A_66 : i32 to index
      %get3A_68 = tpu.vector_load %arg7[%get3A_67] {strides = array<i32>} : memref<1024xi32, #tpu.memory_space<vmem>>, vector<16xi32>,
      %get3A_69 = vector.shape_cast %get3A_68 : vector<16xi32> to vector<16xi32>
      %add3A_70 = arith.constant 16 : i32
      %add3A_71 = arith.addi %add3A_66, %add3A_70 : i32
      %get3A_72 = arith.index_cast %add3A_71 : i32 to index
      %get3A_73 = tpu.vector_load %arg7[%get3A_72] {strides = array<i32>} : memref<1024xi32, #tpu.memory_space<vmem>>, vector<16xi32>,
      %get3A_74 = vector.shape_cast %get3A_73 : vector<16xi32> to vector<16xi32>
      %broadcast_in_dim3A = vector.shape_cast %select_n3A_22 : vector<16xi32> to vector<16x1xi32>
      %gather3A = vector.shape_cast %broadcast_in_dim3A : vector<16x1xi32> to vector<16xi32>
      %gather3A_75 = tpu.dynamic_gather %get3A_69[%gather3A] in [0] : vector<16xi32>, vector<16xi32> -> vector<16xi32>
      %broadcast_in_dim3A_76 = vector.shape_cast %select_n3A_22 : vector<16xi32> to vector<16x1xi32>
      %gather3A_77 = vector.shape_cast %broadcast_in_dim3A_76 : vector<16x1xi32> to vector<16xi32>
      %gather3A_78 = tpu.dynamic_gather %get3A_74[%gather3A_77] in [0] : vector<16xi32>, vector<16xi32> -> vector<16xi32>
      %select_n3A_79 = arith.select %lt3A_25, %gather3A_75, %gather3A_78 : vector<16xi1>, vector<16xi32>
      %add3A_80 = arith.constant 1 : i32
      %add3A_81 = vector.broadcast %add3A_80 : i32 to vector<16xi32>
      %add3A_82 = arith.addi %select_n3A_22, %add3A_81 : vector<16xi32>
      %broadcast_in_dim3A_83 = vector.shape_cast %add3A_82 : vector<16xi32> to vector<16x1xi32>
      %gather3A_84 = vector.shape_cast %broadcast_in_dim3A_83 : vector<16x1xi32> to vector<16xi32>
      %gather3A_85 = tpu.dynamic_gather %get3A_69[%gather3A_84] in [0] : vector<16xi32>, vector<16xi32> -> vector<16xi32>
      %add3A_86 = arith.constant 1 : i32
      %add3A_87 = vector.broadcast %add3A_86 : i32 to vector<16xi32>
      %add3A_88 = arith.addi %select_n3A_22, %add3A_87 : vector<16xi32>
      %broadcast_in_dim3A_89 = vector.shape_cast %add3A_88 : vector<16xi32> to vector<16x1xi32>
      %gather3A_90 = vector.shape_cast %broadcast_in_dim3A_89 : vector<16x1xi32> to vector<16xi32>
      %gather3A_91 = tpu.dynamic_gather %get3A_74[%gather3A_90] in [0] : vector<16xi32>, vector<16xi32> -> vector<16xi32>
      %select_n3A_92 = arith.select %lt3A_25, %gather3A_85, %gather3A_91 : vector<16xi1>, vector<16xi32>
      %and3A_93 = arith.constant 7 : i32
      %and3A_94 = vector.broadcast %and3A_93 : i32 to vector<16xi32>
      %and3A_95 = arith.andi %select_n3A_79, %and3A_94 : vector<16xi32>
      %and3A_96 = arith.constant 7 : i32
      %and3A_97 = vector.broadcast %and3A_96 : i32 to vector<16xi32>
      %and3A_98 = arith.andi %select_n3A_92, %and3A_97 : vector<16xi32>
      %shift_right_arithmetic3A_99 = arith.constant 3 : i32
      %shift_right_arithmetic3A_100 = vector.broadcast %shift_right_arithmetic3A_99 : i32 to vector<16xi32>
      %shift_right_arithmetic3A_101 = arith.shrsi %select_n3A_79, %shift_right_arithmetic3A_100 : vector<16xi32>
      %shift_right_arithmetic3A_102 = arith.constant 3 : i32
      %shift_right_arithmetic3A_103 = vector.broadcast %shift_right_arithmetic3A_102 : i32 to vector<16xi32>
      %shift_right_arithmetic3A_104 = arith.shrsi %select_n3A_92, %shift_right_arithmetic3A_103 : vector<16xi32>
      %slice3A = vector.extract_strided_slice %shift_right_arithmetic3A_101 {offsets = [0], sizes = [1], strides = [1]} : vector<16xi32> to vector<1xi32>
      %squeeze3A = vector.extract %slice3A[0] : i32 from vector<1xi32>
      %dma_start3A = arith.constant 0 : i32
      %dma_start3A_105 = arith.constant 0 : i32
      %dma_start3A_106 = arith.constant 0 : i32
      %dma_start3A_107 = tpu.memref_slice %arg8[%dma_start3A, %dma_start3A_105, %dma_start3A_106] : memref<32x8x32xf32, #tpu.memory_space<vmem>> -> memref<1x8x32xf32, #tpu.memory_space<vmem>>
      %dma_start3A_108 = tpu.memref_squeeze %dma_start3A_107 : memref<1x8x32xf32, #tpu.memory_space<vmem>> -> memref<8x32xf32, #tpu.memory_space<vmem>>
      %dma_start3A_109 = arith.constant 0 : i32
      %dma_start3A_110 = arith.constant 0 : i32
      %dma_start3A_111 = tpu.memref_slice %arg4[%squeeze3A, %dma_start3A_109, %dma_start3A_110] : memref<125000x8x32xf32, #tpu.memory_space<hbm>> -> memref<1x8x32xf32, #tpu.memory_space<hbm>>
      %dma_start3A_112 = tpu.memref_squeeze %dma_start3A_111 : memref<1x8x32xf32, #tpu.memory_space<hbm>> -> memref<8x32xf32, #tpu.memory_space<hbm>>
      %dma_start3A_113 = arith.constant 0 : i32
      %dma_start3A_114 = arith.constant 0 : i32
      %dma_start3A_115 = tpu.memref_slice %arg8[%dma_start3A, %dma_start3A_113, %dma_start3A_114] : memref<32x8x32xf32, #tpu.memory_space<vmem>> -> memref<1x8x32xf32, #tpu.memory_space<vmem>>
      %dma_start3A_116 = tpu.memref_squeeze %dma_start3A_115 : memref<1x8x32xf32, #tpu.memory_space<vmem>> -> memref<8x32xf32, #tpu.memory_space<vmem>>
      %dma_start3A_117 = arith.constant 0 : i32
      %dma_start3A_118 = arith.constant 0 : i32
      %dma_start3A_119 = tpu.memref_slice %arg4[%squeeze3A, %dma_start3A_117, %dma_start3A_118] : memref<125000x8x32xf32, #tpu.memory_space<hbm>> -> memref<1x8x32xf32, #tpu.memory_space<hbm>>
      %dma_start3A_120 = tpu.memref_squeeze %dma_start3A_119 : memref<1x8x32xf32, #tpu.memory_space<hbm>> -> memref<8x32xf32, #tpu.memory_space<hbm>>
      tpu.enqueue_dma source(%dma_start3A_120 : memref<8x32xf32, #tpu.memory_space<hbm>>) target(%dma_start3A_116 : memref<8x32xf32, #tpu.memory_space<vmem>>) target_semaphore(%arg12 : memref<!tpu.dma_semaphore, #tpu.memory_space<semaphore_mem>>)
      %slice3A_121 = vector.extract_strided_slice %shift_right_arithmetic3A_104 {offsets = [0], sizes = [1], strides = [1]} : vector<16xi32> to vector<1xi32>
      %squeeze3A_122 = vector.extract %slice3A_121[0] : i32 from vector<1xi32>
      %dma_start3A_123 = arith.constant 0 : i32
      %dma_start3A_124 = arith.constant 0 : i32
      %dma_start3A_125 = arith.constant 0 : i32
      %dma_start3A_126 = tpu.memref_slice %arg9[%dma_start3A_123, %dma_start3A_124, %dma_start3A_125] : memref<32x8x32xf32, #tpu.memory_space<vmem>> -> memref<1x8x32xf32, #tpu.memory_space<vmem>>
      %dma_start3A_127 = tpu.memref_squeeze %dma_start3A_126 : memref<1x8x32xf32, #tpu.memory_space<vmem>> -> memref<8x32xf32, #tpu.memory_space<vmem>>
      %dma_start3A_128 = arith.constant 0 : i32
      %dma_start3A_129 = arith.constant 0 : i32
      %dma_start3A_130 = tpu.memref_slice %arg5[%squeeze3A_122, %dma_start3A_128, %dma_start3A_129] : memref<125000x8x32xf32, #tpu.memory_space<hbm>> -> memref<1x8x32xf32, #tpu.memory_space<hbm>>
      %dma_start3A_131 = tpu.memref_squeeze %dma_start3A_130 : memref<1x8x32xf32, #tpu.memory_space<hbm>> -> memref<8x32xf32, #tpu.memory_space<hbm>>
      %dma_start3A_132 = arith.constant 0 : i32
      %dma_start3A_133 = arith.constant 0 : i32
      %dma_start3A_134 = tpu.memref_slice %arg9[%dma_start3A_123, %dma_start3A_132, %dma_start3A_133] : memref<32x8x32xf32, #tpu.memory_space<vmem>> -> memref<1x8x32xf32, #tpu.memory_space<vmem>>
      %dma_start3A_135 = tpu.memref_squeeze %dma_start3A_134 : memref<1x8x32xf32, #tpu.memory_space<vmem>> -> memref<8x32xf32, #tpu.memory_space<vmem>>
      %dma_start3A_136 = arith.constant 0 : i32
      %dma_start3A_137 = arith.constant 0 : i32
      %dma_start3A_138 = tpu.memref_slice %arg5[%squeeze3A_122, %dma_start3A_136, %dma_start3A_137] : memref<125000x8x32xf32, #tpu.memory_space<hbm>> -> memref<1x8x32xf32, #tpu.memory_space<hbm>>
      %dma_start3A_139 = tpu.memref_squeeze %dma_start3A_138 : memref<1x8x32xf32, #tpu.memory_space<hbm>> -> memref<8x32xf32, #tpu.memory_space<hbm>>
      tpu.enqueue_dma source(%dma_start3A_139 : memref<8x32xf32, #tpu.memory_space<hbm>>) target(%dma_start3A_135 : memref<8x32xf32, #tpu.memory_space<vmem>>) target_semaphore(%arg13 : memref<!tpu.dma_semaphore, #tpu.memory_space<semaphore_mem>>)
      %slice3A_140 = vector.extract_strided_slice %shift_right_arithmetic3A_101 {offsets = [1], sizes = [1], strides = [1]} : vector<16xi32> to vector<1xi32>
      %squeeze3A_141 = vector.extract %slice3A_140[0] : i32 from vector<1xi32>
      %dma_start3A_142 = arith.constant 1 : i32
      %dma_start3A_143 = arith.constant 0 : i32
      %dma_start3A_144 = arith.constant 0 : i32
      %dma_start3A_145 = tpu.memref_slice %arg8[%dma_start3A_142, %dma_start3A_143, %dma_start3A_144] : memref<32x8x32xf32, #tpu.memory_space<vmem>> -> memref<1x8x32xf32, #tpu.memory_space<vmem>>
      %dma_start3A_146 = tpu.memref_squeeze %dma_start3A_145 : memref<1x8x32xf32, #tpu.memory_space<vmem>> -> memref<8x32xf32, #tpu.memory_space<vmem>>
      %dma_start3A_147 = arith.constant 0 : i32
      %dma_start3A_148 = arith.constant 0 : i32
      %dma_start3A_149 = tpu.memref_slice %arg4[%squeeze3A_141, %dma_start3A_147, %dma_start3A_148] : memref<125000x8x32xf32, #tpu.memory_space<hbm>> -> memref<1x8x32xf32, #tpu.memory_space<hbm>>
      %dma_start3A_150 = tpu.memref_squeeze %dma_start3A_149 : memref<1x8x32xf32, #tpu.memory_space<hbm>> -> memref<8x32xf32, #tpu.memory_space<hbm>>
      %dma_start3A_151 = arith.constant 0 : i32
      %dma_start3A_152 = arith.constant 0 : i32
      %dma_start3A_153 = tpu.memref_slice %arg8[%dma_start3A_142, %dma_start3A_151, %dma_start3A_152] : memref<32x8x32xf32, #tpu.memory_space<vmem>> -> memref<1x8x32xf32, #tpu.memory_space<vmem>>
      %dma_start3A_154 = tpu.memref_squeeze %dma_start3A_153 : memref<1x8x32xf32, #tpu.memory_space<vmem>> -> memref<8x32xf32, #tpu.memory_space<vmem>>
      %dma_start3A_155 = arith.constant 0 : i32
      %dma_start3A_156 = arith.constant 0 : i32
      %dma_start3A_157 = tpu.memref_slice %arg4[%squeeze3A_141, %dma_start3A_155, %dma_start3A_156] : memref<125000x8x32xf32, #tpu.memory_space<hbm>> -> memref<1x8x32xf32, #tpu.memory_space<hbm>>
      %dma_start3A_158 = tpu.memref_squeeze %dma_start3A_157 : memref<1x8x32xf32, #tpu.memory_space<hbm>> -> memref<8x32xf32, #tpu.memory_space<hbm>>
      tpu.enqueue_dma source(%dma_start3A_158 : memref<8x32xf32, #tpu.memory_space<hbm>>) target(%dma_start3A_154 : memref<8x32xf32, #tpu.memory_space<vmem>>) target_semaphore(%arg12 : memref<!tpu.dma_semaphore, #tpu.memory_space<semaphore_mem>>)
      %slice3A_159 = vector.extract_strided_slice %shift_right_arithmetic3A_104 {offsets = [1], sizes = [1], strides = [1]} : vector<16xi32> to vector<1xi32>
      %squeeze3A_160 = vector.extract %slice3A_159[0] : i32 from vector<1xi32>
      %dma_start3A_161 = arith.constant 1 : i32
      %dma_start3A_162 = arith.constant 0 : i32
      %dma_start3A_163 = arith.constant 0 : i32
      %dma_start3A_164 = tpu.memref_slice %arg9[%dma_start3A_161, %dma_start3A_162, %dma_start3A_163] : memref<32x8x32xf32, #tpu.memory_space<vmem>> -> memref<1x8x32xf32, #tpu.memory_space<vmem>>
      %dma_start3A_165 = tpu.memref_squeeze %dma_start3A_164 : memref<1x8x32xf32, #tpu.memory_space<vmem>> -> memref<8x32xf32, #tpu.memory_space<vmem>>
      %dma_start3A_166 = arith.constant 0 : i32
      %dma_start3A_167 = arith.constant 0 : i32
      %dma_start3A_168 = tpu.memref_slice %arg5[%squeeze3A_160, %dma_start3A_166, %dma_start3A_167] : memref<125000x8x32xf32, #tpu.memory_space<hbm>> -> memref<1x8x32xf32, #tpu.memory_space<hbm>>
      %dma_start3A_169 = tpu.memref_squeeze %dma_start3A_168 : memref<1x8x32xf32, #tpu.memory_space<hbm>> -> memref<8x32xf32, #tpu.memory_space<hbm>>
      %dma_start3A_170 = arith.constant 0 : i32
      %dma_start3A_171 = arith.constant 0 : i32
      %dma_start3A_172 = tpu.memref_slice %arg9[%dma_start3A_161, %dma_start3A_170, %dma_start3A_171] : memref<32x8x32xf32, #tpu.memory_space<vmem>> -> memref<1x8x32xf32, #tpu.memory_space<vmem>>
      %dma_start3A_173 = tpu.memref_squeeze %dma_start3A_172 : memref<1x8x32xf32, #tpu.memory_space<vmem>> -> memref<8x32xf32, #tpu.memory_space<vmem>>
      %dma_start3A_174 = arith.constant 0 : i32
      %dma_start3A_175 = arith.constant 0 : i32
      %dma_start3A_176 = tpu.memref_slice %arg5[%squeeze3A_160, %dma_start3A_174, %dma_start3A_175] : memref<125000x8x32xf32, #tpu.memory_space<hbm>> -> memref<1x8x32xf32, #tpu.memory_space<hbm>>
      %dma_start3A_177 = tpu.memref_squeeze %dma_start3A_176 : memref<1x8x32xf32, #tpu.memory_space<hbm>> -> memref<8x32xf32, #tpu.memory_space<hbm>>
      tpu.enqueue_dma source(%dma_start3A_177 : memref<8x32xf32, #tpu.memory_space<hbm>>) target(%dma_start3A_173 : memref<8x32xf32, #tpu.memory_space<vmem>>) target_semaphore(%arg13 : memref<!tpu.dma_semaphore, #tpu.memory_space<semaphore_mem>>)
      %slice3A_178 = vector.extract_strided_slice %shift_right_arithmetic3A_101 {offsets = [2], sizes = [1], strides = [1]} : vector<16xi32> to vector<1xi32>
      %squeeze3A_179 = vector.extract %slice3A_178[0] : i32 from vector<1xi32>
      %dma_start3A_180 = arith.constant 2 : i32
      %dma_start3A_181 = arith.constant 0 : i32
      %dma_start3A_182 = arith.constant 0 : i32
      %dma_start3A_183 = tpu.memref_slice %arg8[%dma_start3A_180, %dma_start3A_181, %dma_start3A_182] : memref<32x8x32xf32, #tpu.memory_space<vmem>> -> memref<1x8x32xf32, #tpu.memory_space<vmem>>
      %dma_start3A_184 = tpu.memref_squeeze %dma_start3A_183 : memref<1x8x32xf32, #tpu.memory_space<vmem>> -> memref<8x32xf32, #tpu.memory_space<vmem>>
      %dma_start3A_185 = arith.constant 0 : i32
      %dma_start3A_186 = arith.constant 0 : i32
      %dma_start3A_187 = tpu.memref_slice %arg4[%squeeze3A_179, %dma_start3A_185, %dma_start3A_186] : memref<125000x8x32xf32, #tpu.memory_space<hbm>> -> memref<1x8x32xf32, #tpu.memory_space<hbm>>
      %dma_start3A_188 = tpu.memref_squeeze %dma_start3A_187 : memref<1x8x32xf32, #tpu.memory_space<hbm>> -> memref<8x32xf32, #tpu.memory_space<hbm>>
      %dma_start3A_189 = arith.constant 0 : i32
      %dma_start3A_190 = arith.constant 0 : i32
      %dma_start3A_191 = tpu.memref_slice %arg8[%dma_start3A_180, %dma_start3A_189, %dma_start3A_190] : memref<32x8x32xf32, #tpu.memory_space<vmem>> -> memref<1x8x32xf32, #tpu.memory_space<vmem>>
      %dma_start3A_192 = tpu.memref_squeeze %dma_start3A_191 : memref<1x8x32xf32, #tpu.memory_space<vmem>> -> memref<8x32xf32, #tpu.memory_space<vmem>>
      %dma_start3A_193 = arith.constant 0 : i32
      %dma_start3A_194 = arith.constant 0 : i32
      %dma_start3A_195 = tpu.memref_slice %arg4[%squeeze3A_179, %dma_start3A_193, %dma_start3A_194] : memref<125000x8x32xf32, #tpu.memory_space<hbm>> -> memref<1x8x32xf32, #tpu.memory_space<hbm>>
      %dma_start3A_196 = tpu.memref_squeeze %dma_start3A_195 : memref<1x8x32xf32, #tpu.memory_space<hbm>> -> memref<8x32xf32, #tpu.memory_space<hbm>>
      tpu.enqueue_dma source(%dma_start3A_196 : memref<8x32xf32, #tpu.memory_space<hbm>>) target(%dma_start3A_192 : memref<8x32xf32, #tpu.memory_space<vmem>>) target_semaphore(%arg12 : memref<!tpu.dma_semaphore, #tpu.memory_space<semaphore_mem>>)
      %slice3A_197 = vector.extract_strided_slice %shift_right_arithmetic3A_104 {offsets = [2], sizes = [1], strides = [1]} : vector<16xi32> to vector<1xi32>
      %squeeze3A_198 = vector.extract %slice3A_197[0] : i32 from vector<1xi32>
      %dma_start3A_199 = arith.constant 2 : i32
      %dma_start3A_200 = arith.constant 0 : i32
      %dma_start3A_201 = arith.constant 0 : i32
      %dma_start3A_202 = tpu.memref_slice %arg9[%dma_start3A_199, %dma_start3A_200, %dma_start3A_201] : memref<32x8x32xf32, #tpu.memory_space<vmem>> -> memref<1x8x32xf32, #tpu.memory_space<vmem>>
      %dma_start3A_203 = tpu.memref_squeeze %dma_start3A_202 : memref<1x8x32xf32, #tpu.memory_space<vmem>> -> memref<8x32xf32, #tpu.memory_space<vmem>>
      %dma_start3A_204 = arith.constant 0 : i32
      %dma_start3A_205 = arith.constant 0 : i32
      %dma_start3A_206 = tpu.memref_slice %arg5[%squeeze3A_198, %dma_start3A_204, %dma_start3A_205] : memref<125000x8x32xf32, #tpu.memory_space<hbm>> -> memref<1x8x32xf32, #tpu.memory_space<hbm>>
      %dma_start3A_207 = tpu.memref_squeeze %dma_start3A_206 : memref<1x8x32xf32, #tpu.memory_space<hbm>> -> memref<8x32xf32, #tpu.memory_space<hbm>>
      %dma_start3A_208 = arith.constant 0 : i32
      %dma_start3A_209 = arith.constant 0 : i32
      %dma_start3A_210 = tpu.memref_slice %arg9[%dma_start3A_199, %dma_start3A_208, %dma_start3A_209] : memref<32x8x32xf32, #tpu.memory_space<vmem>> -> memref<1x8x32xf32, #tpu.memory_space<vmem>>
      %dma_start3A_211 = tpu.memref_squeeze %dma_start3A_210 : memref<1x8x32xf32, #tpu.memory_space<vmem>> -> memref<8x32xf32, #tpu.memory_space<vmem>>
      %dma_start3A_212 = arith.constant 0 : i32
      %dma_start3A_213 = arith.constant 0 : i32
      %dma_start3A_214 = tpu.memref_slice %arg5[%squeeze3A_198, %dma_start3A_212, %dma_start3A_213] : memref<125000x8x32xf32, #tpu.memory_space<hbm>> -> memref<1x8x32xf32, #tpu.memory_space<hbm>>
      %dma_start3A_215 = tpu.memref_squeeze %dma_start3A_214 : memref<1x8x32xf32, #tpu.memory_space<hbm>> -> memref<8x32xf32, #tpu.memory_space<hbm>>
      tpu.enqueue_dma source(%dma_start3A_215 : memref<8x32xf32, #tpu.memory_space<hbm>>) target(%dma_start3A_211 : memref<8x32xf32, #tpu.memory_space<vmem>>) target_semaphore(%arg13 : memref<!tpu.dma_semaphore, #tpu.memory_space<semaphore_mem>>)
      %slice3A_216 = vector.extract_strided_slice %shift_right_arithmetic3A_101 {offsets = [3], sizes = [1], strides = [1]} : vector<16xi32> to vector<1xi32>
      %squeeze3A_217 = vector.extract %slice3A_216[0] : i32 from vector<1xi32>
      %dma_start3A_218 = arith.constant 3 : i32
      %dma_start3A_219 = arith.constant 0 : i32
      %dma_start3A_220 = arith.constant 0 : i32
      %dma_start3A_221 = tpu.memref_slice %arg8[%dma_start3A_218, %dma_start3A_219, %dma_start3A_220] : memref<32x8x32xf32, #tpu.memory_space<vmem>> -> memref<1x8x32xf32, #tpu.memory_space<vmem>>
      %dma_start3A_222 = tpu.memref_squeeze %dma_start3A_221 : memref<1x8x32xf32, #tpu.memory_space<vmem>> -> memref<8x32xf32, #tpu.memory_space<vmem>>
      %dma_start3A_223 = arith.constant 0 : i32
      %dma_start3A_224 = arith.constant 0 : i32
      %dma_start3A_225 = tpu.memref_slice %arg4[%squeeze3A_217, %dma_start3A_223, %dma_start3A_224] : memref<125000x8x32xf32, #tpu.memory_space<hbm>> -> memref<1x8x32xf32, #tpu.memory_space<hbm>>
      %dma_start3A_226 = tpu.memref_squeeze %dma_start3A_225 : memref<1x8x32xf32, #tpu.memory_space<hbm>> -> memref<8x32xf32, #tpu.memory_space<hbm>>
      %dma_start3A_227 = arith.constant 0 : i32
      %dma_start3A_228 = arith.constant 0 : i32
      %dma_start3A_229 = tpu.memref_slice %arg8[%dma_start3A_218, %dma_start3A_227, %dma_start3A_228] : memref<32x8x32xf32, #tpu.memory_space<vmem>> -> memref<1x8x32xf32, #tpu.memory_space<vmem>>
      %dma_start3A_230 = tpu.memref_squeeze %dma_start3A_229 : memref<1x8x32xf32, #tpu.memory_space<vmem>> -> memref<8x32xf32, #tpu.memory_space<vmem>>
      %dma_start3A_231 = arith.constant 0 : i32
      %dma_start3A_232 = arith.constant 0 : i32
      %dma_start3A_233 = tpu.memref_slice %arg4[%squeeze3A_217, %dma_start3A_231, %dma_start3A_232] : memref<125000x8x32xf32, #tpu.memory_space<hbm>> -> memref<1x8x32xf32, #tpu.memory_space<hbm>>
      %dma_start3A_234 = tpu.memref_squeeze %dma_start3A_233 : memref<1x8x32xf32, #tpu.memory_space<hbm>> -> memref<8x32xf32, #tpu.memory_space<hbm>>
      tpu.enqueue_dma source(%dma_start3A_234 : memref<8x32xf32, #tpu.memory_space<hbm>>) target(%dma_start3A_230 : memref<8x32xf32, #tpu.memory_space<vmem>>) target_semaphore(%arg12 : memref<!tpu.dma_semaphore, #tpu.memory_space<semaphore_mem>>)
      %slice3A_235 = vector.extract_strided_slice %shift_right_arithmetic3A_104 {offsets = [3], sizes = [1], strides = [1]} : vector<16xi32> to vector<1xi32>
      %squeeze3A_236 = vector.extract %slice3A_235[0] : i32 from vector<1xi32>
      %dma_start3A_237 = arith.constant 3 : i32
      %dma_start3A_238 = arith.constant 0 : i32
      %dma_start3A_239 = arith.constant 0 : i32
      %dma_start3A_240 = tpu.memref_slice %arg9[%dma_start3A_237, %dma_start3A_238, %dma_start3A_239] : memref<32x8x32xf32, #tpu.memory_space<vmem>> -> memref<1x8x32xf32, #tpu.memory_space<vmem>>
      %dma_start3A_241 = tpu.memref_squeeze %dma_start3A_240 : memref<1x8x32xf32, #tpu.memory_space<vmem>> -> memref<8x32xf32, #tpu.memory_space<vmem>>
      %dma_start3A_242 = arith.constant 0 : i32
      %dma_start3A_243 = arith.constant 0 : i32
      %dma_start3A_244 = tpu.memref_slice %arg5[%squeeze3A_236, %dma_start3A_242, %dma_start3A_243] : memref<125000x8x32xf32, #tpu.memory_space<hbm>> -> memref<1x8x32xf32, #tpu.memory_space<hbm>>
      %dma_start3A_245 = tpu.memref_squeeze %dma_start3A_244 : memref<1x8x32xf32, #tpu.memory_space<hbm>> -> memref<8x32xf32, #tpu.memory_space<hbm>>
      %dma_start3A_246 = arith.constant 0 : i32
      %dma_start3A_247 = arith.constant 0 : i32
      %dma_start3A_248 = tpu.memref_slice %arg9[%dma_start3A_237, %dma_start3A_246, %dma_start3A_247] : memref<32x8x32xf32, #tpu.memory_space<vmem>> -> memref<1x8x32xf32, #tpu.memory_space<vmem>>
      %dma_start3A_249 = tpu.memref_squeeze %dma_start3A_248 : memref<1x8x32xf32, #tpu.memory_space<vmem>> -> memref<8x32xf32, #tpu.memory_space<vmem>>
      %dma_start3A_250 = arith.constant 0 : i32
      %dma_start3A_251 = arith.constant 0 : i32
      %dma_start3A_252 = tpu.memref_slice %arg5[%squeeze3A_236, %dma_start3A_250, %dma_start3A_251] : memref<125000x8x32xf32, #tpu.memory_space<hbm>> -> memref<1x8x32xf32, #tpu.memory_space<hbm>>
      %dma_start3A_253 = tpu.memref_squeeze %dma_start3A_252 : memref<1x8x32xf32, #tpu.memory_space<hbm>> -> memref<8x32xf32, #tpu.memory_space<hbm>>
      tpu.enqueue_dma source(%dma_start3A_253 : memref<8x32xf32, #tpu.memory_space<hbm>>) target(%dma_start3A_249 : memref<8x32xf32, #tpu.memory_space<vmem>>) target_semaphore(%arg13 : memref<!tpu.dma_semaphore, #tpu.memory_space<semaphore_mem>>)
      %slice3A_254 = vector.extract_strided_slice %shift_right_arithmetic3A_101 {offsets = [4], sizes = [1], strides = [1]} : vector<16xi32> to vector<1xi32>
      %squeeze3A_255 = vector.extract %slice3A_254[0] : i32 from vector<1xi32>
      %dma_start3A_256 = arith.constant 4 : i32
      %dma_start3A_257 = arith.constant 0 : i32
      %dma_start3A_258 = arith.constant 0 : i32
      %dma_start3A_259 = tpu.memref_slice %arg8[%dma_start3A_256, %dma_start3A_257, %dma_start3A_258] : memref<32x8x32xf32, #tpu.memory_space<vmem>> -> memref<1x8x32xf32, #tpu.memory_space<vmem>>
      %dma_start3A_260 = tpu.memref_squeeze %dma_start3A_259 : memref<1x8x32xf32, #tpu.memory_space<vmem>> -> memref<8x32xf32, #tpu.memory_space<vmem>>
      %dma_start3A_261 = arith.constant 0 : i32
      %dma_start3A_262 = arith.constant 0 : i32
      %dma_start3A_263 = tpu.memref_slice %arg4[%squeeze3A_255, %dma_start3A_261, %dma_start3A_262] : memref<125000x8x32xf32, #tpu.memory_space<hbm>> -> memref<1x8x32xf32, #tpu.memory_space<hbm>>
      %dma_start3A_264 = tpu.memref_squeeze %dma_start3A_263 : memref<1x8x32xf32, #tpu.memory_space<hbm>> -> memref<8x32xf32, #tpu.memory_space<hbm>>
      %dma_start3A_265 = arith.constant 0 : i32
      %dma_start3A_266 = arith.constant 0 : i32
      %dma_start3A_267 = tpu.memref_slice %arg8[%dma_start3A_256, %dma_start3A_265, %dma_start3A_266] : memref<32x8x32xf32, #tpu.memory_space<vmem>> -> memref<1x8x32xf32, #tpu.memory_space<vmem>>
      %dma_start3A_268 = tpu.memref_squeeze %dma_start3A_267 : memref<1x8x32xf32, #tpu.memory_space<vmem>> -> memref<8x32xf32, #tpu.memory_space<vmem>>
      %dma_start3A_269 = arith.constant 0 : i32
      %dma_start3A_270 = arith.constant 0 : i32
      %dma_start3A_271 = tpu.memref_slice %arg4[%squeeze3A_255, %dma_start3A_269, %dma_start3A_270] : memref<125000x8x32xf32, #tpu.memory_space<hbm>> -> memref<1x8x32xf32, #tpu.memory_space<hbm>>
      %dma_start3A_272 = tpu.memref_squeeze %dma_start3A_271 : memref<1x8x32xf32, #tpu.memory_space<hbm>> -> memref<8x32xf32, #tpu.memory_space<hbm>>
      tpu.enqueue_dma source(%dma_start3A_272 : memref<8x32xf32, #tpu.memory_space<hbm>>) target(%dma_start3A_268 : memref<8x32xf32, #tpu.memory_space<vmem>>) target_semaphore(%arg12 : memref<!tpu.dma_semaphore, #tpu.memory_space<semaphore_mem>>)
      %slice3A_273 = vector.extract_strided_slice %shift_right_arithmetic3A_104 {offsets = [4], sizes = [1], strides = [1]} : vector<16xi32> to vector<1xi32>
      %squeeze3A_274 = vector.extract %slice3A_273[0] : i32 from vector<1xi32>
      %dma_start3A_275 = arith.constant 4 : i32
      %dma_start3A_276 = arith.constant 0 : i32
      %dma_start3A_277 = arith.constant 0 : i32
      %dma_start3A_278 = tpu.memref_slice %arg9[%dma_start3A_275, %dma_start3A_276, %dma_start3A_277] : memref<32x8x32xf32, #tpu.memory_space<vmem>> -> memref<1x8x32xf32, #tpu.memory_space<vmem>>
      %dma_start3A_279 = tpu.memref_squeeze %dma_start3A_278 : memref<1x8x32xf32, #tpu.memory_space<vmem>> -> memref<8x32xf32, #tpu.memory_space<vmem>>
      %dma_start3A_280 = arith.constant 0 : i32
      %dma_start3A_281 = arith.constant 0 : i32
      %dma_start3A_282 = tpu.memref_slice %arg5[%squeeze3A_274, %dma_start3A_280, %dma_start3A_281] : memref<125000x8x32xf32, #tpu.memory_space<hbm>> -> memref<1x8x32xf32, #tpu.memory_space<hbm>>
      %dma_start3A_283 = tpu.memref_squeeze %dma_start3A_282 : memref<1x8x32xf32, #tpu.memory_space<hbm>> -> memref<8x32xf32, #tpu.memory_space<hbm>>
      %dma_start3A_284 = arith.constant 0 : i32
      %dma_start3A_285 = arith.constant 0 : i32
      %dma_start3A_286 = tpu.memref_slice %arg9[%dma_start3A_275, %dma_start3A_284, %dma_start3A_285] : memref<32x8x32xf32, #tpu.memory_space<vmem>> -> memref<1x8x32xf32, #tpu.memory_space<vmem>>
      %dma_start3A_287 = tpu.memref_squeeze %dma_start3A_286 : memref<1x8x32xf32, #tpu.memory_space<vmem>> -> memref<8x32xf32, #tpu.memory_space<vmem>>
      %dma_start3A_288 = arith.constant 0 : i32
      %dma_start3A_289 = arith.constant 0 : i32
      %dma_start3A_290 = tpu.memref_slice %arg5[%squeeze3A_274, %dma_start3A_288, %dma_start3A_289] : memref<125000x8x32xf32, #tpu.memory_space<hbm>> -> memref<1x8x32xf32, #tpu.memory_space<hbm>>
      %dma_start3A_291 = tpu.memref_squeeze %dma_start3A_290 : memref<1x8x32xf32, #tpu.memory_space<hbm>> -> memref<8x32xf32, #tpu.memory_space<hbm>>
      tpu.enqueue_dma source(%dma_start3A_291 : memref<8x32xf32, #tpu.memory_space<hbm>>) target(%dma_start3A_287 : memref<8x32xf32, #tpu.memory_space<vmem>>) target_semaphore(%arg13 : memref<!tpu.dma_semaphore, #tpu.memory_space<semaphore_mem>>)
      %slice3A_292 = vector.extract_strided_slice %shift_right_arithmetic3A_101 {offsets = [5], sizes = [1], strides = [1]} : vector<16xi32> to vector<1xi32>
      %squeeze3A_293 = vector.extract %slice3A_292[0] : i32 from vector<1xi32>
      %dma_start3A_294 = arith.constant 5 : i32
      %dma_start3A_295 = arith.constant 0 : i32
      %dma_start3A_296 = arith.constant 0 : i32
      %dma_start3A_297 = tpu.memref_slice %arg8[%dma_start3A_294, %dma_start3A_295, %dma_start3A_296] : memref<32x8x32xf32, #tpu.memory_space<vmem>> -> memref<1x8x32xf32, #tpu.memory_space<vmem>>
      %dma_start3A_298 = tpu.memref_squeeze %dma_start3A_297 : memref<1x8x32xf32, #tpu.memory_space<vmem>> -> memref<8x32xf32, #tpu.memory_space<vmem>>
      %dma_start3A_299 = arith.constant 0 : i32
      %dma_start3A_300 = arith.constant 0 : i32
      %dma_start3A_301 = tpu.memref_slice %arg4[%squeeze3A_293, %dma_start3A_299, %dma_start3A_300] : memref<125000x8x32xf32, #tpu.memory_space<hbm>> -> memref<1x8x32xf32, #tpu.memory_space<hbm>>
      %dma_start3A_302 = tpu.memref_squeeze %dma_start3A_301 : memref<1x8x32xf32, #tpu.memory_space<hbm>> -> memref<8x32xf32, #tpu.memory_space<hbm>>
      %dma_start3A_303 = arith.constant 0 : i32
      %dma_start3A_304 = arith.constant 0 : i32
      %dma_start3A_305 = tpu.memref_slice %arg8[%dma_start3A_294, %dma_start3A_303, %dma_start3A_304] : memref<32x8x32xf32, #tpu.memory_space<vmem>> -> memref<1x8x32xf32, #tpu.memory_space<vmem>>
      %dma_start3A_306 = tpu.memref_squeeze %dma_start3A_305 : memref<1x8x32xf32, #tpu.memory_space<vmem>> -> memref<8x32xf32, #tpu.memory_space<vmem>>
      %dma_start3A_307 = arith.constant 0 : i32
      %dma_start3A_308 = arith.constant 0 : i32
      %dma_start3A_309 = tpu.memref_slice %arg4[%squeeze3A_293, %dma_start3A_307, %dma_start3A_308] : memref<125000x8x32xf32, #tpu.memory_space<hbm>> -> memref<1x8x32xf32, #tpu.memory_space<hbm>>
      %dma_start3A_310 = tpu.memref_squeeze %dma_start3A_309 : memref<1x8x32xf32, #tpu.memory_space<hbm>> -> memref<8x32xf32, #tpu.memory_space<hbm>>
      tpu.enqueue_dma source(%dma_start3A_310 : memref<8x32xf32, #tpu.memory_space<hbm>>) target(%dma_start3A_306 : memref<8x32xf32, #tpu.memory_space<vmem>>) target_semaphore(%arg12 : memref<!tpu.dma_semaphore, #tpu.memory_space<semaphore_mem>>)
      %slice3A_311 = vector.extract_strided_slice %shift_right_arithmetic3A_104 {offsets = [5], sizes = [1], strides = [1]} : vector<16xi32> to vector<1xi32>
      %squeeze3A_312 = vector.extract %slice3A_311[0] : i32 from vector<1xi32>
      %dma_start3A_313 = arith.constant 5 : i32
      %dma_start3A_314 = arith.constant 0 : i32
      %dma_start3A_315 = arith.constant 0 : i32
      %dma_start3A_316 = tpu.memref_slice %arg9[%dma_start3A_313, %dma_start3A_314, %dma_start3A_315] : memref<32x8x32xf32, #tpu.memory_space<vmem>> -> memref<1x8x32xf32, #tpu.memory_space<vmem>>
      %dma_start3A_317 = tpu.memref_squeeze %dma_start3A_316 : memref<1x8x32xf32, #tpu.memory_space<vmem>> -> memref<8x32xf32, #tpu.memory_space<vmem>>
      %dma_start3A_318 = arith.constant 0 : i32
      %dma_start3A_319 = arith.constant 0 : i32
      %dma_start3A_320 = tpu.memref_slice %arg5[%squeeze3A_312, %dma_start3A_318, %dma_start3A_319] : memref<125000x8x32xf32, #tpu.memory_space<hbm>> -> memref<1x8x32xf32, #tpu.memory_space<hbm>>
      %dma_start3A_321 = tpu.memref_squeeze %dma_start3A_320 : memref<1x8x32xf32, #tpu.memory_space<hbm>> -> memref<8x32xf32, #tpu.memory_space<hbm>>
      %dma_start3A_322 = arith.constant 0 : i32
      %dma_start3A_323 = arith.constant 0 : i32
      %dma_start3A_324 = tpu.memref_slice %arg9[%dma_start3A_313, %dma_start3A_322, %dma_start3A_323] : memref<32x8x32xf32, #tpu.memory_space<vmem>> -> memref<1x8x32xf32, #tpu.memory_space<vmem>>
      %dma_start3A_325 = tpu.memref_squeeze %dma_start3A_324 : memref<1x8x32xf32, #tpu.memory_space<vmem>> -> memref<8x32xf32, #tpu.memory_space<vmem>>
      %dma_start3A_326 = arith.constant 0 : i32
      %dma_start3A_327 = arith.constant 0 : i32
      %dma_start3A_328 = tpu.memref_slice %arg5[%squeeze3A_312, %dma_start3A_326, %dma_start3A_327] : memref<125000x8x32xf32, #tpu.memory_space<hbm>> -> memref<1x8x32xf32, #tpu.memory_space<hbm>>
      %dma_start3A_329 = tpu.memref_squeeze %dma_start3A_328 : memref<1x8x32xf32, #tpu.memory_space<hbm>> -> memref<8x32xf32, #tpu.memory_space<hbm>>
      tpu.enqueue_dma source(%dma_start3A_329 : memref<8x32xf32, #tpu.memory_space<hbm>>) target(%dma_start3A_325 : memref<8x32xf32, #tpu.memory_space<vmem>>) target_semaphore(%arg13 : memref<!tpu.dma_semaphore, #tpu.memory_space<semaphore_mem>>)
      %slice3A_330 = vector.extract_strided_slice %shift_right_arithmetic3A_101 {offsets = [6], sizes = [1], strides = [1]} : vector<16xi32> to vector<1xi32>
      %squeeze3A_331 = vector.extract %slice3A_330[0] : i32 from vector<1xi32>
      %dma_start3A_332 = arith.constant 6 : i32
      %dma_start3A_333 = arith.constant 0 : i32
      %dma_start3A_334 = arith.constant 0 : i32
      %dma_start3A_335 = tpu.memref_slice %arg8[%dma_start3A_332, %dma_start3A_333, %dma_start3A_334] : memref<32x8x32xf32, #tpu.memory_space<vmem>> -> memref<1x8x32xf32, #tpu.memory_space<vmem>>
      %dma_start3A_336 = tpu.memref_squeeze %dma_start3A_335 : memref<1x8x32xf32, #tpu.memory_space<vmem>> -> memref<8x32xf32, #tpu.memory_space<vmem>>
      %dma_start3A_337 = arith.constant 0 : i32
      %dma_start3A_338 = arith.constant 0 : i32
      %dma_start3A_339 = tpu.memref_slice %arg4[%squeeze3A_331, %dma_start3A_337, %dma_start3A_338] : memref<125000x8x32xf32, #tpu.memory_space<hbm>> -> memref<1x8x32xf32, #tpu.memory_space<hbm>>
      %dma_start3A_340 = tpu.memref_squeeze %dma_start3A_339 : memref<1x8x32xf32, #tpu.memory_space<hbm>> -> memref<8x32xf32, #tpu.memory_space<hbm>>
      %dma_start3A_341 = arith.constant 0 : i32
      %dma_start3A_342 = arith.constant 0 : i32
      %dma_start3A_343 = tpu.memref_slice %arg8[%dma_start3A_332, %dma_start3A_341, %dma_start3A_342] : memref<32x8x32xf32, #tpu.memory_space<vmem>> -> memref<1x8x32xf32, #tpu.memory_space<vmem>>
      %dma_start3A_344 = tpu.memref_squeeze %dma_start3A_343 : memref<1x8x32xf32, #tpu.memory_space<vmem>> -> memref<8x32xf32, #tpu.memory_space<vmem>>
      %dma_start3A_345 = arith.constant 0 : i32
      %dma_start3A_346 = arith.constant 0 : i32
      %dma_start3A_347 = tpu.memref_slice %arg4[%squeeze3A_331, %dma_start3A_345, %dma_start3A_346] : memref<125000x8x32xf32, #tpu.memory_space<hbm>> -> memref<1x8x32xf32, #tpu.memory_space<hbm>>
      %dma_start3A_348 = tpu.memref_squeeze %dma_start3A_347 : memref<1x8x32xf32, #tpu.memory_space<hbm>> -> memref<8x32xf32, #tpu.memory_space<hbm>>
      tpu.enqueue_dma source(%dma_start3A_348 : memref<8x32xf32, #tpu.memory_space<hbm>>) target(%dma_start3A_344 : memref<8x32xf32, #tpu.memory_space<vmem>>) target_semaphore(%arg12 : memref<!tpu.dma_semaphore, #tpu.memory_space<semaphore_mem>>)
      %slice3A_349 = vector.extract_strided_slice %shift_right_arithmetic3A_104 {offsets = [6], sizes = [1], strides = [1]} : vector<16xi32> to vector<1xi32>
      %squeeze3A_350 = vector.extract %slice3A_349[0] : i32 from vector<1xi32>
      %dma_start3A_351 = arith.constant 6 : i32
      %dma_start3A_352 = arith.constant 0 : i32
      %dma_start3A_353 = arith.constant 0 : i32
      %dma_start3A_354 = tpu.memref_slice %arg9[%dma_start3A_351, %dma_start3A_352, %dma_start3A_353] : memref<32x8x32xf32, #tpu.memory_space<vmem>> -> memref<1x8x32xf32, #tpu.memory_space<vmem>>
      %dma_start3A_355 = tpu.memref_squeeze %dma_start3A_354 : memref<1x8x32xf32, #tpu.memory_space<vmem>> -> memref<8x32xf32, #tpu.memory_space<vmem>>
      %dma_start3A_356 = arith.constant 0 : i32
      %dma_start3A_357 = arith.constant 0 : i32
      %dma_start3A_358 = tpu.memref_slice %arg5[%squeeze3A_350, %dma_start3A_356, %dma_start3A_357] : memref<125000x8x32xf32, #tpu.memory_space<hbm>> -> memref<1x8x32xf32, #tpu.memory_space<hbm>>
      %dma_start3A_359 = tpu.memref_squeeze %dma_start3A_358 : memref<1x8x32xf32, #tpu.memory_space<hbm>> -> memref<8x32xf32, #tpu.memory_space<hbm>>
      %dma_start3A_360 = arith.constant 0 : i32
      %dma_start3A_361 = arith.constant 0 : i32
      %dma_start3A_362 = tpu.memref_slice %arg9[%dma_start3A_351, %dma_start3A_360, %dma_start3A_361] : memref<32x8x32xf32, #tpu.memory_space<vmem>> -> memref<1x8x32xf32, #tpu.memory_space<vmem>>
      %dma_start3A_363 = tpu.memref_squeeze %dma_start3A_362 : memref<1x8x32xf32, #tpu.memory_space<vmem>> -> memref<8x32xf32, #tpu.memory_space<vmem>>
      %dma_start3A_364 = arith.constant 0 : i32
      %dma_start3A_365 = arith.constant 0 : i32
      %dma_start3A_366 = tpu.memref_slice %arg5[%squeeze3A_350, %dma_start3A_364, %dma_start3A_365] : memref<125000x8x32xf32, #tpu.memory_space<hbm>> -> memref<1x8x32xf32, #tpu.memory_space<hbm>>
      %dma_start3A_367 = tpu.memref_squeeze %dma_start3A_366 : memref<1x8x32xf32, #tpu.memory_space<hbm>> -> memref<8x32xf32, #tpu.memory_space<hbm>>
      tpu.enqueue_dma source(%dma_start3A_367 : memref<8x32xf32, #tpu.memory_space<hbm>>) target(%dma_start3A_363 : memref<8x32xf32, #tpu.memory_space<vmem>>) target_semaphore(%arg13 : memref<!tpu.dma_semaphore, #tpu.memory_space<semaphore_mem>>)
      %slice3A_368 = vector.extract_strided_slice %shift_right_arithmetic3A_101 {offsets = [7], sizes = [1], strides = [1]} : vector<16xi32> to vector<1xi32>
      %squeeze3A_369 = vector.extract %slice3A_368[0] : i32 from vector<1xi32>
      %dma_start3A_370 = arith.constant 7 : i32
      %dma_start3A_371 = arith.constant 0 : i32
      %dma_start3A_372 = arith.constant 0 : i32
      %dma_start3A_373 = tpu.memref_slice %arg8[%dma_start3A_370, %dma_start3A_371, %dma_start3A_372] : memref<32x8x32xf32, #tpu.memory_space<vmem>> -> memref<1x8x32xf32, #tpu.memory_space<vmem>>
      %dma_start3A_374 = tpu.memref_squeeze %dma_start3A_373 : memref<1x8x32xf32, #tpu.memory_space<vmem>> -> memref<8x32xf32, #tpu.memory_space<vmem>>
      %dma_start3A_375 = arith.constant 0 : i32
      %dma_start3A_376 = arith.constant 0 : i32
      %dma_start3A_377 = tpu.memref_slice %arg4[%squeeze3A_369, %dma_start3A_375, %dma_start3A_376] : memref<125000x8x32xf32, #tpu.memory_space<hbm>> -> memref<1x8x32xf32, #tpu.memory_space<hbm>>
      %dma_start3A_378 = tpu.memref_squeeze %dma_start3A_377 : memref<1x8x32xf32, #tpu.memory_space<hbm>> -> memref<8x32xf32, #tpu.memory_space<hbm>>
      %dma_start3A_379 = arith.constant 0 : i32
      %dma_start3A_380 = arith.constant 0 : i32
      %dma_start3A_381 = tpu.memref_slice %arg8[%dma_start3A_370, %dma_start3A_379, %dma_start3A_380] : memref<32x8x32xf32, #tpu.memory_space<vmem>> -> memref<1x8x32xf32, #tpu.memory_space<vmem>>
      %dma_start3A_382 = tpu.memref_squeeze %dma_start3A_381 : memref<1x8x32xf32, #tpu.memory_space<vmem>> -> memref<8x32xf32, #tpu.memory_space<vmem>>
      %dma_start3A_383 = arith.constant 0 : i32
      %dma_start3A_384 = arith.constant 0 : i32
      %dma_start3A_385 = tpu.memref_slice %arg4[%squeeze3A_369, %dma_start3A_383, %dma_start3A_384] : memref<125000x8x32xf32, #tpu.memory_space<hbm>> -> memref<1x8x32xf32, #tpu.memory_space<hbm>>
      %dma_start3A_386 = tpu.memref_squeeze %dma_start3A_385 : memref<1x8x32xf32, #tpu.memory_space<hbm>> -> memref<8x32xf32, #tpu.memory_space<hbm>>
      tpu.enqueue_dma source(%dma_start3A_386 : memref<8x32xf32, #tpu.memory_space<hbm>>) target(%dma_start3A_382 : memref<8x32xf32, #tpu.memory_space<vmem>>) target_semaphore(%arg12 : memref<!tpu.dma_semaphore, #tpu.memory_space<semaphore_mem>>)
      %slice3A_387 = vector.extract_strided_slice %shift_right_arithmetic3A_104 {offsets = [7], sizes = [1], strides = [1]} : vector<16xi32> to vector<1xi32>
      %squeeze3A_388 = vector.extract %slice3A_387[0] : i32 from vector<1xi32>
      %dma_start3A_389 = arith.constant 7 : i32
      %dma_start3A_390 = arith.constant 0 : i32
      %dma_start3A_391 = arith.constant 0 : i32
      %dma_start3A_392 = tpu.memref_slice %arg9[%dma_start3A_389, %dma_start3A_390, %dma_start3A_391] : memref<32x8x32xf32, #tpu.memory_space<vmem>> -> memref<1x8x32xf32, #tpu.memory_space<vmem>>
      %dma_start3A_393 = tpu.memref_squeeze %dma_start3A_392 : memref<1x8x32xf32, #tpu.memory_space<vmem>> -> memref<8x32xf32, #tpu.memory_space<vmem>>
      %dma_start3A_394 = arith.constant 0 : i32
      %dma_start3A_395 = arith.constant 0 : i32
      %dma_start3A_396 = tpu.memref_slice %arg5[%squeeze3A_388, %dma_start3A_394, %dma_start3A_395] : memref<125000x8x32xf32, #tpu.memory_space<hbm>> -> memref<1x8x32xf32, #tpu.memory_space<hbm>>
      %dma_start3A_397 = tpu.memref_squeeze %dma_start3A_396 : memref<1x8x32xf32, #tpu.memory_space<hbm>> -> memref<8x32xf32, #tpu.memory_space<hbm>>
      %dma_start3A_398 = arith.constant 0 : i32
      %dma_start3A_399 = arith.constant 0 : i32
      %dma_start3A_400 = tpu.memref_slice %arg9[%dma_start3A_389, %dma_start3A_398, %dma_start3A_399] : memref<32x8x32xf32, #tpu.memory_space<vmem>> -> memref<1x8x32xf32, #tpu.memory_space<vmem>>
      %dma_start3A_401 = tpu.memref_squeeze %dma_start3A_400 : memref<1x8x32xf32, #tpu.memory_space<vmem>> -> memref<8x32xf32, #tpu.memory_space<vmem>>
      %dma_start3A_402 = arith.constant 0 : i32
      %dma_start3A_403 = arith.constant 0 : i32
      %dma_start3A_404 = tpu.memref_slice %arg5[%squeeze3A_388, %dma_start3A_402, %dma_start3A_403] : memref<125000x8x32xf32, #tpu.memory_space<hbm>> -> memref<1x8x32xf32, #tpu.memory_space<hbm>>
      %dma_start3A_405 = tpu.memref_squeeze %dma_start3A_404 : memref<1x8x32xf32, #tpu.memory_space<hbm>> -> memref<8x32xf32, #tpu.memory_space<hbm>>
      tpu.enqueue_dma source(%dma_start3A_405 : memref<8x32xf32, #tpu.memory_space<hbm>>) target(%dma_start3A_401 : memref<8x32xf32, #tpu.memory_space<vmem>>) target_semaphore(%arg13 : memref<!tpu.dma_semaphore, #tpu.memory_space<semaphore_mem>>)
      %slice3A_406 = vector.extract_strided_slice %shift_right_arithmetic3A_101 {offsets = [8], sizes = [1], strides = [1]} : vector<16xi32> to vector<1xi32>
      %squeeze3A_407 = vector.extract %slice3A_406[0] : i32 from vector<1xi32>
      %dma_start3A_408 = arith.constant 8 : i32
      %dma_start3A_409 = arith.constant 0 : i32
      %dma_start3A_410 = arith.constant 0 : i32
      %dma_start3A_411 = tpu.memref_slice %arg8[%dma_start3A_408, %dma_start3A_409, %dma_start3A_410] : memref<32x8x32xf32, #tpu.memory_space<vmem>> -> memref<1x8x32xf32, #tpu.memory_space<vmem>>
      %dma_start3A_412 = tpu.memref_squeeze %dma_start3A_411 : memref<1x8x32xf32, #tpu.memory_space<vmem>> -> memref<8x32xf32, #tpu.memory_space<vmem>>
      %dma_start3A_413 = arith.constant 0 : i32
      %dma_start3A_414 = arith.constant 0 : i32
      %dma_start3A_415 = tpu.memref_slice %arg4[%squeeze3A_407, %dma_start3A_413, %dma_start3A_414] : memref<125000x8x32xf32, #tpu.memory_space<hbm>> -> memref<1x8x32xf32, #tpu.memory_space<hbm>>
      %dma_start3A_416 = tpu.memref_squeeze %dma_start3A_415 : memref<1x8x32xf32, #tpu.memory_space<hbm>> -> memref<8x32xf32, #tpu.memory_space<hbm>>
      %dma_start3A_417 = arith.constant 0 : i32
      %dma_start3A_418 = arith.constant 0 : i32
      %dma_start3A_419 = tpu.memref_slice %arg8[%dma_start3A_408, %dma_start3A_417, %dma_start3A_418] : memref<32x8x32xf32, #tpu.memory_space<vmem>> -> memref<1x8x32xf32, #tpu.memory_space<vmem>>
      %dma_start3A_420 = tpu.memref_squeeze %dma_start3A_419 : memref<1x8x32xf32, #tpu.memory_space<vmem>> -> memref<8x32xf32, #tpu.memory_space<vmem>>
      %dma_start3A_421 = arith.constant 0 : i32
      %dma_start3A_422 = arith.constant 0 : i32
      %dma_start3A_423 = tpu.memref_slice %arg4[%squeeze3A_407, %dma_start3A_421, %dma_start3A_422] : memref<125000x8x32xf32, #tpu.memory_space<hbm>> -> memref<1x8x32xf32, #tpu.memory_space<hbm>>
      %dma_start3A_424 = tpu.memref_squeeze %dma_start3A_423 : memref<1x8x32xf32, #tpu.memory_space<hbm>> -> memref<8x32xf32, #tpu.memory_space<hbm>>
      tpu.enqueue_dma source(%dma_start3A_424 : memref<8x32xf32, #tpu.memory_space<hbm>>) target(%dma_start3A_420 : memref<8x32xf32, #tpu.memory_space<vmem>>) target_semaphore(%arg12 : memref<!tpu.dma_semaphore, #tpu.memory_space<semaphore_mem>>)
      %slice3A_425 = vector.extract_strided_slice %shift_right_arithmetic3A_104 {offsets = [8], sizes = [1], strides = [1]} : vector<16xi32> to vector<1xi32>
      %squeeze3A_426 = vector.extract %slice3A_425[0] : i32 from vector<1xi32>
      %dma_start3A_427 = arith.constant 8 : i32
      %dma_start3A_428 = arith.constant 0 : i32
      %dma_start3A_429 = arith.constant 0 : i32
      %dma_start3A_430 = tpu.memref_slice %arg9[%dma_start3A_427, %dma_start3A_428, %dma_start3A_429] : memref<32x8x32xf32, #tpu.memory_space<vmem>> -> memref<1x8x32xf32, #tpu.memory_space<vmem>>
      %dma_start3A_431 = tpu.memref_squeeze %dma_start3A_430 : memref<1x8x32xf32, #tpu.memory_space<vmem>> -> memref<8x32xf32, #tpu.memory_space<vmem>>
      %dma_start3A_432 = arith.constant 0 : i32
      %dma_start3A_433 = arith.constant 0 : i32
      %dma_start3A_434 = tpu.memref_slice %arg5[%squeeze3A_426, %dma_start3A_432, %dma_start3A_433] : memref<125000x8x32xf32, #tpu.memory_space<hbm>> -> memref<1x8x32xf32, #tpu.memory_space<hbm>>
      %dma_start3A_435 = tpu.memref_squeeze %dma_start3A_434 : memref<1x8x32xf32, #tpu.memory_space<hbm>> -> memref<8x32xf32, #tpu.memory_space<hbm>>
      %dma_start3A_436 = arith.constant 0 : i32
      %dma_start3A_437 = arith.constant 0 : i32
      %dma_start3A_438 = tpu.memref_slice %arg9[%dma_start3A_427, %dma_start3A_436, %dma_start3A_437] : memref<32x8x32xf32, #tpu.memory_space<vmem>> -> memref<1x8x32xf32, #tpu.memory_space<vmem>>
      %dma_start3A_439 = tpu.memref_squeeze %dma_start3A_438 : memref<1x8x32xf32, #tpu.memory_space<vmem>> -> memref<8x32xf32, #tpu.memory_space<vmem>>
      %dma_start3A_440 = arith.constant 0 : i32
      %dma_start3A_441 = arith.constant 0 : i32
      %dma_start3A_442 = tpu.memref_slice %arg5[%squeeze3A_426, %dma_start3A_440, %dma_start3A_441] : memref<125000x8x32xf32, #tpu.memory_space<hbm>> -> memref<1x8x32xf32, #tpu.memory_space<hbm>>
      %dma_start3A_443 = tpu.memref_squeeze %dma_start3A_442 : memref<1x8x32xf32, #tpu.memory_space<hbm>> -> memref<8x32xf32, #tpu.memory_space<hbm>>
      tpu.enqueue_dma source(%dma_start3A_443 : memref<8x32xf32, #tpu.memory_space<hbm>>) target(%dma_start3A_439 : memref<8x32xf32, #tpu.memory_space<vmem>>) target_semaphore(%arg13 : memref<!tpu.dma_semaphore, #tpu.memory_space<semaphore_mem>>)
      %slice3A_444 = vector.extract_strided_slice %shift_right_arithmetic3A_101 {offsets = [9], sizes = [1], strides = [1]} : vector<16xi32> to vector<1xi32>
      %squeeze3A_445 = vector.extract %slice3A_444[0] : i32 from vector<1xi32>
      %dma_start3A_446 = arith.constant 9 : i32
      %dma_start3A_447 = arith.constant 0 : i32
      %dma_start3A_448 = arith.constant 0 : i32
      %dma_start3A_449 = tpu.memref_slice %arg8[%dma_start3A_446, %dma_start3A_447, %dma_start3A_448] : memref<32x8x32xf32, #tpu.memory_space<vmem>> -> memref<1x8x32xf32, #tpu.memory_space<vmem>>
      %dma_start3A_450 = tpu.memref_squeeze %dma_start3A_449 : memref<1x8x32xf32, #tpu.memory_space<vmem>> -> memref<8x32xf32, #tpu.memory_space<vmem>>
      %dma_start3A_451 = arith.constant 0 : i32
      %dma_start3A_452 = arith.constant 0 : i32
      %dma_start3A_453 = tpu.memref_slice %arg4[%squeeze3A_445, %dma_start3A_451, %dma_start3A_452] : memref<125000x8x32xf32, #tpu.memory_space<hbm>> -> memref<1x8x32xf32, #tpu.memory_space<hbm>>
      %dma_start3A_454 = tpu.memref_squeeze %dma_start3A_453 : memref<1x8x32xf32, #tpu.memory_space<hbm>> -> memref<8x32xf32, #tpu.memory_space<hbm>>
      %dma_start3A_455 = arith.constant 0 : i32
      %dma_start3A_456 = arith.constant 0 : i32
      %dma_start3A_457 = tpu.memref_slice %arg8[%dma_start3A_446, %dma_start3A_455, %dma_start3A_456] : memref<32x8x32xf32, #tpu.memory_space<vmem>> -> memref<1x8x32xf32, #tpu.memory_space<vmem>>
      %dma_start3A_458 = tpu.memref_squeeze %dma_start3A_457 : memref<1x8x32xf32, #tpu.memory_space<vmem>> -> memref<8x32xf32, #tpu.memory_space<vmem>>
      %dma_start3A_459 = arith.constant 0 : i32
      %dma_start3A_460 = arith.constant 0 : i32
      %dma_start3A_461 = tpu.memref_slice %arg4[%squeeze3A_445, %dma_start3A_459, %dma_start3A_460] : memref<125000x8x32xf32, #tpu.memory_space<hbm>> -> memref<1x8x32xf32, #tpu.memory_space<hbm>>
      %dma_start3A_462 = tpu.memref_squeeze %dma_start3A_461 : memref<1x8x32xf32, #tpu.memory_space<hbm>> -> memref<8x32xf32, #tpu.memory_space<hbm>>
      tpu.enqueue_dma source(%dma_start3A_462 : memref<8x32xf32, #tpu.memory_space<hbm>>) target(%dma_start3A_458 : memref<8x32xf32, #tpu.memory_space<vmem>>) target_semaphore(%arg12 : memref<!tpu.dma_semaphore, #tpu.memory_space<semaphore_mem>>)
      %slice3A_463 = vector.extract_strided_slice %shift_right_arithmetic3A_104 {offsets = [9], sizes = [1], strides = [1]} : vector<16xi32> to vector<1xi32>
      %squeeze3A_464 = vector.extract %slice3A_463[0] : i32 from vector<1xi32>
      %dma_start3A_465 = arith.constant 9 : i32
      %dma_start3A_466 = arith.constant 0 : i32
      %dma_start3A_467 = arith.constant 0 : i32
      %dma_start3A_468 = tpu.memref_slice %arg9[%dma_start3A_465, %dma_start3A_466, %dma_start3A_467] : memref<32x8x32xf32, #tpu.memory_space<vmem>> -> memref<1x8x32xf32, #tpu.memory_space<vmem>>
      %dma_start3A_469 = tpu.memref_squeeze %dma_start3A_468 : memref<1x8x32xf32, #tpu.memory_space<vmem>> -> memref<8x32xf32, #tpu.memory_space<vmem>>
      %dma_start3A_470 = arith.constant 0 : i32
      %dma_start3A_471 = arith.constant 0 : i32
      %dma_start3A_472 = tpu.memref_slice %arg5[%squeeze3A_464, %dma_start3A_470, %dma_start3A_471] : memref<125000x8x32xf32, #tpu.memory_space<hbm>> -> memref<1x8x32xf32, #tpu.memory_space<hbm>>
      %dma_start3A_473 = tpu.memref_squeeze %dma_start3A_472 : memref<1x8x32xf32, #tpu.memory_space<hbm>> -> memref<8x32xf32, #tpu.memory_space<hbm>>
      %dma_start3A_474 = arith.constant 0 : i32
      %dma_start3A_475 = arith.constant 0 : i32
      %dma_start3A_476 = tpu.memref_slice %arg9[%dma_start3A_465, %dma_start3A_474, %dma_start3A_475] : memref<32x8x32xf32, #tpu.memory_space<vmem>> -> memref<1x8x32xf32, #tpu.memory_space<vmem>>
      %dma_start3A_477 = tpu.memref_squeeze %dma_start3A_476 : memref<1x8x32xf32, #tpu.memory_space<vmem>> -> memref<8x32xf32, #tpu.memory_space<vmem>>
      %dma_start3A_478 = arith.constant 0 : i32
      %dma_start3A_479 = arith.constant 0 : i32
      %dma_start3A_480 = tpu.memref_slice %arg5[%squeeze3A_464, %dma_start3A_478, %dma_start3A_479] : memref<125000x8x32xf32, #tpu.memory_space<hbm>> -> memref<1x8x32xf32, #tpu.memory_space<hbm>>
      %dma_start3A_481 = tpu.memref_squeeze %dma_start3A_480 : memref<1x8x32xf32, #tpu.memory_space<hbm>> -> memref<8x32xf32, #tpu.memory_space<hbm>>
      tpu.enqueue_dma source(%dma_start3A_481 : memref<8x32xf32, #tpu.memory_space<hbm>>) target(%dma_start3A_477 : memref<8x32xf32, #tpu.memory_space<vmem>>) target_semaphore(%arg13 : memref<!tpu.dma_semaphore, #tpu.memory_space<semaphore_mem>>)
      %slice3A_482 = vector.extract_strided_slice %shift_right_arithmetic3A_101 {offsets = [10], sizes = [1], strides = [1]} : vector<16xi32> to vector<1xi32>
      %squeeze3A_483 = vector.extract %slice3A_482[0] : i32 from vector<1xi32>
      %dma_start3A_484 = arith.constant 10 : i32
      %dma_start3A_485 = arith.constant 0 : i32
      %dma_start3A_486 = arith.constant 0 : i32
      %dma_start3A_487 = tpu.memref_slice %arg8[%dma_start3A_484, %dma_start3A_485, %dma_start3A_486] : memref<32x8x32xf32, #tpu.memory_space<vmem>> -> memref<1x8x32xf32, #tpu.memory_space<vmem>>
      %dma_start3A_488 = tpu.memref_squeeze %dma_start3A_487 : memref<1x8x32xf32, #tpu.memory_space<vmem>> -> memref<8x32xf32, #tpu.memory_space<vmem>>
      %dma_start3A_489 = arith.constant 0 : i32
      %dma_start3A_490 = arith.constant 0 : i32
      %dma_start3A_491 = tpu.memref_slice %arg4[%squeeze3A_483, %dma_start3A_489, %dma_start3A_490] : memref<125000x8x32xf32, #tpu.memory_space<hbm>> -> memref<1x8x32xf32, #tpu.memory_space<hbm>>
      %dma_start3A_492 = tpu.memref_squeeze %dma_start3A_491 : memref<1x8x32xf32, #tpu.memory_space<hbm>> -> memref<8x32xf32, #tpu.memory_space<hbm>>
      %dma_start3A_493 = arith.constant 0 : i32
      %dma_start3A_494 = arith.constant 0 : i32
      %dma_start3A_495 = tpu.memref_slice %arg8[%dma_start3A_484, %dma_start3A_493, %dma_start3A_494] : memref<32x8x32xf32, #tpu.memory_space<vmem>> -> memref<1x8x32xf32, #tpu.memory_space<vmem>>
      %dma_start3A_496 = tpu.memref_squeeze %dma_start3A_495 : memref<1x8x32xf32, #tpu.memory_space<vmem>> -> memref<8x32xf32, #tpu.memory_space<vmem>>
      %dma_start3A_497 = arith.constant 0 : i32
      %dma_start3A_498 = arith.constant 0 : i32
      %dma_start3A_499 = tpu.memref_slice %arg4[%squeeze3A_483, %dma_start3A_497, %dma_start3A_498] : memref<125000x8x32xf32, #tpu.memory_space<hbm>> -> memref<1x8x32xf32, #tpu.memory_space<hbm>>
      %dma_start3A_500 = tpu.memref_squeeze %dma_start3A_499 : memref<1x8x32xf32, #tpu.memory_space<hbm>> -> memref<8x32xf32, #tpu.memory_space<hbm>>
      tpu.enqueue_dma source(%dma_start3A_500 : memref<8x32xf32, #tpu.memory_space<hbm>>) target(%dma_start3A_496 : memref<8x32xf32, #tpu.memory_space<vmem>>) target_semaphore(%arg12 : memref<!tpu.dma_semaphore, #tpu.memory_space<semaphore_mem>>)
      %slice3A_501 = vector.extract_strided_slice %shift_right_arithmetic3A_104 {offsets = [10], sizes = [1], strides = [1]} : vector<16xi32> to vector<1xi32>
      %squeeze3A_502 = vector.extract %slice3A_501[0] : i32 from vector<1xi32>
      %dma_start3A_503 = arith.constant 10 : i32
      %dma_start3A_504 = arith.constant 0 : i32
      %dma_start3A_505 = arith.constant 0 : i32
      %dma_start3A_506 = tpu.memref_slice %arg9[%dma_start3A_503, %dma_start3A_504, %dma_start3A_505] : memref<32x8x32xf32, #tpu.memory_space<vmem>> -> memref<1x8x32xf32, #tpu.memory_space<vmem>>
      %dma_start3A_507 = tpu.memref_squeeze %dma_start3A_506 : memref<1x8x32xf32, #tpu.memory_space<vmem>> -> memref<8x32xf32, #tpu.memory_space<vmem>>
      %dma_start3A_508 = arith.constant 0 : i32
      %dma_start3A_509 = arith.constant 0 : i32
      %dma_start3A_510 = tpu.memref_slice %arg5[%squeeze3A_502, %dma_start3A_508, %dma_start3A_509] : memref<125000x8x32xf32, #tpu.memory_space<hbm>> -> memref<1x8x32xf32, #tpu.memory_space<hbm>>
      %dma_start3A_511 = tpu.memref_squeeze %dma_start3A_510 : memref<1x8x32xf32, #tpu.memory_space<hbm>> -> memref<8x32xf32, #tpu.memory_space<hbm>>
      %dma_start3A_512 = arith.constant 0 : i32
      %dma_start3A_513 = arith.constant 0 : i32
      %dma_start3A_514 = tpu.memref_slice %arg9[%dma_start3A_503, %dma_start3A_512, %dma_start3A_513] : memref<32x8x32xf32, #tpu.memory_space<vmem>> -> memref<1x8x32xf32, #tpu.memory_space<vmem>>
      %dma_start3A_515 = tpu.memref_squeeze %dma_start3A_514 : memref<1x8x32xf32, #tpu.memory_space<vmem>> -> memref<8x32xf32, #tpu.memory_space<vmem>>
      %dma_start3A_516 = arith.constant 0 : i32
      %dma_start3A_517 = arith.constant 0 : i32
      %dma_start3A_518 = tpu.memref_slice %arg5[%squeeze3A_502, %dma_start3A_516, %dma_start3A_517] : memref<125000x8x32xf32, #tpu.memory_space<hbm>> -> memref<1x8x32xf32, #tpu.memory_space<hbm>>
      %dma_start3A_519 = tpu.memref_squeeze %dma_start3A_518 : memref<1x8x32xf32, #tpu.memory_space<hbm>> -> memref<8x32xf32, #tpu.memory_space<hbm>>
      tpu.enqueue_dma source(%dma_start3A_519 : memref<8x32xf32, #tpu.memory_space<hbm>>) target(%dma_start3A_515 : memref<8x32xf32, #tpu.memory_space<vmem>>) target_semaphore(%arg13 : memref<!tpu.dma_semaphore, #tpu.memory_space<semaphore_mem>>)
      %slice3A_520 = vector.extract_strided_slice %shift_right_arithmetic3A_101 {offsets = [11], sizes = [1], strides = [1]} : vector<16xi32> to vector<1xi32>
      %squeeze3A_521 = vector.extract %slice3A_520[0] : i32 from vector<1xi32>
      %dma_start3A_522 = arith.constant 11 : i32
      %dma_start3A_523 = arith.constant 0 : i32
      %dma_start3A_524 = arith.constant 0 : i32
      %dma_start3A_525 = tpu.memref_slice %arg8[%dma_start3A_522, %dma_start3A_523, %dma_start3A_524] : memref<32x8x32xf32, #tpu.memory_space<vmem>> -> memref<1x8x32xf32, #tpu.memory_space<vmem>>
      %dma_start3A_526 = tpu.memref_squeeze %dma_start3A_525 : memref<1x8x32xf32, #tpu.memory_space<vmem>> -> memref<8x32xf32, #tpu.memory_space<vmem>>
      %dma_start3A_527 = arith.constant 0 : i32
      %dma_start3A_528 = arith.constant 0 : i32
      %dma_start3A_529 = tpu.memref_slice %arg4[%squeeze3A_521, %dma_start3A_527, %dma_start3A_528] : memref<125000x8x32xf32, #tpu.memory_space<hbm>> -> memref<1x8x32xf32, #tpu.memory_space<hbm>>
      %dma_start3A_530 = tpu.memref_squeeze %dma_start3A_529 : memref<1x8x32xf32, #tpu.memory_space<hbm>> -> memref<8x32xf32, #tpu.memory_space<hbm>>
      %dma_start3A_531 = arith.constant 0 : i32
      %dma_start3A_532 = arith.constant 0 : i32
      %dma_start3A_533 = tpu.memref_slice %arg8[%dma_start3A_522, %dma_start3A_531, %dma_start3A_532] : memref<32x8x32xf32, #tpu.memory_space<vmem>> -> memref<1x8x32xf32, #tpu.memory_space<vmem>>
      %dma_start3A_534 = tpu.memref_squeeze %dma_start3A_533 : memref<1x8x32xf32, #tpu.memory_space<vmem>> -> memref<8x32xf32, #tpu.memory_space<vmem>>
      %dma_start3A_535 = arith.constant 0 : i32
      %dma_start3A_536 = arith.constant 0 : i32
      %dma_start3A_537 = tpu.memref_slice %arg4[%squeeze3A_521, %dma_start3A_535, %dma_start3A_536] : memref<125000x8x32xf32, #tpu.memory_space<hbm>> -> memref<1x8x32xf32, #tpu.memory_space<hbm>>
      %dma_start3A_538 = tpu.memref_squeeze %dma_start3A_537 : memref<1x8x32xf32, #tpu.memory_space<hbm>> -> memref<8x32xf32, #tpu.memory_space<hbm>>
      tpu.enqueue_dma source(%dma_start3A_538 : memref<8x32xf32, #tpu.memory_space<hbm>>) target(%dma_start3A_534 : memref<8x32xf32, #tpu.memory_space<vmem>>) target_semaphore(%arg12 : memref<!tpu.dma_semaphore, #tpu.memory_space<semaphore_mem>>)
      %slice3A_539 = vector.extract_strided_slice %shift_right_arithmetic3A_104 {offsets = [11], sizes = [1], strides = [1]} : vector<16xi32> to vector<1xi32>
      %squeeze3A_540 = vector.extract %slice3A_539[0] : i32 from vector<1xi32>
      %dma_start3A_541 = arith.constant 11 : i32
      %dma_start3A_542 = arith.constant 0 : i32
      %dma_start3A_543 = arith.constant 0 : i32
      %dma_start3A_544 = tpu.memref_slice %arg9[%dma_start3A_541, %dma_start3A_542, %dma_start3A_543] : memref<32x8x32xf32, #tpu.memory_space<vmem>> -> memref<1x8x32xf32, #tpu.memory_space<vmem>>
      %dma_start3A_545 = tpu.memref_squeeze %dma_start3A_544 : memref<1x8x32xf32, #tpu.memory_space<vmem>> -> memref<8x32xf32, #tpu.memory_space<vmem>>
      %dma_start3A_546 = arith.constant 0 : i32
      %dma_start3A_547 = arith.constant 0 : i32
      %dma_start3A_548 = tpu.memref_slice %arg5[%squeeze3A_540, %dma_start3A_546, %dma_start3A_547] : memref<125000x8x32xf32, #tpu.memory_space<hbm>> -> memref<1x8x32xf32, #tpu.memory_space<hbm>>
      %dma_start3A_549 = tpu.memref_squeeze %dma_start3A_548 : memref<1x8x32xf32, #tpu.memory_space<hbm>> -> memref<8x32xf32, #tpu.memory_space<hbm>>
      %dma_start3A_550 = arith.constant 0 : i32
      %dma_start3A_551 = arith.constant 0 : i32
      %dma_start3A_552 = tpu.memref_slice %arg9[%dma_start3A_541, %dma_start3A_550, %dma_start3A_551] : memref<32x8x32xf32, #tpu.memory_space<vmem>> -> memref<1x8x32xf32, #tpu.memory_space<vmem>>
      %dma_start3A_553 = tpu.memref_squeeze %dma_start3A_552 : memref<1x8x32xf32, #tpu.memory_space<vmem>> -> memref<8x32xf32, #tpu.memory_space<vmem>>
      %dma_start3A_554 = arith.constant 0 : i32
      %dma_start3A_555 = arith.constant 0 : i32
      %dma_start3A_556 = tpu.memref_slice %arg5[%squeeze3A_540, %dma_start3A_554, %dma_start3A_555] : memref<125000x8x32xf32, #tpu.memory_space<hbm>> -> memref<1x8x32xf32, #tpu.memory_space<hbm>>
      %dma_start3A_557 = tpu.memref_squeeze %dma_start3A_556 : memref<1x8x32xf32, #tpu.memory_space<hbm>> -> memref<8x32xf32, #tpu.memory_space<hbm>>
      tpu.enqueue_dma source(%dma_start3A_557 : memref<8x32xf32, #tpu.memory_space<hbm>>) target(%dma_start3A_553 : memref<8x32xf32, #tpu.memory_space<vmem>>) target_semaphore(%arg13 : memref<!tpu.dma_semaphore, #tpu.memory_space<semaphore_mem>>)
      %slice3A_558 = vector.extract_strided_slice %shift_right_arithmetic3A_101 {offsets = [12], sizes = [1], strides = [1]} : vector<16xi32> to vector<1xi32>
      %squeeze3A_559 = vector.extract %slice3A_558[0] : i32 from vector<1xi32>
      %dma_start3A_560 = arith.constant 12 : i32
      %dma_start3A_561 = arith.constant 0 : i32
      %dma_start3A_562 = arith.constant 0 : i32
      %dma_start3A_563 = tpu.memref_slice %arg8[%dma_start3A_560, %dma_start3A_561, %dma_start3A_562] : memref<32x8x32xf32, #tpu.memory_space<vmem>> -> memref<1x8x32xf32, #tpu.memory_space<vmem>>
      %dma_start3A_564 = tpu.memref_squeeze %dma_start3A_563 : memref<1x8x32xf32, #tpu.memory_space<vmem>> -> memref<8x32xf32, #tpu.memory_space<vmem>>
      %dma_start3A_565 = arith.constant 0 : i32
      %dma_start3A_566 = arith.constant 0 : i32
      %dma_start3A_567 = tpu.memref_slice %arg4[%squeeze3A_559, %dma_start3A_565, %dma_start3A_566] : memref<125000x8x32xf32, #tpu.memory_space<hbm>> -> memref<1x8x32xf32, #tpu.memory_space<hbm>>
      %dma_start3A_568 = tpu.memref_squeeze %dma_start3A_567 : memref<1x8x32xf32, #tpu.memory_space<hbm>> -> memref<8x32xf32, #tpu.memory_space<hbm>>
      %dma_start3A_569 = arith.constant 0 : i32
      %dma_start3A_570 = arith.constant 0 : i32
      %dma_start3A_571 = tpu.memref_slice %arg8[%dma_start3A_560, %dma_start3A_569, %dma_start3A_570] : memref<32x8x32xf32, #tpu.memory_space<vmem>> -> memref<1x8x32xf32, #tpu.memory_space<vmem>>
      %dma_start3A_572 = tpu.memref_squeeze %dma_start3A_571 : memref<1x8x32xf32, #tpu.memory_space<vmem>> -> memref<8x32xf32, #tpu.memory_space<vmem>>
      %dma_start3A_573 = arith.constant 0 : i32
      %dma_start3A_574 = arith.constant 0 : i32
      %dma_start3A_575 = tpu.memref_slice %arg4[%squeeze3A_559, %dma_start3A_573, %dma_start3A_574] : memref<125000x8x32xf32, #tpu.memory_space<hbm>> -> memref<1x8x32xf32, #tpu.memory_space<hbm>>
      %dma_start3A_576 = tpu.memref_squeeze %dma_start3A_575 : memref<1x8x32xf32, #tpu.memory_space<hbm>> -> memref<8x32xf32, #tpu.memory_space<hbm>>
      tpu.enqueue_dma source(%dma_start3A_576 : memref<8x32xf32, #tpu.memory_space<hbm>>) target(%dma_start3A_572 : memref<8x32xf32, #tpu.memory_space<vmem>>) target_semaphore(%arg12 : memref<!tpu.dma_semaphore, #tpu.memory_space<semaphore_mem>>)
      %slice3A_577 = vector.extract_strided_slice %shift_right_arithmetic3A_104 {offsets = [12], sizes = [1], strides = [1]} : vector<16xi32> to vector<1xi32>
      %squeeze3A_578 = vector.extract %slice3A_577[0] : i32 from vector<1xi32>
      %dma_start3A_579 = arith.constant 12 : i32
      %dma_start3A_580 = arith.constant 0 : i32
      %dma_start3A_581 = arith.constant 0 : i32
      %dma_start3A_582 = tpu.memref_slice %arg9[%dma_start3A_579, %dma_start3A_580, %dma_start3A_581] : memref<32x8x32xf32, #tpu.memory_space<vmem>> -> memref<1x8x32xf32, #tpu.memory_space<vmem>>
      %dma_start3A_583 = tpu.memref_squeeze %dma_start3A_582 : memref<1x8x32xf32, #tpu.memory_space<vmem>> -> memref<8x32xf32, #tpu.memory_space<vmem>>
      %dma_start3A_584 = arith.constant 0 : i32
      %dma_start3A_585 = arith.constant 0 : i32
      %dma_start3A_586 = tpu.memref_slice %arg5[%squeeze3A_578, %dma_start3A_584, %dma_start3A_585] : memref<125000x8x32xf32, #tpu.memory_space<hbm>> -> memref<1x8x32xf32, #tpu.memory_space<hbm>>
      %dma_start3A_587 = tpu.memref_squeeze %dma_start3A_586 : memref<1x8x32xf32, #tpu.memory_space<hbm>> -> memref<8x32xf32, #tpu.memory_space<hbm>>
      %dma_start3A_588 = arith.constant 0 : i32
      %dma_start3A_589 = arith.constant 0 : i32
      %dma_start3A_590 = tpu.memref_slice %arg9[%dma_start3A_579, %dma_start3A_588, %dma_start3A_589] : memref<32x8x32xf32, #tpu.memory_space<vmem>> -> memref<1x8x32xf32, #tpu.memory_space<vmem>>
      %dma_start3A_591 = tpu.memref_squeeze %dma_start3A_590 : memref<1x8x32xf32, #tpu.memory_space<vmem>> -> memref<8x32xf32, #tpu.memory_space<vmem>>
      %dma_start3A_592 = arith.constant 0 : i32
      %dma_start3A_593 = arith.constant 0 : i32
      %dma_start3A_594 = tpu.memref_slice %arg5[%squeeze3A_578, %dma_start3A_592, %dma_start3A_593] : memref<125000x8x32xf32, #tpu.memory_space<hbm>> -> memref<1x8x32xf32, #tpu.memory_space<hbm>>
      %dma_start3A_595 = tpu.memref_squeeze %dma_start3A_594 : memref<1x8x32xf32, #tpu.memory_space<hbm>> -> memref<8x32xf32, #tpu.memory_space<hbm>>
      tpu.enqueue_dma source(%dma_start3A_595 : memref<8x32xf32, #tpu.memory_space<hbm>>) target(%dma_start3A_591 : memref<8x32xf32, #tpu.memory_space<vmem>>) target_semaphore(%arg13 : memref<!tpu.dma_semaphore, #tpu.memory_space<semaphore_mem>>)
      %slice3A_596 = vector.extract_strided_slice %shift_right_arithmetic3A_101 {offsets = [13], sizes = [1], strides = [1]} : vector<16xi32> to vector<1xi32>
      %squeeze3A_597 = vector.extract %slice3A_596[0] : i32 from vector<1xi32>
      %dma_start3A_598 = arith.constant 13 : i32
      %dma_start3A_599 = arith.constant 0 : i32
      %dma_start3A_600 = arith.constant 0 : i32
      %dma_start3A_601 = tpu.memref_slice %arg8[%dma_start3A_598, %dma_start3A_599, %dma_start3A_600] : memref<32x8x32xf32, #tpu.memory_space<vmem>> -> memref<1x8x32xf32, #tpu.memory_space<vmem>>
      %dma_start3A_602 = tpu.memref_squeeze %dma_start3A_601 : memref<1x8x32xf32, #tpu.memory_space<vmem>> -> memref<8x32xf32, #tpu.memory_space<vmem>>
      %dma_start3A_603 = arith.constant 0 : i32
      %dma_start3A_604 = arith.constant 0 : i32
      %dma_start3A_605 = tpu.memref_slice %arg4[%squeeze3A_597, %dma_start3A_603, %dma_start3A_604] : memref<125000x8x32xf32, #tpu.memory_space<hbm>> -> memref<1x8x32xf32, #tpu.memory_space<hbm>>
      %dma_start3A_606 = tpu.memref_squeeze %dma_start3A_605 : memref<1x8x32xf32, #tpu.memory_space<hbm>> -> memref<8x32xf32, #tpu.memory_space<hbm>>
      %dma_start3A_607 = arith.constant 0 : i32
      %dma_start3A_608 = arith.constant 0 : i32
      %dma_start3A_609 = tpu.memref_slice %arg8[%dma_start3A_598, %dma_start3A_607, %dma_start3A_608] : memref<32x8x32xf32, #tpu.memory_space<vmem>> -> memref<1x8x32xf32, #tpu.memory_space<vmem>>
      %dma_start3A_610 = tpu.memref_squeeze %dma_start3A_609 : memref<1x8x32xf32, #tpu.memory_space<vmem>> -> memref<8x32xf32, #tpu.memory_space<vmem>>
      %dma_start3A_611 = arith.constant 0 : i32
      %dma_start3A_612 = arith.constant 0 : i32
      %dma_start3A_613 = tpu.memref_slice %arg4[%squeeze3A_597, %dma_start3A_611, %dma_start3A_612] : memref<125000x8x32xf32, #tpu.memory_space<hbm>> -> memref<1x8x32xf32, #tpu.memory_space<hbm>>
      %dma_start3A_614 = tpu.memref_squeeze %dma_start3A_613 : memref<1x8x32xf32, #tpu.memory_space<hbm>> -> memref<8x32xf32, #tpu.memory_space<hbm>>
      tpu.enqueue_dma source(%dma_start3A_614 : memref<8x32xf32, #tpu.memory_space<hbm>>) target(%dma_start3A_610 : memref<8x32xf32, #tpu.memory_space<vmem>>) target_semaphore(%arg12 : memref<!tpu.dma_semaphore, #tpu.memory_space<semaphore_mem>>)
      %slice3A_615 = vector.extract_strided_slice %shift_right_arithmetic3A_104 {offsets = [13], sizes = [1], strides = [1]} : vector<16xi32> to vector<1xi32>
      %squeeze3A_616 = vector.extract %slice3A_615[0] : i32 from vector<1xi32>
      %dma_start3A_617 = arith.constant 13 : i32
      %dma_start3A_618 = arith.constant 0 : i32
      %dma_start3A_619 = arith.constant 0 : i32
      %dma_start3A_620 = tpu.memref_slice %arg9[%dma_start3A_617, %dma_start3A_618, %dma_start3A_619] : memref<32x8x32xf32, #tpu.memory_space<vmem>> -> memref<1x8x32xf32, #tpu.memory_space<vmem>>
      %dma_start3A_621 = tpu.memref_squeeze %dma_start3A_620 : memref<1x8x32xf32, #tpu.memory_space<vmem>> -> memref<8x32xf32, #tpu.memory_space<vmem>>
      %dma_start3A_622 = arith.constant 0 : i32
      %dma_start3A_623 = arith.constant 0 : i32
      %dma_start3A_624 = tpu.memref_slice %arg5[%squeeze3A_616, %dma_start3A_622, %dma_start3A_623] : memref<125000x8x32xf32, #tpu.memory_space<hbm>> -> memref<1x8x32xf32, #tpu.memory_space<hbm>>
      %dma_start3A_625 = tpu.memref_squeeze %dma_start3A_624 : memref<1x8x32xf32, #tpu.memory_space<hbm>> -> memref<8x32xf32, #tpu.memory_space<hbm>>
      %dma_start3A_626 = arith.constant 0 : i32
      %dma_start3A_627 = arith.constant 0 : i32
      %dma_start3A_628 = tpu.memref_slice %arg9[%dma_start3A_617, %dma_start3A_626, %dma_start3A_627] : memref<32x8x32xf32, #tpu.memory_space<vmem>> -> memref<1x8x32xf32, #tpu.memory_space<vmem>>
      %dma_start3A_629 = tpu.memref_squeeze %dma_start3A_628 : memref<1x8x32xf32, #tpu.memory_space<vmem>> -> memref<8x32xf32, #tpu.memory_space<vmem>>
      %dma_start3A_630 = arith.constant 0 : i32
      %dma_start3A_631 = arith.constant 0 : i32
      %dma_start3A_632 = tpu.memref_slice %arg5[%squeeze3A_616, %dma_start3A_630, %dma_start3A_631] : memref<125000x8x32xf32, #tpu.memory_space<hbm>> -> memref<1x8x32xf32, #tpu.memory_space<hbm>>
      %dma_start3A_633 = tpu.memref_squeeze %dma_start3A_632 : memref<1x8x32xf32, #tpu.memory_space<hbm>> -> memref<8x32xf32, #tpu.memory_space<hbm>>
      tpu.enqueue_dma source(%dma_start3A_633 : memref<8x32xf32, #tpu.memory_space<hbm>>) target(%dma_start3A_629 : memref<8x32xf32, #tpu.memory_space<vmem>>) target_semaphore(%arg13 : memref<!tpu.dma_semaphore, #tpu.memory_space<semaphore_mem>>)
      %slice3A_634 = vector.extract_strided_slice %shift_right_arithmetic3A_101 {offsets = [14], sizes = [1], strides = [1]} : vector<16xi32> to vector<1xi32>
      %squeeze3A_635 = vector.extract %slice3A_634[0] : i32 from vector<1xi32>
      %dma_start3A_636 = arith.constant 14 : i32
      %dma_start3A_637 = arith.constant 0 : i32
      %dma_start3A_638 = arith.constant 0 : i32
      %dma_start3A_639 = tpu.memref_slice %arg8[%dma_start3A_636, %dma_start3A_637, %dma_start3A_638] : memref<32x8x32xf32, #tpu.memory_space<vmem>> -> memref<1x8x32xf32, #tpu.memory_space<vmem>>
      %dma_start3A_640 = tpu.memref_squeeze %dma_start3A_639 : memref<1x8x32xf32, #tpu.memory_space<vmem>> -> memref<8x32xf32, #tpu.memory_space<vmem>>
      %dma_start3A_641 = arith.constant 0 : i32
      %dma_start3A_642 = arith.constant 0 : i32
      %dma_start3A_643 = tpu.memref_slice %arg4[%squeeze3A_635, %dma_start3A_641, %dma_start3A_642] : memref<125000x8x32xf32, #tpu.memory_space<hbm>> -> memref<1x8x32xf32, #tpu.memory_space<hbm>>
      %dma_start3A_644 = tpu.memref_squeeze %dma_start3A_643 : memref<1x8x32xf32, #tpu.memory_space<hbm>> -> memref<8x32xf32, #tpu.memory_space<hbm>>
      %dma_start3A_645 = arith.constant 0 : i32
      %dma_start3A_646 = arith.constant 0 : i32
      %dma_start3A_647 = tpu.memref_slice %arg8[%dma_start3A_636, %dma_start3A_645, %dma_start3A_646] : memref<32x8x32xf32, #tpu.memory_space<vmem>> -> memref<1x8x32xf32, #tpu.memory_space<vmem>>
      %dma_start3A_648 = tpu.memref_squeeze %dma_start3A_647 : memref<1x8x32xf32, #tpu.memory_space<vmem>> -> memref<8x32xf32, #tpu.memory_space<vmem>>
      %dma_start3A_649 = arith.constant 0 : i32
      %dma_start3A_650 = arith.constant 0 : i32
      %dma_start3A_651 = tpu.memref_slice %arg4[%squeeze3A_635, %dma_start3A_649, %dma_start3A_650] : memref<125000x8x32xf32, #tpu.memory_space<hbm>> -> memref<1x8x32xf32, #tpu.memory_space<hbm>>
      %dma_start3A_652 = tpu.memref_squeeze %dma_start3A_651 : memref<1x8x32xf32, #tpu.memory_space<hbm>> -> memref<8x32xf32, #tpu.memory_space<hbm>>
      tpu.enqueue_dma source(%dma_start3A_652 : memref<8x32xf32, #tpu.memory_space<hbm>>) target(%dma_start3A_648 : memref<8x32xf32, #tpu.memory_space<vmem>>) target_semaphore(%arg12 : memref<!tpu.dma_semaphore, #tpu.memory_space<semaphore_mem>>)
      %slice3A_653 = vector.extract_strided_slice %shift_right_arithmetic3A_104 {offsets = [14], sizes = [1], strides = [1]} : vector<16xi32> to vector<1xi32>
      %squeeze3A_654 = vector.extract %slice3A_653[0] : i32 from vector<1xi32>
      %dma_start3A_655 = arith.constant 14 : i32
      %dma_start3A_656 = arith.constant 0 : i32
      %dma_start3A_657 = arith.constant 0 : i32
      %dma_start3A_658 = tpu.memref_slice %arg9[%dma_start3A_655, %dma_start3A_656, %dma_start3A_657] : memref<32x8x32xf32, #tpu.memory_space<vmem>> -> memref<1x8x32xf32, #tpu.memory_space<vmem>>
      %dma_start3A_659 = tpu.memref_squeeze %dma_start3A_658 : memref<1x8x32xf32, #tpu.memory_space<vmem>> -> memref<8x32xf32, #tpu.memory_space<vmem>>
      %dma_start3A_660 = arith.constant 0 : i32
      %dma_start3A_661 = arith.constant 0 : i32
      %dma_start3A_662 = tpu.memref_slice %arg5[%squeeze3A_654, %dma_start3A_660, %dma_start3A_661] : memref<125000x8x32xf32, #tpu.memory_space<hbm>> -> memref<1x8x32xf32, #tpu.memory_space<hbm>>
      %dma_start3A_663 = tpu.memref_squeeze %dma_start3A_662 : memref<1x8x32xf32, #tpu.memory_space<hbm>> -> memref<8x32xf32, #tpu.memory_space<hbm>>
      %dma_start3A_664 = arith.constant 0 : i32
      %dma_start3A_665 = arith.constant 0 : i32
      %dma_start3A_666 = tpu.memref_slice %arg9[%dma_start3A_655, %dma_start3A_664, %dma_start3A_665] : memref<32x8x32xf32, #tpu.memory_space<vmem>> -> memref<1x8x32xf32, #tpu.memory_space<vmem>>
      %dma_start3A_667 = tpu.memref_squeeze %dma_start3A_666 : memref<1x8x32xf32, #tpu.memory_space<vmem>> -> memref<8x32xf32, #tpu.memory_space<vmem>>
      %dma_start3A_668 = arith.constant 0 : i32
      %dma_start3A_669 = arith.constant 0 : i32
      %dma_start3A_670 = tpu.memref_slice %arg5[%squeeze3A_654, %dma_start3A_668, %dma_start3A_669] : memref<125000x8x32xf32, #tpu.memory_space<hbm>> -> memref<1x8x32xf32, #tpu.memory_space<hbm>>
      %dma_start3A_671 = tpu.memref_squeeze %dma_start3A_670 : memref<1x8x32xf32, #tpu.memory_space<hbm>> -> memref<8x32xf32, #tpu.memory_space<hbm>>
      tpu.enqueue_dma source(%dma_start3A_671 : memref<8x32xf32, #tpu.memory_space<hbm>>) target(%dma_start3A_667 : memref<8x32xf32, #tpu.memory_space<vmem>>) target_semaphore(%arg13 : memref<!tpu.dma_semaphore, #tpu.memory_space<semaphore_mem>>)
      %slice3A_672 = vector.extract_strided_slice %shift_right_arithmetic3A_101 {offsets = [15], sizes = [1], strides = [1]} : vector<16xi32> to vector<1xi32>
      %squeeze3A_673 = vector.extract %slice3A_672[0] : i32 from vector<1xi32>
      %dma_start3A_674 = arith.constant 15 : i32
      %dma_start3A_675 = arith.constant 0 : i32
      %dma_start3A_676 = arith.constant 0 : i32
      %dma_start3A_677 = tpu.memref_slice %arg8[%dma_start3A_674, %dma_start3A_675, %dma_start3A_676] : memref<32x8x32xf32, #tpu.memory_space<vmem>> -> memref<1x8x32xf32, #tpu.memory_space<vmem>>
      %dma_start3A_678 = tpu.memref_squeeze %dma_start3A_677 : memref<1x8x32xf32, #tpu.memory_space<vmem>> -> memref<8x32xf32, #tpu.memory_space<vmem>>
      %dma_start3A_679 = arith.constant 0 : i32
      %dma_start3A_680 = arith.constant 0 : i32
      %dma_start3A_681 = tpu.memref_slice %arg4[%squeeze3A_673, %dma_start3A_679, %dma_start3A_680] : memref<125000x8x32xf32, #tpu.memory_space<hbm>> -> memref<1x8x32xf32, #tpu.memory_space<hbm>>
      %dma_start3A_682 = tpu.memref_squeeze %dma_start3A_681 : memref<1x8x32xf32, #tpu.memory_space<hbm>> -> memref<8x32xf32, #tpu.memory_space<hbm>>
      %dma_start3A_683 = arith.constant 0 : i32
      %dma_start3A_684 = arith.constant 0 : i32
      %dma_start3A_685 = tpu.memref_slice %arg8[%dma_start3A_674, %dma_start3A_683, %dma_start3A_684] : memref<32x8x32xf32, #tpu.memory_space<vmem>> -> memref<1x8x32xf32, #tpu.memory_space<vmem>>
      %dma_start3A_686 = tpu.memref_squeeze %dma_start3A_685 : memref<1x8x32xf32, #tpu.memory_space<vmem>> -> memref<8x32xf32, #tpu.memory_space<vmem>>
      %dma_start3A_687 = arith.constant 0 : i32
      %dma_start3A_688 = arith.constant 0 : i32
      %dma_start3A_689 = tpu.memref_slice %arg4[%squeeze3A_673, %dma_start3A_687, %dma_start3A_688] : memref<125000x8x32xf32, #tpu.memory_space<hbm>> -> memref<1x8x32xf32, #tpu.memory_space<hbm>>
      %dma_start3A_690 = tpu.memref_squeeze %dma_start3A_689 : memref<1x8x32xf32, #tpu.memory_space<hbm>> -> memref<8x32xf32, #tpu.memory_space<hbm>>
      tpu.enqueue_dma source(%dma_start3A_690 : memref<8x32xf32, #tpu.memory_space<hbm>>) target(%dma_start3A_686 : memref<8x32xf32, #tpu.memory_space<vmem>>) target_semaphore(%arg12 : memref<!tpu.dma_semaphore, #tpu.memory_space<semaphore_mem>>)
      %slice3A_691 = vector.extract_strided_slice %shift_right_arithmetic3A_104 {offsets = [15], sizes = [1], strides = [1]} : vector<16xi32> to vector<1xi32>
      %squeeze3A_692 = vector.extract %slice3A_691[0] : i32 from vector<1xi32>
      %dma_start3A_693 = arith.constant 15 : i32
      %dma_start3A_694 = arith.constant 0 : i32
      %dma_start3A_695 = arith.constant 0 : i32
      %dma_start3A_696 = tpu.memref_slice %arg9[%dma_start3A_693, %dma_start3A_694, %dma_start3A_695] : memref<32x8x32xf32, #tpu.memory_space<vmem>> -> memref<1x8x32xf32, #tpu.memory_space<vmem>>
      %dma_start3A_697 = tpu.memref_squeeze %dma_start3A_696 : memref<1x8x32xf32, #tpu.memory_space<vmem>> -> memref<8x32xf32, #tpu.memory_space<vmem>>
      %dma_start3A_698 = arith.constant 0 : i32
      %dma_start3A_699 = arith.constant 0 : i32
      %dma_start3A_700 = tpu.memref_slice %arg5[%squeeze3A_692, %dma_start3A_698, %dma_start3A_699] : memref<125000x8x32xf32, #tpu.memory_space<hbm>> -> memref<1x8x32xf32, #tpu.memory_space<hbm>>
      %dma_start3A_701 = tpu.memref_squeeze %dma_start3A_700 : memref<1x8x32xf32, #tpu.memory_space<hbm>> -> memref<8x32xf32, #tpu.memory_space<hbm>>
      %dma_start3A_702 = arith.constant 0 : i32
      %dma_start3A_703 = arith.constant 0 : i32
      %dma_start3A_704 = tpu.memref_slice %arg9[%dma_start3A_693, %dma_start3A_702, %dma_start3A_703] : memref<32x8x32xf32, #tpu.memory_space<vmem>> -> memref<1x8x32xf32, #tpu.memory_space<vmem>>
      %dma_start3A_705 = tpu.memref_squeeze %dma_start3A_704 : memref<1x8x32xf32, #tpu.memory_space<vmem>> -> memref<8x32xf32, #tpu.memory_space<vmem>>
      %dma_start3A_706 = arith.constant 0 : i32
      %dma_start3A_707 = arith.constant 0 : i32
      %dma_start3A_708 = tpu.memref_slice %arg5[%squeeze3A_692, %dma_start3A_706, %dma_start3A_707] : memref<125000x8x32xf32, #tpu.memory_space<hbm>> -> memref<1x8x32xf32, #tpu.memory_space<hbm>>
      %dma_start3A_709 = tpu.memref_squeeze %dma_start3A_708 : memref<1x8x32xf32, #tpu.memory_space<hbm>> -> memref<8x32xf32, #tpu.memory_space<hbm>>
      tpu.enqueue_dma source(%dma_start3A_709 : memref<8x32xf32, #tpu.memory_space<hbm>>) target(%dma_start3A_705 : memref<8x32xf32, #tpu.memory_space<vmem>>) target_semaphore(%arg13 : memref<!tpu.dma_semaphore, #tpu.memory_space<semaphore_mem>>)
      %mul3A_710 = arith.constant 2 : i32
      %mul3A_711 = arith.muli %scan3A_60, %mul3A_710 : i32
      %mul3A_712 = arith.constant 32 : i32
      %mul3A_713 = arith.muli %mul3A_711, %mul3A_712 : i32
      %add3A_714 = arith.constant 32 : i32
      %add3A_715 = arith.addi %mul3A_713, %add3A_714 : i32
      %get3A_716 = arith.index_cast %add3A_715 : i32 to index
      %get3A_717 = tpu.vector_load %arg7[%get3A_716] {strides = array<i32>} : memref<1024xi32, #tpu.memory_space<vmem>>, vector<16xi32>,
      %get3A_718 = vector.shape_cast %get3A_717 : vector<16xi32> to vector<16xi32>
      %add3A_719 = arith.constant 16 : i32
      %add3A_720 = arith.addi %add3A_715, %add3A_719 : i32
      %get3A_721 = arith.index_cast %add3A_720 : i32 to index
      %get3A_722 = tpu.vector_load %arg7[%get3A_721] {strides = array<i32>} : memref<1024xi32, #tpu.memory_space<vmem>>, vector<16xi32>,
      %get3A_723 = vector.shape_cast %get3A_722 : vector<16xi32> to vector<16xi32>
      %broadcast_in_dim3A_724 = vector.shape_cast %select_n3A_22 : vector<16xi32> to vector<16x1xi32>
      %gather3A_725 = vector.shape_cast %broadcast_in_dim3A_724 : vector<16x1xi32> to vector<16xi32>
      %gather3A_726 = tpu.dynamic_gather %get3A_718[%gather3A_725] in [0] : vector<16xi32>, vector<16xi32> -> vector<16xi32>
      %broadcast_in_dim3A_727 = vector.shape_cast %select_n3A_22 : vector<16xi32> to vector<16x1xi32>
      %gather3A_728 = vector.shape_cast %broadcast_in_dim3A_727 : vector<16x1xi32> to vector<16xi32>
      %gather3A_729 = tpu.dynamic_gather %get3A_723[%gather3A_728] in [0] : vector<16xi32>, vector<16xi32> -> vector<16xi32>
      %select_n3A_730 = arith.select %lt3A_25, %gather3A_726, %gather3A_729 : vector<16xi1>, vector<16xi32>
      %add3A_731 = arith.constant 1 : i32
      %add3A_732 = vector.broadcast %add3A_731 : i32 to vector<16xi32>
      %add3A_733 = arith.addi %select_n3A_22, %add3A_732 : vector<16xi32>
      %broadcast_in_dim3A_734 = vector.shape_cast %add3A_733 : vector<16xi32> to vector<16x1xi32>
      %gather3A_735 = vector.shape_cast %broadcast_in_dim3A_734 : vector<16x1xi32> to vector<16xi32>
      %gather3A_736 = tpu.dynamic_gather %get3A_718[%gather3A_735] in [0] : vector<16xi32>, vector<16xi32> -> vector<16xi32>
      %add3A_737 = arith.constant 1 : i32
      %add3A_738 = vector.broadcast %add3A_737 : i32 to vector<16xi32>
      %add3A_739 = arith.addi %select_n3A_22, %add3A_738 : vector<16xi32>
      %broadcast_in_dim3A_740 = vector.shape_cast %add3A_739 : vector<16xi32> to vector<16x1xi32>
      %gather3A_741 = vector.shape_cast %broadcast_in_dim3A_740 : vector<16x1xi32> to vector<16xi32>
      %gather3A_742 = tpu.dynamic_gather %get3A_723[%gather3A_741] in [0] : vector<16xi32>, vector<16xi32> -> vector<16xi32>
      %select_n3A_743 = arith.select %lt3A_25, %gather3A_736, %gather3A_742 : vector<16xi1>, vector<16xi32>
      %and3A_744 = arith.constant 7 : i32
      %and3A_745 = vector.broadcast %and3A_744 : i32 to vector<16xi32>
      %and3A_746 = arith.andi %select_n3A_730, %and3A_745 : vector<16xi32>
      %and3A_747 = arith.constant 7 : i32
      %and3A_748 = vector.broadcast %and3A_747 : i32 to vector<16xi32>
      %and3A_749 = arith.andi %select_n3A_743, %and3A_748 : vector<16xi32>
      %shift_right_arithmetic3A_750 = arith.constant 3 : i32
      %shift_right_arithmetic3A_751 = vector.broadcast %shift_right_arithmetic3A_750 : i32 to vector<16xi32>
      %shift_right_arithmetic3A_752 = arith.shrsi %select_n3A_730, %shift_right_arithmetic3A_751 : vector<16xi32>
      %shift_right_arithmetic3A_753 = arith.constant 3 : i32
      %shift_right_arithmetic3A_754 = vector.broadcast %shift_right_arithmetic3A_753 : i32 to vector<16xi32>
      %shift_right_arithmetic3A_755 = arith.shrsi %select_n3A_743, %shift_right_arithmetic3A_754 : vector<16xi32>
      %slice3A_756 = vector.extract_strided_slice %shift_right_arithmetic3A_752 {offsets = [0], sizes = [1], strides = [1]} : vector<16xi32> to vector<1xi32>
      %squeeze3A_757 = vector.extract %slice3A_756[0] : i32 from vector<1xi32>
      %dma_start3A_758 = arith.constant 16 : i32
      %dma_start3A_759 = arith.constant 0 : i32
      %dma_start3A_760 = arith.constant 0 : i32
      %dma_start3A_761 = tpu.memref_slice %arg8[%dma_start3A_758, %dma_start3A_759, %dma_start3A_760] : memref<32x8x32xf32, #tpu.memory_space<vmem>> -> memref<1x8x32xf32, #tpu.memory_space<vmem>>
      %dma_start3A_762 = tpu.memref_squeeze %dma_start3A_761 : memref<1x8x32xf32, #tpu.memory_space<vmem>> -> memref<8x32xf32, #tpu.memory_space<vmem>>
      %dma_start3A_763 = arith.constant 0 : i32
      %dma_start3A_764 = arith.constant 0 : i32
      %dma_start3A_765 = tpu.memref_slice %arg4[%squeeze3A_757, %dma_start3A_763, %dma_start3A_764] : memref<125000x8x32xf32, #tpu.memory_space<hbm>> -> memref<1x8x32xf32, #tpu.memory_space<hbm>>
      %dma_start3A_766 = tpu.memref_squeeze %dma_start3A_765 : memref<1x8x32xf32, #tpu.memory_space<hbm>> -> memref<8x32xf32, #tpu.memory_space<hbm>>
      %dma_start3A_767 = arith.constant 0 : i32
      %dma_start3A_768 = arith.constant 0 : i32
      %dma_start3A_769 = tpu.memref_slice %arg8[%dma_start3A_758, %dma_start3A_767, %dma_start3A_768] : memref<32x8x32xf32, #tpu.memory_space<vmem>> -> memref<1x8x32xf32, #tpu.memory_space<vmem>>
      %dma_start3A_770 = tpu.memref_squeeze %dma_start3A_769 : memref<1x8x32xf32, #tpu.memory_space<vmem>> -> memref<8x32xf32, #tpu.memory_space<vmem>>
      %dma_start3A_771 = arith.constant 0 : i32
      %dma_start3A_772 = arith.constant 0 : i32
      %dma_start3A_773 = tpu.memref_slice %arg4[%squeeze3A_757, %dma_start3A_771, %dma_start3A_772] : memref<125000x8x32xf32, #tpu.memory_space<hbm>> -> memref<1x8x32xf32, #tpu.memory_space<hbm>>
      %dma_start3A_774 = tpu.memref_squeeze %dma_start3A_773 : memref<1x8x32xf32, #tpu.memory_space<hbm>> -> memref<8x32xf32, #tpu.memory_space<hbm>>
      tpu.enqueue_dma source(%dma_start3A_774 : memref<8x32xf32, #tpu.memory_space<hbm>>) target(%dma_start3A_770 : memref<8x32xf32, #tpu.memory_space<vmem>>) target_semaphore(%arg12 : memref<!tpu.dma_semaphore, #tpu.memory_space<semaphore_mem>>)
      %slice3A_775 = vector.extract_strided_slice %shift_right_arithmetic3A_755 {offsets = [0], sizes = [1], strides = [1]} : vector<16xi32> to vector<1xi32>
      %squeeze3A_776 = vector.extract %slice3A_775[0] : i32 from vector<1xi32>
      %dma_start3A_777 = arith.constant 16 : i32
      %dma_start3A_778 = arith.constant 0 : i32
      %dma_start3A_779 = arith.constant 0 : i32
      %dma_start3A_780 = tpu.memref_slice %arg9[%dma_start3A_777, %dma_start3A_778, %dma_start3A_779] : memref<32x8x32xf32, #tpu.memory_space<vmem>> -> memref<1x8x32xf32, #tpu.memory_space<vmem>>
      %dma_start3A_781 = tpu.memref_squeeze %dma_start3A_780 : memref<1x8x32xf32, #tpu.memory_space<vmem>> -> memref<8x32xf32, #tpu.memory_space<vmem>>
      %dma_start3A_782 = arith.constant 0 : i32
      %dma_start3A_783 = arith.constant 0 : i32
      %dma_start3A_784 = tpu.memref_slice %arg5[%squeeze3A_776, %dma_start3A_782, %dma_start3A_783] : memref<125000x8x32xf32, #tpu.memory_space<hbm>> -> memref<1x8x32xf32, #tpu.memory_space<hbm>>
      %dma_start3A_785 = tpu.memref_squeeze %dma_start3A_784 : memref<1x8x32xf32, #tpu.memory_space<hbm>> -> memref<8x32xf32, #tpu.memory_space<hbm>>
      %dma_start3A_786 = arith.constant 0 : i32
      %dma_start3A_787 = arith.constant 0 : i32
      %dma_start3A_788 = tpu.memref_slice %arg9[%dma_start3A_777, %dma_start3A_786, %dma_start3A_787] : memref<32x8x32xf32, #tpu.memory_space<vmem>> -> memref<1x8x32xf32, #tpu.memory_space<vmem>>
      %dma_start3A_789 = tpu.memref_squeeze %dma_start3A_788 : memref<1x8x32xf32, #tpu.memory_space<vmem>> -> memref<8x32xf32, #tpu.memory_space<vmem>>
      %dma_start3A_790 = arith.constant 0 : i32
      %dma_start3A_791 = arith.constant 0 : i32
      %dma_start3A_792 = tpu.memref_slice %arg5[%squeeze3A_776, %dma_start3A_790, %dma_start3A_791] : memref<125000x8x32xf32, #tpu.memory_space<hbm>> -> memref<1x8x32xf32, #tpu.memory_space<hbm>>
      %dma_start3A_793 = tpu.memref_squeeze %dma_start3A_792 : memref<1x8x32xf32, #tpu.memory_space<hbm>> -> memref<8x32xf32, #tpu.memory_space<hbm>>
      tpu.enqueue_dma source(%dma_start3A_793 : memref<8x32xf32, #tpu.memory_space<hbm>>) target(%dma_start3A_789 : memref<8x32xf32, #tpu.memory_space<vmem>>) target_semaphore(%arg13 : memref<!tpu.dma_semaphore, #tpu.memory_space<semaphore_mem>>)
      %slice3A_794 = vector.extract_strided_slice %shift_right_arithmetic3A_752 {offsets = [1], sizes = [1], strides = [1]} : vector<16xi32> to vector<1xi32>
      %squeeze3A_795 = vector.extract %slice3A_794[0] : i32 from vector<1xi32>
      %dma_start3A_796 = arith.constant 17 : i32
      %dma_start3A_797 = arith.constant 0 : i32
      %dma_start3A_798 = arith.constant 0 : i32
      %dma_start3A_799 = tpu.memref_slice %arg8[%dma_start3A_796, %dma_start3A_797, %dma_start3A_798] : memref<32x8x32xf32, #tpu.memory_space<vmem>> -> memref<1x8x32xf32, #tpu.memory_space<vmem>>
      %dma_start3A_800 = tpu.memref_squeeze %dma_start3A_799 : memref<1x8x32xf32, #tpu.memory_space<vmem>> -> memref<8x32xf32, #tpu.memory_space<vmem>>
      %dma_start3A_801 = arith.constant 0 : i32
      %dma_start3A_802 = arith.constant 0 : i32
      %dma_start3A_803 = tpu.memref_slice %arg4[%squeeze3A_795, %dma_start3A_801, %dma_start3A_802] : memref<125000x8x32xf32, #tpu.memory_space<hbm>> -> memref<1x8x32xf32, #tpu.memory_space<hbm>>
      %dma_start3A_804 = tpu.memref_squeeze %dma_start3A_803 : memref<1x8x32xf32, #tpu.memory_space<hbm>> -> memref<8x32xf32, #tpu.memory_space<hbm>>
      %dma_start3A_805 = arith.constant 0 : i32
      %dma_start3A_806 = arith.constant 0 : i32
      %dma_start3A_807 = tpu.memref_slice %arg8[%dma_start3A_796, %dma_start3A_805, %dma_start3A_806] : memref<32x8x32xf32, #tpu.memory_space<vmem>> -> memref<1x8x32xf32, #tpu.memory_space<vmem>>
      %dma_start3A_808 = tpu.memref_squeeze %dma_start3A_807 : memref<1x8x32xf32, #tpu.memory_space<vmem>> -> memref<8x32xf32, #tpu.memory_space<vmem>>
      %dma_start3A_809 = arith.constant 0 : i32
      %dma_start3A_810 = arith.constant 0 : i32
      %dma_start3A_811 = tpu.memref_slice %arg4[%squeeze3A_795, %dma_start3A_809, %dma_start3A_810] : memref<125000x8x32xf32, #tpu.memory_space<hbm>> -> memref<1x8x32xf32, #tpu.memory_space<hbm>>
      %dma_start3A_812 = tpu.memref_squeeze %dma_start3A_811 : memref<1x8x32xf32, #tpu.memory_space<hbm>> -> memref<8x32xf32, #tpu.memory_space<hbm>>
      tpu.enqueue_dma source(%dma_start3A_812 : memref<8x32xf32, #tpu.memory_space<hbm>>) target(%dma_start3A_808 : memref<8x32xf32, #tpu.memory_space<vmem>>) target_semaphore(%arg12 : memref<!tpu.dma_semaphore, #tpu.memory_space<semaphore_mem>>)
      %slice3A_813 = vector.extract_strided_slice %shift_right_arithmetic3A_755 {offsets = [1], sizes = [1], strides = [1]} : vector<16xi32> to vector<1xi32>
      %squeeze3A_814 = vector.extract %slice3A_813[0] : i32 from vector<1xi32>
      %dma_start3A_815 = arith.constant 17 : i32
      %dma_start3A_816 = arith.constant 0 : i32
      %dma_start3A_817 = arith.constant 0 : i32
      %dma_start3A_818 = tpu.memref_slice %arg9[%dma_start3A_815, %dma_start3A_816, %dma_start3A_817] : memref<32x8x32xf32, #tpu.memory_space<vmem>> -> memref<1x8x32xf32, #tpu.memory_space<vmem>>
      %dma_start3A_819 = tpu.memref_squeeze %dma_start3A_818 : memref<1x8x32xf32, #tpu.memory_space<vmem>> -> memref<8x32xf32, #tpu.memory_space<vmem>>
      %dma_start3A_820 = arith.constant 0 : i32
      %dma_start3A_821 = arith.constant 0 : i32
      %dma_start3A_822 = tpu.memref_slice %arg5[%squeeze3A_814, %dma_start3A_820, %dma_start3A_821] : memref<125000x8x32xf32, #tpu.memory_space<hbm>> -> memref<1x8x32xf32, #tpu.memory_space<hbm>>
      %dma_start3A_823 = tpu.memref_squeeze %dma_start3A_822 : memref<1x8x32xf32, #tpu.memory_space<hbm>> -> memref<8x32xf32, #tpu.memory_space<hbm>>
      %dma_start3A_824 = arith.constant 0 : i32
      %dma_start3A_825 = arith.constant 0 : i32
      %dma_start3A_826 = tpu.memref_slice %arg9[%dma_start3A_815, %dma_start3A_824, %dma_start3A_825] : memref<32x8x32xf32, #tpu.memory_space<vmem>> -> memref<1x8x32xf32, #tpu.memory_space<vmem>>
      %dma_start3A_827 = tpu.memref_squeeze %dma_start3A_826 : memref<1x8x32xf32, #tpu.memory_space<vmem>> -> memref<8x32xf32, #tpu.memory_space<vmem>>
      %dma_start3A_828 = arith.constant 0 : i32
      %dma_start3A_829 = arith.constant 0 : i32
      %dma_start3A_830 = tpu.memref_slice %arg5[%squeeze3A_814, %dma_start3A_828, %dma_start3A_829] : memref<125000x8x32xf32, #tpu.memory_space<hbm>> -> memref<1x8x32xf32, #tpu.memory_space<hbm>>
      %dma_start3A_831 = tpu.memref_squeeze %dma_start3A_830 : memref<1x8x32xf32, #tpu.memory_space<hbm>> -> memref<8x32xf32, #tpu.memory_space<hbm>>
      tpu.enqueue_dma source(%dma_start3A_831 : memref<8x32xf32, #tpu.memory_space<hbm>>) target(%dma_start3A_827 : memref<8x32xf32, #tpu.memory_space<vmem>>) target_semaphore(%arg13 : memref<!tpu.dma_semaphore, #tpu.memory_space<semaphore_mem>>)
      %slice3A_832 = vector.extract_strided_slice %shift_right_arithmetic3A_752 {offsets = [2], sizes = [1], strides = [1]} : vector<16xi32> to vector<1xi32>
      %squeeze3A_833 = vector.extract %slice3A_832[0] : i32 from vector<1xi32>
      %dma_start3A_834 = arith.constant 18 : i32
      %dma_start3A_835 = arith.constant 0 : i32
      %dma_start3A_836 = arith.constant 0 : i32
      %dma_start3A_837 = tpu.memref_slice %arg8[%dma_start3A_834, %dma_start3A_835, %dma_start3A_836] : memref<32x8x32xf32, #tpu.memory_space<vmem>> -> memref<1x8x32xf32, #tpu.memory_space<vmem>>
      %dma_start3A_838 = tpu.memref_squeeze %dma_start3A_837 : memref<1x8x32xf32, #tpu.memory_space<vmem>> -> memref<8x32xf32, #tpu.memory_space<vmem>>
      %dma_start3A_839 = arith.constant 0 : i32
      %dma_start3A_840 = arith.constant 0 : i32
      %dma_start3A_841 = tpu.memref_slice %arg4[%squeeze3A_833, %dma_start3A_839, %dma_start3A_840] : memref<125000x8x32xf32, #tpu.memory_space<hbm>> -> memref<1x8x32xf32, #tpu.memory_space<hbm>>
      %dma_start3A_842 = tpu.memref_squeeze %dma_start3A_841 : memref<1x8x32xf32, #tpu.memory_space<hbm>> -> memref<8x32xf32, #tpu.memory_space<hbm>>
      %dma_start3A_843 = arith.constant 0 : i32
      %dma_start3A_844 = arith.constant 0 : i32
      %dma_start3A_845 = tpu.memref_slice %arg8[%dma_start3A_834, %dma_start3A_843, %dma_start3A_844] : memref<32x8x32xf32, #tpu.memory_space<vmem>> -> memref<1x8x32xf32, #tpu.memory_space<vmem>>
      %dma_start3A_846 = tpu.memref_squeeze %dma_start3A_845 : memref<1x8x32xf32, #tpu.memory_space<vmem>> -> memref<8x32xf32, #tpu.memory_space<vmem>>
      %dma_start3A_847 = arith.constant 0 : i32
      %dma_start3A_848 = arith.constant 0 : i32
      %dma_start3A_849 = tpu.memref_slice %arg4[%squeeze3A_833, %dma_start3A_847, %dma_start3A_848] : memref<125000x8x32xf32, #tpu.memory_space<hbm>> -> memref<1x8x32xf32, #tpu.memory_space<hbm>>
      %dma_start3A_850 = tpu.memref_squeeze %dma_start3A_849 : memref<1x8x32xf32, #tpu.memory_space<hbm>> -> memref<8x32xf32, #tpu.memory_space<hbm>>
      tpu.enqueue_dma source(%dma_start3A_850 : memref<8x32xf32, #tpu.memory_space<hbm>>) target(%dma_start3A_846 : memref<8x32xf32, #tpu.memory_space<vmem>>) target_semaphore(%arg12 : memref<!tpu.dma_semaphore, #tpu.memory_space<semaphore_mem>>)
      %slice3A_851 = vector.extract_strided_slice %shift_right_arithmetic3A_755 {offsets = [2], sizes = [1], strides = [1]} : vector<16xi32> to vector<1xi32>
      %squeeze3A_852 = vector.extract %slice3A_851[0] : i32 from vector<1xi32>
      %dma_start3A_853 = arith.constant 18 : i32
      %dma_start3A_854 = arith.constant 0 : i32
      %dma_start3A_855 = arith.constant 0 : i32
      %dma_start3A_856 = tpu.memref_slice %arg9[%dma_start3A_853, %dma_start3A_854, %dma_start3A_855] : memref<32x8x32xf32, #tpu.memory_space<vmem>> -> memref<1x8x32xf32, #tpu.memory_space<vmem>>
      %dma_start3A_857 = tpu.memref_squeeze %dma_start3A_856 : memref<1x8x32xf32, #tpu.memory_space<vmem>> -> memref<8x32xf32, #tpu.memory_space<vmem>>
      %dma_start3A_858 = arith.constant 0 : i32
      %dma_start3A_859 = arith.constant 0 : i32
      %dma_start3A_860 = tpu.memref_slice %arg5[%squeeze3A_852, %dma_start3A_858, %dma_start3A_859] : memref<125000x8x32xf32, #tpu.memory_space<hbm>> -> memref<1x8x32xf32, #tpu.memory_space<hbm>>
      %dma_start3A_861 = tpu.memref_squeeze %dma_start3A_860 : memref<1x8x32xf32, #tpu.memory_space<hbm>> -> memref<8x32xf32, #tpu.memory_space<hbm>>
      %dma_start3A_862 = arith.constant 0 : i32
      %dma_start3A_863 = arith.constant 0 : i32
      %dma_start3A_864 = tpu.memref_slice %arg9[%dma_start3A_853, %dma_start3A_862, %dma_start3A_863] : memref<32x8x32xf32, #tpu.memory_space<vmem>> -> memref<1x8x32xf32, #tpu.memory_space<vmem>>
      %dma_start3A_865 = tpu.memref_squeeze %dma_start3A_864 : memref<1x8x32xf32, #tpu.memory_space<vmem>> -> memref<8x32xf32, #tpu.memory_space<vmem>>
      %dma_start3A_866 = arith.constant 0 : i32
      %dma_start3A_867 = arith.constant 0 : i32
      %dma_start3A_868 = tpu.memref_slice %arg5[%squeeze3A_852, %dma_start3A_866, %dma_start3A_867] : memref<125000x8x32xf32, #tpu.memory_space<hbm>> -> memref<1x8x32xf32, #tpu.memory_space<hbm>>
      %dma_start3A_869 = tpu.memref_squeeze %dma_start3A_868 : memref<1x8x32xf32, #tpu.memory_space<hbm>> -> memref<8x32xf32, #tpu.memory_space<hbm>>
      tpu.enqueue_dma source(%dma_start3A_869 : memref<8x32xf32, #tpu.memory_space<hbm>>) target(%dma_start3A_865 : memref<8x32xf32, #tpu.memory_space<vmem>>) target_semaphore(%arg13 : memref<!tpu.dma_semaphore, #tpu.memory_space<semaphore_mem>>)
      %slice3A_870 = vector.extract_strided_slice %shift_right_arithmetic3A_752 {offsets = [3], sizes = [1], strides = [1]} : vector<16xi32> to vector<1xi32>
      %squeeze3A_871 = vector.extract %slice3A_870[0] : i32 from vector<1xi32>
      %dma_start3A_872 = arith.constant 19 : i32
      %dma_start3A_873 = arith.constant 0 : i32
      %dma_start3A_874 = arith.constant 0 : i32
      %dma_start3A_875 = tpu.memref_slice %arg8[%dma_start3A_872, %dma_start3A_873, %dma_start3A_874] : memref<32x8x32xf32, #tpu.memory_space<vmem>> -> memref<1x8x32xf32, #tpu.memory_space<vmem>>
      %dma_start3A_876 = tpu.memref_squeeze %dma_start3A_875 : memref<1x8x32xf32, #tpu.memory_space<vmem>> -> memref<8x32xf32, #tpu.memory_space<vmem>>
      %dma_start3A_877 = arith.constant 0 : i32
      %dma_start3A_878 = arith.constant 0 : i32
      %dma_start3A_879 = tpu.memref_slice %arg4[%squeeze3A_871, %dma_start3A_877, %dma_start3A_878] : memref<125000x8x32xf32, #tpu.memory_space<hbm>> -> memref<1x8x32xf32, #tpu.memory_space<hbm>>
      %dma_start3A_880 = tpu.memref_squeeze %dma_start3A_879 : memref<1x8x32xf32, #tpu.memory_space<hbm>> -> memref<8x32xf32, #tpu.memory_space<hbm>>
      %dma_start3A_881 = arith.constant 0 : i32
      %dma_start3A_882 = arith.constant 0 : i32
      %dma_start3A_883 = tpu.memref_slice %arg8[%dma_start3A_872, %dma_start3A_881, %dma_start3A_882] : memref<32x8x32xf32, #tpu.memory_space<vmem>> -> memref<1x8x32xf32, #tpu.memory_space<vmem>>
      %dma_start3A_884 = tpu.memref_squeeze %dma_start3A_883 : memref<1x8x32xf32, #tpu.memory_space<vmem>> -> memref<8x32xf32, #tpu.memory_space<vmem>>
      %dma_start3A_885 = arith.constant 0 : i32
      %dma_start3A_886 = arith.constant 0 : i32
      %dma_start3A_887 = tpu.memref_slice %arg4[%squeeze3A_871, %dma_start3A_885, %dma_start3A_886] : memref<125000x8x32xf32, #tpu.memory_space<hbm>> -> memref<1x8x32xf32, #tpu.memory_space<hbm>>
      %dma_start3A_888 = tpu.memref_squeeze %dma_start3A_887 : memref<1x8x32xf32, #tpu.memory_space<hbm>> -> memref<8x32xf32, #tpu.memory_space<hbm>>
      tpu.enqueue_dma source(%dma_start3A_888 : memref<8x32xf32, #tpu.memory_space<hbm>>) target(%dma_start3A_884 : memref<8x32xf32, #tpu.memory_space<vmem>>) target_semaphore(%arg12 : memref<!tpu.dma_semaphore, #tpu.memory_space<semaphore_mem>>)
      %slice3A_889 = vector.extract_strided_slice %shift_right_arithmetic3A_755 {offsets = [3], sizes = [1], strides = [1]} : vector<16xi32> to vector<1xi32>
      %squeeze3A_890 = vector.extract %slice3A_889[0] : i32 from vector<1xi32>
      %dma_start3A_891 = arith.constant 19 : i32
      %dma_start3A_892 = arith.constant 0 : i32
      %dma_start3A_893 = arith.constant 0 : i32
      %dma_start3A_894 = tpu.memref_slice %arg9[%dma_start3A_891, %dma_start3A_892, %dma_start3A_893] : memref<32x8x32xf32, #tpu.memory_space<vmem>> -> memref<1x8x32xf32, #tpu.memory_space<vmem>>
      %dma_start3A_895 = tpu.memref_squeeze %dma_start3A_894 : memref<1x8x32xf32, #tpu.memory_space<vmem>> -> memref<8x32xf32, #tpu.memory_space<vmem>>
      %dma_start3A_896 = arith.constant 0 : i32
      %dma_start3A_897 = arith.constant 0 : i32
      %dma_start3A_898 = tpu.memref_slice %arg5[%squeeze3A_890, %dma_start3A_896, %dma_start3A_897] : memref<125000x8x32xf32, #tpu.memory_space<hbm>> -> memref<1x8x32xf32, #tpu.memory_space<hbm>>
      %dma_start3A_899 = tpu.memref_squeeze %dma_start3A_898 : memref<1x8x32xf32, #tpu.memory_space<hbm>> -> memref<8x32xf32, #tpu.memory_space<hbm>>
      %dma_start3A_900 = arith.constant 0 : i32
      %dma_start3A_901 = arith.constant 0 : i32
      %dma_start3A_902 = tpu.memref_slice %arg9[%dma_start3A_891, %dma_start3A_900, %dma_start3A_901] : memref<32x8x32xf32, #tpu.memory_space<vmem>> -> memref<1x8x32xf32, #tpu.memory_space<vmem>>
      %dma_start3A_903 = tpu.memref_squeeze %dma_start3A_902 : memref<1x8x32xf32, #tpu.memory_space<vmem>> -> memref<8x32xf32, #tpu.memory_space<vmem>>
      %dma_start3A_904 = arith.constant 0 : i32
      %dma_start3A_905 = arith.constant 0 : i32
      %dma_start3A_906 = tpu.memref_slice %arg5[%squeeze3A_890, %dma_start3A_904, %dma_start3A_905] : memref<125000x8x32xf32, #tpu.memory_space<hbm>> -> memref<1x8x32xf32, #tpu.memory_space<hbm>>
      %dma_start3A_907 = tpu.memref_squeeze %dma_start3A_906 : memref<1x8x32xf32, #tpu.memory_space<hbm>> -> memref<8x32xf32, #tpu.memory_space<hbm>>
      tpu.enqueue_dma source(%dma_start3A_907 : memref<8x32xf32, #tpu.memory_space<hbm>>) target(%dma_start3A_903 : memref<8x32xf32, #tpu.memory_space<vmem>>) target_semaphore(%arg13 : memref<!tpu.dma_semaphore, #tpu.memory_space<semaphore_mem>>)
      %slice3A_908 = vector.extract_strided_slice %shift_right_arithmetic3A_752 {offsets = [4], sizes = [1], strides = [1]} : vector<16xi32> to vector<1xi32>
      %squeeze3A_909 = vector.extract %slice3A_908[0] : i32 from vector<1xi32>
      %dma_start3A_910 = arith.constant 20 : i32
      %dma_start3A_911 = arith.constant 0 : i32
      %dma_start3A_912 = arith.constant 0 : i32
      %dma_start3A_913 = tpu.memref_slice %arg8[%dma_start3A_910, %dma_start3A_911, %dma_start3A_912] : memref<32x8x32xf32, #tpu.memory_space<vmem>> -> memref<1x8x32xf32, #tpu.memory_space<vmem>>
      %dma_start3A_914 = tpu.memref_squeeze %dma_start3A_913 : memref<1x8x32xf32, #tpu.memory_space<vmem>> -> memref<8x32xf32, #tpu.memory_space<vmem>>
      %dma_start3A_915 = arith.constant 0 : i32
      %dma_start3A_916 = arith.constant 0 : i32
      %dma_start3A_917 = tpu.memref_slice %arg4[%squeeze3A_909, %dma_start3A_915, %dma_start3A_916] : memref<125000x8x32xf32, #tpu.memory_space<hbm>> -> memref<1x8x32xf32, #tpu.memory_space<hbm>>
      %dma_start3A_918 = tpu.memref_squeeze %dma_start3A_917 : memref<1x8x32xf32, #tpu.memory_space<hbm>> -> memref<8x32xf32, #tpu.memory_space<hbm>>
      %dma_start3A_919 = arith.constant 0 : i32
      %dma_start3A_920 = arith.constant 0 : i32
      %dma_start3A_921 = tpu.memref_slice %arg8[%dma_start3A_910, %dma_start3A_919, %dma_start3A_920] : memref<32x8x32xf32, #tpu.memory_space<vmem>> -> memref<1x8x32xf32, #tpu.memory_space<vmem>>
      %dma_start3A_922 = tpu.memref_squeeze %dma_start3A_921 : memref<1x8x32xf32, #tpu.memory_space<vmem>> -> memref<8x32xf32, #tpu.memory_space<vmem>>
      %dma_start3A_923 = arith.constant 0 : i32
      %dma_start3A_924 = arith.constant 0 : i32
      %dma_start3A_925 = tpu.memref_slice %arg4[%squeeze3A_909, %dma_start3A_923, %dma_start3A_924] : memref<125000x8x32xf32, #tpu.memory_space<hbm>> -> memref<1x8x32xf32, #tpu.memory_space<hbm>>
      %dma_start3A_926 = tpu.memref_squeeze %dma_start3A_925 : memref<1x8x32xf32, #tpu.memory_space<hbm>> -> memref<8x32xf32, #tpu.memory_space<hbm>>
      tpu.enqueue_dma source(%dma_start3A_926 : memref<8x32xf32, #tpu.memory_space<hbm>>) target(%dma_start3A_922 : memref<8x32xf32, #tpu.memory_space<vmem>>) target_semaphore(%arg12 : memref<!tpu.dma_semaphore, #tpu.memory_space<semaphore_mem>>)
      %slice3A_927 = vector.extract_strided_slice %shift_right_arithmetic3A_755 {offsets = [4], sizes = [1], strides = [1]} : vector<16xi32> to vector<1xi32>
      %squeeze3A_928 = vector.extract %slice3A_927[0] : i32 from vector<1xi32>
      %dma_start3A_929 = arith.constant 20 : i32
      %dma_start3A_930 = arith.constant 0 : i32
      %dma_start3A_931 = arith.constant 0 : i32
      %dma_start3A_932 = tpu.memref_slice %arg9[%dma_start3A_929, %dma_start3A_930, %dma_start3A_931] : memref<32x8x32xf32, #tpu.memory_space<vmem>> -> memref<1x8x32xf32, #tpu.memory_space<vmem>>
      %dma_start3A_933 = tpu.memref_squeeze %dma_start3A_932 : memref<1x8x32xf32, #tpu.memory_space<vmem>> -> memref<8x32xf32, #tpu.memory_space<vmem>>
      %dma_start3A_934 = arith.constant 0 : i32
      %dma_start3A_935 = arith.constant 0 : i32
      %dma_start3A_936 = tpu.memref_slice %arg5[%squeeze3A_928, %dma_start3A_934, %dma_start3A_935] : memref<125000x8x32xf32, #tpu.memory_space<hbm>> -> memref<1x8x32xf32, #tpu.memory_space<hbm>>
      %dma_start3A_937 = tpu.memref_squeeze %dma_start3A_936 : memref<1x8x32xf32, #tpu.memory_space<hbm>> -> memref<8x32xf32, #tpu.memory_space<hbm>>
      %dma_start3A_938 = arith.constant 0 : i32
      %dma_start3A_939 = arith.constant 0 : i32
      %dma_start3A_940 = tpu.memref_slice %arg9[%dma_start3A_929, %dma_start3A_938, %dma_start3A_939] : memref<32x8x32xf32, #tpu.memory_space<vmem>> -> memref<1x8x32xf32, #tpu.memory_space<vmem>>
      %dma_start3A_941 = tpu.memref_squeeze %dma_start3A_940 : memref<1x8x32xf32, #tpu.memory_space<vmem>> -> memref<8x32xf32, #tpu.memory_space<vmem>>
      %dma_start3A_942 = arith.constant 0 : i32
      %dma_start3A_943 = arith.constant 0 : i32
      %dma_start3A_944 = tpu.memref_slice %arg5[%squeeze3A_928, %dma_start3A_942, %dma_start3A_943] : memref<125000x8x32xf32, #tpu.memory_space<hbm>> -> memref<1x8x32xf32, #tpu.memory_space<hbm>>
      %dma_start3A_945 = tpu.memref_squeeze %dma_start3A_944 : memref<1x8x32xf32, #tpu.memory_space<hbm>> -> memref<8x32xf32, #tpu.memory_space<hbm>>
      tpu.enqueue_dma source(%dma_start3A_945 : memref<8x32xf32, #tpu.memory_space<hbm>>) target(%dma_start3A_941 : memref<8x32xf32, #tpu.memory_space<vmem>>) target_semaphore(%arg13 : memref<!tpu.dma_semaphore, #tpu.memory_space<semaphore_mem>>)
      %slice3A_946 = vector.extract_strided_slice %shift_right_arithmetic3A_752 {offsets = [5], sizes = [1], strides = [1]} : vector<16xi32> to vector<1xi32>
      %squeeze3A_947 = vector.extract %slice3A_946[0] : i32 from vector<1xi32>
      %dma_start3A_948 = arith.constant 21 : i32
      %dma_start3A_949 = arith.constant 0 : i32
      %dma_start3A_950 = arith.constant 0 : i32
      %dma_start3A_951 = tpu.memref_slice %arg8[%dma_start3A_948, %dma_start3A_949, %dma_start3A_950] : memref<32x8x32xf32, #tpu.memory_space<vmem>> -> memref<1x8x32xf32, #tpu.memory_space<vmem>>
      %dma_start3A_952 = tpu.memref_squeeze %dma_start3A_951 : memref<1x8x32xf32, #tpu.memory_space<vmem>> -> memref<8x32xf32, #tpu.memory_space<vmem>>
      %dma_start3A_953 = arith.constant 0 : i32
      %dma_start3A_954 = arith.constant 0 : i32
      %dma_start3A_955 = tpu.memref_slice %arg4[%squeeze3A_947, %dma_start3A_953, %dma_start3A_954] : memref<125000x8x32xf32, #tpu.memory_space<hbm>> -> memref<1x8x32xf32, #tpu.memory_space<hbm>>
      %dma_start3A_956 = tpu.memref_squeeze %dma_start3A_955 : memref<1x8x32xf32, #tpu.memory_space<hbm>> -> memref<8x32xf32, #tpu.memory_space<hbm>>
      %dma_start3A_957 = arith.constant 0 : i32
      %dma_start3A_958 = arith.constant 0 : i32
      %dma_start3A_959 = tpu.memref_slice %arg8[%dma_start3A_948, %dma_start3A_957, %dma_start3A_958] : memref<32x8x32xf32, #tpu.memory_space<vmem>> -> memref<1x8x32xf32, #tpu.memory_space<vmem>>
      %dma_start3A_960 = tpu.memref_squeeze %dma_start3A_959 : memref<1x8x32xf32, #tpu.memory_space<vmem>> -> memref<8x32xf32, #tpu.memory_space<vmem>>
      %dma_start3A_961 = arith.constant 0 : i32
      %dma_start3A_962 = arith.constant 0 : i32
      %dma_start3A_963 = tpu.memref_slice %arg4[%squeeze3A_947, %dma_start3A_961, %dma_start3A_962] : memref<125000x8x32xf32, #tpu.memory_space<hbm>> -> memref<1x8x32xf32, #tpu.memory_space<hbm>>
      %dma_start3A_964 = tpu.memref_squeeze %dma_start3A_963 : memref<1x8x32xf32, #tpu.memory_space<hbm>> -> memref<8x32xf32, #tpu.memory_space<hbm>>
      tpu.enqueue_dma source(%dma_start3A_964 : memref<8x32xf32, #tpu.memory_space<hbm>>) target(%dma_start3A_960 : memref<8x32xf32, #tpu.memory_space<vmem>>) target_semaphore(%arg12 : memref<!tpu.dma_semaphore, #tpu.memory_space<semaphore_mem>>)
      %slice3A_965 = vector.extract_strided_slice %shift_right_arithmetic3A_755 {offsets = [5], sizes = [1], strides = [1]} : vector<16xi32> to vector<1xi32>
      %squeeze3A_966 = vector.extract %slice3A_965[0] : i32 from vector<1xi32>
      %dma_start3A_967 = arith.constant 21 : i32
      %dma_start3A_968 = arith.constant 0 : i32
      %dma_start3A_969 = arith.constant 0 : i32
      %dma_start3A_970 = tpu.memref_slice %arg9[%dma_start3A_967, %dma_start3A_968, %dma_start3A_969] : memref<32x8x32xf32, #tpu.memory_space<vmem>> -> memref<1x8x32xf32, #tpu.memory_space<vmem>>
      %dma_start3A_971 = tpu.memref_squeeze %dma_start3A_970 : memref<1x8x32xf32, #tpu.memory_space<vmem>> -> memref<8x32xf32, #tpu.memory_space<vmem>>
      %dma_start3A_972 = arith.constant 0 : i32
      %dma_start3A_973 = arith.constant 0 : i32
      %dma_start3A_974 = tpu.memref_slice %arg5[%squeeze3A_966, %dma_start3A_972, %dma_start3A_973] : memref<125000x8x32xf32, #tpu.memory_space<hbm>> -> memref<1x8x32xf32, #tpu.memory_space<hbm>>
      %dma_start3A_975 = tpu.memref_squeeze %dma_start3A_974 : memref<1x8x32xf32, #tpu.memory_space<hbm>> -> memref<8x32xf32, #tpu.memory_space<hbm>>
      %dma_start3A_976 = arith.constant 0 : i32
      %dma_start3A_977 = arith.constant 0 : i32
      %dma_start3A_978 = tpu.memref_slice %arg9[%dma_start3A_967, %dma_start3A_976, %dma_start3A_977] : memref<32x8x32xf32, #tpu.memory_space<vmem>> -> memref<1x8x32xf32, #tpu.memory_space<vmem>>
      %dma_start3A_979 = tpu.memref_squeeze %dma_start3A_978 : memref<1x8x32xf32, #tpu.memory_space<vmem>> -> memref<8x32xf32, #tpu.memory_space<vmem>>
      %dma_start3A_980 = arith.constant 0 : i32
      %dma_start3A_981 = arith.constant 0 : i32
      %dma_start3A_982 = tpu.memref_slice %arg5[%squeeze3A_966, %dma_start3A_980, %dma_start3A_981] : memref<125000x8x32xf32, #tpu.memory_space<hbm>> -> memref<1x8x32xf32, #tpu.memory_space<hbm>>
      %dma_start3A_983 = tpu.memref_squeeze %dma_start3A_982 : memref<1x8x32xf32, #tpu.memory_space<hbm>> -> memref<8x32xf32, #tpu.memory_space<hbm>>
      tpu.enqueue_dma source(%dma_start3A_983 : memref<8x32xf32, #tpu.memory_space<hbm>>) target(%dma_start3A_979 : memref<8x32xf32, #tpu.memory_space<vmem>>) target_semaphore(%arg13 : memref<!tpu.dma_semaphore, #tpu.memory_space<semaphore_mem>>)
      %slice3A_984 = vector.extract_strided_slice %shift_right_arithmetic3A_752 {offsets = [6], sizes = [1], strides = [1]} : vector<16xi32> to vector<1xi32>
      %squeeze3A_985 = vector.extract %slice3A_984[0] : i32 from vector<1xi32>
      %dma_start3A_986 = arith.constant 22 : i32
      %dma_start3A_987 = arith.constant 0 : i32
      %dma_start3A_988 = arith.constant 0 : i32
      %dma_start3A_989 = tpu.memref_slice %arg8[%dma_start3A_986, %dma_start3A_987, %dma_start3A_988] : memref<32x8x32xf32, #tpu.memory_space<vmem>> -> memref<1x8x32xf32, #tpu.memory_space<vmem>>
      %dma_start3A_990 = tpu.memref_squeeze %dma_start3A_989 : memref<1x8x32xf32, #tpu.memory_space<vmem>> -> memref<8x32xf32, #tpu.memory_space<vmem>>
      %dma_start3A_991 = arith.constant 0 : i32
      %dma_start3A_992 = arith.constant 0 : i32
      %dma_start3A_993 = tpu.memref_slice %arg4[%squeeze3A_985, %dma_start3A_991, %dma_start3A_992] : memref<125000x8x32xf32, #tpu.memory_space<hbm>> -> memref<1x8x32xf32, #tpu.memory_space<hbm>>
      %dma_start3A_994 = tpu.memref_squeeze %dma_start3A_993 : memref<1x8x32xf32, #tpu.memory_space<hbm>> -> memref<8x32xf32, #tpu.memory_space<hbm>>
      %dma_start3A_995 = arith.constant 0 : i32
      %dma_start3A_996 = arith.constant 0 : i32
      %dma_start3A_997 = tpu.memref_slice %arg8[%dma_start3A_986, %dma_start3A_995, %dma_start3A_996] : memref<32x8x32xf32, #tpu.memory_space<vmem>> -> memref<1x8x32xf32, #tpu.memory_space<vmem>>
      %dma_start3A_998 = tpu.memref_squeeze %dma_start3A_997 : memref<1x8x32xf32, #tpu.memory_space<vmem>> -> memref<8x32xf32, #tpu.memory_space<vmem>>
      %dma_start3A_999 = arith.constant 0 : i32
      %dma_start3A_1000 = arith.constant 0 : i32
      %dma_start3A_1001 = tpu.memref_slice %arg4[%squeeze3A_985, %dma_start3A_999, %dma_start3A_1000] : memref<125000x8x32xf32, #tpu.memory_space<hbm>> -> memref<1x8x32xf32, #tpu.memory_space<hbm>>
      %dma_start3A_1002 = tpu.memref_squeeze %dma_start3A_1001 : memref<1x8x32xf32, #tpu.memory_space<hbm>> -> memref<8x32xf32, #tpu.memory_space<hbm>>
      tpu.enqueue_dma source(%dma_start3A_1002 : memref<8x32xf32, #tpu.memory_space<hbm>>) target(%dma_start3A_998 : memref<8x32xf32, #tpu.memory_space<vmem>>) target_semaphore(%arg12 : memref<!tpu.dma_semaphore, #tpu.memory_space<semaphore_mem>>)
      %slice3A_1003 = vector.extract_strided_slice %shift_right_arithmetic3A_755 {offsets = [6], sizes = [1], strides = [1]} : vector<16xi32> to vector<1xi32>
      %squeeze3A_1004 = vector.extract %slice3A_1003[0] : i32 from vector<1xi32>
      %dma_start3A_1005 = arith.constant 22 : i32
      %dma_start3A_1006 = arith.constant 0 : i32
      %dma_start3A_1007 = arith.constant 0 : i32
      %dma_start3A_1008 = tpu.memref_slice %arg9[%dma_start3A_1005, %dma_start3A_1006, %dma_start3A_1007] : memref<32x8x32xf32, #tpu.memory_space<vmem>> -> memref<1x8x32xf32, #tpu.memory_space<vmem>>
      %dma_start3A_1009 = tpu.memref_squeeze %dma_start3A_1008 : memref<1x8x32xf32, #tpu.memory_space<vmem>> -> memref<8x32xf32, #tpu.memory_space<vmem>>
      %dma_start3A_1010 = arith.constant 0 : i32
      %dma_start3A_1011 = arith.constant 0 : i32
      %dma_start3A_1012 = tpu.memref_slice %arg5[%squeeze3A_1004, %dma_start3A_1010, %dma_start3A_1011] : memref<125000x8x32xf32, #tpu.memory_space<hbm>> -> memref<1x8x32xf32, #tpu.memory_space<hbm>>
      %dma_start3A_1013 = tpu.memref_squeeze %dma_start3A_1012 : memref<1x8x32xf32, #tpu.memory_space<hbm>> -> memref<8x32xf32, #tpu.memory_space<hbm>>
      %dma_start3A_1014 = arith.constant 0 : i32
      %dma_start3A_1015 = arith.constant 0 : i32
      %dma_start3A_1016 = tpu.memref_slice %arg9[%dma_start3A_1005, %dma_start3A_1014, %dma_start3A_1015] : memref<32x8x32xf32, #tpu.memory_space<vmem>> -> memref<1x8x32xf32, #tpu.memory_space<vmem>>
      %dma_start3A_1017 = tpu.memref_squeeze %dma_start3A_1016 : memref<1x8x32xf32, #tpu.memory_space<vmem>> -> memref<8x32xf32, #tpu.memory_space<vmem>>
      %dma_start3A_1018 = arith.constant 0 : i32
      %dma_start3A_1019 = arith.constant 0 : i32
      %dma_start3A_1020 = tpu.memref_slice %arg5[%squeeze3A_1004, %dma_start3A_1018, %dma_start3A_1019] : memref<125000x8x32xf32, #tpu.memory_space<hbm>> -> memref<1x8x32xf32, #tpu.memory_space<hbm>>
      %dma_start3A_1021 = tpu.memref_squeeze %dma_start3A_1020 : memref<1x8x32xf32, #tpu.memory_space<hbm>> -> memref<8x32xf32, #tpu.memory_space<hbm>>
      tpu.enqueue_dma source(%dma_start3A_1021 : memref<8x32xf32, #tpu.memory_space<hbm>>) target(%dma_start3A_1017 : memref<8x32xf32, #tpu.memory_space<vmem>>) target_semaphore(%arg13 : memref<!tpu.dma_semaphore, #tpu.memory_space<semaphore_mem>>)
      %slice3A_1022 = vector.extract_strided_slice %shift_right_arithmetic3A_752 {offsets = [7], sizes = [1], strides = [1]} : vector<16xi32> to vector<1xi32>
      %squeeze3A_1023 = vector.extract %slice3A_1022[0] : i32 from vector<1xi32>
      %dma_start3A_1024 = arith.constant 23 : i32
      %dma_start3A_1025 = arith.constant 0 : i32
      %dma_start3A_1026 = arith.constant 0 : i32
      %dma_start3A_1027 = tpu.memref_slice %arg8[%dma_start3A_1024, %dma_start3A_1025, %dma_start3A_1026] : memref<32x8x32xf32, #tpu.memory_space<vmem>> -> memref<1x8x32xf32, #tpu.memory_space<vmem>>
      %dma_start3A_1028 = tpu.memref_squeeze %dma_start3A_1027 : memref<1x8x32xf32, #tpu.memory_space<vmem>> -> memref<8x32xf32, #tpu.memory_space<vmem>>
      %dma_start3A_1029 = arith.constant 0 : i32
      %dma_start3A_1030 = arith.constant 0 : i32
      %dma_start3A_1031 = tpu.memref_slice %arg4[%squeeze3A_1023, %dma_start3A_1029, %dma_start3A_1030] : memref<125000x8x32xf32, #tpu.memory_space<hbm>> -> memref<1x8x32xf32, #tpu.memory_space<hbm>>
      %dma_start3A_1032 = tpu.memref_squeeze %dma_start3A_1031 : memref<1x8x32xf32, #tpu.memory_space<hbm>> -> memref<8x32xf32, #tpu.memory_space<hbm>>
      %dma_start3A_1033 = arith.constant 0 : i32
      %dma_start3A_1034 = arith.constant 0 : i32
      %dma_start3A_1035 = tpu.memref_slice %arg8[%dma_start3A_1024, %dma_start3A_1033, %dma_start3A_1034] : memref<32x8x32xf32, #tpu.memory_space<vmem>> -> memref<1x8x32xf32, #tpu.memory_space<vmem>>
      %dma_start3A_1036 = tpu.memref_squeeze %dma_start3A_1035 : memref<1x8x32xf32, #tpu.memory_space<vmem>> -> memref<8x32xf32, #tpu.memory_space<vmem>>
      %dma_start3A_1037 = arith.constant 0 : i32
      %dma_start3A_1038 = arith.constant 0 : i32
      %dma_start3A_1039 = tpu.memref_slice %arg4[%squeeze3A_1023, %dma_start3A_1037, %dma_start3A_1038] : memref<125000x8x32xf32, #tpu.memory_space<hbm>> -> memref<1x8x32xf32, #tpu.memory_space<hbm>>
      %dma_start3A_1040 = tpu.memref_squeeze %dma_start3A_1039 : memref<1x8x32xf32, #tpu.memory_space<hbm>> -> memref<8x32xf32, #tpu.memory_space<hbm>>
      tpu.enqueue_dma source(%dma_start3A_1040 : memref<8x32xf32, #tpu.memory_space<hbm>>) target(%dma_start3A_1036 : memref<8x32xf32, #tpu.memory_space<vmem>>) target_semaphore(%arg12 : memref<!tpu.dma_semaphore, #tpu.memory_space<semaphore_mem>>)
      %slice3A_1041 = vector.extract_strided_slice %shift_right_arithmetic3A_755 {offsets = [7], sizes = [1], strides = [1]} : vector<16xi32> to vector<1xi32>
      %squeeze3A_1042 = vector.extract %slice3A_1041[0] : i32 from vector<1xi32>
      %dma_start3A_1043 = arith.constant 23 : i32
      %dma_start3A_1044 = arith.constant 0 : i32
      %dma_start3A_1045 = arith.constant 0 : i32
      %dma_start3A_1046 = tpu.memref_slice %arg9[%dma_start3A_1043, %dma_start3A_1044, %dma_start3A_1045] : memref<32x8x32xf32, #tpu.memory_space<vmem>> -> memref<1x8x32xf32, #tpu.memory_space<vmem>>
      %dma_start3A_1047 = tpu.memref_squeeze %dma_start3A_1046 : memref<1x8x32xf32, #tpu.memory_space<vmem>> -> memref<8x32xf32, #tpu.memory_space<vmem>>
      %dma_start3A_1048 = arith.constant 0 : i32
      %dma_start3A_1049 = arith.constant 0 : i32
      %dma_start3A_1050 = tpu.memref_slice %arg5[%squeeze3A_1042, %dma_start3A_1048, %dma_start3A_1049] : memref<125000x8x32xf32, #tpu.memory_space<hbm>> -> memref<1x8x32xf32, #tpu.memory_space<hbm>>
      %dma_start3A_1051 = tpu.memref_squeeze %dma_start3A_1050 : memref<1x8x32xf32, #tpu.memory_space<hbm>> -> memref<8x32xf32, #tpu.memory_space<hbm>>
      %dma_start3A_1052 = arith.constant 0 : i32
      %dma_start3A_1053 = arith.constant 0 : i32
      %dma_start3A_1054 = tpu.memref_slice %arg9[%dma_start3A_1043, %dma_start3A_1052, %dma_start3A_1053] : memref<32x8x32xf32, #tpu.memory_space<vmem>> -> memref<1x8x32xf32, #tpu.memory_space<vmem>>
      %dma_start3A_1055 = tpu.memref_squeeze %dma_start3A_1054 : memref<1x8x32xf32, #tpu.memory_space<vmem>> -> memref<8x32xf32, #tpu.memory_space<vmem>>
      %dma_start3A_1056 = arith.constant 0 : i32
      %dma_start3A_1057 = arith.constant 0 : i32
      %dma_start3A_1058 = tpu.memref_slice %arg5[%squeeze3A_1042, %dma_start3A_1056, %dma_start3A_1057] : memref<125000x8x32xf32, #tpu.memory_space<hbm>> -> memref<1x8x32xf32, #tpu.memory_space<hbm>>
      %dma_start3A_1059 = tpu.memref_squeeze %dma_start3A_1058 : memref<1x8x32xf32, #tpu.memory_space<hbm>> -> memref<8x32xf32, #tpu.memory_space<hbm>>
      tpu.enqueue_dma source(%dma_start3A_1059 : memref<8x32xf32, #tpu.memory_space<hbm>>) target(%dma_start3A_1055 : memref<8x32xf32, #tpu.memory_space<vmem>>) target_semaphore(%arg13 : memref<!tpu.dma_semaphore, #tpu.memory_space<semaphore_mem>>)
      %slice3A_1060 = vector.extract_strided_slice %shift_right_arithmetic3A_752 {offsets = [8], sizes = [1], strides = [1]} : vector<16xi32> to vector<1xi32>
      %squeeze3A_1061 = vector.extract %slice3A_1060[0] : i32 from vector<1xi32>
      %dma_start3A_1062 = arith.constant 24 : i32
      %dma_start3A_1063 = arith.constant 0 : i32
      %dma_start3A_1064 = arith.constant 0 : i32
      %dma_start3A_1065 = tpu.memref_slice %arg8[%dma_start3A_1062, %dma_start3A_1063, %dma_start3A_1064] : memref<32x8x32xf32, #tpu.memory_space<vmem>> -> memref<1x8x32xf32, #tpu.memory_space<vmem>>
      %dma_start3A_1066 = tpu.memref_squeeze %dma_start3A_1065 : memref<1x8x32xf32, #tpu.memory_space<vmem>> -> memref<8x32xf32, #tpu.memory_space<vmem>>
      %dma_start3A_1067 = arith.constant 0 : i32
      %dma_start3A_1068 = arith.constant 0 : i32
      %dma_start3A_1069 = tpu.memref_slice %arg4[%squeeze3A_1061, %dma_start3A_1067, %dma_start3A_1068] : memref<125000x8x32xf32, #tpu.memory_space<hbm>> -> memref<1x8x32xf32, #tpu.memory_space<hbm>>
      %dma_start3A_1070 = tpu.memref_squeeze %dma_start3A_1069 : memref<1x8x32xf32, #tpu.memory_space<hbm>> -> memref<8x32xf32, #tpu.memory_space<hbm>>
      %dma_start3A_1071 = arith.constant 0 : i32
      %dma_start3A_1072 = arith.constant 0 : i32
      %dma_start3A_1073 = tpu.memref_slice %arg8[%dma_start3A_1062, %dma_start3A_1071, %dma_start3A_1072] : memref<32x8x32xf32, #tpu.memory_space<vmem>> -> memref<1x8x32xf32, #tpu.memory_space<vmem>>
      %dma_start3A_1074 = tpu.memref_squeeze %dma_start3A_1073 : memref<1x8x32xf32, #tpu.memory_space<vmem>> -> memref<8x32xf32, #tpu.memory_space<vmem>>
      %dma_start3A_1075 = arith.constant 0 : i32
      %dma_start3A_1076 = arith.constant 0 : i32
      %dma_start3A_1077 = tpu.memref_slice %arg4[%squeeze3A_1061, %dma_start3A_1075, %dma_start3A_1076] : memref<125000x8x32xf32, #tpu.memory_space<hbm>> -> memref<1x8x32xf32, #tpu.memory_space<hbm>>
      %dma_start3A_1078 = tpu.memref_squeeze %dma_start3A_1077 : memref<1x8x32xf32, #tpu.memory_space<hbm>> -> memref<8x32xf32, #tpu.memory_space<hbm>>
      tpu.enqueue_dma source(%dma_start3A_1078 : memref<8x32xf32, #tpu.memory_space<hbm>>) target(%dma_start3A_1074 : memref<8x32xf32, #tpu.memory_space<vmem>>) target_semaphore(%arg12 : memref<!tpu.dma_semaphore, #tpu.memory_space<semaphore_mem>>)
      %slice3A_1079 = vector.extract_strided_slice %shift_right_arithmetic3A_755 {offsets = [8], sizes = [1], strides = [1]} : vector<16xi32> to vector<1xi32>
      %squeeze3A_1080 = vector.extract %slice3A_1079[0] : i32 from vector<1xi32>
      %dma_start3A_1081 = arith.constant 24 : i32
      %dma_start3A_1082 = arith.constant 0 : i32
      %dma_start3A_1083 = arith.constant 0 : i32
      %dma_start3A_1084 = tpu.memref_slice %arg9[%dma_start3A_1081, %dma_start3A_1082, %dma_start3A_1083] : memref<32x8x32xf32, #tpu.memory_space<vmem>> -> memref<1x8x32xf32, #tpu.memory_space<vmem>>
      %dma_start3A_1085 = tpu.memref_squeeze %dma_start3A_1084 : memref<1x8x32xf32, #tpu.memory_space<vmem>> -> memref<8x32xf32, #tpu.memory_space<vmem>>
      %dma_start3A_1086 = arith.constant 0 : i32
      %dma_start3A_1087 = arith.constant 0 : i32
      %dma_start3A_1088 = tpu.memref_slice %arg5[%squeeze3A_1080, %dma_start3A_1086, %dma_start3A_1087] : memref<125000x8x32xf32, #tpu.memory_space<hbm>> -> memref<1x8x32xf32, #tpu.memory_space<hbm>>
      %dma_start3A_1089 = tpu.memref_squeeze %dma_start3A_1088 : memref<1x8x32xf32, #tpu.memory_space<hbm>> -> memref<8x32xf32, #tpu.memory_space<hbm>>
      %dma_start3A_1090 = arith.constant 0 : i32
      %dma_start3A_1091 = arith.constant 0 : i32
      %dma_start3A_1092 = tpu.memref_slice %arg9[%dma_start3A_1081, %dma_start3A_1090, %dma_start3A_1091] : memref<32x8x32xf32, #tpu.memory_space<vmem>> -> memref<1x8x32xf32, #tpu.memory_space<vmem>>
      %dma_start3A_1093 = tpu.memref_squeeze %dma_start3A_1092 : memref<1x8x32xf32, #tpu.memory_space<vmem>> -> memref<8x32xf32, #tpu.memory_space<vmem>>
      %dma_start3A_1094 = arith.constant 0 : i32
      %dma_start3A_1095 = arith.constant 0 : i32
      %dma_start3A_1096 = tpu.memref_slice %arg5[%squeeze3A_1080, %dma_start3A_1094, %dma_start3A_1095] : memref<125000x8x32xf32, #tpu.memory_space<hbm>> -> memref<1x8x32xf32, #tpu.memory_space<hbm>>
      %dma_start3A_1097 = tpu.memref_squeeze %dma_start3A_1096 : memref<1x8x32xf32, #tpu.memory_space<hbm>> -> memref<8x32xf32, #tpu.memory_space<hbm>>
      tpu.enqueue_dma source(%dma_start3A_1097 : memref<8x32xf32, #tpu.memory_space<hbm>>) target(%dma_start3A_1093 : memref<8x32xf32, #tpu.memory_space<vmem>>) target_semaphore(%arg13 : memref<!tpu.dma_semaphore, #tpu.memory_space<semaphore_mem>>)
      %slice3A_1098 = vector.extract_strided_slice %shift_right_arithmetic3A_752 {offsets = [9], sizes = [1], strides = [1]} : vector<16xi32> to vector<1xi32>
      %squeeze3A_1099 = vector.extract %slice3A_1098[0] : i32 from vector<1xi32>
      %dma_start3A_1100 = arith.constant 25 : i32
      %dma_start3A_1101 = arith.constant 0 : i32
      %dma_start3A_1102 = arith.constant 0 : i32
      %dma_start3A_1103 = tpu.memref_slice %arg8[%dma_start3A_1100, %dma_start3A_1101, %dma_start3A_1102] : memref<32x8x32xf32, #tpu.memory_space<vmem>> -> memref<1x8x32xf32, #tpu.memory_space<vmem>>
      %dma_start3A_1104 = tpu.memref_squeeze %dma_start3A_1103 : memref<1x8x32xf32, #tpu.memory_space<vmem>> -> memref<8x32xf32, #tpu.memory_space<vmem>>
      %dma_start3A_1105 = arith.constant 0 : i32
      %dma_start3A_1106 = arith.constant 0 : i32
      %dma_start3A_1107 = tpu.memref_slice %arg4[%squeeze3A_1099, %dma_start3A_1105, %dma_start3A_1106] : memref<125000x8x32xf32, #tpu.memory_space<hbm>> -> memref<1x8x32xf32, #tpu.memory_space<hbm>>
      %dma_start3A_1108 = tpu.memref_squeeze %dma_start3A_1107 : memref<1x8x32xf32, #tpu.memory_space<hbm>> -> memref<8x32xf32, #tpu.memory_space<hbm>>
      %dma_start3A_1109 = arith.constant 0 : i32
      %dma_start3A_1110 = arith.constant 0 : i32
      %dma_start3A_1111 = tpu.memref_slice %arg8[%dma_start3A_1100, %dma_start3A_1109, %dma_start3A_1110] : memref<32x8x32xf32, #tpu.memory_space<vmem>> -> memref<1x8x32xf32, #tpu.memory_space<vmem>>
      %dma_start3A_1112 = tpu.memref_squeeze %dma_start3A_1111 : memref<1x8x32xf32, #tpu.memory_space<vmem>> -> memref<8x32xf32, #tpu.memory_space<vmem>>
      %dma_start3A_1113 = arith.constant 0 : i32
      %dma_start3A_1114 = arith.constant 0 : i32
      %dma_start3A_1115 = tpu.memref_slice %arg4[%squeeze3A_1099, %dma_start3A_1113, %dma_start3A_1114] : memref<125000x8x32xf32, #tpu.memory_space<hbm>> -> memref<1x8x32xf32, #tpu.memory_space<hbm>>
      %dma_start3A_1116 = tpu.memref_squeeze %dma_start3A_1115 : memref<1x8x32xf32, #tpu.memory_space<hbm>> -> memref<8x32xf32, #tpu.memory_space<hbm>>
      tpu.enqueue_dma source(%dma_start3A_1116 : memref<8x32xf32, #tpu.memory_space<hbm>>) target(%dma_start3A_1112 : memref<8x32xf32, #tpu.memory_space<vmem>>) target_semaphore(%arg12 : memref<!tpu.dma_semaphore, #tpu.memory_space<semaphore_mem>>)
      %slice3A_1117 = vector.extract_strided_slice %shift_right_arithmetic3A_755 {offsets = [9], sizes = [1], strides = [1]} : vector<16xi32> to vector<1xi32>
      %squeeze3A_1118 = vector.extract %slice3A_1117[0] : i32 from vector<1xi32>
      %dma_start3A_1119 = arith.constant 25 : i32
      %dma_start3A_1120 = arith.constant 0 : i32
      %dma_start3A_1121 = arith.constant 0 : i32
      %dma_start3A_1122 = tpu.memref_slice %arg9[%dma_start3A_1119, %dma_start3A_1120, %dma_start3A_1121] : memref<32x8x32xf32, #tpu.memory_space<vmem>> -> memref<1x8x32xf32, #tpu.memory_space<vmem>>
      %dma_start3A_1123 = tpu.memref_squeeze %dma_start3A_1122 : memref<1x8x32xf32, #tpu.memory_space<vmem>> -> memref<8x32xf32, #tpu.memory_space<vmem>>
      %dma_start3A_1124 = arith.constant 0 : i32
      %dma_start3A_1125 = arith.constant 0 : i32
      %dma_start3A_1126 = tpu.memref_slice %arg5[%squeeze3A_1118, %dma_start3A_1124, %dma_start3A_1125] : memref<125000x8x32xf32, #tpu.memory_space<hbm>> -> memref<1x8x32xf32, #tpu.memory_space<hbm>>
      %dma_start3A_1127 = tpu.memref_squeeze %dma_start3A_1126 : memref<1x8x32xf32, #tpu.memory_space<hbm>> -> memref<8x32xf32, #tpu.memory_space<hbm>>
      %dma_start3A_1128 = arith.constant 0 : i32
      %dma_start3A_1129 = arith.constant 0 : i32
      %dma_start3A_1130 = tpu.memref_slice %arg9[%dma_start3A_1119, %dma_start3A_1128, %dma_start3A_1129] : memref<32x8x32xf32, #tpu.memory_space<vmem>> -> memref<1x8x32xf32, #tpu.memory_space<vmem>>
      %dma_start3A_1131 = tpu.memref_squeeze %dma_start3A_1130 : memref<1x8x32xf32, #tpu.memory_space<vmem>> -> memref<8x32xf32, #tpu.memory_space<vmem>>
      %dma_start3A_1132 = arith.constant 0 : i32
      %dma_start3A_1133 = arith.constant 0 : i32
      %dma_start3A_1134 = tpu.memref_slice %arg5[%squeeze3A_1118, %dma_start3A_1132, %dma_start3A_1133] : memref<125000x8x32xf32, #tpu.memory_space<hbm>> -> memref<1x8x32xf32, #tpu.memory_space<hbm>>
      %dma_start3A_1135 = tpu.memref_squeeze %dma_start3A_1134 : memref<1x8x32xf32, #tpu.memory_space<hbm>> -> memref<8x32xf32, #tpu.memory_space<hbm>>
      tpu.enqueue_dma source(%dma_start3A_1135 : memref<8x32xf32, #tpu.memory_space<hbm>>) target(%dma_start3A_1131 : memref<8x32xf32, #tpu.memory_space<vmem>>) target_semaphore(%arg13 : memref<!tpu.dma_semaphore, #tpu.memory_space<semaphore_mem>>)
      %slice3A_1136 = vector.extract_strided_slice %shift_right_arithmetic3A_752 {offsets = [10], sizes = [1], strides = [1]} : vector<16xi32> to vector<1xi32>
      %squeeze3A_1137 = vector.extract %slice3A_1136[0] : i32 from vector<1xi32>
      %dma_start3A_1138 = arith.constant 26 : i32
      %dma_start3A_1139 = arith.constant 0 : i32
      %dma_start3A_1140 = arith.constant 0 : i32
      %dma_start3A_1141 = tpu.memref_slice %arg8[%dma_start3A_1138, %dma_start3A_1139, %dma_start3A_1140] : memref<32x8x32xf32, #tpu.memory_space<vmem>> -> memref<1x8x32xf32, #tpu.memory_space<vmem>>
      %dma_start3A_1142 = tpu.memref_squeeze %dma_start3A_1141 : memref<1x8x32xf32, #tpu.memory_space<vmem>> -> memref<8x32xf32, #tpu.memory_space<vmem>>
      %dma_start3A_1143 = arith.constant 0 : i32
      %dma_start3A_1144 = arith.constant 0 : i32
      %dma_start3A_1145 = tpu.memref_slice %arg4[%squeeze3A_1137, %dma_start3A_1143, %dma_start3A_1144] : memref<125000x8x32xf32, #tpu.memory_space<hbm>> -> memref<1x8x32xf32, #tpu.memory_space<hbm>>
      %dma_start3A_1146 = tpu.memref_squeeze %dma_start3A_1145 : memref<1x8x32xf32, #tpu.memory_space<hbm>> -> memref<8x32xf32, #tpu.memory_space<hbm>>
      %dma_start3A_1147 = arith.constant 0 : i32
      %dma_start3A_1148 = arith.constant 0 : i32
      %dma_start3A_1149 = tpu.memref_slice %arg8[%dma_start3A_1138, %dma_start3A_1147, %dma_start3A_1148] : memref<32x8x32xf32, #tpu.memory_space<vmem>> -> memref<1x8x32xf32, #tpu.memory_space<vmem>>
      %dma_start3A_1150 = tpu.memref_squeeze %dma_start3A_1149 : memref<1x8x32xf32, #tpu.memory_space<vmem>> -> memref<8x32xf32, #tpu.memory_space<vmem>>
      %dma_start3A_1151 = arith.constant 0 : i32
      %dma_start3A_1152 = arith.constant 0 : i32
      %dma_start3A_1153 = tpu.memref_slice %arg4[%squeeze3A_1137, %dma_start3A_1151, %dma_start3A_1152] : memref<125000x8x32xf32, #tpu.memory_space<hbm>> -> memref<1x8x32xf32, #tpu.memory_space<hbm>>
      %dma_start3A_1154 = tpu.memref_squeeze %dma_start3A_1153 : memref<1x8x32xf32, #tpu.memory_space<hbm>> -> memref<8x32xf32, #tpu.memory_space<hbm>>
      tpu.enqueue_dma source(%dma_start3A_1154 : memref<8x32xf32, #tpu.memory_space<hbm>>) target(%dma_start3A_1150 : memref<8x32xf32, #tpu.memory_space<vmem>>) target_semaphore(%arg12 : memref<!tpu.dma_semaphore, #tpu.memory_space<semaphore_mem>>)
      %slice3A_1155 = vector.extract_strided_slice %shift_right_arithmetic3A_755 {offsets = [10], sizes = [1], strides = [1]} : vector<16xi32> to vector<1xi32>
      %squeeze3A_1156 = vector.extract %slice3A_1155[0] : i32 from vector<1xi32>
      %dma_start3A_1157 = arith.constant 26 : i32
      %dma_start3A_1158 = arith.constant 0 : i32
      %dma_start3A_1159 = arith.constant 0 : i32
      %dma_start3A_1160 = tpu.memref_slice %arg9[%dma_start3A_1157, %dma_start3A_1158, %dma_start3A_1159] : memref<32x8x32xf32, #tpu.memory_space<vmem>> -> memref<1x8x32xf32, #tpu.memory_space<vmem>>
      %dma_start3A_1161 = tpu.memref_squeeze %dma_start3A_1160 : memref<1x8x32xf32, #tpu.memory_space<vmem>> -> memref<8x32xf32, #tpu.memory_space<vmem>>
      %dma_start3A_1162 = arith.constant 0 : i32
      %dma_start3A_1163 = arith.constant 0 : i32
      %dma_start3A_1164 = tpu.memref_slice %arg5[%squeeze3A_1156, %dma_start3A_1162, %dma_start3A_1163] : memref<125000x8x32xf32, #tpu.memory_space<hbm>> -> memref<1x8x32xf32, #tpu.memory_space<hbm>>
      %dma_start3A_1165 = tpu.memref_squeeze %dma_start3A_1164 : memref<1x8x32xf32, #tpu.memory_space<hbm>> -> memref<8x32xf32, #tpu.memory_space<hbm>>
      %dma_start3A_1166 = arith.constant 0 : i32
      %dma_start3A_1167 = arith.constant 0 : i32
      %dma_start3A_1168 = tpu.memref_slice %arg9[%dma_start3A_1157, %dma_start3A_1166, %dma_start3A_1167] : memref<32x8x32xf32, #tpu.memory_space<vmem>> -> memref<1x8x32xf32, #tpu.memory_space<vmem>>
      %dma_start3A_1169 = tpu.memref_squeeze %dma_start3A_1168 : memref<1x8x32xf32, #tpu.memory_space<vmem>> -> memref<8x32xf32, #tpu.memory_space<vmem>>
      %dma_start3A_1170 = arith.constant 0 : i32
      %dma_start3A_1171 = arith.constant 0 : i32
      %dma_start3A_1172 = tpu.memref_slice %arg5[%squeeze3A_1156, %dma_start3A_1170, %dma_start3A_1171] : memref<125000x8x32xf32, #tpu.memory_space<hbm>> -> memref<1x8x32xf32, #tpu.memory_space<hbm>>
      %dma_start3A_1173 = tpu.memref_squeeze %dma_start3A_1172 : memref<1x8x32xf32, #tpu.memory_space<hbm>> -> memref<8x32xf32, #tpu.memory_space<hbm>>
      tpu.enqueue_dma source(%dma_start3A_1173 : memref<8x32xf32, #tpu.memory_space<hbm>>) target(%dma_start3A_1169 : memref<8x32xf32, #tpu.memory_space<vmem>>) target_semaphore(%arg13 : memref<!tpu.dma_semaphore, #tpu.memory_space<semaphore_mem>>)
      %slice3A_1174 = vector.extract_strided_slice %shift_right_arithmetic3A_752 {offsets = [11], sizes = [1], strides = [1]} : vector<16xi32> to vector<1xi32>
      %squeeze3A_1175 = vector.extract %slice3A_1174[0] : i32 from vector<1xi32>
      %dma_start3A_1176 = arith.constant 27 : i32
      %dma_start3A_1177 = arith.constant 0 : i32
      %dma_start3A_1178 = arith.constant 0 : i32
      %dma_start3A_1179 = tpu.memref_slice %arg8[%dma_start3A_1176, %dma_start3A_1177, %dma_start3A_1178] : memref<32x8x32xf32, #tpu.memory_space<vmem>> -> memref<1x8x32xf32, #tpu.memory_space<vmem>>
      %dma_start3A_1180 = tpu.memref_squeeze %dma_start3A_1179 : memref<1x8x32xf32, #tpu.memory_space<vmem>> -> memref<8x32xf32, #tpu.memory_space<vmem>>
      %dma_start3A_1181 = arith.constant 0 : i32
      %dma_start3A_1182 = arith.constant 0 : i32
      %dma_start3A_1183 = tpu.memref_slice %arg4[%squeeze3A_1175, %dma_start3A_1181, %dma_start3A_1182] : memref<125000x8x32xf32, #tpu.memory_space<hbm>> -> memref<1x8x32xf32, #tpu.memory_space<hbm>>
      %dma_start3A_1184 = tpu.memref_squeeze %dma_start3A_1183 : memref<1x8x32xf32, #tpu.memory_space<hbm>> -> memref<8x32xf32, #tpu.memory_space<hbm>>
      %dma_start3A_1185 = arith.constant 0 : i32
      %dma_start3A_1186 = arith.constant 0 : i32
      %dma_start3A_1187 = tpu.memref_slice %arg8[%dma_start3A_1176, %dma_start3A_1185, %dma_start3A_1186] : memref<32x8x32xf32, #tpu.memory_space<vmem>> -> memref<1x8x32xf32, #tpu.memory_space<vmem>>
      %dma_start3A_1188 = tpu.memref_squeeze %dma_start3A_1187 : memref<1x8x32xf32, #tpu.memory_space<vmem>> -> memref<8x32xf32, #tpu.memory_space<vmem>>
      %dma_start3A_1189 = arith.constant 0 : i32
      %dma_start3A_1190 = arith.constant 0 : i32
      %dma_start3A_1191 = tpu.memref_slice %arg4[%squeeze3A_1175, %dma_start3A_1189, %dma_start3A_1190] : memref<125000x8x32xf32, #tpu.memory_space<hbm>> -> memref<1x8x32xf32, #tpu.memory_space<hbm>>
      %dma_start3A_1192 = tpu.memref_squeeze %dma_start3A_1191 : memref<1x8x32xf32, #tpu.memory_space<hbm>> -> memref<8x32xf32, #tpu.memory_space<hbm>>
      tpu.enqueue_dma source(%dma_start3A_1192 : memref<8x32xf32, #tpu.memory_space<hbm>>) target(%dma_start3A_1188 : memref<8x32xf32, #tpu.memory_space<vmem>>) target_semaphore(%arg12 : memref<!tpu.dma_semaphore, #tpu.memory_space<semaphore_mem>>)
      %slice3A_1193 = vector.extract_strided_slice %shift_right_arithmetic3A_755 {offsets = [11], sizes = [1], strides = [1]} : vector<16xi32> to vector<1xi32>
      %squeeze3A_1194 = vector.extract %slice3A_1193[0] : i32 from vector<1xi32>
      %dma_start3A_1195 = arith.constant 27 : i32
      %dma_start3A_1196 = arith.constant 0 : i32
      %dma_start3A_1197 = arith.constant 0 : i32
      %dma_start3A_1198 = tpu.memref_slice %arg9[%dma_start3A_1195, %dma_start3A_1196, %dma_start3A_1197] : memref<32x8x32xf32, #tpu.memory_space<vmem>> -> memref<1x8x32xf32, #tpu.memory_space<vmem>>
      %dma_start3A_1199 = tpu.memref_squeeze %dma_start3A_1198 : memref<1x8x32xf32, #tpu.memory_space<vmem>> -> memref<8x32xf32, #tpu.memory_space<vmem>>
      %dma_start3A_1200 = arith.constant 0 : i32
      %dma_start3A_1201 = arith.constant 0 : i32
      %dma_start3A_1202 = tpu.memref_slice %arg5[%squeeze3A_1194, %dma_start3A_1200, %dma_start3A_1201] : memref<125000x8x32xf32, #tpu.memory_space<hbm>> -> memref<1x8x32xf32, #tpu.memory_space<hbm>>
      %dma_start3A_1203 = tpu.memref_squeeze %dma_start3A_1202 : memref<1x8x32xf32, #tpu.memory_space<hbm>> -> memref<8x32xf32, #tpu.memory_space<hbm>>
      %dma_start3A_1204 = arith.constant 0 : i32
      %dma_start3A_1205 = arith.constant 0 : i32
      %dma_start3A_1206 = tpu.memref_slice %arg9[%dma_start3A_1195, %dma_start3A_1204, %dma_start3A_1205] : memref<32x8x32xf32, #tpu.memory_space<vmem>> -> memref<1x8x32xf32, #tpu.memory_space<vmem>>
      %dma_start3A_1207 = tpu.memref_squeeze %dma_start3A_1206 : memref<1x8x32xf32, #tpu.memory_space<vmem>> -> memref<8x32xf32, #tpu.memory_space<vmem>>
      %dma_start3A_1208 = arith.constant 0 : i32
      %dma_start3A_1209 = arith.constant 0 : i32
      %dma_start3A_1210 = tpu.memref_slice %arg5[%squeeze3A_1194, %dma_start3A_1208, %dma_start3A_1209] : memref<125000x8x32xf32, #tpu.memory_space<hbm>> -> memref<1x8x32xf32, #tpu.memory_space<hbm>>
      %dma_start3A_1211 = tpu.memref_squeeze %dma_start3A_1210 : memref<1x8x32xf32, #tpu.memory_space<hbm>> -> memref<8x32xf32, #tpu.memory_space<hbm>>
      tpu.enqueue_dma source(%dma_start3A_1211 : memref<8x32xf32, #tpu.memory_space<hbm>>) target(%dma_start3A_1207 : memref<8x32xf32, #tpu.memory_space<vmem>>) target_semaphore(%arg13 : memref<!tpu.dma_semaphore, #tpu.memory_space<semaphore_mem>>)
      %slice3A_1212 = vector.extract_strided_slice %shift_right_arithmetic3A_752 {offsets = [12], sizes = [1], strides = [1]} : vector<16xi32> to vector<1xi32>
      %squeeze3A_1213 = vector.extract %slice3A_1212[0] : i32 from vector<1xi32>
      %dma_start3A_1214 = arith.constant 28 : i32
      %dma_start3A_1215 = arith.constant 0 : i32
      %dma_start3A_1216 = arith.constant 0 : i32
      %dma_start3A_1217 = tpu.memref_slice %arg8[%dma_start3A_1214, %dma_start3A_1215, %dma_start3A_1216] : memref<32x8x32xf32, #tpu.memory_space<vmem>> -> memref<1x8x32xf32, #tpu.memory_space<vmem>>
      %dma_start3A_1218 = tpu.memref_squeeze %dma_start3A_1217 : memref<1x8x32xf32, #tpu.memory_space<vmem>> -> memref<8x32xf32, #tpu.memory_space<vmem>>
      %dma_start3A_1219 = arith.constant 0 : i32
      %dma_start3A_1220 = arith.constant 0 : i32
      %dma_start3A_1221 = tpu.memref_slice %arg4[%squeeze3A_1213, %dma_start3A_1219, %dma_start3A_1220] : memref<125000x8x32xf32, #tpu.memory_space<hbm>> -> memref<1x8x32xf32, #tpu.memory_space<hbm>>
      %dma_start3A_1222 = tpu.memref_squeeze %dma_start3A_1221 : memref<1x8x32xf32, #tpu.memory_space<hbm>> -> memref<8x32xf32, #tpu.memory_space<hbm>>
      %dma_start3A_1223 = arith.constant 0 : i32
      %dma_start3A_1224 = arith.constant 0 : i32
      %dma_start3A_1225 = tpu.memref_slice %arg8[%dma_start3A_1214, %dma_start3A_1223, %dma_start3A_1224] : memref<32x8x32xf32, #tpu.memory_space<vmem>> -> memref<1x8x32xf32, #tpu.memory_space<vmem>>
      %dma_start3A_1226 = tpu.memref_squeeze %dma_start3A_1225 : memref<1x8x32xf32, #tpu.memory_space<vmem>> -> memref<8x32xf32, #tpu.memory_space<vmem>>
      %dma_start3A_1227 = arith.constant 0 : i32
      %dma_start3A_1228 = arith.constant 0 : i32
      %dma_start3A_1229 = tpu.memref_slice %arg4[%squeeze3A_1213, %dma_start3A_1227, %dma_start3A_1228] : memref<125000x8x32xf32, #tpu.memory_space<hbm>> -> memref<1x8x32xf32, #tpu.memory_space<hbm>>
      %dma_start3A_1230 = tpu.memref_squeeze %dma_start3A_1229 : memref<1x8x32xf32, #tpu.memory_space<hbm>> -> memref<8x32xf32, #tpu.memory_space<hbm>>
      tpu.enqueue_dma source(%dma_start3A_1230 : memref<8x32xf32, #tpu.memory_space<hbm>>) target(%dma_start3A_1226 : memref<8x32xf32, #tpu.memory_space<vmem>>) target_semaphore(%arg12 : memref<!tpu.dma_semaphore, #tpu.memory_space<semaphore_mem>>)
      %slice3A_1231 = vector.extract_strided_slice %shift_right_arithmetic3A_755 {offsets = [12], sizes = [1], strides = [1]} : vector<16xi32> to vector<1xi32>
      %squeeze3A_1232 = vector.extract %slice3A_1231[0] : i32 from vector<1xi32>
      %dma_start3A_1233 = arith.constant 28 : i32
      %dma_start3A_1234 = arith.constant 0 : i32
      %dma_start3A_1235 = arith.constant 0 : i32
      %dma_start3A_1236 = tpu.memref_slice %arg9[%dma_start3A_1233, %dma_start3A_1234, %dma_start3A_1235] : memref<32x8x32xf32, #tpu.memory_space<vmem>> -> memref<1x8x32xf32, #tpu.memory_space<vmem>>
      %dma_start3A_1237 = tpu.memref_squeeze %dma_start3A_1236 : memref<1x8x32xf32, #tpu.memory_space<vmem>> -> memref<8x32xf32, #tpu.memory_space<vmem>>
      %dma_start3A_1238 = arith.constant 0 : i32
      %dma_start3A_1239 = arith.constant 0 : i32
      %dma_start3A_1240 = tpu.memref_slice %arg5[%squeeze3A_1232, %dma_start3A_1238, %dma_start3A_1239] : memref<125000x8x32xf32, #tpu.memory_space<hbm>> -> memref<1x8x32xf32, #tpu.memory_space<hbm>>
      %dma_start3A_1241 = tpu.memref_squeeze %dma_start3A_1240 : memref<1x8x32xf32, #tpu.memory_space<hbm>> -> memref<8x32xf32, #tpu.memory_space<hbm>>
      %dma_start3A_1242 = arith.constant 0 : i32
      %dma_start3A_1243 = arith.constant 0 : i32
      %dma_start3A_1244 = tpu.memref_slice %arg9[%dma_start3A_1233, %dma_start3A_1242, %dma_start3A_1243] : memref<32x8x32xf32, #tpu.memory_space<vmem>> -> memref<1x8x32xf32, #tpu.memory_space<vmem>>
      %dma_start3A_1245 = tpu.memref_squeeze %dma_start3A_1244 : memref<1x8x32xf32, #tpu.memory_space<vmem>> -> memref<8x32xf32, #tpu.memory_space<vmem>>
      %dma_start3A_1246 = arith.constant 0 : i32
      %dma_start3A_1247 = arith.constant 0 : i32
      %dma_start3A_1248 = tpu.memref_slice %arg5[%squeeze3A_1232, %dma_start3A_1246, %dma_start3A_1247] : memref<125000x8x32xf32, #tpu.memory_space<hbm>> -> memref<1x8x32xf32, #tpu.memory_space<hbm>>
      %dma_start3A_1249 = tpu.memref_squeeze %dma_start3A_1248 : memref<1x8x32xf32, #tpu.memory_space<hbm>> -> memref<8x32xf32, #tpu.memory_space<hbm>>
      tpu.enqueue_dma source(%dma_start3A_1249 : memref<8x32xf32, #tpu.memory_space<hbm>>) target(%dma_start3A_1245 : memref<8x32xf32, #tpu.memory_space<vmem>>) target_semaphore(%arg13 : memref<!tpu.dma_semaphore, #tpu.memory_space<semaphore_mem>>)
      %slice3A_1250 = vector.extract_strided_slice %shift_right_arithmetic3A_752 {offsets = [13], sizes = [1], strides = [1]} : vector<16xi32> to vector<1xi32>
      %squeeze3A_1251 = vector.extract %slice3A_1250[0] : i32 from vector<1xi32>
      %dma_start3A_1252 = arith.constant 29 : i32
      %dma_start3A_1253 = arith.constant 0 : i32
      %dma_start3A_1254 = arith.constant 0 : i32
      %dma_start3A_1255 = tpu.memref_slice %arg8[%dma_start3A_1252, %dma_start3A_1253, %dma_start3A_1254] : memref<32x8x32xf32, #tpu.memory_space<vmem>> -> memref<1x8x32xf32, #tpu.memory_space<vmem>>
      %dma_start3A_1256 = tpu.memref_squeeze %dma_start3A_1255 : memref<1x8x32xf32, #tpu.memory_space<vmem>> -> memref<8x32xf32, #tpu.memory_space<vmem>>
      %dma_start3A_1257 = arith.constant 0 : i32
      %dma_start3A_1258 = arith.constant 0 : i32
      %dma_start3A_1259 = tpu.memref_slice %arg4[%squeeze3A_1251, %dma_start3A_1257, %dma_start3A_1258] : memref<125000x8x32xf32, #tpu.memory_space<hbm>> -> memref<1x8x32xf32, #tpu.memory_space<hbm>>
      %dma_start3A_1260 = tpu.memref_squeeze %dma_start3A_1259 : memref<1x8x32xf32, #tpu.memory_space<hbm>> -> memref<8x32xf32, #tpu.memory_space<hbm>>
      %dma_start3A_1261 = arith.constant 0 : i32
      %dma_start3A_1262 = arith.constant 0 : i32
      %dma_start3A_1263 = tpu.memref_slice %arg8[%dma_start3A_1252, %dma_start3A_1261, %dma_start3A_1262] : memref<32x8x32xf32, #tpu.memory_space<vmem>> -> memref<1x8x32xf32, #tpu.memory_space<vmem>>
      %dma_start3A_1264 = tpu.memref_squeeze %dma_start3A_1263 : memref<1x8x32xf32, #tpu.memory_space<vmem>> -> memref<8x32xf32, #tpu.memory_space<vmem>>
      %dma_start3A_1265 = arith.constant 0 : i32
      %dma_start3A_1266 = arith.constant 0 : i32
      %dma_start3A_1267 = tpu.memref_slice %arg4[%squeeze3A_1251, %dma_start3A_1265, %dma_start3A_1266] : memref<125000x8x32xf32, #tpu.memory_space<hbm>> -> memref<1x8x32xf32, #tpu.memory_space<hbm>>
      %dma_start3A_1268 = tpu.memref_squeeze %dma_start3A_1267 : memref<1x8x32xf32, #tpu.memory_space<hbm>> -> memref<8x32xf32, #tpu.memory_space<hbm>>
      tpu.enqueue_dma source(%dma_start3A_1268 : memref<8x32xf32, #tpu.memory_space<hbm>>) target(%dma_start3A_1264 : memref<8x32xf32, #tpu.memory_space<vmem>>) target_semaphore(%arg12 : memref<!tpu.dma_semaphore, #tpu.memory_space<semaphore_mem>>)
      %slice3A_1269 = vector.extract_strided_slice %shift_right_arithmetic3A_755 {offsets = [13], sizes = [1], strides = [1]} : vector<16xi32> to vector<1xi32>
      %squeeze3A_1270 = vector.extract %slice3A_1269[0] : i32 from vector<1xi32>
      %dma_start3A_1271 = arith.constant 29 : i32
      %dma_start3A_1272 = arith.constant 0 : i32
      %dma_start3A_1273 = arith.constant 0 : i32
      %dma_start3A_1274 = tpu.memref_slice %arg9[%dma_start3A_1271, %dma_start3A_1272, %dma_start3A_1273] : memref<32x8x32xf32, #tpu.memory_space<vmem>> -> memref<1x8x32xf32, #tpu.memory_space<vmem>>
      %dma_start3A_1275 = tpu.memref_squeeze %dma_start3A_1274 : memref<1x8x32xf32, #tpu.memory_space<vmem>> -> memref<8x32xf32, #tpu.memory_space<vmem>>
      %dma_start3A_1276 = arith.constant 0 : i32
      %dma_start3A_1277 = arith.constant 0 : i32
      %dma_start3A_1278 = tpu.memref_slice %arg5[%squeeze3A_1270, %dma_start3A_1276, %dma_start3A_1277] : memref<125000x8x32xf32, #tpu.memory_space<hbm>> -> memref<1x8x32xf32, #tpu.memory_space<hbm>>
      %dma_start3A_1279 = tpu.memref_squeeze %dma_start3A_1278 : memref<1x8x32xf32, #tpu.memory_space<hbm>> -> memref<8x32xf32, #tpu.memory_space<hbm>>
      %dma_start3A_1280 = arith.constant 0 : i32
      %dma_start3A_1281 = arith.constant 0 : i32
      %dma_start3A_1282 = tpu.memref_slice %arg9[%dma_start3A_1271, %dma_start3A_1280, %dma_start3A_1281] : memref<32x8x32xf32, #tpu.memory_space<vmem>> -> memref<1x8x32xf32, #tpu.memory_space<vmem>>
      %dma_start3A_1283 = tpu.memref_squeeze %dma_start3A_1282 : memref<1x8x32xf32, #tpu.memory_space<vmem>> -> memref<8x32xf32, #tpu.memory_space<vmem>>
      %dma_start3A_1284 = arith.constant 0 : i32
      %dma_start3A_1285 = arith.constant 0 : i32
      %dma_start3A_1286 = tpu.memref_slice %arg5[%squeeze3A_1270, %dma_start3A_1284, %dma_start3A_1285] : memref<125000x8x32xf32, #tpu.memory_space<hbm>> -> memref<1x8x32xf32, #tpu.memory_space<hbm>>
      %dma_start3A_1287 = tpu.memref_squeeze %dma_start3A_1286 : memref<1x8x32xf32, #tpu.memory_space<hbm>> -> memref<8x32xf32, #tpu.memory_space<hbm>>
      tpu.enqueue_dma source(%dma_start3A_1287 : memref<8x32xf32, #tpu.memory_space<hbm>>) target(%dma_start3A_1283 : memref<8x32xf32, #tpu.memory_space<vmem>>) target_semaphore(%arg13 : memref<!tpu.dma_semaphore, #tpu.memory_space<semaphore_mem>>)
      %slice3A_1288 = vector.extract_strided_slice %shift_right_arithmetic3A_752 {offsets = [14], sizes = [1], strides = [1]} : vector<16xi32> to vector<1xi32>
      %squeeze3A_1289 = vector.extract %slice3A_1288[0] : i32 from vector<1xi32>
      %dma_start3A_1290 = arith.constant 30 : i32
      %dma_start3A_1291 = arith.constant 0 : i32
      %dma_start3A_1292 = arith.constant 0 : i32
      %dma_start3A_1293 = tpu.memref_slice %arg8[%dma_start3A_1290, %dma_start3A_1291, %dma_start3A_1292] : memref<32x8x32xf32, #tpu.memory_space<vmem>> -> memref<1x8x32xf32, #tpu.memory_space<vmem>>
      %dma_start3A_1294 = tpu.memref_squeeze %dma_start3A_1293 : memref<1x8x32xf32, #tpu.memory_space<vmem>> -> memref<8x32xf32, #tpu.memory_space<vmem>>
      %dma_start3A_1295 = arith.constant 0 : i32
      %dma_start3A_1296 = arith.constant 0 : i32
      %dma_start3A_1297 = tpu.memref_slice %arg4[%squeeze3A_1289, %dma_start3A_1295, %dma_start3A_1296] : memref<125000x8x32xf32, #tpu.memory_space<hbm>> -> memref<1x8x32xf32, #tpu.memory_space<hbm>>
      %dma_start3A_1298 = tpu.memref_squeeze %dma_start3A_1297 : memref<1x8x32xf32, #tpu.memory_space<hbm>> -> memref<8x32xf32, #tpu.memory_space<hbm>>
      %dma_start3A_1299 = arith.constant 0 : i32
      %dma_start3A_1300 = arith.constant 0 : i32
      %dma_start3A_1301 = tpu.memref_slice %arg8[%dma_start3A_1290, %dma_start3A_1299, %dma_start3A_1300] : memref<32x8x32xf32, #tpu.memory_space<vmem>> -> memref<1x8x32xf32, #tpu.memory_space<vmem>>
      %dma_start3A_1302 = tpu.memref_squeeze %dma_start3A_1301 : memref<1x8x32xf32, #tpu.memory_space<vmem>> -> memref<8x32xf32, #tpu.memory_space<vmem>>
      %dma_start3A_1303 = arith.constant 0 : i32
      %dma_start3A_1304 = arith.constant 0 : i32
      %dma_start3A_1305 = tpu.memref_slice %arg4[%squeeze3A_1289, %dma_start3A_1303, %dma_start3A_1304] : memref<125000x8x32xf32, #tpu.memory_space<hbm>> -> memref<1x8x32xf32, #tpu.memory_space<hbm>>
      %dma_start3A_1306 = tpu.memref_squeeze %dma_start3A_1305 : memref<1x8x32xf32, #tpu.memory_space<hbm>> -> memref<8x32xf32, #tpu.memory_space<hbm>>
      tpu.enqueue_dma source(%dma_start3A_1306 : memref<8x32xf32, #tpu.memory_space<hbm>>) target(%dma_start3A_1302 : memref<8x32xf32, #tpu.memory_space<vmem>>) target_semaphore(%arg12 : memref<!tpu.dma_semaphore, #tpu.memory_space<semaphore_mem>>)
      %slice3A_1307 = vector.extract_strided_slice %shift_right_arithmetic3A_755 {offsets = [14], sizes = [1], strides = [1]} : vector<16xi32> to vector<1xi32>
      %squeeze3A_1308 = vector.extract %slice3A_1307[0] : i32 from vector<1xi32>
      %dma_start3A_1309 = arith.constant 30 : i32
      %dma_start3A_1310 = arith.constant 0 : i32
      %dma_start3A_1311 = arith.constant 0 : i32
      %dma_start3A_1312 = tpu.memref_slice %arg9[%dma_start3A_1309, %dma_start3A_1310, %dma_start3A_1311] : memref<32x8x32xf32, #tpu.memory_space<vmem>> -> memref<1x8x32xf32, #tpu.memory_space<vmem>>
      %dma_start3A_1313 = tpu.memref_squeeze %dma_start3A_1312 : memref<1x8x32xf32, #tpu.memory_space<vmem>> -> memref<8x32xf32, #tpu.memory_space<vmem>>
      %dma_start3A_1314 = arith.constant 0 : i32
      %dma_start3A_1315 = arith.constant 0 : i32
      %dma_start3A_1316 = tpu.memref_slice %arg5[%squeeze3A_1308, %dma_start3A_1314, %dma_start3A_1315] : memref<125000x8x32xf32, #tpu.memory_space<hbm>> -> memref<1x8x32xf32, #tpu.memory_space<hbm>>
      %dma_start3A_1317 = tpu.memref_squeeze %dma_start3A_1316 : memref<1x8x32xf32, #tpu.memory_space<hbm>> -> memref<8x32xf32, #tpu.memory_space<hbm>>
      %dma_start3A_1318 = arith.constant 0 : i32
      %dma_start3A_1319 = arith.constant 0 : i32
      %dma_start3A_1320 = tpu.memref_slice %arg9[%dma_start3A_1309, %dma_start3A_1318, %dma_start3A_1319] : memref<32x8x32xf32, #tpu.memory_space<vmem>> -> memref<1x8x32xf32, #tpu.memory_space<vmem>>
      %dma_start3A_1321 = tpu.memref_squeeze %dma_start3A_1320 : memref<1x8x32xf32, #tpu.memory_space<vmem>> -> memref<8x32xf32, #tpu.memory_space<vmem>>
      %dma_start3A_1322 = arith.constant 0 : i32
      %dma_start3A_1323 = arith.constant 0 : i32
      %dma_start3A_1324 = tpu.memref_slice %arg5[%squeeze3A_1308, %dma_start3A_1322, %dma_start3A_1323] : memref<125000x8x32xf32, #tpu.memory_space<hbm>> -> memref<1x8x32xf32, #tpu.memory_space<hbm>>
      %dma_start3A_1325 = tpu.memref_squeeze %dma_start3A_1324 : memref<1x8x32xf32, #tpu.memory_space<hbm>> -> memref<8x32xf32, #tpu.memory_space<hbm>>
      tpu.enqueue_dma source(%dma_start3A_1325 : memref<8x32xf32, #tpu.memory_space<hbm>>) target(%dma_start3A_1321 : memref<8x32xf32, #tpu.memory_space<vmem>>) target_semaphore(%arg13 : memref<!tpu.dma_semaphore, #tpu.memory_space<semaphore_mem>>)
      %slice3A_1326 = vector.extract_strided_slice %shift_right_arithmetic3A_752 {offsets = [15], sizes = [1], strides = [1]} : vector<16xi32> to vector<1xi32>
      %squeeze3A_1327 = vector.extract %slice3A_1326[0] : i32 from vector<1xi32>
      %dma_start3A_1328 = arith.constant 31 : i32
      %dma_start3A_1329 = arith.constant 0 : i32
      %dma_start3A_1330 = arith.constant 0 : i32
      %dma_start3A_1331 = tpu.memref_slice %arg8[%dma_start3A_1328, %dma_start3A_1329, %dma_start3A_1330] : memref<32x8x32xf32, #tpu.memory_space<vmem>> -> memref<1x8x32xf32, #tpu.memory_space<vmem>>
      %dma_start3A_1332 = tpu.memref_squeeze %dma_start3A_1331 : memref<1x8x32xf32, #tpu.memory_space<vmem>> -> memref<8x32xf32, #tpu.memory_space<vmem>>
      %dma_start3A_1333 = arith.constant 0 : i32
      %dma_start3A_1334 = arith.constant 0 : i32
      %dma_start3A_1335 = tpu.memref_slice %arg4[%squeeze3A_1327, %dma_start3A_1333, %dma_start3A_1334] : memref<125000x8x32xf32, #tpu.memory_space<hbm>> -> memref<1x8x32xf32, #tpu.memory_space<hbm>>
      %dma_start3A_1336 = tpu.memref_squeeze %dma_start3A_1335 : memref<1x8x32xf32, #tpu.memory_space<hbm>> -> memref<8x32xf32, #tpu.memory_space<hbm>>
      %dma_start3A_1337 = arith.constant 0 : i32
      %dma_start3A_1338 = arith.constant 0 : i32
      %dma_start3A_1339 = tpu.memref_slice %arg8[%dma_start3A_1328, %dma_start3A_1337, %dma_start3A_1338] : memref<32x8x32xf32, #tpu.memory_space<vmem>> -> memref<1x8x32xf32, #tpu.memory_space<vmem>>
      %dma_start3A_1340 = tpu.memref_squeeze %dma_start3A_1339 : memref<1x8x32xf32, #tpu.memory_space<vmem>> -> memref<8x32xf32, #tpu.memory_space<vmem>>
      %dma_start3A_1341 = arith.constant 0 : i32
      %dma_start3A_1342 = arith.constant 0 : i32
      %dma_start3A_1343 = tpu.memref_slice %arg4[%squeeze3A_1327, %dma_start3A_1341, %dma_start3A_1342] : memref<125000x8x32xf32, #tpu.memory_space<hbm>> -> memref<1x8x32xf32, #tpu.memory_space<hbm>>
      %dma_start3A_1344 = tpu.memref_squeeze %dma_start3A_1343 : memref<1x8x32xf32, #tpu.memory_space<hbm>> -> memref<8x32xf32, #tpu.memory_space<hbm>>
      tpu.enqueue_dma source(%dma_start3A_1344 : memref<8x32xf32, #tpu.memory_space<hbm>>) target(%dma_start3A_1340 : memref<8x32xf32, #tpu.memory_space<vmem>>) target_semaphore(%arg12 : memref<!tpu.dma_semaphore, #tpu.memory_space<semaphore_mem>>)
      %slice3A_1345 = vector.extract_strided_slice %shift_right_arithmetic3A_755 {offsets = [15], sizes = [1], strides = [1]} : vector<16xi32> to vector<1xi32>
      %squeeze3A_1346 = vector.extract %slice3A_1345[0] : i32 from vector<1xi32>
      %dma_start3A_1347 = arith.constant 31 : i32
      %dma_start3A_1348 = arith.constant 0 : i32
      %dma_start3A_1349 = arith.constant 0 : i32
      %dma_start3A_1350 = tpu.memref_slice %arg9[%dma_start3A_1347, %dma_start3A_1348, %dma_start3A_1349] : memref<32x8x32xf32, #tpu.memory_space<vmem>> -> memref<1x8x32xf32, #tpu.memory_space<vmem>>
      %dma_start3A_1351 = tpu.memref_squeeze %dma_start3A_1350 : memref<1x8x32xf32, #tpu.memory_space<vmem>> -> memref<8x32xf32, #tpu.memory_space<vmem>>
      %dma_start3A_1352 = arith.constant 0 : i32
      %dma_start3A_1353 = arith.constant 0 : i32
      %dma_start3A_1354 = tpu.memref_slice %arg5[%squeeze3A_1346, %dma_start3A_1352, %dma_start3A_1353] : memref<125000x8x32xf32, #tpu.memory_space<hbm>> -> memref<1x8x32xf32, #tpu.memory_space<hbm>>
      %dma_start3A_1355 = tpu.memref_squeeze %dma_start3A_1354 : memref<1x8x32xf32, #tpu.memory_space<hbm>> -> memref<8x32xf32, #tpu.memory_space<hbm>>
      %dma_start3A_1356 = arith.constant 0 : i32
      %dma_start3A_1357 = arith.constant 0 : i32
      %dma_start3A_1358 = tpu.memref_slice %arg9[%dma_start3A_1347, %dma_start3A_1356, %dma_start3A_1357] : memref<32x8x32xf32, #tpu.memory_space<vmem>> -> memref<1x8x32xf32, #tpu.memory_space<vmem>>
      %dma_start3A_1359 = tpu.memref_squeeze %dma_start3A_1358 : memref<1x8x32xf32, #tpu.memory_space<vmem>> -> memref<8x32xf32, #tpu.memory_space<vmem>>
      %dma_start3A_1360 = arith.constant 0 : i32
      %dma_start3A_1361 = arith.constant 0 : i32
      %dma_start3A_1362 = tpu.memref_slice %arg5[%squeeze3A_1346, %dma_start3A_1360, %dma_start3A_1361] : memref<125000x8x32xf32, #tpu.memory_space<hbm>> -> memref<1x8x32xf32, #tpu.memory_space<hbm>>
      %dma_start3A_1363 = tpu.memref_squeeze %dma_start3A_1362 : memref<1x8x32xf32, #tpu.memory_space<hbm>> -> memref<8x32xf32, #tpu.memory_space<hbm>>
      tpu.enqueue_dma source(%dma_start3A_1363 : memref<8x32xf32, #tpu.memory_space<hbm>>) target(%dma_start3A_1359 : memref<8x32xf32, #tpu.memory_space<vmem>>) target_semaphore(%arg13 : memref<!tpu.dma_semaphore, #tpu.memory_space<semaphore_mem>>)
      %dma_wait3A = arith.constant 0 : i32
      %dma_wait3A_1364 = arith.constant 0 : i32
      %dma_wait3A_1365 = arith.constant 0 : i32
      %dma_wait3A_1366 = tpu.memref_slice %arg8[%dma_wait3A, %dma_wait3A_1364, %dma_wait3A_1365] : memref<32x8x32xf32, #tpu.memory_space<vmem>> -> memref<1x8x32xf32, #tpu.memory_space<vmem>>
      %dma_wait3A_1367 = tpu.memref_squeeze %dma_wait3A_1366 : memref<1x8x32xf32, #tpu.memory_space<vmem>> -> memref<8x32xf32, #tpu.memory_space<vmem>>
      %dma_wait3A_1368 = arith.constant 0 : i32
      %dma_wait3A_1369 = arith.constant 0 : i32
      %dma_wait3A_1370 = tpu.memref_slice %arg4[%squeeze3A, %dma_wait3A_1368, %dma_wait3A_1369] : memref<125000x8x32xf32, #tpu.memory_space<hbm>> -> memref<1x8x32xf32, #tpu.memory_space<hbm>>
      %dma_wait3A_1371 = tpu.memref_squeeze %dma_wait3A_1370 : memref<1x8x32xf32, #tpu.memory_space<hbm>> -> memref<8x32xf32, #tpu.memory_space<hbm>>
      %dma_wait3A_1372 = arith.constant 0 : i32
      %dma_wait3A_1373 = arith.constant 0 : i32
      %dma_wait3A_1374 = tpu.memref_slice %arg8[%dma_wait3A, %dma_wait3A_1372, %dma_wait3A_1373] : memref<32x8x32xf32, #tpu.memory_space<vmem>> -> memref<1x8x32xf32, #tpu.memory_space<vmem>>
      %dma_wait3A_1375 = tpu.memref_squeeze %dma_wait3A_1374 : memref<1x8x32xf32, #tpu.memory_space<vmem>> -> memref<8x32xf32, #tpu.memory_space<vmem>>
      %dma_wait3A_1376 = arith.constant 0 : i32
      %dma_wait3A_1377 = arith.constant 0 : i32
      %dma_wait3A_1378 = tpu.memref_slice %arg4[%squeeze3A, %dma_wait3A_1376, %dma_wait3A_1377] : memref<125000x8x32xf32, #tpu.memory_space<hbm>> -> memref<1x8x32xf32, #tpu.memory_space<hbm>>
      %dma_wait3A_1379 = tpu.memref_squeeze %dma_wait3A_1378 : memref<1x8x32xf32, #tpu.memory_space<hbm>> -> memref<8x32xf32, #tpu.memory_space<hbm>>
      tpu.wait_dma2 semaphore(%arg12 : memref<!tpu.dma_semaphore, #tpu.memory_space<semaphore_mem>>) src(%dma_wait3A_1379 : memref<8x32xf32, #tpu.memory_space<hbm>>) dst(%dma_wait3A_1375 : memref<8x32xf32, #tpu.memory_space<vmem>>)
      %dma_wait3A_1380 = arith.constant 0 : i32
      %dma_wait3A_1381 = arith.constant 0 : i32
      %dma_wait3A_1382 = arith.constant 0 : i32
      %dma_wait3A_1383 = tpu.memref_slice %arg9[%dma_wait3A_1380, %dma_wait3A_1381, %dma_wait3A_1382] : memref<32x8x32xf32, #tpu.memory_space<vmem>> -> memref<1x8x32xf32, #tpu.memory_space<vmem>>
      %dma_wait3A_1384 = tpu.memref_squeeze %dma_wait3A_1383 : memref<1x8x32xf32, #tpu.memory_space<vmem>> -> memref<8x32xf32, #tpu.memory_space<vmem>>
      %dma_wait3A_1385 = arith.constant 0 : i32
      %dma_wait3A_1386 = arith.constant 0 : i32
      %dma_wait3A_1387 = tpu.memref_slice %arg5[%squeeze3A_122, %dma_wait3A_1385, %dma_wait3A_1386] : memref<125000x8x32xf32, #tpu.memory_space<hbm>> -> memref<1x8x32xf32, #tpu.memory_space<hbm>>
      %dma_wait3A_1388 = tpu.memref_squeeze %dma_wait3A_1387 : memref<1x8x32xf32, #tpu.memory_space<hbm>> -> memref<8x32xf32, #tpu.memory_space<hbm>>
      %dma_wait3A_1389 = arith.constant 0 : i32
      %dma_wait3A_1390 = arith.constant 0 : i32
      %dma_wait3A_1391 = tpu.memref_slice %arg9[%dma_wait3A_1380, %dma_wait3A_1389, %dma_wait3A_1390] : memref<32x8x32xf32, #tpu.memory_space<vmem>> -> memref<1x8x32xf32, #tpu.memory_space<vmem>>
      %dma_wait3A_1392 = tpu.memref_squeeze %dma_wait3A_1391 : memref<1x8x32xf32, #tpu.memory_space<vmem>> -> memref<8x32xf32, #tpu.memory_space<vmem>>
      %dma_wait3A_1393 = arith.constant 0 : i32
      %dma_wait3A_1394 = arith.constant 0 : i32
      %dma_wait3A_1395 = tpu.memref_slice %arg5[%squeeze3A_122, %dma_wait3A_1393, %dma_wait3A_1394] : memref<125000x8x32xf32, #tpu.memory_space<hbm>> -> memref<1x8x32xf32, #tpu.memory_space<hbm>>
      %dma_wait3A_1396 = tpu.memref_squeeze %dma_wait3A_1395 : memref<1x8x32xf32, #tpu.memory_space<hbm>> -> memref<8x32xf32, #tpu.memory_space<hbm>>
      tpu.wait_dma2 semaphore(%arg13 : memref<!tpu.dma_semaphore, #tpu.memory_space<semaphore_mem>>) src(%dma_wait3A_1396 : memref<8x32xf32, #tpu.memory_space<hbm>>) dst(%dma_wait3A_1392 : memref<8x32xf32, #tpu.memory_space<vmem>>)
      %dma_wait3A_1397 = arith.constant 1 : i32
      %dma_wait3A_1398 = arith.constant 0 : i32
      %dma_wait3A_1399 = arith.constant 0 : i32
      %dma_wait3A_1400 = tpu.memref_slice %arg8[%dma_wait3A_1397, %dma_wait3A_1398, %dma_wait3A_1399] : memref<32x8x32xf32, #tpu.memory_space<vmem>> -> memref<1x8x32xf32, #tpu.memory_space<vmem>>
      %dma_wait3A_1401 = tpu.memref_squeeze %dma_wait3A_1400 : memref<1x8x32xf32, #tpu.memory_space<vmem>> -> memref<8x32xf32, #tpu.memory_space<vmem>>
      %dma_wait3A_1402 = arith.constant 0 : i32
      %dma_wait3A_1403 = arith.constant 0 : i32
      %dma_wait3A_1404 = tpu.memref_slice %arg4[%squeeze3A_141, %dma_wait3A_1402, %dma_wait3A_1403] : memref<125000x8x32xf32, #tpu.memory_space<hbm>> -> memref<1x8x32xf32, #tpu.memory_space<hbm>>
      %dma_wait3A_1405 = tpu.memref_squeeze %dma_wait3A_1404 : memref<1x8x32xf32, #tpu.memory_space<hbm>> -> memref<8x32xf32, #tpu.memory_space<hbm>>
      %dma_wait3A_1406 = arith.constant 0 : i32
      %dma_wait3A_1407 = arith.constant 0 : i32
      %dma_wait3A_1408 = tpu.memref_slice %arg8[%dma_wait3A_1397, %dma_wait3A_1406, %dma_wait3A_1407] : memref<32x8x32xf32, #tpu.memory_space<vmem>> -> memref<1x8x32xf32, #tpu.memory_space<vmem>>
      %dma_wait3A_1409 = tpu.memref_squeeze %dma_wait3A_1408 : memref<1x8x32xf32, #tpu.memory_space<vmem>> -> memref<8x32xf32, #tpu.memory_space<vmem>>
      %dma_wait3A_1410 = arith.constant 0 : i32
      %dma_wait3A_1411 = arith.constant 0 : i32
      %dma_wait3A_1412 = tpu.memref_slice %arg4[%squeeze3A_141, %dma_wait3A_1410, %dma_wait3A_1411] : memref<125000x8x32xf32, #tpu.memory_space<hbm>> -> memref<1x8x32xf32, #tpu.memory_space<hbm>>
      %dma_wait3A_1413 = tpu.memref_squeeze %dma_wait3A_1412 : memref<1x8x32xf32, #tpu.memory_space<hbm>> -> memref<8x32xf32, #tpu.memory_space<hbm>>
      tpu.wait_dma2 semaphore(%arg12 : memref<!tpu.dma_semaphore, #tpu.memory_space<semaphore_mem>>) src(%dma_wait3A_1413 : memref<8x32xf32, #tpu.memory_space<hbm>>) dst(%dma_wait3A_1409 : memref<8x32xf32, #tpu.memory_space<vmem>>)
      %dma_wait3A_1414 = arith.constant 1 : i32
      %dma_wait3A_1415 = arith.constant 0 : i32
      %dma_wait3A_1416 = arith.constant 0 : i32
      %dma_wait3A_1417 = tpu.memref_slice %arg9[%dma_wait3A_1414, %dma_wait3A_1415, %dma_wait3A_1416] : memref<32x8x32xf32, #tpu.memory_space<vmem>> -> memref<1x8x32xf32, #tpu.memory_space<vmem>>
      %dma_wait3A_1418 = tpu.memref_squeeze %dma_wait3A_1417 : memref<1x8x32xf32, #tpu.memory_space<vmem>> -> memref<8x32xf32, #tpu.memory_space<vmem>>
      %dma_wait3A_1419 = arith.constant 0 : i32
      %dma_wait3A_1420 = arith.constant 0 : i32
      %dma_wait3A_1421 = tpu.memref_slice %arg5[%squeeze3A_160, %dma_wait3A_1419, %dma_wait3A_1420] : memref<125000x8x32xf32, #tpu.memory_space<hbm>> -> memref<1x8x32xf32, #tpu.memory_space<hbm>>
      %dma_wait3A_1422 = tpu.memref_squeeze %dma_wait3A_1421 : memref<1x8x32xf32, #tpu.memory_space<hbm>> -> memref<8x32xf32, #tpu.memory_space<hbm>>
      %dma_wait3A_1423 = arith.constant 0 : i32
      %dma_wait3A_1424 = arith.constant 0 : i32
      %dma_wait3A_1425 = tpu.memref_slice %arg9[%dma_wait3A_1414, %dma_wait3A_1423, %dma_wait3A_1424] : memref<32x8x32xf32, #tpu.memory_space<vmem>> -> memref<1x8x32xf32, #tpu.memory_space<vmem>>
      %dma_wait3A_1426 = tpu.memref_squeeze %dma_wait3A_1425 : memref<1x8x32xf32, #tpu.memory_space<vmem>> -> memref<8x32xf32, #tpu.memory_space<vmem>>
      %dma_wait3A_1427 = arith.constant 0 : i32
      %dma_wait3A_1428 = arith.constant 0 : i32
      %dma_wait3A_1429 = tpu.memref_slice %arg5[%squeeze3A_160, %dma_wait3A_1427, %dma_wait3A_1428] : memref<125000x8x32xf32, #tpu.memory_space<hbm>> -> memref<1x8x32xf32, #tpu.memory_space<hbm>>
      %dma_wait3A_1430 = tpu.memref_squeeze %dma_wait3A_1429 : memref<1x8x32xf32, #tpu.memory_space<hbm>> -> memref<8x32xf32, #tpu.memory_space<hbm>>
      tpu.wait_dma2 semaphore(%arg13 : memref<!tpu.dma_semaphore, #tpu.memory_space<semaphore_mem>>) src(%dma_wait3A_1430 : memref<8x32xf32, #tpu.memory_space<hbm>>) dst(%dma_wait3A_1426 : memref<8x32xf32, #tpu.memory_space<vmem>>)
      %dma_wait3A_1431 = arith.constant 2 : i32
      %dma_wait3A_1432 = arith.constant 0 : i32
      %dma_wait3A_1433 = arith.constant 0 : i32
      %dma_wait3A_1434 = tpu.memref_slice %arg8[%dma_wait3A_1431, %dma_wait3A_1432, %dma_wait3A_1433] : memref<32x8x32xf32, #tpu.memory_space<vmem>> -> memref<1x8x32xf32, #tpu.memory_space<vmem>>
      %dma_wait3A_1435 = tpu.memref_squeeze %dma_wait3A_1434 : memref<1x8x32xf32, #tpu.memory_space<vmem>> -> memref<8x32xf32, #tpu.memory_space<vmem>>
      %dma_wait3A_1436 = arith.constant 0 : i32
      %dma_wait3A_1437 = arith.constant 0 : i32
      %dma_wait3A_1438 = tpu.memref_slice %arg4[%squeeze3A_179, %dma_wait3A_1436, %dma_wait3A_1437] : memref<125000x8x32xf32, #tpu.memory_space<hbm>> -> memref<1x8x32xf32, #tpu.memory_space<hbm>>
      %dma_wait3A_1439 = tpu.memref_squeeze %dma_wait3A_1438 : memref<1x8x32xf32, #tpu.memory_space<hbm>> -> memref<8x32xf32, #tpu.memory_space<hbm>>
      %dma_wait3A_1440 = arith.constant 0 : i32
      %dma_wait3A_1441 = arith.constant 0 : i32
      %dma_wait3A_1442 = tpu.memref_slice %arg8[%dma_wait3A_1431, %dma_wait3A_1440, %dma_wait3A_1441] : memref<32x8x32xf32, #tpu.memory_space<vmem>> -> memref<1x8x32xf32, #tpu.memory_space<vmem>>
      %dma_wait3A_1443 = tpu.memref_squeeze %dma_wait3A_1442 : memref<1x8x32xf32, #tpu.memory_space<vmem>> -> memref<8x32xf32, #tpu.memory_space<vmem>>
      %dma_wait3A_1444 = arith.constant 0 : i32
      %dma_wait3A_1445 = arith.constant 0 : i32
      %dma_wait3A_1446 = tpu.memref_slice %arg4[%squeeze3A_179, %dma_wait3A_1444, %dma_wait3A_1445] : memref<125000x8x32xf32, #tpu.memory_space<hbm>> -> memref<1x8x32xf32, #tpu.memory_space<hbm>>
      %dma_wait3A_1447 = tpu.memref_squeeze %dma_wait3A_1446 : memref<1x8x32xf32, #tpu.memory_space<hbm>> -> memref<8x32xf32, #tpu.memory_space<hbm>>
      tpu.wait_dma2 semaphore(%arg12 : memref<!tpu.dma_semaphore, #tpu.memory_space<semaphore_mem>>) src(%dma_wait3A_1447 : memref<8x32xf32, #tpu.memory_space<hbm>>) dst(%dma_wait3A_1443 : memref<8x32xf32, #tpu.memory_space<vmem>>)
      %dma_wait3A_1448 = arith.constant 2 : i32
      %dma_wait3A_1449 = arith.constant 0 : i32
      %dma_wait3A_1450 = arith.constant 0 : i32
      %dma_wait3A_1451 = tpu.memref_slice %arg9[%dma_wait3A_1448, %dma_wait3A_1449, %dma_wait3A_1450] : memref<32x8x32xf32, #tpu.memory_space<vmem>> -> memref<1x8x32xf32, #tpu.memory_space<vmem>>
      %dma_wait3A_1452 = tpu.memref_squeeze %dma_wait3A_1451 : memref<1x8x32xf32, #tpu.memory_space<vmem>> -> memref<8x32xf32, #tpu.memory_space<vmem>>
      %dma_wait3A_1453 = arith.constant 0 : i32
      %dma_wait3A_1454 = arith.constant 0 : i32
      %dma_wait3A_1455 = tpu.memref_slice %arg5[%squeeze3A_198, %dma_wait3A_1453, %dma_wait3A_1454] : memref<125000x8x32xf32, #tpu.memory_space<hbm>> -> memref<1x8x32xf32, #tpu.memory_space<hbm>>
      %dma_wait3A_1456 = tpu.memref_squeeze %dma_wait3A_1455 : memref<1x8x32xf32, #tpu.memory_space<hbm>> -> memref<8x32xf32, #tpu.memory_space<hbm>>
      %dma_wait3A_1457 = arith.constant 0 : i32
      %dma_wait3A_1458 = arith.constant 0 : i32
      %dma_wait3A_1459 = tpu.memref_slice %arg9[%dma_wait3A_1448, %dma_wait3A_1457, %dma_wait3A_1458] : memref<32x8x32xf32, #tpu.memory_space<vmem>> -> memref<1x8x32xf32, #tpu.memory_space<vmem>>
      %dma_wait3A_1460 = tpu.memref_squeeze %dma_wait3A_1459 : memref<1x8x32xf32, #tpu.memory_space<vmem>> -> memref<8x32xf32, #tpu.memory_space<vmem>>
      %dma_wait3A_1461 = arith.constant 0 : i32
      %dma_wait3A_1462 = arith.constant 0 : i32
      %dma_wait3A_1463 = tpu.memref_slice %arg5[%squeeze3A_198, %dma_wait3A_1461, %dma_wait3A_1462] : memref<125000x8x32xf32, #tpu.memory_space<hbm>> -> memref<1x8x32xf32, #tpu.memory_space<hbm>>
      %dma_wait3A_1464 = tpu.memref_squeeze %dma_wait3A_1463 : memref<1x8x32xf32, #tpu.memory_space<hbm>> -> memref<8x32xf32, #tpu.memory_space<hbm>>
      tpu.wait_dma2 semaphore(%arg13 : memref<!tpu.dma_semaphore, #tpu.memory_space<semaphore_mem>>) src(%dma_wait3A_1464 : memref<8x32xf32, #tpu.memory_space<hbm>>) dst(%dma_wait3A_1460 : memref<8x32xf32, #tpu.memory_space<vmem>>)
      %dma_wait3A_1465 = arith.constant 3 : i32
      %dma_wait3A_1466 = arith.constant 0 : i32
      %dma_wait3A_1467 = arith.constant 0 : i32
      %dma_wait3A_1468 = tpu.memref_slice %arg8[%dma_wait3A_1465, %dma_wait3A_1466, %dma_wait3A_1467] : memref<32x8x32xf32, #tpu.memory_space<vmem>> -> memref<1x8x32xf32, #tpu.memory_space<vmem>>
      %dma_wait3A_1469 = tpu.memref_squeeze %dma_wait3A_1468 : memref<1x8x32xf32, #tpu.memory_space<vmem>> -> memref<8x32xf32, #tpu.memory_space<vmem>>
      %dma_wait3A_1470 = arith.constant 0 : i32
      %dma_wait3A_1471 = arith.constant 0 : i32
      %dma_wait3A_1472 = tpu.memref_slice %arg4[%squeeze3A_217, %dma_wait3A_1470, %dma_wait3A_1471] : memref<125000x8x32xf32, #tpu.memory_space<hbm>> -> memref<1x8x32xf32, #tpu.memory_space<hbm>>
      %dma_wait3A_1473 = tpu.memref_squeeze %dma_wait3A_1472 : memref<1x8x32xf32, #tpu.memory_space<hbm>> -> memref<8x32xf32, #tpu.memory_space<hbm>>
      %dma_wait3A_1474 = arith.constant 0 : i32
      %dma_wait3A_1475 = arith.constant 0 : i32
      %dma_wait3A_1476 = tpu.memref_slice %arg8[%dma_wait3A_1465, %dma_wait3A_1474, %dma_wait3A_1475] : memref<32x8x32xf32, #tpu.memory_space<vmem>> -> memref<1x8x32xf32, #tpu.memory_space<vmem>>
      %dma_wait3A_1477 = tpu.memref_squeeze %dma_wait3A_1476 : memref<1x8x32xf32, #tpu.memory_space<vmem>> -> memref<8x32xf32, #tpu.memory_space<vmem>>
      %dma_wait3A_1478 = arith.constant 0 : i32
      %dma_wait3A_1479 = arith.constant 0 : i32
      %dma_wait3A_1480 = tpu.memref_slice %arg4[%squeeze3A_217, %dma_wait3A_1478, %dma_wait3A_1479] : memref<125000x8x32xf32, #tpu.memory_space<hbm>> -> memref<1x8x32xf32, #tpu.memory_space<hbm>>
      %dma_wait3A_1481 = tpu.memref_squeeze %dma_wait3A_1480 : memref<1x8x32xf32, #tpu.memory_space<hbm>> -> memref<8x32xf32, #tpu.memory_space<hbm>>
      tpu.wait_dma2 semaphore(%arg12 : memref<!tpu.dma_semaphore, #tpu.memory_space<semaphore_mem>>) src(%dma_wait3A_1481 : memref<8x32xf32, #tpu.memory_space<hbm>>) dst(%dma_wait3A_1477 : memref<8x32xf32, #tpu.memory_space<vmem>>)
      %dma_wait3A_1482 = arith.constant 3 : i32
      %dma_wait3A_1483 = arith.constant 0 : i32
      %dma_wait3A_1484 = arith.constant 0 : i32
      %dma_wait3A_1485 = tpu.memref_slice %arg9[%dma_wait3A_1482, %dma_wait3A_1483, %dma_wait3A_1484] : memref<32x8x32xf32, #tpu.memory_space<vmem>> -> memref<1x8x32xf32, #tpu.memory_space<vmem>>
      %dma_wait3A_1486 = tpu.memref_squeeze %dma_wait3A_1485 : memref<1x8x32xf32, #tpu.memory_space<vmem>> -> memref<8x32xf32, #tpu.memory_space<vmem>>
      %dma_wait3A_1487 = arith.constant 0 : i32
      %dma_wait3A_1488 = arith.constant 0 : i32
      %dma_wait3A_1489 = tpu.memref_slice %arg5[%squeeze3A_236, %dma_wait3A_1487, %dma_wait3A_1488] : memref<125000x8x32xf32, #tpu.memory_space<hbm>> -> memref<1x8x32xf32, #tpu.memory_space<hbm>>
      %dma_wait3A_1490 = tpu.memref_squeeze %dma_wait3A_1489 : memref<1x8x32xf32, #tpu.memory_space<hbm>> -> memref<8x32xf32, #tpu.memory_space<hbm>>
      %dma_wait3A_1491 = arith.constant 0 : i32
      %dma_wait3A_1492 = arith.constant 0 : i32
      %dma_wait3A_1493 = tpu.memref_slice %arg9[%dma_wait3A_1482, %dma_wait3A_1491, %dma_wait3A_1492] : memref<32x8x32xf32, #tpu.memory_space<vmem>> -> memref<1x8x32xf32, #tpu.memory_space<vmem>>
      %dma_wait3A_1494 = tpu.memref_squeeze %dma_wait3A_1493 : memref<1x8x32xf32, #tpu.memory_space<vmem>> -> memref<8x32xf32, #tpu.memory_space<vmem>>
      %dma_wait3A_1495 = arith.constant 0 : i32
      %dma_wait3A_1496 = arith.constant 0 : i32
      %dma_wait3A_1497 = tpu.memref_slice %arg5[%squeeze3A_236, %dma_wait3A_1495, %dma_wait3A_1496] : memref<125000x8x32xf32, #tpu.memory_space<hbm>> -> memref<1x8x32xf32, #tpu.memory_space<hbm>>
      %dma_wait3A_1498 = tpu.memref_squeeze %dma_wait3A_1497 : memref<1x8x32xf32, #tpu.memory_space<hbm>> -> memref<8x32xf32, #tpu.memory_space<hbm>>
      tpu.wait_dma2 semaphore(%arg13 : memref<!tpu.dma_semaphore, #tpu.memory_space<semaphore_mem>>) src(%dma_wait3A_1498 : memref<8x32xf32, #tpu.memory_space<hbm>>) dst(%dma_wait3A_1494 : memref<8x32xf32, #tpu.memory_space<vmem>>)
      %dma_wait3A_1499 = arith.constant 4 : i32
      %dma_wait3A_1500 = arith.constant 0 : i32
      %dma_wait3A_1501 = arith.constant 0 : i32
      %dma_wait3A_1502 = tpu.memref_slice %arg8[%dma_wait3A_1499, %dma_wait3A_1500, %dma_wait3A_1501] : memref<32x8x32xf32, #tpu.memory_space<vmem>> -> memref<1x8x32xf32, #tpu.memory_space<vmem>>
      %dma_wait3A_1503 = tpu.memref_squeeze %dma_wait3A_1502 : memref<1x8x32xf32, #tpu.memory_space<vmem>> -> memref<8x32xf32, #tpu.memory_space<vmem>>
      %dma_wait3A_1504 = arith.constant 0 : i32
      %dma_wait3A_1505 = arith.constant 0 : i32
      %dma_wait3A_1506 = tpu.memref_slice %arg4[%squeeze3A_255, %dma_wait3A_1504, %dma_wait3A_1505] : memref<125000x8x32xf32, #tpu.memory_space<hbm>> -> memref<1x8x32xf32, #tpu.memory_space<hbm>>
      %dma_wait3A_1507 = tpu.memref_squeeze %dma_wait3A_1506 : memref<1x8x32xf32, #tpu.memory_space<hbm>> -> memref<8x32xf32, #tpu.memory_space<hbm>>
      %dma_wait3A_1508 = arith.constant 0 : i32
      %dma_wait3A_1509 = arith.constant 0 : i32
      %dma_wait3A_1510 = tpu.memref_slice %arg8[%dma_wait3A_1499, %dma_wait3A_1508, %dma_wait3A_1509] : memref<32x8x32xf32, #tpu.memory_space<vmem>> -> memref<1x8x32xf32, #tpu.memory_space<vmem>>
      %dma_wait3A_1511 = tpu.memref_squeeze %dma_wait3A_1510 : memref<1x8x32xf32, #tpu.memory_space<vmem>> -> memref<8x32xf32, #tpu.memory_space<vmem>>
      %dma_wait3A_1512 = arith.constant 0 : i32
      %dma_wait3A_1513 = arith.constant 0 : i32
      %dma_wait3A_1514 = tpu.memref_slice %arg4[%squeeze3A_255, %dma_wait3A_1512, %dma_wait3A_1513] : memref<125000x8x32xf32, #tpu.memory_space<hbm>> -> memref<1x8x32xf32, #tpu.memory_space<hbm>>
      %dma_wait3A_1515 = tpu.memref_squeeze %dma_wait3A_1514 : memref<1x8x32xf32, #tpu.memory_space<hbm>> -> memref<8x32xf32, #tpu.memory_space<hbm>>
      tpu.wait_dma2 semaphore(%arg12 : memref<!tpu.dma_semaphore, #tpu.memory_space<semaphore_mem>>) src(%dma_wait3A_1515 : memref<8x32xf32, #tpu.memory_space<hbm>>) dst(%dma_wait3A_1511 : memref<8x32xf32, #tpu.memory_space<vmem>>)
      %dma_wait3A_1516 = arith.constant 4 : i32
      %dma_wait3A_1517 = arith.constant 0 : i32
      %dma_wait3A_1518 = arith.constant 0 : i32
      %dma_wait3A_1519 = tpu.memref_slice %arg9[%dma_wait3A_1516, %dma_wait3A_1517, %dma_wait3A_1518] : memref<32x8x32xf32, #tpu.memory_space<vmem>> -> memref<1x8x32xf32, #tpu.memory_space<vmem>>
      %dma_wait3A_1520 = tpu.memref_squeeze %dma_wait3A_1519 : memref<1x8x32xf32, #tpu.memory_space<vmem>> -> memref<8x32xf32, #tpu.memory_space<vmem>>
      %dma_wait3A_1521 = arith.constant 0 : i32
      %dma_wait3A_1522 = arith.constant 0 : i32
      %dma_wait3A_1523 = tpu.memref_slice %arg5[%squeeze3A_274, %dma_wait3A_1521, %dma_wait3A_1522] : memref<125000x8x32xf32, #tpu.memory_space<hbm>> -> memref<1x8x32xf32, #tpu.memory_space<hbm>>
      %dma_wait3A_1524 = tpu.memref_squeeze %dma_wait3A_1523 : memref<1x8x32xf32, #tpu.memory_space<hbm>> -> memref<8x32xf32, #tpu.memory_space<hbm>>
      %dma_wait3A_1525 = arith.constant 0 : i32
      %dma_wait3A_1526 = arith.constant 0 : i32
      %dma_wait3A_1527 = tpu.memref_slice %arg9[%dma_wait3A_1516, %dma_wait3A_1525, %dma_wait3A_1526] : memref<32x8x32xf32, #tpu.memory_space<vmem>> -> memref<1x8x32xf32, #tpu.memory_space<vmem>>
      %dma_wait3A_1528 = tpu.memref_squeeze %dma_wait3A_1527 : memref<1x8x32xf32, #tpu.memory_space<vmem>> -> memref<8x32xf32, #tpu.memory_space<vmem>>
      %dma_wait3A_1529 = arith.constant 0 : i32
      %dma_wait3A_1530 = arith.constant 0 : i32
      %dma_wait3A_1531 = tpu.memref_slice %arg5[%squeeze3A_274, %dma_wait3A_1529, %dma_wait3A_1530] : memref<125000x8x32xf32, #tpu.memory_space<hbm>> -> memref<1x8x32xf32, #tpu.memory_space<hbm>>
      %dma_wait3A_1532 = tpu.memref_squeeze %dma_wait3A_1531 : memref<1x8x32xf32, #tpu.memory_space<hbm>> -> memref<8x32xf32, #tpu.memory_space<hbm>>
      tpu.wait_dma2 semaphore(%arg13 : memref<!tpu.dma_semaphore, #tpu.memory_space<semaphore_mem>>) src(%dma_wait3A_1532 : memref<8x32xf32, #tpu.memory_space<hbm>>) dst(%dma_wait3A_1528 : memref<8x32xf32, #tpu.memory_space<vmem>>)
      %dma_wait3A_1533 = arith.constant 5 : i32
      %dma_wait3A_1534 = arith.constant 0 : i32
      %dma_wait3A_1535 = arith.constant 0 : i32
      %dma_wait3A_1536 = tpu.memref_slice %arg8[%dma_wait3A_1533, %dma_wait3A_1534, %dma_wait3A_1535] : memref<32x8x32xf32, #tpu.memory_space<vmem>> -> memref<1x8x32xf32, #tpu.memory_space<vmem>>
      %dma_wait3A_1537 = tpu.memref_squeeze %dma_wait3A_1536 : memref<1x8x32xf32, #tpu.memory_space<vmem>> -> memref<8x32xf32, #tpu.memory_space<vmem>>
      %dma_wait3A_1538 = arith.constant 0 : i32
      %dma_wait3A_1539 = arith.constant 0 : i32
      %dma_wait3A_1540 = tpu.memref_slice %arg4[%squeeze3A_293, %dma_wait3A_1538, %dma_wait3A_1539] : memref<125000x8x32xf32, #tpu.memory_space<hbm>> -> memref<1x8x32xf32, #tpu.memory_space<hbm>>
      %dma_wait3A_1541 = tpu.memref_squeeze %dma_wait3A_1540 : memref<1x8x32xf32, #tpu.memory_space<hbm>> -> memref<8x32xf32, #tpu.memory_space<hbm>>
      %dma_wait3A_1542 = arith.constant 0 : i32
      %dma_wait3A_1543 = arith.constant 0 : i32
      %dma_wait3A_1544 = tpu.memref_slice %arg8[%dma_wait3A_1533, %dma_wait3A_1542, %dma_wait3A_1543] : memref<32x8x32xf32, #tpu.memory_space<vmem>> -> memref<1x8x32xf32, #tpu.memory_space<vmem>>
      %dma_wait3A_1545 = tpu.memref_squeeze %dma_wait3A_1544 : memref<1x8x32xf32, #tpu.memory_space<vmem>> -> memref<8x32xf32, #tpu.memory_space<vmem>>
      %dma_wait3A_1546 = arith.constant 0 : i32
      %dma_wait3A_1547 = arith.constant 0 : i32
      %dma_wait3A_1548 = tpu.memref_slice %arg4[%squeeze3A_293, %dma_wait3A_1546, %dma_wait3A_1547] : memref<125000x8x32xf32, #tpu.memory_space<hbm>> -> memref<1x8x32xf32, #tpu.memory_space<hbm>>
      %dma_wait3A_1549 = tpu.memref_squeeze %dma_wait3A_1548 : memref<1x8x32xf32, #tpu.memory_space<hbm>> -> memref<8x32xf32, #tpu.memory_space<hbm>>
      tpu.wait_dma2 semaphore(%arg12 : memref<!tpu.dma_semaphore, #tpu.memory_space<semaphore_mem>>) src(%dma_wait3A_1549 : memref<8x32xf32, #tpu.memory_space<hbm>>) dst(%dma_wait3A_1545 : memref<8x32xf32, #tpu.memory_space<vmem>>)
      %dma_wait3A_1550 = arith.constant 5 : i32
      %dma_wait3A_1551 = arith.constant 0 : i32
      %dma_wait3A_1552 = arith.constant 0 : i32
      %dma_wait3A_1553 = tpu.memref_slice %arg9[%dma_wait3A_1550, %dma_wait3A_1551, %dma_wait3A_1552] : memref<32x8x32xf32, #tpu.memory_space<vmem>> -> memref<1x8x32xf32, #tpu.memory_space<vmem>>
      %dma_wait3A_1554 = tpu.memref_squeeze %dma_wait3A_1553 : memref<1x8x32xf32, #tpu.memory_space<vmem>> -> memref<8x32xf32, #tpu.memory_space<vmem>>
      %dma_wait3A_1555 = arith.constant 0 : i32
      %dma_wait3A_1556 = arith.constant 0 : i32
      %dma_wait3A_1557 = tpu.memref_slice %arg5[%squeeze3A_312, %dma_wait3A_1555, %dma_wait3A_1556] : memref<125000x8x32xf32, #tpu.memory_space<hbm>> -> memref<1x8x32xf32, #tpu.memory_space<hbm>>
      %dma_wait3A_1558 = tpu.memref_squeeze %dma_wait3A_1557 : memref<1x8x32xf32, #tpu.memory_space<hbm>> -> memref<8x32xf32, #tpu.memory_space<hbm>>
      %dma_wait3A_1559 = arith.constant 0 : i32
      %dma_wait3A_1560 = arith.constant 0 : i32
      %dma_wait3A_1561 = tpu.memref_slice %arg9[%dma_wait3A_1550, %dma_wait3A_1559, %dma_wait3A_1560] : memref<32x8x32xf32, #tpu.memory_space<vmem>> -> memref<1x8x32xf32, #tpu.memory_space<vmem>>
      %dma_wait3A_1562 = tpu.memref_squeeze %dma_wait3A_1561 : memref<1x8x32xf32, #tpu.memory_space<vmem>> -> memref<8x32xf32, #tpu.memory_space<vmem>>
      %dma_wait3A_1563 = arith.constant 0 : i32
      %dma_wait3A_1564 = arith.constant 0 : i32
      %dma_wait3A_1565 = tpu.memref_slice %arg5[%squeeze3A_312, %dma_wait3A_1563, %dma_wait3A_1564] : memref<125000x8x32xf32, #tpu.memory_space<hbm>> -> memref<1x8x32xf32, #tpu.memory_space<hbm>>
      %dma_wait3A_1566 = tpu.memref_squeeze %dma_wait3A_1565 : memref<1x8x32xf32, #tpu.memory_space<hbm>> -> memref<8x32xf32, #tpu.memory_space<hbm>>
      tpu.wait_dma2 semaphore(%arg13 : memref<!tpu.dma_semaphore, #tpu.memory_space<semaphore_mem>>) src(%dma_wait3A_1566 : memref<8x32xf32, #tpu.memory_space<hbm>>) dst(%dma_wait3A_1562 : memref<8x32xf32, #tpu.memory_space<vmem>>)
      %dma_wait3A_1567 = arith.constant 6 : i32
      %dma_wait3A_1568 = arith.constant 0 : i32
      %dma_wait3A_1569 = arith.constant 0 : i32
      %dma_wait3A_1570 = tpu.memref_slice %arg8[%dma_wait3A_1567, %dma_wait3A_1568, %dma_wait3A_1569] : memref<32x8x32xf32, #tpu.memory_space<vmem>> -> memref<1x8x32xf32, #tpu.memory_space<vmem>>
      %dma_wait3A_1571 = tpu.memref_squeeze %dma_wait3A_1570 : memref<1x8x32xf32, #tpu.memory_space<vmem>> -> memref<8x32xf32, #tpu.memory_space<vmem>>
      %dma_wait3A_1572 = arith.constant 0 : i32
      %dma_wait3A_1573 = arith.constant 0 : i32
      %dma_wait3A_1574 = tpu.memref_slice %arg4[%squeeze3A_331, %dma_wait3A_1572, %dma_wait3A_1573] : memref<125000x8x32xf32, #tpu.memory_space<hbm>> -> memref<1x8x32xf32, #tpu.memory_space<hbm>>
      %dma_wait3A_1575 = tpu.memref_squeeze %dma_wait3A_1574 : memref<1x8x32xf32, #tpu.memory_space<hbm>> -> memref<8x32xf32, #tpu.memory_space<hbm>>
      %dma_wait3A_1576 = arith.constant 0 : i32
      %dma_wait3A_1577 = arith.constant 0 : i32
      %dma_wait3A_1578 = tpu.memref_slice %arg8[%dma_wait3A_1567, %dma_wait3A_1576, %dma_wait3A_1577] : memref<32x8x32xf32, #tpu.memory_space<vmem>> -> memref<1x8x32xf32, #tpu.memory_space<vmem>>
      %dma_wait3A_1579 = tpu.memref_squeeze %dma_wait3A_1578 : memref<1x8x32xf32, #tpu.memory_space<vmem>> -> memref<8x32xf32, #tpu.memory_space<vmem>>
      %dma_wait3A_1580 = arith.constant 0 : i32
      %dma_wait3A_1581 = arith.constant 0 : i32
      %dma_wait3A_1582 = tpu.memref_slice %arg4[%squeeze3A_331, %dma_wait3A_1580, %dma_wait3A_1581] : memref<125000x8x32xf32, #tpu.memory_space<hbm>> -> memref<1x8x32xf32, #tpu.memory_space<hbm>>
      %dma_wait3A_1583 = tpu.memref_squeeze %dma_wait3A_1582 : memref<1x8x32xf32, #tpu.memory_space<hbm>> -> memref<8x32xf32, #tpu.memory_space<hbm>>
      tpu.wait_dma2 semaphore(%arg12 : memref<!tpu.dma_semaphore, #tpu.memory_space<semaphore_mem>>) src(%dma_wait3A_1583 : memref<8x32xf32, #tpu.memory_space<hbm>>) dst(%dma_wait3A_1579 : memref<8x32xf32, #tpu.memory_space<vmem>>)
      %dma_wait3A_1584 = arith.constant 6 : i32
      %dma_wait3A_1585 = arith.constant 0 : i32
      %dma_wait3A_1586 = arith.constant 0 : i32
      %dma_wait3A_1587 = tpu.memref_slice %arg9[%dma_wait3A_1584, %dma_wait3A_1585, %dma_wait3A_1586] : memref<32x8x32xf32, #tpu.memory_space<vmem>> -> memref<1x8x32xf32, #tpu.memory_space<vmem>>
      %dma_wait3A_1588 = tpu.memref_squeeze %dma_wait3A_1587 : memref<1x8x32xf32, #tpu.memory_space<vmem>> -> memref<8x32xf32, #tpu.memory_space<vmem>>
      %dma_wait3A_1589 = arith.constant 0 : i32
      %dma_wait3A_1590 = arith.constant 0 : i32
      %dma_wait3A_1591 = tpu.memref_slice %arg5[%squeeze3A_350, %dma_wait3A_1589, %dma_wait3A_1590] : memref<125000x8x32xf32, #tpu.memory_space<hbm>> -> memref<1x8x32xf32, #tpu.memory_space<hbm>>
      %dma_wait3A_1592 = tpu.memref_squeeze %dma_wait3A_1591 : memref<1x8x32xf32, #tpu.memory_space<hbm>> -> memref<8x32xf32, #tpu.memory_space<hbm>>
      %dma_wait3A_1593 = arith.constant 0 : i32
      %dma_wait3A_1594 = arith.constant 0 : i32
      %dma_wait3A_1595 = tpu.memref_slice %arg9[%dma_wait3A_1584, %dma_wait3A_1593, %dma_wait3A_1594] : memref<32x8x32xf32, #tpu.memory_space<vmem>> -> memref<1x8x32xf32, #tpu.memory_space<vmem>>
      %dma_wait3A_1596 = tpu.memref_squeeze %dma_wait3A_1595 : memref<1x8x32xf32, #tpu.memory_space<vmem>> -> memref<8x32xf32, #tpu.memory_space<vmem>>
      %dma_wait3A_1597 = arith.constant 0 : i32
      %dma_wait3A_1598 = arith.constant 0 : i32
      %dma_wait3A_1599 = tpu.memref_slice %arg5[%squeeze3A_350, %dma_wait3A_1597, %dma_wait3A_1598] : memref<125000x8x32xf32, #tpu.memory_space<hbm>> -> memref<1x8x32xf32, #tpu.memory_space<hbm>>
      %dma_wait3A_1600 = tpu.memref_squeeze %dma_wait3A_1599 : memref<1x8x32xf32, #tpu.memory_space<hbm>> -> memref<8x32xf32, #tpu.memory_space<hbm>>
      tpu.wait_dma2 semaphore(%arg13 : memref<!tpu.dma_semaphore, #tpu.memory_space<semaphore_mem>>) src(%dma_wait3A_1600 : memref<8x32xf32, #tpu.memory_space<hbm>>) dst(%dma_wait3A_1596 : memref<8x32xf32, #tpu.memory_space<vmem>>)
      %dma_wait3A_1601 = arith.constant 7 : i32
      %dma_wait3A_1602 = arith.constant 0 : i32
      %dma_wait3A_1603 = arith.constant 0 : i32
      %dma_wait3A_1604 = tpu.memref_slice %arg8[%dma_wait3A_1601, %dma_wait3A_1602, %dma_wait3A_1603] : memref<32x8x32xf32, #tpu.memory_space<vmem>> -> memref<1x8x32xf32, #tpu.memory_space<vmem>>
      %dma_wait3A_1605 = tpu.memref_squeeze %dma_wait3A_1604 : memref<1x8x32xf32, #tpu.memory_space<vmem>> -> memref<8x32xf32, #tpu.memory_space<vmem>>
      %dma_wait3A_1606 = arith.constant 0 : i32
      %dma_wait3A_1607 = arith.constant 0 : i32
      %dma_wait3A_1608 = tpu.memref_slice %arg4[%squeeze3A_369, %dma_wait3A_1606, %dma_wait3A_1607] : memref<125000x8x32xf32, #tpu.memory_space<hbm>> -> memref<1x8x32xf32, #tpu.memory_space<hbm>>
      %dma_wait3A_1609 = tpu.memref_squeeze %dma_wait3A_1608 : memref<1x8x32xf32, #tpu.memory_space<hbm>> -> memref<8x32xf32, #tpu.memory_space<hbm>>
      %dma_wait3A_1610 = arith.constant 0 : i32
      %dma_wait3A_1611 = arith.constant 0 : i32
      %dma_wait3A_1612 = tpu.memref_slice %arg8[%dma_wait3A_1601, %dma_wait3A_1610, %dma_wait3A_1611] : memref<32x8x32xf32, #tpu.memory_space<vmem>> -> memref<1x8x32xf32, #tpu.memory_space<vmem>>
      %dma_wait3A_1613 = tpu.memref_squeeze %dma_wait3A_1612 : memref<1x8x32xf32, #tpu.memory_space<vmem>> -> memref<8x32xf32, #tpu.memory_space<vmem>>
      %dma_wait3A_1614 = arith.constant 0 : i32
      %dma_wait3A_1615 = arith.constant 0 : i32
      %dma_wait3A_1616 = tpu.memref_slice %arg4[%squeeze3A_369, %dma_wait3A_1614, %dma_wait3A_1615] : memref<125000x8x32xf32, #tpu.memory_space<hbm>> -> memref<1x8x32xf32, #tpu.memory_space<hbm>>
      %dma_wait3A_1617 = tpu.memref_squeeze %dma_wait3A_1616 : memref<1x8x32xf32, #tpu.memory_space<hbm>> -> memref<8x32xf32, #tpu.memory_space<hbm>>
      tpu.wait_dma2 semaphore(%arg12 : memref<!tpu.dma_semaphore, #tpu.memory_space<semaphore_mem>>) src(%dma_wait3A_1617 : memref<8x32xf32, #tpu.memory_space<hbm>>) dst(%dma_wait3A_1613 : memref<8x32xf32, #tpu.memory_space<vmem>>)
      %dma_wait3A_1618 = arith.constant 7 : i32
      %dma_wait3A_1619 = arith.constant 0 : i32
      %dma_wait3A_1620 = arith.constant 0 : i32
      %dma_wait3A_1621 = tpu.memref_slice %arg9[%dma_wait3A_1618, %dma_wait3A_1619, %dma_wait3A_1620] : memref<32x8x32xf32, #tpu.memory_space<vmem>> -> memref<1x8x32xf32, #tpu.memory_space<vmem>>
      %dma_wait3A_1622 = tpu.memref_squeeze %dma_wait3A_1621 : memref<1x8x32xf32, #tpu.memory_space<vmem>> -> memref<8x32xf32, #tpu.memory_space<vmem>>
      %dma_wait3A_1623 = arith.constant 0 : i32
      %dma_wait3A_1624 = arith.constant 0 : i32
      %dma_wait3A_1625 = tpu.memref_slice %arg5[%squeeze3A_388, %dma_wait3A_1623, %dma_wait3A_1624] : memref<125000x8x32xf32, #tpu.memory_space<hbm>> -> memref<1x8x32xf32, #tpu.memory_space<hbm>>
      %dma_wait3A_1626 = tpu.memref_squeeze %dma_wait3A_1625 : memref<1x8x32xf32, #tpu.memory_space<hbm>> -> memref<8x32xf32, #tpu.memory_space<hbm>>
      %dma_wait3A_1627 = arith.constant 0 : i32
      %dma_wait3A_1628 = arith.constant 0 : i32
      %dma_wait3A_1629 = tpu.memref_slice %arg9[%dma_wait3A_1618, %dma_wait3A_1627, %dma_wait3A_1628] : memref<32x8x32xf32, #tpu.memory_space<vmem>> -> memref<1x8x32xf32, #tpu.memory_space<vmem>>
      %dma_wait3A_1630 = tpu.memref_squeeze %dma_wait3A_1629 : memref<1x8x32xf32, #tpu.memory_space<vmem>> -> memref<8x32xf32, #tpu.memory_space<vmem>>
      %dma_wait3A_1631 = arith.constant 0 : i32
      %dma_wait3A_1632 = arith.constant 0 : i32
      %dma_wait3A_1633 = tpu.memref_slice %arg5[%squeeze3A_388, %dma_wait3A_1631, %dma_wait3A_1632] : memref<125000x8x32xf32, #tpu.memory_space<hbm>> -> memref<1x8x32xf32, #tpu.memory_space<hbm>>
      %dma_wait3A_1634 = tpu.memref_squeeze %dma_wait3A_1633 : memref<1x8x32xf32, #tpu.memory_space<hbm>> -> memref<8x32xf32, #tpu.memory_space<hbm>>
      tpu.wait_dma2 semaphore(%arg13 : memref<!tpu.dma_semaphore, #tpu.memory_space<semaphore_mem>>) src(%dma_wait3A_1634 : memref<8x32xf32, #tpu.memory_space<hbm>>) dst(%dma_wait3A_1630 : memref<8x32xf32, #tpu.memory_space<vmem>>)
      %dma_wait3A_1635 = arith.constant 8 : i32
      %dma_wait3A_1636 = arith.constant 0 : i32
      %dma_wait3A_1637 = arith.constant 0 : i32
      %dma_wait3A_1638 = tpu.memref_slice %arg8[%dma_wait3A_1635, %dma_wait3A_1636, %dma_wait3A_1637] : memref<32x8x32xf32, #tpu.memory_space<vmem>> -> memref<1x8x32xf32, #tpu.memory_space<vmem>>
      %dma_wait3A_1639 = tpu.memref_squeeze %dma_wait3A_1638 : memref<1x8x32xf32, #tpu.memory_space<vmem>> -> memref<8x32xf32, #tpu.memory_space<vmem>>
      %dma_wait3A_1640 = arith.constant 0 : i32
      %dma_wait3A_1641 = arith.constant 0 : i32
      %dma_wait3A_1642 = tpu.memref_slice %arg4[%squeeze3A_407, %dma_wait3A_1640, %dma_wait3A_1641] : memref<125000x8x32xf32, #tpu.memory_space<hbm>> -> memref<1x8x32xf32, #tpu.memory_space<hbm>>
      %dma_wait3A_1643 = tpu.memref_squeeze %dma_wait3A_1642 : memref<1x8x32xf32, #tpu.memory_space<hbm>> -> memref<8x32xf32, #tpu.memory_space<hbm>>
      %dma_wait3A_1644 = arith.constant 0 : i32
      %dma_wait3A_1645 = arith.constant 0 : i32
      %dma_wait3A_1646 = tpu.memref_slice %arg8[%dma_wait3A_1635, %dma_wait3A_1644, %dma_wait3A_1645] : memref<32x8x32xf32, #tpu.memory_space<vmem>> -> memref<1x8x32xf32, #tpu.memory_space<vmem>>
      %dma_wait3A_1647 = tpu.memref_squeeze %dma_wait3A_1646 : memref<1x8x32xf32, #tpu.memory_space<vmem>> -> memref<8x32xf32, #tpu.memory_space<vmem>>
      %dma_wait3A_1648 = arith.constant 0 : i32
      %dma_wait3A_1649 = arith.constant 0 : i32
      %dma_wait3A_1650 = tpu.memref_slice %arg4[%squeeze3A_407, %dma_wait3A_1648, %dma_wait3A_1649] : memref<125000x8x32xf32, #tpu.memory_space<hbm>> -> memref<1x8x32xf32, #tpu.memory_space<hbm>>
      %dma_wait3A_1651 = tpu.memref_squeeze %dma_wait3A_1650 : memref<1x8x32xf32, #tpu.memory_space<hbm>> -> memref<8x32xf32, #tpu.memory_space<hbm>>
      tpu.wait_dma2 semaphore(%arg12 : memref<!tpu.dma_semaphore, #tpu.memory_space<semaphore_mem>>) src(%dma_wait3A_1651 : memref<8x32xf32, #tpu.memory_space<hbm>>) dst(%dma_wait3A_1647 : memref<8x32xf32, #tpu.memory_space<vmem>>)
      %dma_wait3A_1652 = arith.constant 8 : i32
      %dma_wait3A_1653 = arith.constant 0 : i32
      %dma_wait3A_1654 = arith.constant 0 : i32
      %dma_wait3A_1655 = tpu.memref_slice %arg9[%dma_wait3A_1652, %dma_wait3A_1653, %dma_wait3A_1654] : memref<32x8x32xf32, #tpu.memory_space<vmem>> -> memref<1x8x32xf32, #tpu.memory_space<vmem>>
      %dma_wait3A_1656 = tpu.memref_squeeze %dma_wait3A_1655 : memref<1x8x32xf32, #tpu.memory_space<vmem>> -> memref<8x32xf32, #tpu.memory_space<vmem>>
      %dma_wait3A_1657 = arith.constant 0 : i32
      %dma_wait3A_1658 = arith.constant 0 : i32
      %dma_wait3A_1659 = tpu.memref_slice %arg5[%squeeze3A_426, %dma_wait3A_1657, %dma_wait3A_1658] : memref<125000x8x32xf32, #tpu.memory_space<hbm>> -> memref<1x8x32xf32, #tpu.memory_space<hbm>>
      %dma_wait3A_1660 = tpu.memref_squeeze %dma_wait3A_1659 : memref<1x8x32xf32, #tpu.memory_space<hbm>> -> memref<8x32xf32, #tpu.memory_space<hbm>>
      %dma_wait3A_1661 = arith.constant 0 : i32
      %dma_wait3A_1662 = arith.constant 0 : i32
      %dma_wait3A_1663 = tpu.memref_slice %arg9[%dma_wait3A_1652, %dma_wait3A_1661, %dma_wait3A_1662] : memref<32x8x32xf32, #tpu.memory_space<vmem>> -> memref<1x8x32xf32, #tpu.memory_space<vmem>>
      %dma_wait3A_1664 = tpu.memref_squeeze %dma_wait3A_1663 : memref<1x8x32xf32, #tpu.memory_space<vmem>> -> memref<8x32xf32, #tpu.memory_space<vmem>>
      %dma_wait3A_1665 = arith.constant 0 : i32
      %dma_wait3A_1666 = arith.constant 0 : i32
      %dma_wait3A_1667 = tpu.memref_slice %arg5[%squeeze3A_426, %dma_wait3A_1665, %dma_wait3A_1666] : memref<125000x8x32xf32, #tpu.memory_space<hbm>> -> memref<1x8x32xf32, #tpu.memory_space<hbm>>
      %dma_wait3A_1668 = tpu.memref_squeeze %dma_wait3A_1667 : memref<1x8x32xf32, #tpu.memory_space<hbm>> -> memref<8x32xf32, #tpu.memory_space<hbm>>
      tpu.wait_dma2 semaphore(%arg13 : memref<!tpu.dma_semaphore, #tpu.memory_space<semaphore_mem>>) src(%dma_wait3A_1668 : memref<8x32xf32, #tpu.memory_space<hbm>>) dst(%dma_wait3A_1664 : memref<8x32xf32, #tpu.memory_space<vmem>>)
      %dma_wait3A_1669 = arith.constant 9 : i32
      %dma_wait3A_1670 = arith.constant 0 : i32
      %dma_wait3A_1671 = arith.constant 0 : i32
      %dma_wait3A_1672 = tpu.memref_slice %arg8[%dma_wait3A_1669, %dma_wait3A_1670, %dma_wait3A_1671] : memref<32x8x32xf32, #tpu.memory_space<vmem>> -> memref<1x8x32xf32, #tpu.memory_space<vmem>>
      %dma_wait3A_1673 = tpu.memref_squeeze %dma_wait3A_1672 : memref<1x8x32xf32, #tpu.memory_space<vmem>> -> memref<8x32xf32, #tpu.memory_space<vmem>>
      %dma_wait3A_1674 = arith.constant 0 : i32
      %dma_wait3A_1675 = arith.constant 0 : i32
      %dma_wait3A_1676 = tpu.memref_slice %arg4[%squeeze3A_445, %dma_wait3A_1674, %dma_wait3A_1675] : memref<125000x8x32xf32, #tpu.memory_space<hbm>> -> memref<1x8x32xf32, #tpu.memory_space<hbm>>
      %dma_wait3A_1677 = tpu.memref_squeeze %dma_wait3A_1676 : memref<1x8x32xf32, #tpu.memory_space<hbm>> -> memref<8x32xf32, #tpu.memory_space<hbm>>
      %dma_wait3A_1678 = arith.constant 0 : i32
      %dma_wait3A_1679 = arith.constant 0 : i32
      %dma_wait3A_1680 = tpu.memref_slice %arg8[%dma_wait3A_1669, %dma_wait3A_1678, %dma_wait3A_1679] : memref<32x8x32xf32, #tpu.memory_space<vmem>> -> memref<1x8x32xf32, #tpu.memory_space<vmem>>
      %dma_wait3A_1681 = tpu.memref_squeeze %dma_wait3A_1680 : memref<1x8x32xf32, #tpu.memory_space<vmem>> -> memref<8x32xf32, #tpu.memory_space<vmem>>
      %dma_wait3A_1682 = arith.constant 0 : i32
      %dma_wait3A_1683 = arith.constant 0 : i32
      %dma_wait3A_1684 = tpu.memref_slice %arg4[%squeeze3A_445, %dma_wait3A_1682, %dma_wait3A_1683] : memref<125000x8x32xf32, #tpu.memory_space<hbm>> -> memref<1x8x32xf32, #tpu.memory_space<hbm>>
      %dma_wait3A_1685 = tpu.memref_squeeze %dma_wait3A_1684 : memref<1x8x32xf32, #tpu.memory_space<hbm>> -> memref<8x32xf32, #tpu.memory_space<hbm>>
      tpu.wait_dma2 semaphore(%arg12 : memref<!tpu.dma_semaphore, #tpu.memory_space<semaphore_mem>>) src(%dma_wait3A_1685 : memref<8x32xf32, #tpu.memory_space<hbm>>) dst(%dma_wait3A_1681 : memref<8x32xf32, #tpu.memory_space<vmem>>)
      %dma_wait3A_1686 = arith.constant 9 : i32
      %dma_wait3A_1687 = arith.constant 0 : i32
      %dma_wait3A_1688 = arith.constant 0 : i32
      %dma_wait3A_1689 = tpu.memref_slice %arg9[%dma_wait3A_1686, %dma_wait3A_1687, %dma_wait3A_1688] : memref<32x8x32xf32, #tpu.memory_space<vmem>> -> memref<1x8x32xf32, #tpu.memory_space<vmem>>
      %dma_wait3A_1690 = tpu.memref_squeeze %dma_wait3A_1689 : memref<1x8x32xf32, #tpu.memory_space<vmem>> -> memref<8x32xf32, #tpu.memory_space<vmem>>
      %dma_wait3A_1691 = arith.constant 0 : i32
      %dma_wait3A_1692 = arith.constant 0 : i32
      %dma_wait3A_1693 = tpu.memref_slice %arg5[%squeeze3A_464, %dma_wait3A_1691, %dma_wait3A_1692] : memref<125000x8x32xf32, #tpu.memory_space<hbm>> -> memref<1x8x32xf32, #tpu.memory_space<hbm>>
      %dma_wait3A_1694 = tpu.memref_squeeze %dma_wait3A_1693 : memref<1x8x32xf32, #tpu.memory_space<hbm>> -> memref<8x32xf32, #tpu.memory_space<hbm>>
      %dma_wait3A_1695 = arith.constant 0 : i32
      %dma_wait3A_1696 = arith.constant 0 : i32
      %dma_wait3A_1697 = tpu.memref_slice %arg9[%dma_wait3A_1686, %dma_wait3A_1695, %dma_wait3A_1696] : memref<32x8x32xf32, #tpu.memory_space<vmem>> -> memref<1x8x32xf32, #tpu.memory_space<vmem>>
      %dma_wait3A_1698 = tpu.memref_squeeze %dma_wait3A_1697 : memref<1x8x32xf32, #tpu.memory_space<vmem>> -> memref<8x32xf32, #tpu.memory_space<vmem>>
      %dma_wait3A_1699 = arith.constant 0 : i32
      %dma_wait3A_1700 = arith.constant 0 : i32
      %dma_wait3A_1701 = tpu.memref_slice %arg5[%squeeze3A_464, %dma_wait3A_1699, %dma_wait3A_1700] : memref<125000x8x32xf32, #tpu.memory_space<hbm>> -> memref<1x8x32xf32, #tpu.memory_space<hbm>>
      %dma_wait3A_1702 = tpu.memref_squeeze %dma_wait3A_1701 : memref<1x8x32xf32, #tpu.memory_space<hbm>> -> memref<8x32xf32, #tpu.memory_space<hbm>>
      tpu.wait_dma2 semaphore(%arg13 : memref<!tpu.dma_semaphore, #tpu.memory_space<semaphore_mem>>) src(%dma_wait3A_1702 : memref<8x32xf32, #tpu.memory_space<hbm>>) dst(%dma_wait3A_1698 : memref<8x32xf32, #tpu.memory_space<vmem>>)
      %dma_wait3A_1703 = arith.constant 10 : i32
      %dma_wait3A_1704 = arith.constant 0 : i32
      %dma_wait3A_1705 = arith.constant 0 : i32
      %dma_wait3A_1706 = tpu.memref_slice %arg8[%dma_wait3A_1703, %dma_wait3A_1704, %dma_wait3A_1705] : memref<32x8x32xf32, #tpu.memory_space<vmem>> -> memref<1x8x32xf32, #tpu.memory_space<vmem>>
      %dma_wait3A_1707 = tpu.memref_squeeze %dma_wait3A_1706 : memref<1x8x32xf32, #tpu.memory_space<vmem>> -> memref<8x32xf32, #tpu.memory_space<vmem>>
      %dma_wait3A_1708 = arith.constant 0 : i32
      %dma_wait3A_1709 = arith.constant 0 : i32
      %dma_wait3A_1710 = tpu.memref_slice %arg4[%squeeze3A_483, %dma_wait3A_1708, %dma_wait3A_1709] : memref<125000x8x32xf32, #tpu.memory_space<hbm>> -> memref<1x8x32xf32, #tpu.memory_space<hbm>>
      %dma_wait3A_1711 = tpu.memref_squeeze %dma_wait3A_1710 : memref<1x8x32xf32, #tpu.memory_space<hbm>> -> memref<8x32xf32, #tpu.memory_space<hbm>>
      %dma_wait3A_1712 = arith.constant 0 : i32
      %dma_wait3A_1713 = arith.constant 0 : i32
      %dma_wait3A_1714 = tpu.memref_slice %arg8[%dma_wait3A_1703, %dma_wait3A_1712, %dma_wait3A_1713] : memref<32x8x32xf32, #tpu.memory_space<vmem>> -> memref<1x8x32xf32, #tpu.memory_space<vmem>>
      %dma_wait3A_1715 = tpu.memref_squeeze %dma_wait3A_1714 : memref<1x8x32xf32, #tpu.memory_space<vmem>> -> memref<8x32xf32, #tpu.memory_space<vmem>>
      %dma_wait3A_1716 = arith.constant 0 : i32
      %dma_wait3A_1717 = arith.constant 0 : i32
      %dma_wait3A_1718 = tpu.memref_slice %arg4[%squeeze3A_483, %dma_wait3A_1716, %dma_wait3A_1717] : memref<125000x8x32xf32, #tpu.memory_space<hbm>> -> memref<1x8x32xf32, #tpu.memory_space<hbm>>
      %dma_wait3A_1719 = tpu.memref_squeeze %dma_wait3A_1718 : memref<1x8x32xf32, #tpu.memory_space<hbm>> -> memref<8x32xf32, #tpu.memory_space<hbm>>
      tpu.wait_dma2 semaphore(%arg12 : memref<!tpu.dma_semaphore, #tpu.memory_space<semaphore_mem>>) src(%dma_wait3A_1719 : memref<8x32xf32, #tpu.memory_space<hbm>>) dst(%dma_wait3A_1715 : memref<8x32xf32, #tpu.memory_space<vmem>>)
      %dma_wait3A_1720 = arith.constant 10 : i32
      %dma_wait3A_1721 = arith.constant 0 : i32
      %dma_wait3A_1722 = arith.constant 0 : i32
      %dma_wait3A_1723 = tpu.memref_slice %arg9[%dma_wait3A_1720, %dma_wait3A_1721, %dma_wait3A_1722] : memref<32x8x32xf32, #tpu.memory_space<vmem>> -> memref<1x8x32xf32, #tpu.memory_space<vmem>>
      %dma_wait3A_1724 = tpu.memref_squeeze %dma_wait3A_1723 : memref<1x8x32xf32, #tpu.memory_space<vmem>> -> memref<8x32xf32, #tpu.memory_space<vmem>>
      %dma_wait3A_1725 = arith.constant 0 : i32
      %dma_wait3A_1726 = arith.constant 0 : i32
      %dma_wait3A_1727 = tpu.memref_slice %arg5[%squeeze3A_502, %dma_wait3A_1725, %dma_wait3A_1726] : memref<125000x8x32xf32, #tpu.memory_space<hbm>> -> memref<1x8x32xf32, #tpu.memory_space<hbm>>
      %dma_wait3A_1728 = tpu.memref_squeeze %dma_wait3A_1727 : memref<1x8x32xf32, #tpu.memory_space<hbm>> -> memref<8x32xf32, #tpu.memory_space<hbm>>
      %dma_wait3A_1729 = arith.constant 0 : i32
      %dma_wait3A_1730 = arith.constant 0 : i32
      %dma_wait3A_1731 = tpu.memref_slice %arg9[%dma_wait3A_1720, %dma_wait3A_1729, %dma_wait3A_1730] : memref<32x8x32xf32, #tpu.memory_space<vmem>> -> memref<1x8x32xf32, #tpu.memory_space<vmem>>
      %dma_wait3A_1732 = tpu.memref_squeeze %dma_wait3A_1731 : memref<1x8x32xf32, #tpu.memory_space<vmem>> -> memref<8x32xf32, #tpu.memory_space<vmem>>
      %dma_wait3A_1733 = arith.constant 0 : i32
      %dma_wait3A_1734 = arith.constant 0 : i32
      %dma_wait3A_1735 = tpu.memref_slice %arg5[%squeeze3A_502, %dma_wait3A_1733, %dma_wait3A_1734] : memref<125000x8x32xf32, #tpu.memory_space<hbm>> -> memref<1x8x32xf32, #tpu.memory_space<hbm>>
      %dma_wait3A_1736 = tpu.memref_squeeze %dma_wait3A_1735 : memref<1x8x32xf32, #tpu.memory_space<hbm>> -> memref<8x32xf32, #tpu.memory_space<hbm>>
      tpu.wait_dma2 semaphore(%arg13 : memref<!tpu.dma_semaphore, #tpu.memory_space<semaphore_mem>>) src(%dma_wait3A_1736 : memref<8x32xf32, #tpu.memory_space<hbm>>) dst(%dma_wait3A_1732 : memref<8x32xf32, #tpu.memory_space<vmem>>)
      %dma_wait3A_1737 = arith.constant 11 : i32
      %dma_wait3A_1738 = arith.constant 0 : i32
      %dma_wait3A_1739 = arith.constant 0 : i32
      %dma_wait3A_1740 = tpu.memref_slice %arg8[%dma_wait3A_1737, %dma_wait3A_1738, %dma_wait3A_1739] : memref<32x8x32xf32, #tpu.memory_space<vmem>> -> memref<1x8x32xf32, #tpu.memory_space<vmem>>
      %dma_wait3A_1741 = tpu.memref_squeeze %dma_wait3A_1740 : memref<1x8x32xf32, #tpu.memory_space<vmem>> -> memref<8x32xf32, #tpu.memory_space<vmem>>
      %dma_wait3A_1742 = arith.constant 0 : i32
      %dma_wait3A_1743 = arith.constant 0 : i32
      %dma_wait3A_1744 = tpu.memref_slice %arg4[%squeeze3A_521, %dma_wait3A_1742, %dma_wait3A_1743] : memref<125000x8x32xf32, #tpu.memory_space<hbm>> -> memref<1x8x32xf32, #tpu.memory_space<hbm>>
      %dma_wait3A_1745 = tpu.memref_squeeze %dma_wait3A_1744 : memref<1x8x32xf32, #tpu.memory_space<hbm>> -> memref<8x32xf32, #tpu.memory_space<hbm>>
      %dma_wait3A_1746 = arith.constant 0 : i32
      %dma_wait3A_1747 = arith.constant 0 : i32
      %dma_wait3A_1748 = tpu.memref_slice %arg8[%dma_wait3A_1737, %dma_wait3A_1746, %dma_wait3A_1747] : memref<32x8x32xf32, #tpu.memory_space<vmem>> -> memref<1x8x32xf32, #tpu.memory_space<vmem>>
      %dma_wait3A_1749 = tpu.memref_squeeze %dma_wait3A_1748 : memref<1x8x32xf32, #tpu.memory_space<vmem>> -> memref<8x32xf32, #tpu.memory_space<vmem>>
      %dma_wait3A_1750 = arith.constant 0 : i32
      %dma_wait3A_1751 = arith.constant 0 : i32
      %dma_wait3A_1752 = tpu.memref_slice %arg4[%squeeze3A_521, %dma_wait3A_1750, %dma_wait3A_1751] : memref<125000x8x32xf32, #tpu.memory_space<hbm>> -> memref<1x8x32xf32, #tpu.memory_space<hbm>>
      %dma_wait3A_1753 = tpu.memref_squeeze %dma_wait3A_1752 : memref<1x8x32xf32, #tpu.memory_space<hbm>> -> memref<8x32xf32, #tpu.memory_space<hbm>>
      tpu.wait_dma2 semaphore(%arg12 : memref<!tpu.dma_semaphore, #tpu.memory_space<semaphore_mem>>) src(%dma_wait3A_1753 : memref<8x32xf32, #tpu.memory_space<hbm>>) dst(%dma_wait3A_1749 : memref<8x32xf32, #tpu.memory_space<vmem>>)
      %dma_wait3A_1754 = arith.constant 11 : i32
      %dma_wait3A_1755 = arith.constant 0 : i32
      %dma_wait3A_1756 = arith.constant 0 : i32
      %dma_wait3A_1757 = tpu.memref_slice %arg9[%dma_wait3A_1754, %dma_wait3A_1755, %dma_wait3A_1756] : memref<32x8x32xf32, #tpu.memory_space<vmem>> -> memref<1x8x32xf32, #tpu.memory_space<vmem>>
      %dma_wait3A_1758 = tpu.memref_squeeze %dma_wait3A_1757 : memref<1x8x32xf32, #tpu.memory_space<vmem>> -> memref<8x32xf32, #tpu.memory_space<vmem>>
      %dma_wait3A_1759 = arith.constant 0 : i32
      %dma_wait3A_1760 = arith.constant 0 : i32
      %dma_wait3A_1761 = tpu.memref_slice %arg5[%squeeze3A_540, %dma_wait3A_1759, %dma_wait3A_1760] : memref<125000x8x32xf32, #tpu.memory_space<hbm>> -> memref<1x8x32xf32, #tpu.memory_space<hbm>>
      %dma_wait3A_1762 = tpu.memref_squeeze %dma_wait3A_1761 : memref<1x8x32xf32, #tpu.memory_space<hbm>> -> memref<8x32xf32, #tpu.memory_space<hbm>>
      %dma_wait3A_1763 = arith.constant 0 : i32
      %dma_wait3A_1764 = arith.constant 0 : i32
      %dma_wait3A_1765 = tpu.memref_slice %arg9[%dma_wait3A_1754, %dma_wait3A_1763, %dma_wait3A_1764] : memref<32x8x32xf32, #tpu.memory_space<vmem>> -> memref<1x8x32xf32, #tpu.memory_space<vmem>>
      %dma_wait3A_1766 = tpu.memref_squeeze %dma_wait3A_1765 : memref<1x8x32xf32, #tpu.memory_space<vmem>> -> memref<8x32xf32, #tpu.memory_space<vmem>>
      %dma_wait3A_1767 = arith.constant 0 : i32
      %dma_wait3A_1768 = arith.constant 0 : i32
      %dma_wait3A_1769 = tpu.memref_slice %arg5[%squeeze3A_540, %dma_wait3A_1767, %dma_wait3A_1768] : memref<125000x8x32xf32, #tpu.memory_space<hbm>> -> memref<1x8x32xf32, #tpu.memory_space<hbm>>
      %dma_wait3A_1770 = tpu.memref_squeeze %dma_wait3A_1769 : memref<1x8x32xf32, #tpu.memory_space<hbm>> -> memref<8x32xf32, #tpu.memory_space<hbm>>
      tpu.wait_dma2 semaphore(%arg13 : memref<!tpu.dma_semaphore, #tpu.memory_space<semaphore_mem>>) src(%dma_wait3A_1770 : memref<8x32xf32, #tpu.memory_space<hbm>>) dst(%dma_wait3A_1766 : memref<8x32xf32, #tpu.memory_space<vmem>>)
      %dma_wait3A_1771 = arith.constant 12 : i32
      %dma_wait3A_1772 = arith.constant 0 : i32
      %dma_wait3A_1773 = arith.constant 0 : i32
      %dma_wait3A_1774 = tpu.memref_slice %arg8[%dma_wait3A_1771, %dma_wait3A_1772, %dma_wait3A_1773] : memref<32x8x32xf32, #tpu.memory_space<vmem>> -> memref<1x8x32xf32, #tpu.memory_space<vmem>>
      %dma_wait3A_1775 = tpu.memref_squeeze %dma_wait3A_1774 : memref<1x8x32xf32, #tpu.memory_space<vmem>> -> memref<8x32xf32, #tpu.memory_space<vmem>>
      %dma_wait3A_1776 = arith.constant 0 : i32
      %dma_wait3A_1777 = arith.constant 0 : i32
      %dma_wait3A_1778 = tpu.memref_slice %arg4[%squeeze3A_559, %dma_wait3A_1776, %dma_wait3A_1777] : memref<125000x8x32xf32, #tpu.memory_space<hbm>> -> memref<1x8x32xf32, #tpu.memory_space<hbm>>
      %dma_wait3A_1779 = tpu.memref_squeeze %dma_wait3A_1778 : memref<1x8x32xf32, #tpu.memory_space<hbm>> -> memref<8x32xf32, #tpu.memory_space<hbm>>
      %dma_wait3A_1780 = arith.constant 0 : i32
      %dma_wait3A_1781 = arith.constant 0 : i32
      %dma_wait3A_1782 = tpu.memref_slice %arg8[%dma_wait3A_1771, %dma_wait3A_1780, %dma_wait3A_1781] : memref<32x8x32xf32, #tpu.memory_space<vmem>> -> memref<1x8x32xf32, #tpu.memory_space<vmem>>
      %dma_wait3A_1783 = tpu.memref_squeeze %dma_wait3A_1782 : memref<1x8x32xf32, #tpu.memory_space<vmem>> -> memref<8x32xf32, #tpu.memory_space<vmem>>
      %dma_wait3A_1784 = arith.constant 0 : i32
      %dma_wait3A_1785 = arith.constant 0 : i32
      %dma_wait3A_1786 = tpu.memref_slice %arg4[%squeeze3A_559, %dma_wait3A_1784, %dma_wait3A_1785] : memref<125000x8x32xf32, #tpu.memory_space<hbm>> -> memref<1x8x32xf32, #tpu.memory_space<hbm>>
      %dma_wait3A_1787 = tpu.memref_squeeze %dma_wait3A_1786 : memref<1x8x32xf32, #tpu.memory_space<hbm>> -> memref<8x32xf32, #tpu.memory_space<hbm>>
      tpu.wait_dma2 semaphore(%arg12 : memref<!tpu.dma_semaphore, #tpu.memory_space<semaphore_mem>>) src(%dma_wait3A_1787 : memref<8x32xf32, #tpu.memory_space<hbm>>) dst(%dma_wait3A_1783 : memref<8x32xf32, #tpu.memory_space<vmem>>)
      %dma_wait3A_1788 = arith.constant 12 : i32
      %dma_wait3A_1789 = arith.constant 0 : i32
      %dma_wait3A_1790 = arith.constant 0 : i32
      %dma_wait3A_1791 = tpu.memref_slice %arg9[%dma_wait3A_1788, %dma_wait3A_1789, %dma_wait3A_1790] : memref<32x8x32xf32, #tpu.memory_space<vmem>> -> memref<1x8x32xf32, #tpu.memory_space<vmem>>
      %dma_wait3A_1792 = tpu.memref_squeeze %dma_wait3A_1791 : memref<1x8x32xf32, #tpu.memory_space<vmem>> -> memref<8x32xf32, #tpu.memory_space<vmem>>
      %dma_wait3A_1793 = arith.constant 0 : i32
      %dma_wait3A_1794 = arith.constant 0 : i32
      %dma_wait3A_1795 = tpu.memref_slice %arg5[%squeeze3A_578, %dma_wait3A_1793, %dma_wait3A_1794] : memref<125000x8x32xf32, #tpu.memory_space<hbm>> -> memref<1x8x32xf32, #tpu.memory_space<hbm>>
      %dma_wait3A_1796 = tpu.memref_squeeze %dma_wait3A_1795 : memref<1x8x32xf32, #tpu.memory_space<hbm>> -> memref<8x32xf32, #tpu.memory_space<hbm>>
      %dma_wait3A_1797 = arith.constant 0 : i32
      %dma_wait3A_1798 = arith.constant 0 : i32
      %dma_wait3A_1799 = tpu.memref_slice %arg9[%dma_wait3A_1788, %dma_wait3A_1797, %dma_wait3A_1798] : memref<32x8x32xf32, #tpu.memory_space<vmem>> -> memref<1x8x32xf32, #tpu.memory_space<vmem>>
      %dma_wait3A_1800 = tpu.memref_squeeze %dma_wait3A_1799 : memref<1x8x32xf32, #tpu.memory_space<vmem>> -> memref<8x32xf32, #tpu.memory_space<vmem>>
      %dma_wait3A_1801 = arith.constant 0 : i32
      %dma_wait3A_1802 = arith.constant 0 : i32
      %dma_wait3A_1803 = tpu.memref_slice %arg5[%squeeze3A_578, %dma_wait3A_1801, %dma_wait3A_1802] : memref<125000x8x32xf32, #tpu.memory_space<hbm>> -> memref<1x8x32xf32, #tpu.memory_space<hbm>>
      %dma_wait3A_1804 = tpu.memref_squeeze %dma_wait3A_1803 : memref<1x8x32xf32, #tpu.memory_space<hbm>> -> memref<8x32xf32, #tpu.memory_space<hbm>>
      tpu.wait_dma2 semaphore(%arg13 : memref<!tpu.dma_semaphore, #tpu.memory_space<semaphore_mem>>) src(%dma_wait3A_1804 : memref<8x32xf32, #tpu.memory_space<hbm>>) dst(%dma_wait3A_1800 : memref<8x32xf32, #tpu.memory_space<vmem>>)
      %dma_wait3A_1805 = arith.constant 13 : i32
      %dma_wait3A_1806 = arith.constant 0 : i32
      %dma_wait3A_1807 = arith.constant 0 : i32
      %dma_wait3A_1808 = tpu.memref_slice %arg8[%dma_wait3A_1805, %dma_wait3A_1806, %dma_wait3A_1807] : memref<32x8x32xf32, #tpu.memory_space<vmem>> -> memref<1x8x32xf32, #tpu.memory_space<vmem>>
      %dma_wait3A_1809 = tpu.memref_squeeze %dma_wait3A_1808 : memref<1x8x32xf32, #tpu.memory_space<vmem>> -> memref<8x32xf32, #tpu.memory_space<vmem>>
      %dma_wait3A_1810 = arith.constant 0 : i32
      %dma_wait3A_1811 = arith.constant 0 : i32
      %dma_wait3A_1812 = tpu.memref_slice %arg4[%squeeze3A_597, %dma_wait3A_1810, %dma_wait3A_1811] : memref<125000x8x32xf32, #tpu.memory_space<hbm>> -> memref<1x8x32xf32, #tpu.memory_space<hbm>>
      %dma_wait3A_1813 = tpu.memref_squeeze %dma_wait3A_1812 : memref<1x8x32xf32, #tpu.memory_space<hbm>> -> memref<8x32xf32, #tpu.memory_space<hbm>>
      %dma_wait3A_1814 = arith.constant 0 : i32
      %dma_wait3A_1815 = arith.constant 0 : i32
      %dma_wait3A_1816 = tpu.memref_slice %arg8[%dma_wait3A_1805, %dma_wait3A_1814, %dma_wait3A_1815] : memref<32x8x32xf32, #tpu.memory_space<vmem>> -> memref<1x8x32xf32, #tpu.memory_space<vmem>>
      %dma_wait3A_1817 = tpu.memref_squeeze %dma_wait3A_1816 : memref<1x8x32xf32, #tpu.memory_space<vmem>> -> memref<8x32xf32, #tpu.memory_space<vmem>>
      %dma_wait3A_1818 = arith.constant 0 : i32
      %dma_wait3A_1819 = arith.constant 0 : i32
      %dma_wait3A_1820 = tpu.memref_slice %arg4[%squeeze3A_597, %dma_wait3A_1818, %dma_wait3A_1819] : memref<125000x8x32xf32, #tpu.memory_space<hbm>> -> memref<1x8x32xf32, #tpu.memory_space<hbm>>
      %dma_wait3A_1821 = tpu.memref_squeeze %dma_wait3A_1820 : memref<1x8x32xf32, #tpu.memory_space<hbm>> -> memref<8x32xf32, #tpu.memory_space<hbm>>
      tpu.wait_dma2 semaphore(%arg12 : memref<!tpu.dma_semaphore, #tpu.memory_space<semaphore_mem>>) src(%dma_wait3A_1821 : memref<8x32xf32, #tpu.memory_space<hbm>>) dst(%dma_wait3A_1817 : memref<8x32xf32, #tpu.memory_space<vmem>>)
      %dma_wait3A_1822 = arith.constant 13 : i32
      %dma_wait3A_1823 = arith.constant 0 : i32
      %dma_wait3A_1824 = arith.constant 0 : i32
      %dma_wait3A_1825 = tpu.memref_slice %arg9[%dma_wait3A_1822, %dma_wait3A_1823, %dma_wait3A_1824] : memref<32x8x32xf32, #tpu.memory_space<vmem>> -> memref<1x8x32xf32, #tpu.memory_space<vmem>>
      %dma_wait3A_1826 = tpu.memref_squeeze %dma_wait3A_1825 : memref<1x8x32xf32, #tpu.memory_space<vmem>> -> memref<8x32xf32, #tpu.memory_space<vmem>>
      %dma_wait3A_1827 = arith.constant 0 : i32
      %dma_wait3A_1828 = arith.constant 0 : i32
      %dma_wait3A_1829 = tpu.memref_slice %arg5[%squeeze3A_616, %dma_wait3A_1827, %dma_wait3A_1828] : memref<125000x8x32xf32, #tpu.memory_space<hbm>> -> memref<1x8x32xf32, #tpu.memory_space<hbm>>
      %dma_wait3A_1830 = tpu.memref_squeeze %dma_wait3A_1829 : memref<1x8x32xf32, #tpu.memory_space<hbm>> -> memref<8x32xf32, #tpu.memory_space<hbm>>
      %dma_wait3A_1831 = arith.constant 0 : i32
      %dma_wait3A_1832 = arith.constant 0 : i32
      %dma_wait3A_1833 = tpu.memref_slice %arg9[%dma_wait3A_1822, %dma_wait3A_1831, %dma_wait3A_1832] : memref<32x8x32xf32, #tpu.memory_space<vmem>> -> memref<1x8x32xf32, #tpu.memory_space<vmem>>
      %dma_wait3A_1834 = tpu.memref_squeeze %dma_wait3A_1833 : memref<1x8x32xf32, #tpu.memory_space<vmem>> -> memref<8x32xf32, #tpu.memory_space<vmem>>
      %dma_wait3A_1835 = arith.constant 0 : i32
      %dma_wait3A_1836 = arith.constant 0 : i32
      %dma_wait3A_1837 = tpu.memref_slice %arg5[%squeeze3A_616, %dma_wait3A_1835, %dma_wait3A_1836] : memref<125000x8x32xf32, #tpu.memory_space<hbm>> -> memref<1x8x32xf32, #tpu.memory_space<hbm>>
      %dma_wait3A_1838 = tpu.memref_squeeze %dma_wait3A_1837 : memref<1x8x32xf32, #tpu.memory_space<hbm>> -> memref<8x32xf32, #tpu.memory_space<hbm>>
      tpu.wait_dma2 semaphore(%arg13 : memref<!tpu.dma_semaphore, #tpu.memory_space<semaphore_mem>>) src(%dma_wait3A_1838 : memref<8x32xf32, #tpu.memory_space<hbm>>) dst(%dma_wait3A_1834 : memref<8x32xf32, #tpu.memory_space<vmem>>)
      %dma_wait3A_1839 = arith.constant 14 : i32
      %dma_wait3A_1840 = arith.constant 0 : i32
      %dma_wait3A_1841 = arith.constant 0 : i32
      %dma_wait3A_1842 = tpu.memref_slice %arg8[%dma_wait3A_1839, %dma_wait3A_1840, %dma_wait3A_1841] : memref<32x8x32xf32, #tpu.memory_space<vmem>> -> memref<1x8x32xf32, #tpu.memory_space<vmem>>
      %dma_wait3A_1843 = tpu.memref_squeeze %dma_wait3A_1842 : memref<1x8x32xf32, #tpu.memory_space<vmem>> -> memref<8x32xf32, #tpu.memory_space<vmem>>
      %dma_wait3A_1844 = arith.constant 0 : i32
      %dma_wait3A_1845 = arith.constant 0 : i32
      %dma_wait3A_1846 = tpu.memref_slice %arg4[%squeeze3A_635, %dma_wait3A_1844, %dma_wait3A_1845] : memref<125000x8x32xf32, #tpu.memory_space<hbm>> -> memref<1x8x32xf32, #tpu.memory_space<hbm>>
      %dma_wait3A_1847 = tpu.memref_squeeze %dma_wait3A_1846 : memref<1x8x32xf32, #tpu.memory_space<hbm>> -> memref<8x32xf32, #tpu.memory_space<hbm>>
      %dma_wait3A_1848 = arith.constant 0 : i32
      %dma_wait3A_1849 = arith.constant 0 : i32
      %dma_wait3A_1850 = tpu.memref_slice %arg8[%dma_wait3A_1839, %dma_wait3A_1848, %dma_wait3A_1849] : memref<32x8x32xf32, #tpu.memory_space<vmem>> -> memref<1x8x32xf32, #tpu.memory_space<vmem>>
      %dma_wait3A_1851 = tpu.memref_squeeze %dma_wait3A_1850 : memref<1x8x32xf32, #tpu.memory_space<vmem>> -> memref<8x32xf32, #tpu.memory_space<vmem>>
      %dma_wait3A_1852 = arith.constant 0 : i32
      %dma_wait3A_1853 = arith.constant 0 : i32
      %dma_wait3A_1854 = tpu.memref_slice %arg4[%squeeze3A_635, %dma_wait3A_1852, %dma_wait3A_1853] : memref<125000x8x32xf32, #tpu.memory_space<hbm>> -> memref<1x8x32xf32, #tpu.memory_space<hbm>>
      %dma_wait3A_1855 = tpu.memref_squeeze %dma_wait3A_1854 : memref<1x8x32xf32, #tpu.memory_space<hbm>> -> memref<8x32xf32, #tpu.memory_space<hbm>>
      tpu.wait_dma2 semaphore(%arg12 : memref<!tpu.dma_semaphore, #tpu.memory_space<semaphore_mem>>) src(%dma_wait3A_1855 : memref<8x32xf32, #tpu.memory_space<hbm>>) dst(%dma_wait3A_1851 : memref<8x32xf32, #tpu.memory_space<vmem>>)
      %dma_wait3A_1856 = arith.constant 14 : i32
      %dma_wait3A_1857 = arith.constant 0 : i32
      %dma_wait3A_1858 = arith.constant 0 : i32
      %dma_wait3A_1859 = tpu.memref_slice %arg9[%dma_wait3A_1856, %dma_wait3A_1857, %dma_wait3A_1858] : memref<32x8x32xf32, #tpu.memory_space<vmem>> -> memref<1x8x32xf32, #tpu.memory_space<vmem>>
      %dma_wait3A_1860 = tpu.memref_squeeze %dma_wait3A_1859 : memref<1x8x32xf32, #tpu.memory_space<vmem>> -> memref<8x32xf32, #tpu.memory_space<vmem>>
      %dma_wait3A_1861 = arith.constant 0 : i32
      %dma_wait3A_1862 = arith.constant 0 : i32
      %dma_wait3A_1863 = tpu.memref_slice %arg5[%squeeze3A_654, %dma_wait3A_1861, %dma_wait3A_1862] : memref<125000x8x32xf32, #tpu.memory_space<hbm>> -> memref<1x8x32xf32, #tpu.memory_space<hbm>>
      %dma_wait3A_1864 = tpu.memref_squeeze %dma_wait3A_1863 : memref<1x8x32xf32, #tpu.memory_space<hbm>> -> memref<8x32xf32, #tpu.memory_space<hbm>>
      %dma_wait3A_1865 = arith.constant 0 : i32
      %dma_wait3A_1866 = arith.constant 0 : i32
      %dma_wait3A_1867 = tpu.memref_slice %arg9[%dma_wait3A_1856, %dma_wait3A_1865, %dma_wait3A_1866] : memref<32x8x32xf32, #tpu.memory_space<vmem>> -> memref<1x8x32xf32, #tpu.memory_space<vmem>>
      %dma_wait3A_1868 = tpu.memref_squeeze %dma_wait3A_1867 : memref<1x8x32xf32, #tpu.memory_space<vmem>> -> memref<8x32xf32, #tpu.memory_space<vmem>>
      %dma_wait3A_1869 = arith.constant 0 : i32
      %dma_wait3A_1870 = arith.constant 0 : i32
      %dma_wait3A_1871 = tpu.memref_slice %arg5[%squeeze3A_654, %dma_wait3A_1869, %dma_wait3A_1870] : memref<125000x8x32xf32, #tpu.memory_space<hbm>> -> memref<1x8x32xf32, #tpu.memory_space<hbm>>
      %dma_wait3A_1872 = tpu.memref_squeeze %dma_wait3A_1871 : memref<1x8x32xf32, #tpu.memory_space<hbm>> -> memref<8x32xf32, #tpu.memory_space<hbm>>
      tpu.wait_dma2 semaphore(%arg13 : memref<!tpu.dma_semaphore, #tpu.memory_space<semaphore_mem>>) src(%dma_wait3A_1872 : memref<8x32xf32, #tpu.memory_space<hbm>>) dst(%dma_wait3A_1868 : memref<8x32xf32, #tpu.memory_space<vmem>>)
      %dma_wait3A_1873 = arith.constant 15 : i32
      %dma_wait3A_1874 = arith.constant 0 : i32
      %dma_wait3A_1875 = arith.constant 0 : i32
      %dma_wait3A_1876 = tpu.memref_slice %arg8[%dma_wait3A_1873, %dma_wait3A_1874, %dma_wait3A_1875] : memref<32x8x32xf32, #tpu.memory_space<vmem>> -> memref<1x8x32xf32, #tpu.memory_space<vmem>>
      %dma_wait3A_1877 = tpu.memref_squeeze %dma_wait3A_1876 : memref<1x8x32xf32, #tpu.memory_space<vmem>> -> memref<8x32xf32, #tpu.memory_space<vmem>>
      %dma_wait3A_1878 = arith.constant 0 : i32
      %dma_wait3A_1879 = arith.constant 0 : i32
      %dma_wait3A_1880 = tpu.memref_slice %arg4[%squeeze3A_673, %dma_wait3A_1878, %dma_wait3A_1879] : memref<125000x8x32xf32, #tpu.memory_space<hbm>> -> memref<1x8x32xf32, #tpu.memory_space<hbm>>
      %dma_wait3A_1881 = tpu.memref_squeeze %dma_wait3A_1880 : memref<1x8x32xf32, #tpu.memory_space<hbm>> -> memref<8x32xf32, #tpu.memory_space<hbm>>
      %dma_wait3A_1882 = arith.constant 0 : i32
      %dma_wait3A_1883 = arith.constant 0 : i32
      %dma_wait3A_1884 = tpu.memref_slice %arg8[%dma_wait3A_1873, %dma_wait3A_1882, %dma_wait3A_1883] : memref<32x8x32xf32, #tpu.memory_space<vmem>> -> memref<1x8x32xf32, #tpu.memory_space<vmem>>
      %dma_wait3A_1885 = tpu.memref_squeeze %dma_wait3A_1884 : memref<1x8x32xf32, #tpu.memory_space<vmem>> -> memref<8x32xf32, #tpu.memory_space<vmem>>
      %dma_wait3A_1886 = arith.constant 0 : i32
      %dma_wait3A_1887 = arith.constant 0 : i32
      %dma_wait3A_1888 = tpu.memref_slice %arg4[%squeeze3A_673, %dma_wait3A_1886, %dma_wait3A_1887] : memref<125000x8x32xf32, #tpu.memory_space<hbm>> -> memref<1x8x32xf32, #tpu.memory_space<hbm>>
      %dma_wait3A_1889 = tpu.memref_squeeze %dma_wait3A_1888 : memref<1x8x32xf32, #tpu.memory_space<hbm>> -> memref<8x32xf32, #tpu.memory_space<hbm>>
      tpu.wait_dma2 semaphore(%arg12 : memref<!tpu.dma_semaphore, #tpu.memory_space<semaphore_mem>>) src(%dma_wait3A_1889 : memref<8x32xf32, #tpu.memory_space<hbm>>) dst(%dma_wait3A_1885 : memref<8x32xf32, #tpu.memory_space<vmem>>)
      %dma_wait3A_1890 = arith.constant 15 : i32
      %dma_wait3A_1891 = arith.constant 0 : i32
      %dma_wait3A_1892 = arith.constant 0 : i32
      %dma_wait3A_1893 = tpu.memref_slice %arg9[%dma_wait3A_1890, %dma_wait3A_1891, %dma_wait3A_1892] : memref<32x8x32xf32, #tpu.memory_space<vmem>> -> memref<1x8x32xf32, #tpu.memory_space<vmem>>
      %dma_wait3A_1894 = tpu.memref_squeeze %dma_wait3A_1893 : memref<1x8x32xf32, #tpu.memory_space<vmem>> -> memref<8x32xf32, #tpu.memory_space<vmem>>
      %dma_wait3A_1895 = arith.constant 0 : i32
      %dma_wait3A_1896 = arith.constant 0 : i32
      %dma_wait3A_1897 = tpu.memref_slice %arg5[%squeeze3A_692, %dma_wait3A_1895, %dma_wait3A_1896] : memref<125000x8x32xf32, #tpu.memory_space<hbm>> -> memref<1x8x32xf32, #tpu.memory_space<hbm>>
      %dma_wait3A_1898 = tpu.memref_squeeze %dma_wait3A_1897 : memref<1x8x32xf32, #tpu.memory_space<hbm>> -> memref<8x32xf32, #tpu.memory_space<hbm>>
      %dma_wait3A_1899 = arith.constant 0 : i32
      %dma_wait3A_1900 = arith.constant 0 : i32
      %dma_wait3A_1901 = tpu.memref_slice %arg9[%dma_wait3A_1890, %dma_wait3A_1899, %dma_wait3A_1900] : memref<32x8x32xf32, #tpu.memory_space<vmem>> -> memref<1x8x32xf32, #tpu.memory_space<vmem>>
      %dma_wait3A_1902 = tpu.memref_squeeze %dma_wait3A_1901 : memref<1x8x32xf32, #tpu.memory_space<vmem>> -> memref<8x32xf32, #tpu.memory_space<vmem>>
      %dma_wait3A_1903 = arith.constant 0 : i32
      %dma_wait3A_1904 = arith.constant 0 : i32
      %dma_wait3A_1905 = tpu.memref_slice %arg5[%squeeze3A_692, %dma_wait3A_1903, %dma_wait3A_1904] : memref<125000x8x32xf32, #tpu.memory_space<hbm>> -> memref<1x8x32xf32, #tpu.memory_space<hbm>>
      %dma_wait3A_1906 = tpu.memref_squeeze %dma_wait3A_1905 : memref<1x8x32xf32, #tpu.memory_space<hbm>> -> memref<8x32xf32, #tpu.memory_space<hbm>>
      tpu.wait_dma2 semaphore(%arg13 : memref<!tpu.dma_semaphore, #tpu.memory_space<semaphore_mem>>) src(%dma_wait3A_1906 : memref<8x32xf32, #tpu.memory_space<hbm>>) dst(%dma_wait3A_1902 : memref<8x32xf32, #tpu.memory_space<vmem>>)
      %dma_wait3A_1907 = arith.constant 16 : i32
      %dma_wait3A_1908 = arith.constant 0 : i32
      %dma_wait3A_1909 = arith.constant 0 : i32
      %dma_wait3A_1910 = tpu.memref_slice %arg8[%dma_wait3A_1907, %dma_wait3A_1908, %dma_wait3A_1909] : memref<32x8x32xf32, #tpu.memory_space<vmem>> -> memref<1x8x32xf32, #tpu.memory_space<vmem>>
      %dma_wait3A_1911 = tpu.memref_squeeze %dma_wait3A_1910 : memref<1x8x32xf32, #tpu.memory_space<vmem>> -> memref<8x32xf32, #tpu.memory_space<vmem>>
      %dma_wait3A_1912 = arith.constant 0 : i32
      %dma_wait3A_1913 = arith.constant 0 : i32
      %dma_wait3A_1914 = tpu.memref_slice %arg4[%squeeze3A_757, %dma_wait3A_1912, %dma_wait3A_1913] : memref<125000x8x32xf32, #tpu.memory_space<hbm>> -> memref<1x8x32xf32, #tpu.memory_space<hbm>>
      %dma_wait3A_1915 = tpu.memref_squeeze %dma_wait3A_1914 : memref<1x8x32xf32, #tpu.memory_space<hbm>> -> memref<8x32xf32, #tpu.memory_space<hbm>>
      %dma_wait3A_1916 = arith.constant 0 : i32
      %dma_wait3A_1917 = arith.constant 0 : i32
      %dma_wait3A_1918 = tpu.memref_slice %arg8[%dma_wait3A_1907, %dma_wait3A_1916, %dma_wait3A_1917] : memref<32x8x32xf32, #tpu.memory_space<vmem>> -> memref<1x8x32xf32, #tpu.memory_space<vmem>>
      %dma_wait3A_1919 = tpu.memref_squeeze %dma_wait3A_1918 : memref<1x8x32xf32, #tpu.memory_space<vmem>> -> memref<8x32xf32, #tpu.memory_space<vmem>>
      %dma_wait3A_1920 = arith.constant 0 : i32
      %dma_wait3A_1921 = arith.constant 0 : i32
      %dma_wait3A_1922 = tpu.memref_slice %arg4[%squeeze3A_757, %dma_wait3A_1920, %dma_wait3A_1921] : memref<125000x8x32xf32, #tpu.memory_space<hbm>> -> memref<1x8x32xf32, #tpu.memory_space<hbm>>
      %dma_wait3A_1923 = tpu.memref_squeeze %dma_wait3A_1922 : memref<1x8x32xf32, #tpu.memory_space<hbm>> -> memref<8x32xf32, #tpu.memory_space<hbm>>
      tpu.wait_dma2 semaphore(%arg12 : memref<!tpu.dma_semaphore, #tpu.memory_space<semaphore_mem>>) src(%dma_wait3A_1923 : memref<8x32xf32, #tpu.memory_space<hbm>>) dst(%dma_wait3A_1919 : memref<8x32xf32, #tpu.memory_space<vmem>>)
      %dma_wait3A_1924 = arith.constant 16 : i32
      %dma_wait3A_1925 = arith.constant 0 : i32
      %dma_wait3A_1926 = arith.constant 0 : i32
      %dma_wait3A_1927 = tpu.memref_slice %arg9[%dma_wait3A_1924, %dma_wait3A_1925, %dma_wait3A_1926] : memref<32x8x32xf32, #tpu.memory_space<vmem>> -> memref<1x8x32xf32, #tpu.memory_space<vmem>>
      %dma_wait3A_1928 = tpu.memref_squeeze %dma_wait3A_1927 : memref<1x8x32xf32, #tpu.memory_space<vmem>> -> memref<8x32xf32, #tpu.memory_space<vmem>>
      %dma_wait3A_1929 = arith.constant 0 : i32
      %dma_wait3A_1930 = arith.constant 0 : i32
      %dma_wait3A_1931 = tpu.memref_slice %arg5[%squeeze3A_776, %dma_wait3A_1929, %dma_wait3A_1930] : memref<125000x8x32xf32, #tpu.memory_space<hbm>> -> memref<1x8x32xf32, #tpu.memory_space<hbm>>
      %dma_wait3A_1932 = tpu.memref_squeeze %dma_wait3A_1931 : memref<1x8x32xf32, #tpu.memory_space<hbm>> -> memref<8x32xf32, #tpu.memory_space<hbm>>
      %dma_wait3A_1933 = arith.constant 0 : i32
      %dma_wait3A_1934 = arith.constant 0 : i32
      %dma_wait3A_1935 = tpu.memref_slice %arg9[%dma_wait3A_1924, %dma_wait3A_1933, %dma_wait3A_1934] : memref<32x8x32xf32, #tpu.memory_space<vmem>> -> memref<1x8x32xf32, #tpu.memory_space<vmem>>
      %dma_wait3A_1936 = tpu.memref_squeeze %dma_wait3A_1935 : memref<1x8x32xf32, #tpu.memory_space<vmem>> -> memref<8x32xf32, #tpu.memory_space<vmem>>
      %dma_wait3A_1937 = arith.constant 0 : i32
      %dma_wait3A_1938 = arith.constant 0 : i32
      %dma_wait3A_1939 = tpu.memref_slice %arg5[%squeeze3A_776, %dma_wait3A_1937, %dma_wait3A_1938] : memref<125000x8x32xf32, #tpu.memory_space<hbm>> -> memref<1x8x32xf32, #tpu.memory_space<hbm>>
      %dma_wait3A_1940 = tpu.memref_squeeze %dma_wait3A_1939 : memref<1x8x32xf32, #tpu.memory_space<hbm>> -> memref<8x32xf32, #tpu.memory_space<hbm>>
      tpu.wait_dma2 semaphore(%arg13 : memref<!tpu.dma_semaphore, #tpu.memory_space<semaphore_mem>>) src(%dma_wait3A_1940 : memref<8x32xf32, #tpu.memory_space<hbm>>) dst(%dma_wait3A_1936 : memref<8x32xf32, #tpu.memory_space<vmem>>)
      %dma_wait3A_1941 = arith.constant 17 : i32
      %dma_wait3A_1942 = arith.constant 0 : i32
      %dma_wait3A_1943 = arith.constant 0 : i32
      %dma_wait3A_1944 = tpu.memref_slice %arg8[%dma_wait3A_1941, %dma_wait3A_1942, %dma_wait3A_1943] : memref<32x8x32xf32, #tpu.memory_space<vmem>> -> memref<1x8x32xf32, #tpu.memory_space<vmem>>
      %dma_wait3A_1945 = tpu.memref_squeeze %dma_wait3A_1944 : memref<1x8x32xf32, #tpu.memory_space<vmem>> -> memref<8x32xf32, #tpu.memory_space<vmem>>
      %dma_wait3A_1946 = arith.constant 0 : i32
      %dma_wait3A_1947 = arith.constant 0 : i32
      %dma_wait3A_1948 = tpu.memref_slice %arg4[%squeeze3A_795, %dma_wait3A_1946, %dma_wait3A_1947] : memref<125000x8x32xf32, #tpu.memory_space<hbm>> -> memref<1x8x32xf32, #tpu.memory_space<hbm>>
      %dma_wait3A_1949 = tpu.memref_squeeze %dma_wait3A_1948 : memref<1x8x32xf32, #tpu.memory_space<hbm>> -> memref<8x32xf32, #tpu.memory_space<hbm>>
      %dma_wait3A_1950 = arith.constant 0 : i32
      %dma_wait3A_1951 = arith.constant 0 : i32
      %dma_wait3A_1952 = tpu.memref_slice %arg8[%dma_wait3A_1941, %dma_wait3A_1950, %dma_wait3A_1951] : memref<32x8x32xf32, #tpu.memory_space<vmem>> -> memref<1x8x32xf32, #tpu.memory_space<vmem>>
      %dma_wait3A_1953 = tpu.memref_squeeze %dma_wait3A_1952 : memref<1x8x32xf32, #tpu.memory_space<vmem>> -> memref<8x32xf32, #tpu.memory_space<vmem>>
      %dma_wait3A_1954 = arith.constant 0 : i32
      %dma_wait3A_1955 = arith.constant 0 : i32
      %dma_wait3A_1956 = tpu.memref_slice %arg4[%squeeze3A_795, %dma_wait3A_1954, %dma_wait3A_1955] : memref<125000x8x32xf32, #tpu.memory_space<hbm>> -> memref<1x8x32xf32, #tpu.memory_space<hbm>>
      %dma_wait3A_1957 = tpu.memref_squeeze %dma_wait3A_1956 : memref<1x8x32xf32, #tpu.memory_space<hbm>> -> memref<8x32xf32, #tpu.memory_space<hbm>>
      tpu.wait_dma2 semaphore(%arg12 : memref<!tpu.dma_semaphore, #tpu.memory_space<semaphore_mem>>) src(%dma_wait3A_1957 : memref<8x32xf32, #tpu.memory_space<hbm>>) dst(%dma_wait3A_1953 : memref<8x32xf32, #tpu.memory_space<vmem>>)
      %dma_wait3A_1958 = arith.constant 17 : i32
      %dma_wait3A_1959 = arith.constant 0 : i32
      %dma_wait3A_1960 = arith.constant 0 : i32
      %dma_wait3A_1961 = tpu.memref_slice %arg9[%dma_wait3A_1958, %dma_wait3A_1959, %dma_wait3A_1960] : memref<32x8x32xf32, #tpu.memory_space<vmem>> -> memref<1x8x32xf32, #tpu.memory_space<vmem>>
      %dma_wait3A_1962 = tpu.memref_squeeze %dma_wait3A_1961 : memref<1x8x32xf32, #tpu.memory_space<vmem>> -> memref<8x32xf32, #tpu.memory_space<vmem>>
      %dma_wait3A_1963 = arith.constant 0 : i32
      %dma_wait3A_1964 = arith.constant 0 : i32
      %dma_wait3A_1965 = tpu.memref_slice %arg5[%squeeze3A_814, %dma_wait3A_1963, %dma_wait3A_1964] : memref<125000x8x32xf32, #tpu.memory_space<hbm>> -> memref<1x8x32xf32, #tpu.memory_space<hbm>>
      %dma_wait3A_1966 = tpu.memref_squeeze %dma_wait3A_1965 : memref<1x8x32xf32, #tpu.memory_space<hbm>> -> memref<8x32xf32, #tpu.memory_space<hbm>>
      %dma_wait3A_1967 = arith.constant 0 : i32
      %dma_wait3A_1968 = arith.constant 0 : i32
      %dma_wait3A_1969 = tpu.memref_slice %arg9[%dma_wait3A_1958, %dma_wait3A_1967, %dma_wait3A_1968] : memref<32x8x32xf32, #tpu.memory_space<vmem>> -> memref<1x8x32xf32, #tpu.memory_space<vmem>>
      %dma_wait3A_1970 = tpu.memref_squeeze %dma_wait3A_1969 : memref<1x8x32xf32, #tpu.memory_space<vmem>> -> memref<8x32xf32, #tpu.memory_space<vmem>>
      %dma_wait3A_1971 = arith.constant 0 : i32
      %dma_wait3A_1972 = arith.constant 0 : i32
      %dma_wait3A_1973 = tpu.memref_slice %arg5[%squeeze3A_814, %dma_wait3A_1971, %dma_wait3A_1972] : memref<125000x8x32xf32, #tpu.memory_space<hbm>> -> memref<1x8x32xf32, #tpu.memory_space<hbm>>
      %dma_wait3A_1974 = tpu.memref_squeeze %dma_wait3A_1973 : memref<1x8x32xf32, #tpu.memory_space<hbm>> -> memref<8x32xf32, #tpu.memory_space<hbm>>
      tpu.wait_dma2 semaphore(%arg13 : memref<!tpu.dma_semaphore, #tpu.memory_space<semaphore_mem>>) src(%dma_wait3A_1974 : memref<8x32xf32, #tpu.memory_space<hbm>>) dst(%dma_wait3A_1970 : memref<8x32xf32, #tpu.memory_space<vmem>>)
      %dma_wait3A_1975 = arith.constant 18 : i32
      %dma_wait3A_1976 = arith.constant 0 : i32
      %dma_wait3A_1977 = arith.constant 0 : i32
      %dma_wait3A_1978 = tpu.memref_slice %arg8[%dma_wait3A_1975, %dma_wait3A_1976, %dma_wait3A_1977] : memref<32x8x32xf32, #tpu.memory_space<vmem>> -> memref<1x8x32xf32, #tpu.memory_space<vmem>>
      %dma_wait3A_1979 = tpu.memref_squeeze %dma_wait3A_1978 : memref<1x8x32xf32, #tpu.memory_space<vmem>> -> memref<8x32xf32, #tpu.memory_space<vmem>>
      %dma_wait3A_1980 = arith.constant 0 : i32
      %dma_wait3A_1981 = arith.constant 0 : i32
      %dma_wait3A_1982 = tpu.memref_slice %arg4[%squeeze3A_833, %dma_wait3A_1980, %dma_wait3A_1981] : memref<125000x8x32xf32, #tpu.memory_space<hbm>> -> memref<1x8x32xf32, #tpu.memory_space<hbm>>
      %dma_wait3A_1983 = tpu.memref_squeeze %dma_wait3A_1982 : memref<1x8x32xf32, #tpu.memory_space<hbm>> -> memref<8x32xf32, #tpu.memory_space<hbm>>
      %dma_wait3A_1984 = arith.constant 0 : i32
      %dma_wait3A_1985 = arith.constant 0 : i32
      %dma_wait3A_1986 = tpu.memref_slice %arg8[%dma_wait3A_1975, %dma_wait3A_1984, %dma_wait3A_1985] : memref<32x8x32xf32, #tpu.memory_space<vmem>> -> memref<1x8x32xf32, #tpu.memory_space<vmem>>
      %dma_wait3A_1987 = tpu.memref_squeeze %dma_wait3A_1986 : memref<1x8x32xf32, #tpu.memory_space<vmem>> -> memref<8x32xf32, #tpu.memory_space<vmem>>
      %dma_wait3A_1988 = arith.constant 0 : i32
      %dma_wait3A_1989 = arith.constant 0 : i32
      %dma_wait3A_1990 = tpu.memref_slice %arg4[%squeeze3A_833, %dma_wait3A_1988, %dma_wait3A_1989] : memref<125000x8x32xf32, #tpu.memory_space<hbm>> -> memref<1x8x32xf32, #tpu.memory_space<hbm>>
      %dma_wait3A_1991 = tpu.memref_squeeze %dma_wait3A_1990 : memref<1x8x32xf32, #tpu.memory_space<hbm>> -> memref<8x32xf32, #tpu.memory_space<hbm>>
      tpu.wait_dma2 semaphore(%arg12 : memref<!tpu.dma_semaphore, #tpu.memory_space<semaphore_mem>>) src(%dma_wait3A_1991 : memref<8x32xf32, #tpu.memory_space<hbm>>) dst(%dma_wait3A_1987 : memref<8x32xf32, #tpu.memory_space<vmem>>)
      %dma_wait3A_1992 = arith.constant 18 : i32
      %dma_wait3A_1993 = arith.constant 0 : i32
      %dma_wait3A_1994 = arith.constant 0 : i32
      %dma_wait3A_1995 = tpu.memref_slice %arg9[%dma_wait3A_1992, %dma_wait3A_1993, %dma_wait3A_1994] : memref<32x8x32xf32, #tpu.memory_space<vmem>> -> memref<1x8x32xf32, #tpu.memory_space<vmem>>
      %dma_wait3A_1996 = tpu.memref_squeeze %dma_wait3A_1995 : memref<1x8x32xf32, #tpu.memory_space<vmem>> -> memref<8x32xf32, #tpu.memory_space<vmem>>
      %dma_wait3A_1997 = arith.constant 0 : i32
      %dma_wait3A_1998 = arith.constant 0 : i32
      %dma_wait3A_1999 = tpu.memref_slice %arg5[%squeeze3A_852, %dma_wait3A_1997, %dma_wait3A_1998] : memref<125000x8x32xf32, #tpu.memory_space<hbm>> -> memref<1x8x32xf32, #tpu.memory_space<hbm>>
      %dma_wait3A_2000 = tpu.memref_squeeze %dma_wait3A_1999 : memref<1x8x32xf32, #tpu.memory_space<hbm>> -> memref<8x32xf32, #tpu.memory_space<hbm>>
      %dma_wait3A_2001 = arith.constant 0 : i32
      %dma_wait3A_2002 = arith.constant 0 : i32
      %dma_wait3A_2003 = tpu.memref_slice %arg9[%dma_wait3A_1992, %dma_wait3A_2001, %dma_wait3A_2002] : memref<32x8x32xf32, #tpu.memory_space<vmem>> -> memref<1x8x32xf32, #tpu.memory_space<vmem>>
      %dma_wait3A_2004 = tpu.memref_squeeze %dma_wait3A_2003 : memref<1x8x32xf32, #tpu.memory_space<vmem>> -> memref<8x32xf32, #tpu.memory_space<vmem>>
      %dma_wait3A_2005 = arith.constant 0 : i32
      %dma_wait3A_2006 = arith.constant 0 : i32
      %dma_wait3A_2007 = tpu.memref_slice %arg5[%squeeze3A_852, %dma_wait3A_2005, %dma_wait3A_2006] : memref<125000x8x32xf32, #tpu.memory_space<hbm>> -> memref<1x8x32xf32, #tpu.memory_space<hbm>>
      %dma_wait3A_2008 = tpu.memref_squeeze %dma_wait3A_2007 : memref<1x8x32xf32, #tpu.memory_space<hbm>> -> memref<8x32xf32, #tpu.memory_space<hbm>>
      tpu.wait_dma2 semaphore(%arg13 : memref<!tpu.dma_semaphore, #tpu.memory_space<semaphore_mem>>) src(%dma_wait3A_2008 : memref<8x32xf32, #tpu.memory_space<hbm>>) dst(%dma_wait3A_2004 : memref<8x32xf32, #tpu.memory_space<vmem>>)
      %dma_wait3A_2009 = arith.constant 19 : i32
      %dma_wait3A_2010 = arith.constant 0 : i32
      %dma_wait3A_2011 = arith.constant 0 : i32
      %dma_wait3A_2012 = tpu.memref_slice %arg8[%dma_wait3A_2009, %dma_wait3A_2010, %dma_wait3A_2011] : memref<32x8x32xf32, #tpu.memory_space<vmem>> -> memref<1x8x32xf32, #tpu.memory_space<vmem>>
      %dma_wait3A_2013 = tpu.memref_squeeze %dma_wait3A_2012 : memref<1x8x32xf32, #tpu.memory_space<vmem>> -> memref<8x32xf32, #tpu.memory_space<vmem>>
      %dma_wait3A_2014 = arith.constant 0 : i32
      %dma_wait3A_2015 = arith.constant 0 : i32
      %dma_wait3A_2016 = tpu.memref_slice %arg4[%squeeze3A_871, %dma_wait3A_2014, %dma_wait3A_2015] : memref<125000x8x32xf32, #tpu.memory_space<hbm>> -> memref<1x8x32xf32, #tpu.memory_space<hbm>>
      %dma_wait3A_2017 = tpu.memref_squeeze %dma_wait3A_2016 : memref<1x8x32xf32, #tpu.memory_space<hbm>> -> memref<8x32xf32, #tpu.memory_space<hbm>>
      %dma_wait3A_2018 = arith.constant 0 : i32
      %dma_wait3A_2019 = arith.constant 0 : i32
      %dma_wait3A_2020 = tpu.memref_slice %arg8[%dma_wait3A_2009, %dma_wait3A_2018, %dma_wait3A_2019] : memref<32x8x32xf32, #tpu.memory_space<vmem>> -> memref<1x8x32xf32, #tpu.memory_space<vmem>>
      %dma_wait3A_2021 = tpu.memref_squeeze %dma_wait3A_2020 : memref<1x8x32xf32, #tpu.memory_space<vmem>> -> memref<8x32xf32, #tpu.memory_space<vmem>>
      %dma_wait3A_2022 = arith.constant 0 : i32
      %dma_wait3A_2023 = arith.constant 0 : i32
      %dma_wait3A_2024 = tpu.memref_slice %arg4[%squeeze3A_871, %dma_wait3A_2022, %dma_wait3A_2023] : memref<125000x8x32xf32, #tpu.memory_space<hbm>> -> memref<1x8x32xf32, #tpu.memory_space<hbm>>
      %dma_wait3A_2025 = tpu.memref_squeeze %dma_wait3A_2024 : memref<1x8x32xf32, #tpu.memory_space<hbm>> -> memref<8x32xf32, #tpu.memory_space<hbm>>
      tpu.wait_dma2 semaphore(%arg12 : memref<!tpu.dma_semaphore, #tpu.memory_space<semaphore_mem>>) src(%dma_wait3A_2025 : memref<8x32xf32, #tpu.memory_space<hbm>>) dst(%dma_wait3A_2021 : memref<8x32xf32, #tpu.memory_space<vmem>>)
      %dma_wait3A_2026 = arith.constant 19 : i32
      %dma_wait3A_2027 = arith.constant 0 : i32
      %dma_wait3A_2028 = arith.constant 0 : i32
      %dma_wait3A_2029 = tpu.memref_slice %arg9[%dma_wait3A_2026, %dma_wait3A_2027, %dma_wait3A_2028] : memref<32x8x32xf32, #tpu.memory_space<vmem>> -> memref<1x8x32xf32, #tpu.memory_space<vmem>>
      %dma_wait3A_2030 = tpu.memref_squeeze %dma_wait3A_2029 : memref<1x8x32xf32, #tpu.memory_space<vmem>> -> memref<8x32xf32, #tpu.memory_space<vmem>>
      %dma_wait3A_2031 = arith.constant 0 : i32
      %dma_wait3A_2032 = arith.constant 0 : i32
      %dma_wait3A_2033 = tpu.memref_slice %arg5[%squeeze3A_890, %dma_wait3A_2031, %dma_wait3A_2032] : memref<125000x8x32xf32, #tpu.memory_space<hbm>> -> memref<1x8x32xf32, #tpu.memory_space<hbm>>
      %dma_wait3A_2034 = tpu.memref_squeeze %dma_wait3A_2033 : memref<1x8x32xf32, #tpu.memory_space<hbm>> -> memref<8x32xf32, #tpu.memory_space<hbm>>
      %dma_wait3A_2035 = arith.constant 0 : i32
      %dma_wait3A_2036 = arith.constant 0 : i32
      %dma_wait3A_2037 = tpu.memref_slice %arg9[%dma_wait3A_2026, %dma_wait3A_2035, %dma_wait3A_2036] : memref<32x8x32xf32, #tpu.memory_space<vmem>> -> memref<1x8x32xf32, #tpu.memory_space<vmem>>
      %dma_wait3A_2038 = tpu.memref_squeeze %dma_wait3A_2037 : memref<1x8x32xf32, #tpu.memory_space<vmem>> -> memref<8x32xf32, #tpu.memory_space<vmem>>
      %dma_wait3A_2039 = arith.constant 0 : i32
      %dma_wait3A_2040 = arith.constant 0 : i32
      %dma_wait3A_2041 = tpu.memref_slice %arg5[%squeeze3A_890, %dma_wait3A_2039, %dma_wait3A_2040] : memref<125000x8x32xf32, #tpu.memory_space<hbm>> -> memref<1x8x32xf32, #tpu.memory_space<hbm>>
      %dma_wait3A_2042 = tpu.memref_squeeze %dma_wait3A_2041 : memref<1x8x32xf32, #tpu.memory_space<hbm>> -> memref<8x32xf32, #tpu.memory_space<hbm>>
      tpu.wait_dma2 semaphore(%arg13 : memref<!tpu.dma_semaphore, #tpu.memory_space<semaphore_mem>>) src(%dma_wait3A_2042 : memref<8x32xf32, #tpu.memory_space<hbm>>) dst(%dma_wait3A_2038 : memref<8x32xf32, #tpu.memory_space<vmem>>)
      %dma_wait3A_2043 = arith.constant 20 : i32
      %dma_wait3A_2044 = arith.constant 0 : i32
      %dma_wait3A_2045 = arith.constant 0 : i32
      %dma_wait3A_2046 = tpu.memref_slice %arg8[%dma_wait3A_2043, %dma_wait3A_2044, %dma_wait3A_2045] : memref<32x8x32xf32, #tpu.memory_space<vmem>> -> memref<1x8x32xf32, #tpu.memory_space<vmem>>
      %dma_wait3A_2047 = tpu.memref_squeeze %dma_wait3A_2046 : memref<1x8x32xf32, #tpu.memory_space<vmem>> -> memref<8x32xf32, #tpu.memory_space<vmem>>
      %dma_wait3A_2048 = arith.constant 0 : i32
      %dma_wait3A_2049 = arith.constant 0 : i32
      %dma_wait3A_2050 = tpu.memref_slice %arg4[%squeeze3A_909, %dma_wait3A_2048, %dma_wait3A_2049] : memref<125000x8x32xf32, #tpu.memory_space<hbm>> -> memref<1x8x32xf32, #tpu.memory_space<hbm>>
      %dma_wait3A_2051 = tpu.memref_squeeze %dma_wait3A_2050 : memref<1x8x32xf32, #tpu.memory_space<hbm>> -> memref<8x32xf32, #tpu.memory_space<hbm>>
      %dma_wait3A_2052 = arith.constant 0 : i32
      %dma_wait3A_2053 = arith.constant 0 : i32
      %dma_wait3A_2054 = tpu.memref_slice %arg8[%dma_wait3A_2043, %dma_wait3A_2052, %dma_wait3A_2053] : memref<32x8x32xf32, #tpu.memory_space<vmem>> -> memref<1x8x32xf32, #tpu.memory_space<vmem>>
      %dma_wait3A_2055 = tpu.memref_squeeze %dma_wait3A_2054 : memref<1x8x32xf32, #tpu.memory_space<vmem>> -> memref<8x32xf32, #tpu.memory_space<vmem>>
      %dma_wait3A_2056 = arith.constant 0 : i32
      %dma_wait3A_2057 = arith.constant 0 : i32
      %dma_wait3A_2058 = tpu.memref_slice %arg4[%squeeze3A_909, %dma_wait3A_2056, %dma_wait3A_2057] : memref<125000x8x32xf32, #tpu.memory_space<hbm>> -> memref<1x8x32xf32, #tpu.memory_space<hbm>>
      %dma_wait3A_2059 = tpu.memref_squeeze %dma_wait3A_2058 : memref<1x8x32xf32, #tpu.memory_space<hbm>> -> memref<8x32xf32, #tpu.memory_space<hbm>>
      tpu.wait_dma2 semaphore(%arg12 : memref<!tpu.dma_semaphore, #tpu.memory_space<semaphore_mem>>) src(%dma_wait3A_2059 : memref<8x32xf32, #tpu.memory_space<hbm>>) dst(%dma_wait3A_2055 : memref<8x32xf32, #tpu.memory_space<vmem>>)
      %dma_wait3A_2060 = arith.constant 20 : i32
      %dma_wait3A_2061 = arith.constant 0 : i32
      %dma_wait3A_2062 = arith.constant 0 : i32
      %dma_wait3A_2063 = tpu.memref_slice %arg9[%dma_wait3A_2060, %dma_wait3A_2061, %dma_wait3A_2062] : memref<32x8x32xf32, #tpu.memory_space<vmem>> -> memref<1x8x32xf32, #tpu.memory_space<vmem>>
      %dma_wait3A_2064 = tpu.memref_squeeze %dma_wait3A_2063 : memref<1x8x32xf32, #tpu.memory_space<vmem>> -> memref<8x32xf32, #tpu.memory_space<vmem>>
      %dma_wait3A_2065 = arith.constant 0 : i32
      %dma_wait3A_2066 = arith.constant 0 : i32
      %dma_wait3A_2067 = tpu.memref_slice %arg5[%squeeze3A_928, %dma_wait3A_2065, %dma_wait3A_2066] : memref<125000x8x32xf32, #tpu.memory_space<hbm>> -> memref<1x8x32xf32, #tpu.memory_space<hbm>>
      %dma_wait3A_2068 = tpu.memref_squeeze %dma_wait3A_2067 : memref<1x8x32xf32, #tpu.memory_space<hbm>> -> memref<8x32xf32, #tpu.memory_space<hbm>>
      %dma_wait3A_2069 = arith.constant 0 : i32
      %dma_wait3A_2070 = arith.constant 0 : i32
      %dma_wait3A_2071 = tpu.memref_slice %arg9[%dma_wait3A_2060, %dma_wait3A_2069, %dma_wait3A_2070] : memref<32x8x32xf32, #tpu.memory_space<vmem>> -> memref<1x8x32xf32, #tpu.memory_space<vmem>>
      %dma_wait3A_2072 = tpu.memref_squeeze %dma_wait3A_2071 : memref<1x8x32xf32, #tpu.memory_space<vmem>> -> memref<8x32xf32, #tpu.memory_space<vmem>>
      %dma_wait3A_2073 = arith.constant 0 : i32
      %dma_wait3A_2074 = arith.constant 0 : i32
      %dma_wait3A_2075 = tpu.memref_slice %arg5[%squeeze3A_928, %dma_wait3A_2073, %dma_wait3A_2074] : memref<125000x8x32xf32, #tpu.memory_space<hbm>> -> memref<1x8x32xf32, #tpu.memory_space<hbm>>
      %dma_wait3A_2076 = tpu.memref_squeeze %dma_wait3A_2075 : memref<1x8x32xf32, #tpu.memory_space<hbm>> -> memref<8x32xf32, #tpu.memory_space<hbm>>
      tpu.wait_dma2 semaphore(%arg13 : memref<!tpu.dma_semaphore, #tpu.memory_space<semaphore_mem>>) src(%dma_wait3A_2076 : memref<8x32xf32, #tpu.memory_space<hbm>>) dst(%dma_wait3A_2072 : memref<8x32xf32, #tpu.memory_space<vmem>>)
      %dma_wait3A_2077 = arith.constant 21 : i32
      %dma_wait3A_2078 = arith.constant 0 : i32
      %dma_wait3A_2079 = arith.constant 0 : i32
      %dma_wait3A_2080 = tpu.memref_slice %arg8[%dma_wait3A_2077, %dma_wait3A_2078, %dma_wait3A_2079] : memref<32x8x32xf32, #tpu.memory_space<vmem>> -> memref<1x8x32xf32, #tpu.memory_space<vmem>>
      %dma_wait3A_2081 = tpu.memref_squeeze %dma_wait3A_2080 : memref<1x8x32xf32, #tpu.memory_space<vmem>> -> memref<8x32xf32, #tpu.memory_space<vmem>>
      %dma_wait3A_2082 = arith.constant 0 : i32
      %dma_wait3A_2083 = arith.constant 0 : i32
      %dma_wait3A_2084 = tpu.memref_slice %arg4[%squeeze3A_947, %dma_wait3A_2082, %dma_wait3A_2083] : memref<125000x8x32xf32, #tpu.memory_space<hbm>> -> memref<1x8x32xf32, #tpu.memory_space<hbm>>
      %dma_wait3A_2085 = tpu.memref_squeeze %dma_wait3A_2084 : memref<1x8x32xf32, #tpu.memory_space<hbm>> -> memref<8x32xf32, #tpu.memory_space<hbm>>
      %dma_wait3A_2086 = arith.constant 0 : i32
      %dma_wait3A_2087 = arith.constant 0 : i32
      %dma_wait3A_2088 = tpu.memref_slice %arg8[%dma_wait3A_2077, %dma_wait3A_2086, %dma_wait3A_2087] : memref<32x8x32xf32, #tpu.memory_space<vmem>> -> memref<1x8x32xf32, #tpu.memory_space<vmem>>
      %dma_wait3A_2089 = tpu.memref_squeeze %dma_wait3A_2088 : memref<1x8x32xf32, #tpu.memory_space<vmem>> -> memref<8x32xf32, #tpu.memory_space<vmem>>
      %dma_wait3A_2090 = arith.constant 0 : i32
      %dma_wait3A_2091 = arith.constant 0 : i32
      %dma_wait3A_2092 = tpu.memref_slice %arg4[%squeeze3A_947, %dma_wait3A_2090, %dma_wait3A_2091] : memref<125000x8x32xf32, #tpu.memory_space<hbm>> -> memref<1x8x32xf32, #tpu.memory_space<hbm>>
      %dma_wait3A_2093 = tpu.memref_squeeze %dma_wait3A_2092 : memref<1x8x32xf32, #tpu.memory_space<hbm>> -> memref<8x32xf32, #tpu.memory_space<hbm>>
      tpu.wait_dma2 semaphore(%arg12 : memref<!tpu.dma_semaphore, #tpu.memory_space<semaphore_mem>>) src(%dma_wait3A_2093 : memref<8x32xf32, #tpu.memory_space<hbm>>) dst(%dma_wait3A_2089 : memref<8x32xf32, #tpu.memory_space<vmem>>)
      %dma_wait3A_2094 = arith.constant 21 : i32
      %dma_wait3A_2095 = arith.constant 0 : i32
      %dma_wait3A_2096 = arith.constant 0 : i32
      %dma_wait3A_2097 = tpu.memref_slice %arg9[%dma_wait3A_2094, %dma_wait3A_2095, %dma_wait3A_2096] : memref<32x8x32xf32, #tpu.memory_space<vmem>> -> memref<1x8x32xf32, #tpu.memory_space<vmem>>
      %dma_wait3A_2098 = tpu.memref_squeeze %dma_wait3A_2097 : memref<1x8x32xf32, #tpu.memory_space<vmem>> -> memref<8x32xf32, #tpu.memory_space<vmem>>
      %dma_wait3A_2099 = arith.constant 0 : i32
      %dma_wait3A_2100 = arith.constant 0 : i32
      %dma_wait3A_2101 = tpu.memref_slice %arg5[%squeeze3A_966, %dma_wait3A_2099, %dma_wait3A_2100] : memref<125000x8x32xf32, #tpu.memory_space<hbm>> -> memref<1x8x32xf32, #tpu.memory_space<hbm>>
      %dma_wait3A_2102 = tpu.memref_squeeze %dma_wait3A_2101 : memref<1x8x32xf32, #tpu.memory_space<hbm>> -> memref<8x32xf32, #tpu.memory_space<hbm>>
      %dma_wait3A_2103 = arith.constant 0 : i32
      %dma_wait3A_2104 = arith.constant 0 : i32
      %dma_wait3A_2105 = tpu.memref_slice %arg9[%dma_wait3A_2094, %dma_wait3A_2103, %dma_wait3A_2104] : memref<32x8x32xf32, #tpu.memory_space<vmem>> -> memref<1x8x32xf32, #tpu.memory_space<vmem>>
      %dma_wait3A_2106 = tpu.memref_squeeze %dma_wait3A_2105 : memref<1x8x32xf32, #tpu.memory_space<vmem>> -> memref<8x32xf32, #tpu.memory_space<vmem>>
      %dma_wait3A_2107 = arith.constant 0 : i32
      %dma_wait3A_2108 = arith.constant 0 : i32
      %dma_wait3A_2109 = tpu.memref_slice %arg5[%squeeze3A_966, %dma_wait3A_2107, %dma_wait3A_2108] : memref<125000x8x32xf32, #tpu.memory_space<hbm>> -> memref<1x8x32xf32, #tpu.memory_space<hbm>>
      %dma_wait3A_2110 = tpu.memref_squeeze %dma_wait3A_2109 : memref<1x8x32xf32, #tpu.memory_space<hbm>> -> memref<8x32xf32, #tpu.memory_space<hbm>>
      tpu.wait_dma2 semaphore(%arg13 : memref<!tpu.dma_semaphore, #tpu.memory_space<semaphore_mem>>) src(%dma_wait3A_2110 : memref<8x32xf32, #tpu.memory_space<hbm>>) dst(%dma_wait3A_2106 : memref<8x32xf32, #tpu.memory_space<vmem>>)
      %dma_wait3A_2111 = arith.constant 22 : i32
      %dma_wait3A_2112 = arith.constant 0 : i32
      %dma_wait3A_2113 = arith.constant 0 : i32
      %dma_wait3A_2114 = tpu.memref_slice %arg8[%dma_wait3A_2111, %dma_wait3A_2112, %dma_wait3A_2113] : memref<32x8x32xf32, #tpu.memory_space<vmem>> -> memref<1x8x32xf32, #tpu.memory_space<vmem>>
      %dma_wait3A_2115 = tpu.memref_squeeze %dma_wait3A_2114 : memref<1x8x32xf32, #tpu.memory_space<vmem>> -> memref<8x32xf32, #tpu.memory_space<vmem>>
      %dma_wait3A_2116 = arith.constant 0 : i32
      %dma_wait3A_2117 = arith.constant 0 : i32
      %dma_wait3A_2118 = tpu.memref_slice %arg4[%squeeze3A_985, %dma_wait3A_2116, %dma_wait3A_2117] : memref<125000x8x32xf32, #tpu.memory_space<hbm>> -> memref<1x8x32xf32, #tpu.memory_space<hbm>>
      %dma_wait3A_2119 = tpu.memref_squeeze %dma_wait3A_2118 : memref<1x8x32xf32, #tpu.memory_space<hbm>> -> memref<8x32xf32, #tpu.memory_space<hbm>>
      %dma_wait3A_2120 = arith.constant 0 : i32
      %dma_wait3A_2121 = arith.constant 0 : i32
      %dma_wait3A_2122 = tpu.memref_slice %arg8[%dma_wait3A_2111, %dma_wait3A_2120, %dma_wait3A_2121] : memref<32x8x32xf32, #tpu.memory_space<vmem>> -> memref<1x8x32xf32, #tpu.memory_space<vmem>>
      %dma_wait3A_2123 = tpu.memref_squeeze %dma_wait3A_2122 : memref<1x8x32xf32, #tpu.memory_space<vmem>> -> memref<8x32xf32, #tpu.memory_space<vmem>>
      %dma_wait3A_2124 = arith.constant 0 : i32
      %dma_wait3A_2125 = arith.constant 0 : i32
      %dma_wait3A_2126 = tpu.memref_slice %arg4[%squeeze3A_985, %dma_wait3A_2124, %dma_wait3A_2125] : memref<125000x8x32xf32, #tpu.memory_space<hbm>> -> memref<1x8x32xf32, #tpu.memory_space<hbm>>
      %dma_wait3A_2127 = tpu.memref_squeeze %dma_wait3A_2126 : memref<1x8x32xf32, #tpu.memory_space<hbm>> -> memref<8x32xf32, #tpu.memory_space<hbm>>
      tpu.wait_dma2 semaphore(%arg12 : memref<!tpu.dma_semaphore, #tpu.memory_space<semaphore_mem>>) src(%dma_wait3A_2127 : memref<8x32xf32, #tpu.memory_space<hbm>>) dst(%dma_wait3A_2123 : memref<8x32xf32, #tpu.memory_space<vmem>>)
      %dma_wait3A_2128 = arith.constant 22 : i32
      %dma_wait3A_2129 = arith.constant 0 : i32
      %dma_wait3A_2130 = arith.constant 0 : i32
      %dma_wait3A_2131 = tpu.memref_slice %arg9[%dma_wait3A_2128, %dma_wait3A_2129, %dma_wait3A_2130] : memref<32x8x32xf32, #tpu.memory_space<vmem>> -> memref<1x8x32xf32, #tpu.memory_space<vmem>>
      %dma_wait3A_2132 = tpu.memref_squeeze %dma_wait3A_2131 : memref<1x8x32xf32, #tpu.memory_space<vmem>> -> memref<8x32xf32, #tpu.memory_space<vmem>>
      %dma_wait3A_2133 = arith.constant 0 : i32
      %dma_wait3A_2134 = arith.constant 0 : i32
      %dma_wait3A_2135 = tpu.memref_slice %arg5[%squeeze3A_1004, %dma_wait3A_2133, %dma_wait3A_2134] : memref<125000x8x32xf32, #tpu.memory_space<hbm>> -> memref<1x8x32xf32, #tpu.memory_space<hbm>>
      %dma_wait3A_2136 = tpu.memref_squeeze %dma_wait3A_2135 : memref<1x8x32xf32, #tpu.memory_space<hbm>> -> memref<8x32xf32, #tpu.memory_space<hbm>>
      %dma_wait3A_2137 = arith.constant 0 : i32
      %dma_wait3A_2138 = arith.constant 0 : i32
      %dma_wait3A_2139 = tpu.memref_slice %arg9[%dma_wait3A_2128, %dma_wait3A_2137, %dma_wait3A_2138] : memref<32x8x32xf32, #tpu.memory_space<vmem>> -> memref<1x8x32xf32, #tpu.memory_space<vmem>>
      %dma_wait3A_2140 = tpu.memref_squeeze %dma_wait3A_2139 : memref<1x8x32xf32, #tpu.memory_space<vmem>> -> memref<8x32xf32, #tpu.memory_space<vmem>>
      %dma_wait3A_2141 = arith.constant 0 : i32
      %dma_wait3A_2142 = arith.constant 0 : i32
      %dma_wait3A_2143 = tpu.memref_slice %arg5[%squeeze3A_1004, %dma_wait3A_2141, %dma_wait3A_2142] : memref<125000x8x32xf32, #tpu.memory_space<hbm>> -> memref<1x8x32xf32, #tpu.memory_space<hbm>>
      %dma_wait3A_2144 = tpu.memref_squeeze %dma_wait3A_2143 : memref<1x8x32xf32, #tpu.memory_space<hbm>> -> memref<8x32xf32, #tpu.memory_space<hbm>>
      tpu.wait_dma2 semaphore(%arg13 : memref<!tpu.dma_semaphore, #tpu.memory_space<semaphore_mem>>) src(%dma_wait3A_2144 : memref<8x32xf32, #tpu.memory_space<hbm>>) dst(%dma_wait3A_2140 : memref<8x32xf32, #tpu.memory_space<vmem>>)
      %dma_wait3A_2145 = arith.constant 23 : i32
      %dma_wait3A_2146 = arith.constant 0 : i32
      %dma_wait3A_2147 = arith.constant 0 : i32
      %dma_wait3A_2148 = tpu.memref_slice %arg8[%dma_wait3A_2145, %dma_wait3A_2146, %dma_wait3A_2147] : memref<32x8x32xf32, #tpu.memory_space<vmem>> -> memref<1x8x32xf32, #tpu.memory_space<vmem>>
      %dma_wait3A_2149 = tpu.memref_squeeze %dma_wait3A_2148 : memref<1x8x32xf32, #tpu.memory_space<vmem>> -> memref<8x32xf32, #tpu.memory_space<vmem>>
      %dma_wait3A_2150 = arith.constant 0 : i32
      %dma_wait3A_2151 = arith.constant 0 : i32
      %dma_wait3A_2152 = tpu.memref_slice %arg4[%squeeze3A_1023, %dma_wait3A_2150, %dma_wait3A_2151] : memref<125000x8x32xf32, #tpu.memory_space<hbm>> -> memref<1x8x32xf32, #tpu.memory_space<hbm>>
      %dma_wait3A_2153 = tpu.memref_squeeze %dma_wait3A_2152 : memref<1x8x32xf32, #tpu.memory_space<hbm>> -> memref<8x32xf32, #tpu.memory_space<hbm>>
      %dma_wait3A_2154 = arith.constant 0 : i32
      %dma_wait3A_2155 = arith.constant 0 : i32
      %dma_wait3A_2156 = tpu.memref_slice %arg8[%dma_wait3A_2145, %dma_wait3A_2154, %dma_wait3A_2155] : memref<32x8x32xf32, #tpu.memory_space<vmem>> -> memref<1x8x32xf32, #tpu.memory_space<vmem>>
      %dma_wait3A_2157 = tpu.memref_squeeze %dma_wait3A_2156 : memref<1x8x32xf32, #tpu.memory_space<vmem>> -> memref<8x32xf32, #tpu.memory_space<vmem>>
      %dma_wait3A_2158 = arith.constant 0 : i32
      %dma_wait3A_2159 = arith.constant 0 : i32
      %dma_wait3A_2160 = tpu.memref_slice %arg4[%squeeze3A_1023, %dma_wait3A_2158, %dma_wait3A_2159] : memref<125000x8x32xf32, #tpu.memory_space<hbm>> -> memref<1x8x32xf32, #tpu.memory_space<hbm>>
      %dma_wait3A_2161 = tpu.memref_squeeze %dma_wait3A_2160 : memref<1x8x32xf32, #tpu.memory_space<hbm>> -> memref<8x32xf32, #tpu.memory_space<hbm>>
      tpu.wait_dma2 semaphore(%arg12 : memref<!tpu.dma_semaphore, #tpu.memory_space<semaphore_mem>>) src(%dma_wait3A_2161 : memref<8x32xf32, #tpu.memory_space<hbm>>) dst(%dma_wait3A_2157 : memref<8x32xf32, #tpu.memory_space<vmem>>)
      %dma_wait3A_2162 = arith.constant 23 : i32
      %dma_wait3A_2163 = arith.constant 0 : i32
      %dma_wait3A_2164 = arith.constant 0 : i32
      %dma_wait3A_2165 = tpu.memref_slice %arg9[%dma_wait3A_2162, %dma_wait3A_2163, %dma_wait3A_2164] : memref<32x8x32xf32, #tpu.memory_space<vmem>> -> memref<1x8x32xf32, #tpu.memory_space<vmem>>
      %dma_wait3A_2166 = tpu.memref_squeeze %dma_wait3A_2165 : memref<1x8x32xf32, #tpu.memory_space<vmem>> -> memref<8x32xf32, #tpu.memory_space<vmem>>
      %dma_wait3A_2167 = arith.constant 0 : i32
      %dma_wait3A_2168 = arith.constant 0 : i32
      %dma_wait3A_2169 = tpu.memref_slice %arg5[%squeeze3A_1042, %dma_wait3A_2167, %dma_wait3A_2168] : memref<125000x8x32xf32, #tpu.memory_space<hbm>> -> memref<1x8x32xf32, #tpu.memory_space<hbm>>
      %dma_wait3A_2170 = tpu.memref_squeeze %dma_wait3A_2169 : memref<1x8x32xf32, #tpu.memory_space<hbm>> -> memref<8x32xf32, #tpu.memory_space<hbm>>
      %dma_wait3A_2171 = arith.constant 0 : i32
      %dma_wait3A_2172 = arith.constant 0 : i32
      %dma_wait3A_2173 = tpu.memref_slice %arg9[%dma_wait3A_2162, %dma_wait3A_2171, %dma_wait3A_2172] : memref<32x8x32xf32, #tpu.memory_space<vmem>> -> memref<1x8x32xf32, #tpu.memory_space<vmem>>
      %dma_wait3A_2174 = tpu.memref_squeeze %dma_wait3A_2173 : memref<1x8x32xf32, #tpu.memory_space<vmem>> -> memref<8x32xf32, #tpu.memory_space<vmem>>
      %dma_wait3A_2175 = arith.constant 0 : i32
      %dma_wait3A_2176 = arith.constant 0 : i32
      %dma_wait3A_2177 = tpu.memref_slice %arg5[%squeeze3A_1042, %dma_wait3A_2175, %dma_wait3A_2176] : memref<125000x8x32xf32, #tpu.memory_space<hbm>> -> memref<1x8x32xf32, #tpu.memory_space<hbm>>
      %dma_wait3A_2178 = tpu.memref_squeeze %dma_wait3A_2177 : memref<1x8x32xf32, #tpu.memory_space<hbm>> -> memref<8x32xf32, #tpu.memory_space<hbm>>
      tpu.wait_dma2 semaphore(%arg13 : memref<!tpu.dma_semaphore, #tpu.memory_space<semaphore_mem>>) src(%dma_wait3A_2178 : memref<8x32xf32, #tpu.memory_space<hbm>>) dst(%dma_wait3A_2174 : memref<8x32xf32, #tpu.memory_space<vmem>>)
      %dma_wait3A_2179 = arith.constant 24 : i32
      %dma_wait3A_2180 = arith.constant 0 : i32
      %dma_wait3A_2181 = arith.constant 0 : i32
      %dma_wait3A_2182 = tpu.memref_slice %arg8[%dma_wait3A_2179, %dma_wait3A_2180, %dma_wait3A_2181] : memref<32x8x32xf32, #tpu.memory_space<vmem>> -> memref<1x8x32xf32, #tpu.memory_space<vmem>>
      %dma_wait3A_2183 = tpu.memref_squeeze %dma_wait3A_2182 : memref<1x8x32xf32, #tpu.memory_space<vmem>> -> memref<8x32xf32, #tpu.memory_space<vmem>>
      %dma_wait3A_2184 = arith.constant 0 : i32
      %dma_wait3A_2185 = arith.constant 0 : i32
      %dma_wait3A_2186 = tpu.memref_slice %arg4[%squeeze3A_1061, %dma_wait3A_2184, %dma_wait3A_2185] : memref<125000x8x32xf32, #tpu.memory_space<hbm>> -> memref<1x8x32xf32, #tpu.memory_space<hbm>>
      %dma_wait3A_2187 = tpu.memref_squeeze %dma_wait3A_2186 : memref<1x8x32xf32, #tpu.memory_space<hbm>> -> memref<8x32xf32, #tpu.memory_space<hbm>>
      %dma_wait3A_2188 = arith.constant 0 : i32
      %dma_wait3A_2189 = arith.constant 0 : i32
      %dma_wait3A_2190 = tpu.memref_slice %arg8[%dma_wait3A_2179, %dma_wait3A_2188, %dma_wait3A_2189] : memref<32x8x32xf32, #tpu.memory_space<vmem>> -> memref<1x8x32xf32, #tpu.memory_space<vmem>>
      %dma_wait3A_2191 = tpu.memref_squeeze %dma_wait3A_2190 : memref<1x8x32xf32, #tpu.memory_space<vmem>> -> memref<8x32xf32, #tpu.memory_space<vmem>>
      %dma_wait3A_2192 = arith.constant 0 : i32
      %dma_wait3A_2193 = arith.constant 0 : i32
      %dma_wait3A_2194 = tpu.memref_slice %arg4[%squeeze3A_1061, %dma_wait3A_2192, %dma_wait3A_2193] : memref<125000x8x32xf32, #tpu.memory_space<hbm>> -> memref<1x8x32xf32, #tpu.memory_space<hbm>>
      %dma_wait3A_2195 = tpu.memref_squeeze %dma_wait3A_2194 : memref<1x8x32xf32, #tpu.memory_space<hbm>> -> memref<8x32xf32, #tpu.memory_space<hbm>>
      tpu.wait_dma2 semaphore(%arg12 : memref<!tpu.dma_semaphore, #tpu.memory_space<semaphore_mem>>) src(%dma_wait3A_2195 : memref<8x32xf32, #tpu.memory_space<hbm>>) dst(%dma_wait3A_2191 : memref<8x32xf32, #tpu.memory_space<vmem>>)
      %dma_wait3A_2196 = arith.constant 24 : i32
      %dma_wait3A_2197 = arith.constant 0 : i32
      %dma_wait3A_2198 = arith.constant 0 : i32
      %dma_wait3A_2199 = tpu.memref_slice %arg9[%dma_wait3A_2196, %dma_wait3A_2197, %dma_wait3A_2198] : memref<32x8x32xf32, #tpu.memory_space<vmem>> -> memref<1x8x32xf32, #tpu.memory_space<vmem>>
      %dma_wait3A_2200 = tpu.memref_squeeze %dma_wait3A_2199 : memref<1x8x32xf32, #tpu.memory_space<vmem>> -> memref<8x32xf32, #tpu.memory_space<vmem>>
      %dma_wait3A_2201 = arith.constant 0 : i32
      %dma_wait3A_2202 = arith.constant 0 : i32
      %dma_wait3A_2203 = tpu.memref_slice %arg5[%squeeze3A_1080, %dma_wait3A_2201, %dma_wait3A_2202] : memref<125000x8x32xf32, #tpu.memory_space<hbm>> -> memref<1x8x32xf32, #tpu.memory_space<hbm>>
      %dma_wait3A_2204 = tpu.memref_squeeze %dma_wait3A_2203 : memref<1x8x32xf32, #tpu.memory_space<hbm>> -> memref<8x32xf32, #tpu.memory_space<hbm>>
      %dma_wait3A_2205 = arith.constant 0 : i32
      %dma_wait3A_2206 = arith.constant 0 : i32
      %dma_wait3A_2207 = tpu.memref_slice %arg9[%dma_wait3A_2196, %dma_wait3A_2205, %dma_wait3A_2206] : memref<32x8x32xf32, #tpu.memory_space<vmem>> -> memref<1x8x32xf32, #tpu.memory_space<vmem>>
      %dma_wait3A_2208 = tpu.memref_squeeze %dma_wait3A_2207 : memref<1x8x32xf32, #tpu.memory_space<vmem>> -> memref<8x32xf32, #tpu.memory_space<vmem>>
      %dma_wait3A_2209 = arith.constant 0 : i32
      %dma_wait3A_2210 = arith.constant 0 : i32
      %dma_wait3A_2211 = tpu.memref_slice %arg5[%squeeze3A_1080, %dma_wait3A_2209, %dma_wait3A_2210] : memref<125000x8x32xf32, #tpu.memory_space<hbm>> -> memref<1x8x32xf32, #tpu.memory_space<hbm>>
      %dma_wait3A_2212 = tpu.memref_squeeze %dma_wait3A_2211 : memref<1x8x32xf32, #tpu.memory_space<hbm>> -> memref<8x32xf32, #tpu.memory_space<hbm>>
      tpu.wait_dma2 semaphore(%arg13 : memref<!tpu.dma_semaphore, #tpu.memory_space<semaphore_mem>>) src(%dma_wait3A_2212 : memref<8x32xf32, #tpu.memory_space<hbm>>) dst(%dma_wait3A_2208 : memref<8x32xf32, #tpu.memory_space<vmem>>)
      %dma_wait3A_2213 = arith.constant 25 : i32
      %dma_wait3A_2214 = arith.constant 0 : i32
      %dma_wait3A_2215 = arith.constant 0 : i32
      %dma_wait3A_2216 = tpu.memref_slice %arg8[%dma_wait3A_2213, %dma_wait3A_2214, %dma_wait3A_2215] : memref<32x8x32xf32, #tpu.memory_space<vmem>> -> memref<1x8x32xf32, #tpu.memory_space<vmem>>
      %dma_wait3A_2217 = tpu.memref_squeeze %dma_wait3A_2216 : memref<1x8x32xf32, #tpu.memory_space<vmem>> -> memref<8x32xf32, #tpu.memory_space<vmem>>
      %dma_wait3A_2218 = arith.constant 0 : i32
      %dma_wait3A_2219 = arith.constant 0 : i32
      %dma_wait3A_2220 = tpu.memref_slice %arg4[%squeeze3A_1099, %dma_wait3A_2218, %dma_wait3A_2219] : memref<125000x8x32xf32, #tpu.memory_space<hbm>> -> memref<1x8x32xf32, #tpu.memory_space<hbm>>
      %dma_wait3A_2221 = tpu.memref_squeeze %dma_wait3A_2220 : memref<1x8x32xf32, #tpu.memory_space<hbm>> -> memref<8x32xf32, #tpu.memory_space<hbm>>
      %dma_wait3A_2222 = arith.constant 0 : i32
      %dma_wait3A_2223 = arith.constant 0 : i32
      %dma_wait3A_2224 = tpu.memref_slice %arg8[%dma_wait3A_2213, %dma_wait3A_2222, %dma_wait3A_2223] : memref<32x8x32xf32, #tpu.memory_space<vmem>> -> memref<1x8x32xf32, #tpu.memory_space<vmem>>
      %dma_wait3A_2225 = tpu.memref_squeeze %dma_wait3A_2224 : memref<1x8x32xf32, #tpu.memory_space<vmem>> -> memref<8x32xf32, #tpu.memory_space<vmem>>
      %dma_wait3A_2226 = arith.constant 0 : i32
      %dma_wait3A_2227 = arith.constant 0 : i32
      %dma_wait3A_2228 = tpu.memref_slice %arg4[%squeeze3A_1099, %dma_wait3A_2226, %dma_wait3A_2227] : memref<125000x8x32xf32, #tpu.memory_space<hbm>> -> memref<1x8x32xf32, #tpu.memory_space<hbm>>
      %dma_wait3A_2229 = tpu.memref_squeeze %dma_wait3A_2228 : memref<1x8x32xf32, #tpu.memory_space<hbm>> -> memref<8x32xf32, #tpu.memory_space<hbm>>
      tpu.wait_dma2 semaphore(%arg12 : memref<!tpu.dma_semaphore, #tpu.memory_space<semaphore_mem>>) src(%dma_wait3A_2229 : memref<8x32xf32, #tpu.memory_space<hbm>>) dst(%dma_wait3A_2225 : memref<8x32xf32, #tpu.memory_space<vmem>>)
      %dma_wait3A_2230 = arith.constant 25 : i32
      %dma_wait3A_2231 = arith.constant 0 : i32
      %dma_wait3A_2232 = arith.constant 0 : i32
      %dma_wait3A_2233 = tpu.memref_slice %arg9[%dma_wait3A_2230, %dma_wait3A_2231, %dma_wait3A_2232] : memref<32x8x32xf32, #tpu.memory_space<vmem>> -> memref<1x8x32xf32, #tpu.memory_space<vmem>>
      %dma_wait3A_2234 = tpu.memref_squeeze %dma_wait3A_2233 : memref<1x8x32xf32, #tpu.memory_space<vmem>> -> memref<8x32xf32, #tpu.memory_space<vmem>>
      %dma_wait3A_2235 = arith.constant 0 : i32
      %dma_wait3A_2236 = arith.constant 0 : i32
      %dma_wait3A_2237 = tpu.memref_slice %arg5[%squeeze3A_1118, %dma_wait3A_2235, %dma_wait3A_2236] : memref<125000x8x32xf32, #tpu.memory_space<hbm>> -> memref<1x8x32xf32, #tpu.memory_space<hbm>>
      %dma_wait3A_2238 = tpu.memref_squeeze %dma_wait3A_2237 : memref<1x8x32xf32, #tpu.memory_space<hbm>> -> memref<8x32xf32, #tpu.memory_space<hbm>>
      %dma_wait3A_2239 = arith.constant 0 : i32
      %dma_wait3A_2240 = arith.constant 0 : i32
      %dma_wait3A_2241 = tpu.memref_slice %arg9[%dma_wait3A_2230, %dma_wait3A_2239, %dma_wait3A_2240] : memref<32x8x32xf32, #tpu.memory_space<vmem>> -> memref<1x8x32xf32, #tpu.memory_space<vmem>>
      %dma_wait3A_2242 = tpu.memref_squeeze %dma_wait3A_2241 : memref<1x8x32xf32, #tpu.memory_space<vmem>> -> memref<8x32xf32, #tpu.memory_space<vmem>>
      %dma_wait3A_2243 = arith.constant 0 : i32
      %dma_wait3A_2244 = arith.constant 0 : i32
      %dma_wait3A_2245 = tpu.memref_slice %arg5[%squeeze3A_1118, %dma_wait3A_2243, %dma_wait3A_2244] : memref<125000x8x32xf32, #tpu.memory_space<hbm>> -> memref<1x8x32xf32, #tpu.memory_space<hbm>>
      %dma_wait3A_2246 = tpu.memref_squeeze %dma_wait3A_2245 : memref<1x8x32xf32, #tpu.memory_space<hbm>> -> memref<8x32xf32, #tpu.memory_space<hbm>>
      tpu.wait_dma2 semaphore(%arg13 : memref<!tpu.dma_semaphore, #tpu.memory_space<semaphore_mem>>) src(%dma_wait3A_2246 : memref<8x32xf32, #tpu.memory_space<hbm>>) dst(%dma_wait3A_2242 : memref<8x32xf32, #tpu.memory_space<vmem>>)
      %dma_wait3A_2247 = arith.constant 26 : i32
      %dma_wait3A_2248 = arith.constant 0 : i32
      %dma_wait3A_2249 = arith.constant 0 : i32
      %dma_wait3A_2250 = tpu.memref_slice %arg8[%dma_wait3A_2247, %dma_wait3A_2248, %dma_wait3A_2249] : memref<32x8x32xf32, #tpu.memory_space<vmem>> -> memref<1x8x32xf32, #tpu.memory_space<vmem>>
      %dma_wait3A_2251 = tpu.memref_squeeze %dma_wait3A_2250 : memref<1x8x32xf32, #tpu.memory_space<vmem>> -> memref<8x32xf32, #tpu.memory_space<vmem>>
      %dma_wait3A_2252 = arith.constant 0 : i32
      %dma_wait3A_2253 = arith.constant 0 : i32
      %dma_wait3A_2254 = tpu.memref_slice %arg4[%squeeze3A_1137, %dma_wait3A_2252, %dma_wait3A_2253] : memref<125000x8x32xf32, #tpu.memory_space<hbm>> -> memref<1x8x32xf32, #tpu.memory_space<hbm>>
      %dma_wait3A_2255 = tpu.memref_squeeze %dma_wait3A_2254 : memref<1x8x32xf32, #tpu.memory_space<hbm>> -> memref<8x32xf32, #tpu.memory_space<hbm>>
      %dma_wait3A_2256 = arith.constant 0 : i32
      %dma_wait3A_2257 = arith.constant 0 : i32
      %dma_wait3A_2258 = tpu.memref_slice %arg8[%dma_wait3A_2247, %dma_wait3A_2256, %dma_wait3A_2257] : memref<32x8x32xf32, #tpu.memory_space<vmem>> -> memref<1x8x32xf32, #tpu.memory_space<vmem>>
      %dma_wait3A_2259 = tpu.memref_squeeze %dma_wait3A_2258 : memref<1x8x32xf32, #tpu.memory_space<vmem>> -> memref<8x32xf32, #tpu.memory_space<vmem>>
      %dma_wait3A_2260 = arith.constant 0 : i32
      %dma_wait3A_2261 = arith.constant 0 : i32
      %dma_wait3A_2262 = tpu.memref_slice %arg4[%squeeze3A_1137, %dma_wait3A_2260, %dma_wait3A_2261] : memref<125000x8x32xf32, #tpu.memory_space<hbm>> -> memref<1x8x32xf32, #tpu.memory_space<hbm>>
      %dma_wait3A_2263 = tpu.memref_squeeze %dma_wait3A_2262 : memref<1x8x32xf32, #tpu.memory_space<hbm>> -> memref<8x32xf32, #tpu.memory_space<hbm>>
      tpu.wait_dma2 semaphore(%arg12 : memref<!tpu.dma_semaphore, #tpu.memory_space<semaphore_mem>>) src(%dma_wait3A_2263 : memref<8x32xf32, #tpu.memory_space<hbm>>) dst(%dma_wait3A_2259 : memref<8x32xf32, #tpu.memory_space<vmem>>)
      %dma_wait3A_2264 = arith.constant 26 : i32
      %dma_wait3A_2265 = arith.constant 0 : i32
      %dma_wait3A_2266 = arith.constant 0 : i32
      %dma_wait3A_2267 = tpu.memref_slice %arg9[%dma_wait3A_2264, %dma_wait3A_2265, %dma_wait3A_2266] : memref<32x8x32xf32, #tpu.memory_space<vmem>> -> memref<1x8x32xf32, #tpu.memory_space<vmem>>
      %dma_wait3A_2268 = tpu.memref_squeeze %dma_wait3A_2267 : memref<1x8x32xf32, #tpu.memory_space<vmem>> -> memref<8x32xf32, #tpu.memory_space<vmem>>
      %dma_wait3A_2269 = arith.constant 0 : i32
      %dma_wait3A_2270 = arith.constant 0 : i32
      %dma_wait3A_2271 = tpu.memref_slice %arg5[%squeeze3A_1156, %dma_wait3A_2269, %dma_wait3A_2270] : memref<125000x8x32xf32, #tpu.memory_space<hbm>> -> memref<1x8x32xf32, #tpu.memory_space<hbm>>
      %dma_wait3A_2272 = tpu.memref_squeeze %dma_wait3A_2271 : memref<1x8x32xf32, #tpu.memory_space<hbm>> -> memref<8x32xf32, #tpu.memory_space<hbm>>
      %dma_wait3A_2273 = arith.constant 0 : i32
      %dma_wait3A_2274 = arith.constant 0 : i32
      %dma_wait3A_2275 = tpu.memref_slice %arg9[%dma_wait3A_2264, %dma_wait3A_2273, %dma_wait3A_2274] : memref<32x8x32xf32, #tpu.memory_space<vmem>> -> memref<1x8x32xf32, #tpu.memory_space<vmem>>
      %dma_wait3A_2276 = tpu.memref_squeeze %dma_wait3A_2275 : memref<1x8x32xf32, #tpu.memory_space<vmem>> -> memref<8x32xf32, #tpu.memory_space<vmem>>
      %dma_wait3A_2277 = arith.constant 0 : i32
      %dma_wait3A_2278 = arith.constant 0 : i32
      %dma_wait3A_2279 = tpu.memref_slice %arg5[%squeeze3A_1156, %dma_wait3A_2277, %dma_wait3A_2278] : memref<125000x8x32xf32, #tpu.memory_space<hbm>> -> memref<1x8x32xf32, #tpu.memory_space<hbm>>
      %dma_wait3A_2280 = tpu.memref_squeeze %dma_wait3A_2279 : memref<1x8x32xf32, #tpu.memory_space<hbm>> -> memref<8x32xf32, #tpu.memory_space<hbm>>
      tpu.wait_dma2 semaphore(%arg13 : memref<!tpu.dma_semaphore, #tpu.memory_space<semaphore_mem>>) src(%dma_wait3A_2280 : memref<8x32xf32, #tpu.memory_space<hbm>>) dst(%dma_wait3A_2276 : memref<8x32xf32, #tpu.memory_space<vmem>>)
      %dma_wait3A_2281 = arith.constant 27 : i32
      %dma_wait3A_2282 = arith.constant 0 : i32
      %dma_wait3A_2283 = arith.constant 0 : i32
      %dma_wait3A_2284 = tpu.memref_slice %arg8[%dma_wait3A_2281, %dma_wait3A_2282, %dma_wait3A_2283] : memref<32x8x32xf32, #tpu.memory_space<vmem>> -> memref<1x8x32xf32, #tpu.memory_space<vmem>>
      %dma_wait3A_2285 = tpu.memref_squeeze %dma_wait3A_2284 : memref<1x8x32xf32, #tpu.memory_space<vmem>> -> memref<8x32xf32, #tpu.memory_space<vmem>>
      %dma_wait3A_2286 = arith.constant 0 : i32
      %dma_wait3A_2287 = arith.constant 0 : i32
      %dma_wait3A_2288 = tpu.memref_slice %arg4[%squeeze3A_1175, %dma_wait3A_2286, %dma_wait3A_2287] : memref<125000x8x32xf32, #tpu.memory_space<hbm>> -> memref<1x8x32xf32, #tpu.memory_space<hbm>>
      %dma_wait3A_2289 = tpu.memref_squeeze %dma_wait3A_2288 : memref<1x8x32xf32, #tpu.memory_space<hbm>> -> memref<8x32xf32, #tpu.memory_space<hbm>>
      %dma_wait3A_2290 = arith.constant 0 : i32
      %dma_wait3A_2291 = arith.constant 0 : i32
      %dma_wait3A_2292 = tpu.memref_slice %arg8[%dma_wait3A_2281, %dma_wait3A_2290, %dma_wait3A_2291] : memref<32x8x32xf32, #tpu.memory_space<vmem>> -> memref<1x8x32xf32, #tpu.memory_space<vmem>>
      %dma_wait3A_2293 = tpu.memref_squeeze %dma_wait3A_2292 : memref<1x8x32xf32, #tpu.memory_space<vmem>> -> memref<8x32xf32, #tpu.memory_space<vmem>>
      %dma_wait3A_2294 = arith.constant 0 : i32
      %dma_wait3A_2295 = arith.constant 0 : i32
      %dma_wait3A_2296 = tpu.memref_slice %arg4[%squeeze3A_1175, %dma_wait3A_2294, %dma_wait3A_2295] : memref<125000x8x32xf32, #tpu.memory_space<hbm>> -> memref<1x8x32xf32, #tpu.memory_space<hbm>>
      %dma_wait3A_2297 = tpu.memref_squeeze %dma_wait3A_2296 : memref<1x8x32xf32, #tpu.memory_space<hbm>> -> memref<8x32xf32, #tpu.memory_space<hbm>>
      tpu.wait_dma2 semaphore(%arg12 : memref<!tpu.dma_semaphore, #tpu.memory_space<semaphore_mem>>) src(%dma_wait3A_2297 : memref<8x32xf32, #tpu.memory_space<hbm>>) dst(%dma_wait3A_2293 : memref<8x32xf32, #tpu.memory_space<vmem>>)
      %dma_wait3A_2298 = arith.constant 27 : i32
      %dma_wait3A_2299 = arith.constant 0 : i32
      %dma_wait3A_2300 = arith.constant 0 : i32
      %dma_wait3A_2301 = tpu.memref_slice %arg9[%dma_wait3A_2298, %dma_wait3A_2299, %dma_wait3A_2300] : memref<32x8x32xf32, #tpu.memory_space<vmem>> -> memref<1x8x32xf32, #tpu.memory_space<vmem>>
      %dma_wait3A_2302 = tpu.memref_squeeze %dma_wait3A_2301 : memref<1x8x32xf32, #tpu.memory_space<vmem>> -> memref<8x32xf32, #tpu.memory_space<vmem>>
      %dma_wait3A_2303 = arith.constant 0 : i32
      %dma_wait3A_2304 = arith.constant 0 : i32
      %dma_wait3A_2305 = tpu.memref_slice %arg5[%squeeze3A_1194, %dma_wait3A_2303, %dma_wait3A_2304] : memref<125000x8x32xf32, #tpu.memory_space<hbm>> -> memref<1x8x32xf32, #tpu.memory_space<hbm>>
      %dma_wait3A_2306 = tpu.memref_squeeze %dma_wait3A_2305 : memref<1x8x32xf32, #tpu.memory_space<hbm>> -> memref<8x32xf32, #tpu.memory_space<hbm>>
      %dma_wait3A_2307 = arith.constant 0 : i32
      %dma_wait3A_2308 = arith.constant 0 : i32
      %dma_wait3A_2309 = tpu.memref_slice %arg9[%dma_wait3A_2298, %dma_wait3A_2307, %dma_wait3A_2308] : memref<32x8x32xf32, #tpu.memory_space<vmem>> -> memref<1x8x32xf32, #tpu.memory_space<vmem>>
      %dma_wait3A_2310 = tpu.memref_squeeze %dma_wait3A_2309 : memref<1x8x32xf32, #tpu.memory_space<vmem>> -> memref<8x32xf32, #tpu.memory_space<vmem>>
      %dma_wait3A_2311 = arith.constant 0 : i32
      %dma_wait3A_2312 = arith.constant 0 : i32
      %dma_wait3A_2313 = tpu.memref_slice %arg5[%squeeze3A_1194, %dma_wait3A_2311, %dma_wait3A_2312] : memref<125000x8x32xf32, #tpu.memory_space<hbm>> -> memref<1x8x32xf32, #tpu.memory_space<hbm>>
      %dma_wait3A_2314 = tpu.memref_squeeze %dma_wait3A_2313 : memref<1x8x32xf32, #tpu.memory_space<hbm>> -> memref<8x32xf32, #tpu.memory_space<hbm>>
      tpu.wait_dma2 semaphore(%arg13 : memref<!tpu.dma_semaphore, #tpu.memory_space<semaphore_mem>>) src(%dma_wait3A_2314 : memref<8x32xf32, #tpu.memory_space<hbm>>) dst(%dma_wait3A_2310 : memref<8x32xf32, #tpu.memory_space<vmem>>)
      %dma_wait3A_2315 = arith.constant 28 : i32
      %dma_wait3A_2316 = arith.constant 0 : i32
      %dma_wait3A_2317 = arith.constant 0 : i32
      %dma_wait3A_2318 = tpu.memref_slice %arg8[%dma_wait3A_2315, %dma_wait3A_2316, %dma_wait3A_2317] : memref<32x8x32xf32, #tpu.memory_space<vmem>> -> memref<1x8x32xf32, #tpu.memory_space<vmem>>
      %dma_wait3A_2319 = tpu.memref_squeeze %dma_wait3A_2318 : memref<1x8x32xf32, #tpu.memory_space<vmem>> -> memref<8x32xf32, #tpu.memory_space<vmem>>
      %dma_wait3A_2320 = arith.constant 0 : i32
      %dma_wait3A_2321 = arith.constant 0 : i32
      %dma_wait3A_2322 = tpu.memref_slice %arg4[%squeeze3A_1213, %dma_wait3A_2320, %dma_wait3A_2321] : memref<125000x8x32xf32, #tpu.memory_space<hbm>> -> memref<1x8x32xf32, #tpu.memory_space<hbm>>
      %dma_wait3A_2323 = tpu.memref_squeeze %dma_wait3A_2322 : memref<1x8x32xf32, #tpu.memory_space<hbm>> -> memref<8x32xf32, #tpu.memory_space<hbm>>
      %dma_wait3A_2324 = arith.constant 0 : i32
      %dma_wait3A_2325 = arith.constant 0 : i32
      %dma_wait3A_2326 = tpu.memref_slice %arg8[%dma_wait3A_2315, %dma_wait3A_2324, %dma_wait3A_2325] : memref<32x8x32xf32, #tpu.memory_space<vmem>> -> memref<1x8x32xf32, #tpu.memory_space<vmem>>
      %dma_wait3A_2327 = tpu.memref_squeeze %dma_wait3A_2326 : memref<1x8x32xf32, #tpu.memory_space<vmem>> -> memref<8x32xf32, #tpu.memory_space<vmem>>
      %dma_wait3A_2328 = arith.constant 0 : i32
      %dma_wait3A_2329 = arith.constant 0 : i32
      %dma_wait3A_2330 = tpu.memref_slice %arg4[%squeeze3A_1213, %dma_wait3A_2328, %dma_wait3A_2329] : memref<125000x8x32xf32, #tpu.memory_space<hbm>> -> memref<1x8x32xf32, #tpu.memory_space<hbm>>
      %dma_wait3A_2331 = tpu.memref_squeeze %dma_wait3A_2330 : memref<1x8x32xf32, #tpu.memory_space<hbm>> -> memref<8x32xf32, #tpu.memory_space<hbm>>
      tpu.wait_dma2 semaphore(%arg12 : memref<!tpu.dma_semaphore, #tpu.memory_space<semaphore_mem>>) src(%dma_wait3A_2331 : memref<8x32xf32, #tpu.memory_space<hbm>>) dst(%dma_wait3A_2327 : memref<8x32xf32, #tpu.memory_space<vmem>>)
      %dma_wait3A_2332 = arith.constant 28 : i32
      %dma_wait3A_2333 = arith.constant 0 : i32
      %dma_wait3A_2334 = arith.constant 0 : i32
      %dma_wait3A_2335 = tpu.memref_slice %arg9[%dma_wait3A_2332, %dma_wait3A_2333, %dma_wait3A_2334] : memref<32x8x32xf32, #tpu.memory_space<vmem>> -> memref<1x8x32xf32, #tpu.memory_space<vmem>>
      %dma_wait3A_2336 = tpu.memref_squeeze %dma_wait3A_2335 : memref<1x8x32xf32, #tpu.memory_space<vmem>> -> memref<8x32xf32, #tpu.memory_space<vmem>>
      %dma_wait3A_2337 = arith.constant 0 : i32
      %dma_wait3A_2338 = arith.constant 0 : i32
      %dma_wait3A_2339 = tpu.memref_slice %arg5[%squeeze3A_1232, %dma_wait3A_2337, %dma_wait3A_2338] : memref<125000x8x32xf32, #tpu.memory_space<hbm>> -> memref<1x8x32xf32, #tpu.memory_space<hbm>>
      %dma_wait3A_2340 = tpu.memref_squeeze %dma_wait3A_2339 : memref<1x8x32xf32, #tpu.memory_space<hbm>> -> memref<8x32xf32, #tpu.memory_space<hbm>>
      %dma_wait3A_2341 = arith.constant 0 : i32
      %dma_wait3A_2342 = arith.constant 0 : i32
      %dma_wait3A_2343 = tpu.memref_slice %arg9[%dma_wait3A_2332, %dma_wait3A_2341, %dma_wait3A_2342] : memref<32x8x32xf32, #tpu.memory_space<vmem>> -> memref<1x8x32xf32, #tpu.memory_space<vmem>>
      %dma_wait3A_2344 = tpu.memref_squeeze %dma_wait3A_2343 : memref<1x8x32xf32, #tpu.memory_space<vmem>> -> memref<8x32xf32, #tpu.memory_space<vmem>>
      %dma_wait3A_2345 = arith.constant 0 : i32
      %dma_wait3A_2346 = arith.constant 0 : i32
      %dma_wait3A_2347 = tpu.memref_slice %arg5[%squeeze3A_1232, %dma_wait3A_2345, %dma_wait3A_2346] : memref<125000x8x32xf32, #tpu.memory_space<hbm>> -> memref<1x8x32xf32, #tpu.memory_space<hbm>>
      %dma_wait3A_2348 = tpu.memref_squeeze %dma_wait3A_2347 : memref<1x8x32xf32, #tpu.memory_space<hbm>> -> memref<8x32xf32, #tpu.memory_space<hbm>>
      tpu.wait_dma2 semaphore(%arg13 : memref<!tpu.dma_semaphore, #tpu.memory_space<semaphore_mem>>) src(%dma_wait3A_2348 : memref<8x32xf32, #tpu.memory_space<hbm>>) dst(%dma_wait3A_2344 : memref<8x32xf32, #tpu.memory_space<vmem>>)
      %dma_wait3A_2349 = arith.constant 29 : i32
      %dma_wait3A_2350 = arith.constant 0 : i32
      %dma_wait3A_2351 = arith.constant 0 : i32
      %dma_wait3A_2352 = tpu.memref_slice %arg8[%dma_wait3A_2349, %dma_wait3A_2350, %dma_wait3A_2351] : memref<32x8x32xf32, #tpu.memory_space<vmem>> -> memref<1x8x32xf32, #tpu.memory_space<vmem>>
      %dma_wait3A_2353 = tpu.memref_squeeze %dma_wait3A_2352 : memref<1x8x32xf32, #tpu.memory_space<vmem>> -> memref<8x32xf32, #tpu.memory_space<vmem>>
      %dma_wait3A_2354 = arith.constant 0 : i32
      %dma_wait3A_2355 = arith.constant 0 : i32
      %dma_wait3A_2356 = tpu.memref_slice %arg4[%squeeze3A_1251, %dma_wait3A_2354, %dma_wait3A_2355] : memref<125000x8x32xf32, #tpu.memory_space<hbm>> -> memref<1x8x32xf32, #tpu.memory_space<hbm>>
      %dma_wait3A_2357 = tpu.memref_squeeze %dma_wait3A_2356 : memref<1x8x32xf32, #tpu.memory_space<hbm>> -> memref<8x32xf32, #tpu.memory_space<hbm>>
      %dma_wait3A_2358 = arith.constant 0 : i32
      %dma_wait3A_2359 = arith.constant 0 : i32
      %dma_wait3A_2360 = tpu.memref_slice %arg8[%dma_wait3A_2349, %dma_wait3A_2358, %dma_wait3A_2359] : memref<32x8x32xf32, #tpu.memory_space<vmem>> -> memref<1x8x32xf32, #tpu.memory_space<vmem>>
      %dma_wait3A_2361 = tpu.memref_squeeze %dma_wait3A_2360 : memref<1x8x32xf32, #tpu.memory_space<vmem>> -> memref<8x32xf32, #tpu.memory_space<vmem>>
      %dma_wait3A_2362 = arith.constant 0 : i32
      %dma_wait3A_2363 = arith.constant 0 : i32
      %dma_wait3A_2364 = tpu.memref_slice %arg4[%squeeze3A_1251, %dma_wait3A_2362, %dma_wait3A_2363] : memref<125000x8x32xf32, #tpu.memory_space<hbm>> -> memref<1x8x32xf32, #tpu.memory_space<hbm>>
      %dma_wait3A_2365 = tpu.memref_squeeze %dma_wait3A_2364 : memref<1x8x32xf32, #tpu.memory_space<hbm>> -> memref<8x32xf32, #tpu.memory_space<hbm>>
      tpu.wait_dma2 semaphore(%arg12 : memref<!tpu.dma_semaphore, #tpu.memory_space<semaphore_mem>>) src(%dma_wait3A_2365 : memref<8x32xf32, #tpu.memory_space<hbm>>) dst(%dma_wait3A_2361 : memref<8x32xf32, #tpu.memory_space<vmem>>)
      %dma_wait3A_2366 = arith.constant 29 : i32
      %dma_wait3A_2367 = arith.constant 0 : i32
      %dma_wait3A_2368 = arith.constant 0 : i32
      %dma_wait3A_2369 = tpu.memref_slice %arg9[%dma_wait3A_2366, %dma_wait3A_2367, %dma_wait3A_2368] : memref<32x8x32xf32, #tpu.memory_space<vmem>> -> memref<1x8x32xf32, #tpu.memory_space<vmem>>
      %dma_wait3A_2370 = tpu.memref_squeeze %dma_wait3A_2369 : memref<1x8x32xf32, #tpu.memory_space<vmem>> -> memref<8x32xf32, #tpu.memory_space<vmem>>
      %dma_wait3A_2371 = arith.constant 0 : i32
      %dma_wait3A_2372 = arith.constant 0 : i32
      %dma_wait3A_2373 = tpu.memref_slice %arg5[%squeeze3A_1270, %dma_wait3A_2371, %dma_wait3A_2372] : memref<125000x8x32xf32, #tpu.memory_space<hbm>> -> memref<1x8x32xf32, #tpu.memory_space<hbm>>
      %dma_wait3A_2374 = tpu.memref_squeeze %dma_wait3A_2373 : memref<1x8x32xf32, #tpu.memory_space<hbm>> -> memref<8x32xf32, #tpu.memory_space<hbm>>
      %dma_wait3A_2375 = arith.constant 0 : i32
      %dma_wait3A_2376 = arith.constant 0 : i32
      %dma_wait3A_2377 = tpu.memref_slice %arg9[%dma_wait3A_2366, %dma_wait3A_2375, %dma_wait3A_2376] : memref<32x8x32xf32, #tpu.memory_space<vmem>> -> memref<1x8x32xf32, #tpu.memory_space<vmem>>
      %dma_wait3A_2378 = tpu.memref_squeeze %dma_wait3A_2377 : memref<1x8x32xf32, #tpu.memory_space<vmem>> -> memref<8x32xf32, #tpu.memory_space<vmem>>
      %dma_wait3A_2379 = arith.constant 0 : i32
      %dma_wait3A_2380 = arith.constant 0 : i32
      %dma_wait3A_2381 = tpu.memref_slice %arg5[%squeeze3A_1270, %dma_wait3A_2379, %dma_wait3A_2380] : memref<125000x8x32xf32, #tpu.memory_space<hbm>> -> memref<1x8x32xf32, #tpu.memory_space<hbm>>
      %dma_wait3A_2382 = tpu.memref_squeeze %dma_wait3A_2381 : memref<1x8x32xf32, #tpu.memory_space<hbm>> -> memref<8x32xf32, #tpu.memory_space<hbm>>
      tpu.wait_dma2 semaphore(%arg13 : memref<!tpu.dma_semaphore, #tpu.memory_space<semaphore_mem>>) src(%dma_wait3A_2382 : memref<8x32xf32, #tpu.memory_space<hbm>>) dst(%dma_wait3A_2378 : memref<8x32xf32, #tpu.memory_space<vmem>>)
      %dma_wait3A_2383 = arith.constant 30 : i32
      %dma_wait3A_2384 = arith.constant 0 : i32
      %dma_wait3A_2385 = arith.constant 0 : i32
      %dma_wait3A_2386 = tpu.memref_slice %arg8[%dma_wait3A_2383, %dma_wait3A_2384, %dma_wait3A_2385] : memref<32x8x32xf32, #tpu.memory_space<vmem>> -> memref<1x8x32xf32, #tpu.memory_space<vmem>>
      %dma_wait3A_2387 = tpu.memref_squeeze %dma_wait3A_2386 : memref<1x8x32xf32, #tpu.memory_space<vmem>> -> memref<8x32xf32, #tpu.memory_space<vmem>>
      %dma_wait3A_2388 = arith.constant 0 : i32
      %dma_wait3A_2389 = arith.constant 0 : i32
      %dma_wait3A_2390 = tpu.memref_slice %arg4[%squeeze3A_1289, %dma_wait3A_2388, %dma_wait3A_2389] : memref<125000x8x32xf32, #tpu.memory_space<hbm>> -> memref<1x8x32xf32, #tpu.memory_space<hbm>>
      %dma_wait3A_2391 = tpu.memref_squeeze %dma_wait3A_2390 : memref<1x8x32xf32, #tpu.memory_space<hbm>> -> memref<8x32xf32, #tpu.memory_space<hbm>>
      %dma_wait3A_2392 = arith.constant 0 : i32
      %dma_wait3A_2393 = arith.constant 0 : i32
      %dma_wait3A_2394 = tpu.memref_slice %arg8[%dma_wait3A_2383, %dma_wait3A_2392, %dma_wait3A_2393] : memref<32x8x32xf32, #tpu.memory_space<vmem>> -> memref<1x8x32xf32, #tpu.memory_space<vmem>>
      %dma_wait3A_2395 = tpu.memref_squeeze %dma_wait3A_2394 : memref<1x8x32xf32, #tpu.memory_space<vmem>> -> memref<8x32xf32, #tpu.memory_space<vmem>>
      %dma_wait3A_2396 = arith.constant 0 : i32
      %dma_wait3A_2397 = arith.constant 0 : i32
      %dma_wait3A_2398 = tpu.memref_slice %arg4[%squeeze3A_1289, %dma_wait3A_2396, %dma_wait3A_2397] : memref<125000x8x32xf32, #tpu.memory_space<hbm>> -> memref<1x8x32xf32, #tpu.memory_space<hbm>>
      %dma_wait3A_2399 = tpu.memref_squeeze %dma_wait3A_2398 : memref<1x8x32xf32, #tpu.memory_space<hbm>> -> memref<8x32xf32, #tpu.memory_space<hbm>>
      tpu.wait_dma2 semaphore(%arg12 : memref<!tpu.dma_semaphore, #tpu.memory_space<semaphore_mem>>) src(%dma_wait3A_2399 : memref<8x32xf32, #tpu.memory_space<hbm>>) dst(%dma_wait3A_2395 : memref<8x32xf32, #tpu.memory_space<vmem>>)
      %dma_wait3A_2400 = arith.constant 30 : i32
      %dma_wait3A_2401 = arith.constant 0 : i32
      %dma_wait3A_2402 = arith.constant 0 : i32
      %dma_wait3A_2403 = tpu.memref_slice %arg9[%dma_wait3A_2400, %dma_wait3A_2401, %dma_wait3A_2402] : memref<32x8x32xf32, #tpu.memory_space<vmem>> -> memref<1x8x32xf32, #tpu.memory_space<vmem>>
      %dma_wait3A_2404 = tpu.memref_squeeze %dma_wait3A_2403 : memref<1x8x32xf32, #tpu.memory_space<vmem>> -> memref<8x32xf32, #tpu.memory_space<vmem>>
      %dma_wait3A_2405 = arith.constant 0 : i32
      %dma_wait3A_2406 = arith.constant 0 : i32
      %dma_wait3A_2407 = tpu.memref_slice %arg5[%squeeze3A_1308, %dma_wait3A_2405, %dma_wait3A_2406] : memref<125000x8x32xf32, #tpu.memory_space<hbm>> -> memref<1x8x32xf32, #tpu.memory_space<hbm>>
      %dma_wait3A_2408 = tpu.memref_squeeze %dma_wait3A_2407 : memref<1x8x32xf32, #tpu.memory_space<hbm>> -> memref<8x32xf32, #tpu.memory_space<hbm>>
      %dma_wait3A_2409 = arith.constant 0 : i32
      %dma_wait3A_2410 = arith.constant 0 : i32
      %dma_wait3A_2411 = tpu.memref_slice %arg9[%dma_wait3A_2400, %dma_wait3A_2409, %dma_wait3A_2410] : memref<32x8x32xf32, #tpu.memory_space<vmem>> -> memref<1x8x32xf32, #tpu.memory_space<vmem>>
      %dma_wait3A_2412 = tpu.memref_squeeze %dma_wait3A_2411 : memref<1x8x32xf32, #tpu.memory_space<vmem>> -> memref<8x32xf32, #tpu.memory_space<vmem>>
      %dma_wait3A_2413 = arith.constant 0 : i32
      %dma_wait3A_2414 = arith.constant 0 : i32
      %dma_wait3A_2415 = tpu.memref_slice %arg5[%squeeze3A_1308, %dma_wait3A_2413, %dma_wait3A_2414] : memref<125000x8x32xf32, #tpu.memory_space<hbm>> -> memref<1x8x32xf32, #tpu.memory_space<hbm>>
      %dma_wait3A_2416 = tpu.memref_squeeze %dma_wait3A_2415 : memref<1x8x32xf32, #tpu.memory_space<hbm>> -> memref<8x32xf32, #tpu.memory_space<hbm>>
      tpu.wait_dma2 semaphore(%arg13 : memref<!tpu.dma_semaphore, #tpu.memory_space<semaphore_mem>>) src(%dma_wait3A_2416 : memref<8x32xf32, #tpu.memory_space<hbm>>) dst(%dma_wait3A_2412 : memref<8x32xf32, #tpu.memory_space<vmem>>)
      %dma_wait3A_2417 = arith.constant 31 : i32
      %dma_wait3A_2418 = arith.constant 0 : i32
      %dma_wait3A_2419 = arith.constant 0 : i32
      %dma_wait3A_2420 = tpu.memref_slice %arg8[%dma_wait3A_2417, %dma_wait3A_2418, %dma_wait3A_2419] : memref<32x8x32xf32, #tpu.memory_space<vmem>> -> memref<1x8x32xf32, #tpu.memory_space<vmem>>
      %dma_wait3A_2421 = tpu.memref_squeeze %dma_wait3A_2420 : memref<1x8x32xf32, #tpu.memory_space<vmem>> -> memref<8x32xf32, #tpu.memory_space<vmem>>
      %dma_wait3A_2422 = arith.constant 0 : i32
      %dma_wait3A_2423 = arith.constant 0 : i32
      %dma_wait3A_2424 = tpu.memref_slice %arg4[%squeeze3A_1327, %dma_wait3A_2422, %dma_wait3A_2423] : memref<125000x8x32xf32, #tpu.memory_space<hbm>> -> memref<1x8x32xf32, #tpu.memory_space<hbm>>
      %dma_wait3A_2425 = tpu.memref_squeeze %dma_wait3A_2424 : memref<1x8x32xf32, #tpu.memory_space<hbm>> -> memref<8x32xf32, #tpu.memory_space<hbm>>
      %dma_wait3A_2426 = arith.constant 0 : i32
      %dma_wait3A_2427 = arith.constant 0 : i32
      %dma_wait3A_2428 = tpu.memref_slice %arg8[%dma_wait3A_2417, %dma_wait3A_2426, %dma_wait3A_2427] : memref<32x8x32xf32, #tpu.memory_space<vmem>> -> memref<1x8x32xf32, #tpu.memory_space<vmem>>
      %dma_wait3A_2429 = tpu.memref_squeeze %dma_wait3A_2428 : memref<1x8x32xf32, #tpu.memory_space<vmem>> -> memref<8x32xf32, #tpu.memory_space<vmem>>
      %dma_wait3A_2430 = arith.constant 0 : i32
      %dma_wait3A_2431 = arith.constant 0 : i32
      %dma_wait3A_2432 = tpu.memref_slice %arg4[%squeeze3A_1327, %dma_wait3A_2430, %dma_wait3A_2431] : memref<125000x8x32xf32, #tpu.memory_space<hbm>> -> memref<1x8x32xf32, #tpu.memory_space<hbm>>
      %dma_wait3A_2433 = tpu.memref_squeeze %dma_wait3A_2432 : memref<1x8x32xf32, #tpu.memory_space<hbm>> -> memref<8x32xf32, #tpu.memory_space<hbm>>
      tpu.wait_dma2 semaphore(%arg12 : memref<!tpu.dma_semaphore, #tpu.memory_space<semaphore_mem>>) src(%dma_wait3A_2433 : memref<8x32xf32, #tpu.memory_space<hbm>>) dst(%dma_wait3A_2429 : memref<8x32xf32, #tpu.memory_space<vmem>>)
      %dma_wait3A_2434 = arith.constant 31 : i32
      %dma_wait3A_2435 = arith.constant 0 : i32
      %dma_wait3A_2436 = arith.constant 0 : i32
      %dma_wait3A_2437 = tpu.memref_slice %arg9[%dma_wait3A_2434, %dma_wait3A_2435, %dma_wait3A_2436] : memref<32x8x32xf32, #tpu.memory_space<vmem>> -> memref<1x8x32xf32, #tpu.memory_space<vmem>>
      %dma_wait3A_2438 = tpu.memref_squeeze %dma_wait3A_2437 : memref<1x8x32xf32, #tpu.memory_space<vmem>> -> memref<8x32xf32, #tpu.memory_space<vmem>>
      %dma_wait3A_2439 = arith.constant 0 : i32
      %dma_wait3A_2440 = arith.constant 0 : i32
      %dma_wait3A_2441 = tpu.memref_slice %arg5[%squeeze3A_1346, %dma_wait3A_2439, %dma_wait3A_2440] : memref<125000x8x32xf32, #tpu.memory_space<hbm>> -> memref<1x8x32xf32, #tpu.memory_space<hbm>>
      %dma_wait3A_2442 = tpu.memref_squeeze %dma_wait3A_2441 : memref<1x8x32xf32, #tpu.memory_space<hbm>> -> memref<8x32xf32, #tpu.memory_space<hbm>>
      %dma_wait3A_2443 = arith.constant 0 : i32
      %dma_wait3A_2444 = arith.constant 0 : i32
      %dma_wait3A_2445 = tpu.memref_slice %arg9[%dma_wait3A_2434, %dma_wait3A_2443, %dma_wait3A_2444] : memref<32x8x32xf32, #tpu.memory_space<vmem>> -> memref<1x8x32xf32, #tpu.memory_space<vmem>>
      %dma_wait3A_2446 = tpu.memref_squeeze %dma_wait3A_2445 : memref<1x8x32xf32, #tpu.memory_space<vmem>> -> memref<8x32xf32, #tpu.memory_space<vmem>>
      %dma_wait3A_2447 = arith.constant 0 : i32
      %dma_wait3A_2448 = arith.constant 0 : i32
      %dma_wait3A_2449 = tpu.memref_slice %arg5[%squeeze3A_1346, %dma_wait3A_2447, %dma_wait3A_2448] : memref<125000x8x32xf32, #tpu.memory_space<hbm>> -> memref<1x8x32xf32, #tpu.memory_space<hbm>>
      %dma_wait3A_2450 = tpu.memref_squeeze %dma_wait3A_2449 : memref<1x8x32xf32, #tpu.memory_space<hbm>> -> memref<8x32xf32, #tpu.memory_space<hbm>>
      tpu.wait_dma2 semaphore(%arg13 : memref<!tpu.dma_semaphore, #tpu.memory_space<semaphore_mem>>) src(%dma_wait3A_2450 : memref<8x32xf32, #tpu.memory_space<hbm>>) dst(%dma_wait3A_2446 : memref<8x32xf32, #tpu.memory_space<vmem>>)
      %slice3A_2451 = vector.extract_strided_slice %and3A_95 {offsets = [0], sizes = [1], strides = [1]} : vector<16xi32> to vector<1xi32>
      %squeeze3A_2452 = vector.extract %slice3A_2451[0] : i32 from vector<1xi32>
      %slice3A_2453 = vector.extract_strided_slice %and3A_98 {offsets = [0], sizes = [1], strides = [1]} : vector<16xi32> to vector<1xi32>
      %squeeze3A_2454 = vector.extract %slice3A_2453[0] : i32 from vector<1xi32>
      %get3A_2455 = arith.constant 0 : i32
      %get3A_2456 = arith.index_cast %get3A_2455 : i32 to index
      %get3A_2457 = arith.index_cast %squeeze3A_2452 : i32 to index
      %get3A_2458 = arith.constant 0 : index
      %get3A_2459 = tpu.vector_load %arg8[%get3A_2456, %get3A_2457, %get3A_2458] {strides = array<i32>} : memref<32x8x32xf32, #tpu.memory_space<vmem>>, vector<1x1x16xf32>,
      %get3A_2460 = vector.shape_cast %get3A_2459 : vector<1x1x16xf32> to vector<16xf32>
      %get3A_2461 = arith.constant 0 : i32
      %get3A_2462 = arith.index_cast %get3A_2461 : i32 to index
      %get3A_2463 = arith.index_cast %squeeze3A_2454 : i32 to index
      %get3A_2464 = arith.constant 0 : index
      %get3A_2465 = tpu.vector_load %arg9[%get3A_2462, %get3A_2463, %get3A_2464] {strides = array<i32>} : memref<32x8x32xf32, #tpu.memory_space<vmem>>, vector<1x1x16xf32>,
      %get3A_2466 = vector.shape_cast %get3A_2465 : vector<1x1x16xf32> to vector<16xf32>
      %mul3A_2467 = arith.mulf %get3A_2460, %get3A_2466 : vector<16xf32>
      %mul3A_2468 = arith.mulf %mul3A_2467, %get3A_27 : vector<16xf32>
      %get3A_2469 = arith.constant 0 : i32
      %get3A_2470 = arith.index_cast %get3A_2469 : i32 to index
      %get3A_2471 = arith.index_cast %squeeze3A_2452 : i32 to index
      %get3A_2472 = arith.constant 16 : index
      %get3A_2473 = tpu.vector_load %arg8[%get3A_2470, %get3A_2471, %get3A_2472] {strides = array<i32>} : memref<32x8x32xf32, #tpu.memory_space<vmem>>, vector<1x1x16xf32>,
      %get3A_2474 = vector.shape_cast %get3A_2473 : vector<1x1x16xf32> to vector<16xf32>
      %get3A_2475 = arith.constant 0 : i32
      %get3A_2476 = arith.index_cast %get3A_2475 : i32 to index
      %get3A_2477 = arith.index_cast %squeeze3A_2454 : i32 to index
      %get3A_2478 = arith.constant 16 : index
      %get3A_2479 = tpu.vector_load %arg9[%get3A_2476, %get3A_2477, %get3A_2478] {strides = array<i32>} : memref<32x8x32xf32, #tpu.memory_space<vmem>>, vector<1x1x16xf32>,
      %get3A_2480 = vector.shape_cast %get3A_2479 : vector<1x1x16xf32> to vector<16xf32>
      %mul3A_2481 = arith.mulf %get3A_2474, %get3A_2480 : vector<16xf32>
      %mul3A_2482 = arith.mulf %mul3A_2481, %get3A_30 : vector<16xf32>
      %add3A_2483 = arith.addf %mul3A_2468, %mul3A_2482 : vector<16xf32>
      %slice3A_2484 = vector.extract_strided_slice %and3A_95 {offsets = [1], sizes = [1], strides = [1]} : vector<16xi32> to vector<1xi32>
      %squeeze3A_2485 = vector.extract %slice3A_2484[0] : i32 from vector<1xi32>
      %slice3A_2486 = vector.extract_strided_slice %and3A_98 {offsets = [1], sizes = [1], strides = [1]} : vector<16xi32> to vector<1xi32>
      %squeeze3A_2487 = vector.extract %slice3A_2486[0] : i32 from vector<1xi32>
      %get3A_2488 = arith.constant 1 : i32
      %get3A_2489 = arith.index_cast %get3A_2488 : i32 to index
      %get3A_2490 = arith.index_cast %squeeze3A_2485 : i32 to index
      %get3A_2491 = arith.constant 0 : index
      %get3A_2492 = tpu.vector_load %arg8[%get3A_2489, %get3A_2490, %get3A_2491] {strides = array<i32>} : memref<32x8x32xf32, #tpu.memory_space<vmem>>, vector<1x1x16xf32>,
      %get3A_2493 = vector.shape_cast %get3A_2492 : vector<1x1x16xf32> to vector<16xf32>
      %get3A_2494 = arith.constant 1 : i32
      %get3A_2495 = arith.index_cast %get3A_2494 : i32 to index
      %get3A_2496 = arith.index_cast %squeeze3A_2487 : i32 to index
      %get3A_2497 = arith.constant 0 : index
      %get3A_2498 = tpu.vector_load %arg9[%get3A_2495, %get3A_2496, %get3A_2497] {strides = array<i32>} : memref<32x8x32xf32, #tpu.memory_space<vmem>>, vector<1x1x16xf32>,
      %get3A_2499 = vector.shape_cast %get3A_2498 : vector<1x1x16xf32> to vector<16xf32>
      %mul3A_2500 = arith.mulf %get3A_2493, %get3A_2499 : vector<16xf32>
      %mul3A_2501 = arith.mulf %mul3A_2500, %get3A_27 : vector<16xf32>
      %get3A_2502 = arith.constant 1 : i32
      %get3A_2503 = arith.index_cast %get3A_2502 : i32 to index
      %get3A_2504 = arith.index_cast %squeeze3A_2485 : i32 to index
      %get3A_2505 = arith.constant 16 : index
      %get3A_2506 = tpu.vector_load %arg8[%get3A_2503, %get3A_2504, %get3A_2505] {strides = array<i32>} : memref<32x8x32xf32, #tpu.memory_space<vmem>>, vector<1x1x16xf32>,
      %get3A_2507 = vector.shape_cast %get3A_2506 : vector<1x1x16xf32> to vector<16xf32>
      %get3A_2508 = arith.constant 1 : i32
      %get3A_2509 = arith.index_cast %get3A_2508 : i32 to index
      %get3A_2510 = arith.index_cast %squeeze3A_2487 : i32 to index
      %get3A_2511 = arith.constant 16 : index
      %get3A_2512 = tpu.vector_load %arg9[%get3A_2509, %get3A_2510, %get3A_2511] {strides = array<i32>} : memref<32x8x32xf32, #tpu.memory_space<vmem>>, vector<1x1x16xf32>,
      %get3A_2513 = vector.shape_cast %get3A_2512 : vector<1x1x16xf32> to vector<16xf32>
      %mul3A_2514 = arith.mulf %get3A_2507, %get3A_2513 : vector<16xf32>
      %mul3A_2515 = arith.mulf %mul3A_2514, %get3A_30 : vector<16xf32>
      %add3A_2516 = arith.addf %mul3A_2501, %mul3A_2515 : vector<16xf32>
      %slice3A_2517 = vector.extract_strided_slice %and3A_95 {offsets = [2], sizes = [1], strides = [1]} : vector<16xi32> to vector<1xi32>
      %squeeze3A_2518 = vector.extract %slice3A_2517[0] : i32 from vector<1xi32>
      %slice3A_2519 = vector.extract_strided_slice %and3A_98 {offsets = [2], sizes = [1], strides = [1]} : vector<16xi32> to vector<1xi32>
      %squeeze3A_2520 = vector.extract %slice3A_2519[0] : i32 from vector<1xi32>
      %get3A_2521 = arith.constant 2 : i32
      %get3A_2522 = arith.index_cast %get3A_2521 : i32 to index
      %get3A_2523 = arith.index_cast %squeeze3A_2518 : i32 to index
      %get3A_2524 = arith.constant 0 : index
      %get3A_2525 = tpu.vector_load %arg8[%get3A_2522, %get3A_2523, %get3A_2524] {strides = array<i32>} : memref<32x8x32xf32, #tpu.memory_space<vmem>>, vector<1x1x16xf32>,
      %get3A_2526 = vector.shape_cast %get3A_2525 : vector<1x1x16xf32> to vector<16xf32>
      %get3A_2527 = arith.constant 2 : i32
      %get3A_2528 = arith.index_cast %get3A_2527 : i32 to index
      %get3A_2529 = arith.index_cast %squeeze3A_2520 : i32 to index
      %get3A_2530 = arith.constant 0 : index
      %get3A_2531 = tpu.vector_load %arg9[%get3A_2528, %get3A_2529, %get3A_2530] {strides = array<i32>} : memref<32x8x32xf32, #tpu.memory_space<vmem>>, vector<1x1x16xf32>,
      %get3A_2532 = vector.shape_cast %get3A_2531 : vector<1x1x16xf32> to vector<16xf32>
      %mul3A_2533 = arith.mulf %get3A_2526, %get3A_2532 : vector<16xf32>
      %mul3A_2534 = arith.mulf %mul3A_2533, %get3A_27 : vector<16xf32>
      %get3A_2535 = arith.constant 2 : i32
      %get3A_2536 = arith.index_cast %get3A_2535 : i32 to index
      %get3A_2537 = arith.index_cast %squeeze3A_2518 : i32 to index
      %get3A_2538 = arith.constant 16 : index
      %get3A_2539 = tpu.vector_load %arg8[%get3A_2536, %get3A_2537, %get3A_2538] {strides = array<i32>} : memref<32x8x32xf32, #tpu.memory_space<vmem>>, vector<1x1x16xf32>,
      %get3A_2540 = vector.shape_cast %get3A_2539 : vector<1x1x16xf32> to vector<16xf32>
      %get3A_2541 = arith.constant 2 : i32
      %get3A_2542 = arith.index_cast %get3A_2541 : i32 to index
      %get3A_2543 = arith.index_cast %squeeze3A_2520 : i32 to index
      %get3A_2544 = arith.constant 16 : index
      %get3A_2545 = tpu.vector_load %arg9[%get3A_2542, %get3A_2543, %get3A_2544] {strides = array<i32>} : memref<32x8x32xf32, #tpu.memory_space<vmem>>, vector<1x1x16xf32>,
      %get3A_2546 = vector.shape_cast %get3A_2545 : vector<1x1x16xf32> to vector<16xf32>
      %mul3A_2547 = arith.mulf %get3A_2540, %get3A_2546 : vector<16xf32>
      %mul3A_2548 = arith.mulf %mul3A_2547, %get3A_30 : vector<16xf32>
      %add3A_2549 = arith.addf %mul3A_2534, %mul3A_2548 : vector<16xf32>
      %slice3A_2550 = vector.extract_strided_slice %and3A_95 {offsets = [3], sizes = [1], strides = [1]} : vector<16xi32> to vector<1xi32>
      %squeeze3A_2551 = vector.extract %slice3A_2550[0] : i32 from vector<1xi32>
      %slice3A_2552 = vector.extract_strided_slice %and3A_98 {offsets = [3], sizes = [1], strides = [1]} : vector<16xi32> to vector<1xi32>
      %squeeze3A_2553 = vector.extract %slice3A_2552[0] : i32 from vector<1xi32>
      %get3A_2554 = arith.constant 3 : i32
      %get3A_2555 = arith.index_cast %get3A_2554 : i32 to index
      %get3A_2556 = arith.index_cast %squeeze3A_2551 : i32 to index
      %get3A_2557 = arith.constant 0 : index
      %get3A_2558 = tpu.vector_load %arg8[%get3A_2555, %get3A_2556, %get3A_2557] {strides = array<i32>} : memref<32x8x32xf32, #tpu.memory_space<vmem>>, vector<1x1x16xf32>,
      %get3A_2559 = vector.shape_cast %get3A_2558 : vector<1x1x16xf32> to vector<16xf32>
      %get3A_2560 = arith.constant 3 : i32
      %get3A_2561 = arith.index_cast %get3A_2560 : i32 to index
      %get3A_2562 = arith.index_cast %squeeze3A_2553 : i32 to index
      %get3A_2563 = arith.constant 0 : index
      %get3A_2564 = tpu.vector_load %arg9[%get3A_2561, %get3A_2562, %get3A_2563] {strides = array<i32>} : memref<32x8x32xf32, #tpu.memory_space<vmem>>, vector<1x1x16xf32>,
      %get3A_2565 = vector.shape_cast %get3A_2564 : vector<1x1x16xf32> to vector<16xf32>
      %mul3A_2566 = arith.mulf %get3A_2559, %get3A_2565 : vector<16xf32>
      %mul3A_2567 = arith.mulf %mul3A_2566, %get3A_27 : vector<16xf32>
      %get3A_2568 = arith.constant 3 : i32
      %get3A_2569 = arith.index_cast %get3A_2568 : i32 to index
      %get3A_2570 = arith.index_cast %squeeze3A_2551 : i32 to index
      %get3A_2571 = arith.constant 16 : index
      %get3A_2572 = tpu.vector_load %arg8[%get3A_2569, %get3A_2570, %get3A_2571] {strides = array<i32>} : memref<32x8x32xf32, #tpu.memory_space<vmem>>, vector<1x1x16xf32>,
      %get3A_2573 = vector.shape_cast %get3A_2572 : vector<1x1x16xf32> to vector<16xf32>
      %get3A_2574 = arith.constant 3 : i32
      %get3A_2575 = arith.index_cast %get3A_2574 : i32 to index
      %get3A_2576 = arith.index_cast %squeeze3A_2553 : i32 to index
      %get3A_2577 = arith.constant 16 : index
      %get3A_2578 = tpu.vector_load %arg9[%get3A_2575, %get3A_2576, %get3A_2577] {strides = array<i32>} : memref<32x8x32xf32, #tpu.memory_space<vmem>>, vector<1x1x16xf32>,
      %get3A_2579 = vector.shape_cast %get3A_2578 : vector<1x1x16xf32> to vector<16xf32>
      %mul3A_2580 = arith.mulf %get3A_2573, %get3A_2579 : vector<16xf32>
      %mul3A_2581 = arith.mulf %mul3A_2580, %get3A_30 : vector<16xf32>
      %add3A_2582 = arith.addf %mul3A_2567, %mul3A_2581 : vector<16xf32>
      %slice3A_2583 = vector.extract_strided_slice %and3A_95 {offsets = [4], sizes = [1], strides = [1]} : vector<16xi32> to vector<1xi32>
      %squeeze3A_2584 = vector.extract %slice3A_2583[0] : i32 from vector<1xi32>
      %slice3A_2585 = vector.extract_strided_slice %and3A_98 {offsets = [4], sizes = [1], strides = [1]} : vector<16xi32> to vector<1xi32>
      %squeeze3A_2586 = vector.extract %slice3A_2585[0] : i32 from vector<1xi32>
      %get3A_2587 = arith.constant 4 : i32
      %get3A_2588 = arith.index_cast %get3A_2587 : i32 to index
      %get3A_2589 = arith.index_cast %squeeze3A_2584 : i32 to index
      %get3A_2590 = arith.constant 0 : index
      %get3A_2591 = tpu.vector_load %arg8[%get3A_2588, %get3A_2589, %get3A_2590] {strides = array<i32>} : memref<32x8x32xf32, #tpu.memory_space<vmem>>, vector<1x1x16xf32>,
      %get3A_2592 = vector.shape_cast %get3A_2591 : vector<1x1x16xf32> to vector<16xf32>
      %get3A_2593 = arith.constant 4 : i32
      %get3A_2594 = arith.index_cast %get3A_2593 : i32 to index
      %get3A_2595 = arith.index_cast %squeeze3A_2586 : i32 to index
      %get3A_2596 = arith.constant 0 : index
      %get3A_2597 = tpu.vector_load %arg9[%get3A_2594, %get3A_2595, %get3A_2596] {strides = array<i32>} : memref<32x8x32xf32, #tpu.memory_space<vmem>>, vector<1x1x16xf32>,
      %get3A_2598 = vector.shape_cast %get3A_2597 : vector<1x1x16xf32> to vector<16xf32>
      %mul3A_2599 = arith.mulf %get3A_2592, %get3A_2598 : vector<16xf32>
      %mul3A_2600 = arith.mulf %mul3A_2599, %get3A_27 : vector<16xf32>
      %get3A_2601 = arith.constant 4 : i32
      %get3A_2602 = arith.index_cast %get3A_2601 : i32 to index
      %get3A_2603 = arith.index_cast %squeeze3A_2584 : i32 to index
      %get3A_2604 = arith.constant 16 : index
      %get3A_2605 = tpu.vector_load %arg8[%get3A_2602, %get3A_2603, %get3A_2604] {strides = array<i32>} : memref<32x8x32xf32, #tpu.memory_space<vmem>>, vector<1x1x16xf32>,
      %get3A_2606 = vector.shape_cast %get3A_2605 : vector<1x1x16xf32> to vector<16xf32>
      %get3A_2607 = arith.constant 4 : i32
      %get3A_2608 = arith.index_cast %get3A_2607 : i32 to index
      %get3A_2609 = arith.index_cast %squeeze3A_2586 : i32 to index
      %get3A_2610 = arith.constant 16 : index
      %get3A_2611 = tpu.vector_load %arg9[%get3A_2608, %get3A_2609, %get3A_2610] {strides = array<i32>} : memref<32x8x32xf32, #tpu.memory_space<vmem>>, vector<1x1x16xf32>,
      %get3A_2612 = vector.shape_cast %get3A_2611 : vector<1x1x16xf32> to vector<16xf32>
      %mul3A_2613 = arith.mulf %get3A_2606, %get3A_2612 : vector<16xf32>
      %mul3A_2614 = arith.mulf %mul3A_2613, %get3A_30 : vector<16xf32>
      %add3A_2615 = arith.addf %mul3A_2600, %mul3A_2614 : vector<16xf32>
      %slice3A_2616 = vector.extract_strided_slice %and3A_95 {offsets = [5], sizes = [1], strides = [1]} : vector<16xi32> to vector<1xi32>
      %squeeze3A_2617 = vector.extract %slice3A_2616[0] : i32 from vector<1xi32>
      %slice3A_2618 = vector.extract_strided_slice %and3A_98 {offsets = [5], sizes = [1], strides = [1]} : vector<16xi32> to vector<1xi32>
      %squeeze3A_2619 = vector.extract %slice3A_2618[0] : i32 from vector<1xi32>
      %get3A_2620 = arith.constant 5 : i32
      %get3A_2621 = arith.index_cast %get3A_2620 : i32 to index
      %get3A_2622 = arith.index_cast %squeeze3A_2617 : i32 to index
      %get3A_2623 = arith.constant 0 : index
      %get3A_2624 = tpu.vector_load %arg8[%get3A_2621, %get3A_2622, %get3A_2623] {strides = array<i32>} : memref<32x8x32xf32, #tpu.memory_space<vmem>>, vector<1x1x16xf32>,
      %get3A_2625 = vector.shape_cast %get3A_2624 : vector<1x1x16xf32> to vector<16xf32>
      %get3A_2626 = arith.constant 5 : i32
      %get3A_2627 = arith.index_cast %get3A_2626 : i32 to index
      %get3A_2628 = arith.index_cast %squeeze3A_2619 : i32 to index
      %get3A_2629 = arith.constant 0 : index
      %get3A_2630 = tpu.vector_load %arg9[%get3A_2627, %get3A_2628, %get3A_2629] {strides = array<i32>} : memref<32x8x32xf32, #tpu.memory_space<vmem>>, vector<1x1x16xf32>,
      %get3A_2631 = vector.shape_cast %get3A_2630 : vector<1x1x16xf32> to vector<16xf32>
      %mul3A_2632 = arith.mulf %get3A_2625, %get3A_2631 : vector<16xf32>
      %mul3A_2633 = arith.mulf %mul3A_2632, %get3A_27 : vector<16xf32>
      %get3A_2634 = arith.constant 5 : i32
      %get3A_2635 = arith.index_cast %get3A_2634 : i32 to index
      %get3A_2636 = arith.index_cast %squeeze3A_2617 : i32 to index
      %get3A_2637 = arith.constant 16 : index
      %get3A_2638 = tpu.vector_load %arg8[%get3A_2635, %get3A_2636, %get3A_2637] {strides = array<i32>} : memref<32x8x32xf32, #tpu.memory_space<vmem>>, vector<1x1x16xf32>,
      %get3A_2639 = vector.shape_cast %get3A_2638 : vector<1x1x16xf32> to vector<16xf32>
      %get3A_2640 = arith.constant 5 : i32
      %get3A_2641 = arith.index_cast %get3A_2640 : i32 to index
      %get3A_2642 = arith.index_cast %squeeze3A_2619 : i32 to index
      %get3A_2643 = arith.constant 16 : index
      %get3A_2644 = tpu.vector_load %arg9[%get3A_2641, %get3A_2642, %get3A_2643] {strides = array<i32>} : memref<32x8x32xf32, #tpu.memory_space<vmem>>, vector<1x1x16xf32>,
      %get3A_2645 = vector.shape_cast %get3A_2644 : vector<1x1x16xf32> to vector<16xf32>
      %mul3A_2646 = arith.mulf %get3A_2639, %get3A_2645 : vector<16xf32>
      %mul3A_2647 = arith.mulf %mul3A_2646, %get3A_30 : vector<16xf32>
      %add3A_2648 = arith.addf %mul3A_2633, %mul3A_2647 : vector<16xf32>
      %slice3A_2649 = vector.extract_strided_slice %and3A_95 {offsets = [6], sizes = [1], strides = [1]} : vector<16xi32> to vector<1xi32>
      %squeeze3A_2650 = vector.extract %slice3A_2649[0] : i32 from vector<1xi32>
      %slice3A_2651 = vector.extract_strided_slice %and3A_98 {offsets = [6], sizes = [1], strides = [1]} : vector<16xi32> to vector<1xi32>
      %squeeze3A_2652 = vector.extract %slice3A_2651[0] : i32 from vector<1xi32>
      %get3A_2653 = arith.constant 6 : i32
      %get3A_2654 = arith.index_cast %get3A_2653 : i32 to index
      %get3A_2655 = arith.index_cast %squeeze3A_2650 : i32 to index
      %get3A_2656 = arith.constant 0 : index
      %get3A_2657 = tpu.vector_load %arg8[%get3A_2654, %get3A_2655, %get3A_2656] {strides = array<i32>} : memref<32x8x32xf32, #tpu.memory_space<vmem>>, vector<1x1x16xf32>,
      %get3A_2658 = vector.shape_cast %get3A_2657 : vector<1x1x16xf32> to vector<16xf32>
      %get3A_2659 = arith.constant 6 : i32
      %get3A_2660 = arith.index_cast %get3A_2659 : i32 to index
      %get3A_2661 = arith.index_cast %squeeze3A_2652 : i32 to index
      %get3A_2662 = arith.constant 0 : index
      %get3A_2663 = tpu.vector_load %arg9[%get3A_2660, %get3A_2661, %get3A_2662] {strides = array<i32>} : memref<32x8x32xf32, #tpu.memory_space<vmem>>, vector<1x1x16xf32>,
      %get3A_2664 = vector.shape_cast %get3A_2663 : vector<1x1x16xf32> to vector<16xf32>
      %mul3A_2665 = arith.mulf %get3A_2658, %get3A_2664 : vector<16xf32>
      %mul3A_2666 = arith.mulf %mul3A_2665, %get3A_27 : vector<16xf32>
      %get3A_2667 = arith.constant 6 : i32
      %get3A_2668 = arith.index_cast %get3A_2667 : i32 to index
      %get3A_2669 = arith.index_cast %squeeze3A_2650 : i32 to index
      %get3A_2670 = arith.constant 16 : index
      %get3A_2671 = tpu.vector_load %arg8[%get3A_2668, %get3A_2669, %get3A_2670] {strides = array<i32>} : memref<32x8x32xf32, #tpu.memory_space<vmem>>, vector<1x1x16xf32>,
      %get3A_2672 = vector.shape_cast %get3A_2671 : vector<1x1x16xf32> to vector<16xf32>
      %get3A_2673 = arith.constant 6 : i32
      %get3A_2674 = arith.index_cast %get3A_2673 : i32 to index
      %get3A_2675 = arith.index_cast %squeeze3A_2652 : i32 to index
      %get3A_2676 = arith.constant 16 : index
      %get3A_2677 = tpu.vector_load %arg9[%get3A_2674, %get3A_2675, %get3A_2676] {strides = array<i32>} : memref<32x8x32xf32, #tpu.memory_space<vmem>>, vector<1x1x16xf32>,
      %get3A_2678 = vector.shape_cast %get3A_2677 : vector<1x1x16xf32> to vector<16xf32>
      %mul3A_2679 = arith.mulf %get3A_2672, %get3A_2678 : vector<16xf32>
      %mul3A_2680 = arith.mulf %mul3A_2679, %get3A_30 : vector<16xf32>
      %add3A_2681 = arith.addf %mul3A_2666, %mul3A_2680 : vector<16xf32>
      %slice3A_2682 = vector.extract_strided_slice %and3A_95 {offsets = [7], sizes = [1], strides = [1]} : vector<16xi32> to vector<1xi32>
      %squeeze3A_2683 = vector.extract %slice3A_2682[0] : i32 from vector<1xi32>
      %slice3A_2684 = vector.extract_strided_slice %and3A_98 {offsets = [7], sizes = [1], strides = [1]} : vector<16xi32> to vector<1xi32>
      %squeeze3A_2685 = vector.extract %slice3A_2684[0] : i32 from vector<1xi32>
      %get3A_2686 = arith.constant 7 : i32
      %get3A_2687 = arith.index_cast %get3A_2686 : i32 to index
      %get3A_2688 = arith.index_cast %squeeze3A_2683 : i32 to index
      %get3A_2689 = arith.constant 0 : index
      %get3A_2690 = tpu.vector_load %arg8[%get3A_2687, %get3A_2688, %get3A_2689] {strides = array<i32>} : memref<32x8x32xf32, #tpu.memory_space<vmem>>, vector<1x1x16xf32>,
      %get3A_2691 = vector.shape_cast %get3A_2690 : vector<1x1x16xf32> to vector<16xf32>
      %get3A_2692 = arith.constant 7 : i32
      %get3A_2693 = arith.index_cast %get3A_2692 : i32 to index
      %get3A_2694 = arith.index_cast %squeeze3A_2685 : i32 to index
      %get3A_2695 = arith.constant 0 : index
      %get3A_2696 = tpu.vector_load %arg9[%get3A_2693, %get3A_2694, %get3A_2695] {strides = array<i32>} : memref<32x8x32xf32, #tpu.memory_space<vmem>>, vector<1x1x16xf32>,
      %get3A_2697 = vector.shape_cast %get3A_2696 : vector<1x1x16xf32> to vector<16xf32>
      %mul3A_2698 = arith.mulf %get3A_2691, %get3A_2697 : vector<16xf32>
      %mul3A_2699 = arith.mulf %mul3A_2698, %get3A_27 : vector<16xf32>
      %get3A_2700 = arith.constant 7 : i32
      %get3A_2701 = arith.index_cast %get3A_2700 : i32 to index
      %get3A_2702 = arith.index_cast %squeeze3A_2683 : i32 to index
      %get3A_2703 = arith.constant 16 : index
      %get3A_2704 = tpu.vector_load %arg8[%get3A_2701, %get3A_2702, %get3A_2703] {strides = array<i32>} : memref<32x8x32xf32, #tpu.memory_space<vmem>>, vector<1x1x16xf32>,
      %get3A_2705 = vector.shape_cast %get3A_2704 : vector<1x1x16xf32> to vector<16xf32>
      %get3A_2706 = arith.constant 7 : i32
      %get3A_2707 = arith.index_cast %get3A_2706 : i32 to index
      %get3A_2708 = arith.index_cast %squeeze3A_2685 : i32 to index
      %get3A_2709 = arith.constant 16 : index
      %get3A_2710 = tpu.vector_load %arg9[%get3A_2707, %get3A_2708, %get3A_2709] {strides = array<i32>} : memref<32x8x32xf32, #tpu.memory_space<vmem>>, vector<1x1x16xf32>,
      %get3A_2711 = vector.shape_cast %get3A_2710 : vector<1x1x16xf32> to vector<16xf32>
      %mul3A_2712 = arith.mulf %get3A_2705, %get3A_2711 : vector<16xf32>
      %mul3A_2713 = arith.mulf %mul3A_2712, %get3A_30 : vector<16xf32>
      %add3A_2714 = arith.addf %mul3A_2699, %mul3A_2713 : vector<16xf32>
      %slice3A_2715 = vector.extract_strided_slice %and3A_95 {offsets = [8], sizes = [1], strides = [1]} : vector<16xi32> to vector<1xi32>
      %squeeze3A_2716 = vector.extract %slice3A_2715[0] : i32 from vector<1xi32>
      %slice3A_2717 = vector.extract_strided_slice %and3A_98 {offsets = [8], sizes = [1], strides = [1]} : vector<16xi32> to vector<1xi32>
      %squeeze3A_2718 = vector.extract %slice3A_2717[0] : i32 from vector<1xi32>
      %get3A_2719 = arith.constant 8 : i32
      %get3A_2720 = arith.index_cast %get3A_2719 : i32 to index
      %get3A_2721 = arith.index_cast %squeeze3A_2716 : i32 to index
      %get3A_2722 = arith.constant 0 : index
      %get3A_2723 = tpu.vector_load %arg8[%get3A_2720, %get3A_2721, %get3A_2722] {strides = array<i32>} : memref<32x8x32xf32, #tpu.memory_space<vmem>>, vector<1x1x16xf32>,
      %get3A_2724 = vector.shape_cast %get3A_2723 : vector<1x1x16xf32> to vector<16xf32>
      %get3A_2725 = arith.constant 8 : i32
      %get3A_2726 = arith.index_cast %get3A_2725 : i32 to index
      %get3A_2727 = arith.index_cast %squeeze3A_2718 : i32 to index
      %get3A_2728 = arith.constant 0 : index
      %get3A_2729 = tpu.vector_load %arg9[%get3A_2726, %get3A_2727, %get3A_2728] {strides = array<i32>} : memref<32x8x32xf32, #tpu.memory_space<vmem>>, vector<1x1x16xf32>,
      %get3A_2730 = vector.shape_cast %get3A_2729 : vector<1x1x16xf32> to vector<16xf32>
      %mul3A_2731 = arith.mulf %get3A_2724, %get3A_2730 : vector<16xf32>
      %mul3A_2732 = arith.mulf %mul3A_2731, %get3A_27 : vector<16xf32>
      %get3A_2733 = arith.constant 8 : i32
      %get3A_2734 = arith.index_cast %get3A_2733 : i32 to index
      %get3A_2735 = arith.index_cast %squeeze3A_2716 : i32 to index
      %get3A_2736 = arith.constant 16 : index
      %get3A_2737 = tpu.vector_load %arg8[%get3A_2734, %get3A_2735, %get3A_2736] {strides = array<i32>} : memref<32x8x32xf32, #tpu.memory_space<vmem>>, vector<1x1x16xf32>,
      %get3A_2738 = vector.shape_cast %get3A_2737 : vector<1x1x16xf32> to vector<16xf32>
      %get3A_2739 = arith.constant 8 : i32
      %get3A_2740 = arith.index_cast %get3A_2739 : i32 to index
      %get3A_2741 = arith.index_cast %squeeze3A_2718 : i32 to index
      %get3A_2742 = arith.constant 16 : index
      %get3A_2743 = tpu.vector_load %arg9[%get3A_2740, %get3A_2741, %get3A_2742] {strides = array<i32>} : memref<32x8x32xf32, #tpu.memory_space<vmem>>, vector<1x1x16xf32>,
      %get3A_2744 = vector.shape_cast %get3A_2743 : vector<1x1x16xf32> to vector<16xf32>
      %mul3A_2745 = arith.mulf %get3A_2738, %get3A_2744 : vector<16xf32>
      %mul3A_2746 = arith.mulf %mul3A_2745, %get3A_30 : vector<16xf32>
      %add3A_2747 = arith.addf %mul3A_2732, %mul3A_2746 : vector<16xf32>
      %slice3A_2748 = vector.extract_strided_slice %and3A_95 {offsets = [9], sizes = [1], strides = [1]} : vector<16xi32> to vector<1xi32>
      %squeeze3A_2749 = vector.extract %slice3A_2748[0] : i32 from vector<1xi32>
      %slice3A_2750 = vector.extract_strided_slice %and3A_98 {offsets = [9], sizes = [1], strides = [1]} : vector<16xi32> to vector<1xi32>
      %squeeze3A_2751 = vector.extract %slice3A_2750[0] : i32 from vector<1xi32>
      %get3A_2752 = arith.constant 9 : i32
      %get3A_2753 = arith.index_cast %get3A_2752 : i32 to index
      %get3A_2754 = arith.index_cast %squeeze3A_2749 : i32 to index
      %get3A_2755 = arith.constant 0 : index
      %get3A_2756 = tpu.vector_load %arg8[%get3A_2753, %get3A_2754, %get3A_2755] {strides = array<i32>} : memref<32x8x32xf32, #tpu.memory_space<vmem>>, vector<1x1x16xf32>,
      %get3A_2757 = vector.shape_cast %get3A_2756 : vector<1x1x16xf32> to vector<16xf32>
      %get3A_2758 = arith.constant 9 : i32
      %get3A_2759 = arith.index_cast %get3A_2758 : i32 to index
      %get3A_2760 = arith.index_cast %squeeze3A_2751 : i32 to index
      %get3A_2761 = arith.constant 0 : index
      %get3A_2762 = tpu.vector_load %arg9[%get3A_2759, %get3A_2760, %get3A_2761] {strides = array<i32>} : memref<32x8x32xf32, #tpu.memory_space<vmem>>, vector<1x1x16xf32>,
      %get3A_2763 = vector.shape_cast %get3A_2762 : vector<1x1x16xf32> to vector<16xf32>
      %mul3A_2764 = arith.mulf %get3A_2757, %get3A_2763 : vector<16xf32>
      %mul3A_2765 = arith.mulf %mul3A_2764, %get3A_27 : vector<16xf32>
      %get3A_2766 = arith.constant 9 : i32
      %get3A_2767 = arith.index_cast %get3A_2766 : i32 to index
      %get3A_2768 = arith.index_cast %squeeze3A_2749 : i32 to index
      %get3A_2769 = arith.constant 16 : index
      %get3A_2770 = tpu.vector_load %arg8[%get3A_2767, %get3A_2768, %get3A_2769] {strides = array<i32>} : memref<32x8x32xf32, #tpu.memory_space<vmem>>, vector<1x1x16xf32>,
      %get3A_2771 = vector.shape_cast %get3A_2770 : vector<1x1x16xf32> to vector<16xf32>
      %get3A_2772 = arith.constant 9 : i32
      %get3A_2773 = arith.index_cast %get3A_2772 : i32 to index
      %get3A_2774 = arith.index_cast %squeeze3A_2751 : i32 to index
      %get3A_2775 = arith.constant 16 : index
      %get3A_2776 = tpu.vector_load %arg9[%get3A_2773, %get3A_2774, %get3A_2775] {strides = array<i32>} : memref<32x8x32xf32, #tpu.memory_space<vmem>>, vector<1x1x16xf32>,
      %get3A_2777 = vector.shape_cast %get3A_2776 : vector<1x1x16xf32> to vector<16xf32>
      %mul3A_2778 = arith.mulf %get3A_2771, %get3A_2777 : vector<16xf32>
      %mul3A_2779 = arith.mulf %mul3A_2778, %get3A_30 : vector<16xf32>
      %add3A_2780 = arith.addf %mul3A_2765, %mul3A_2779 : vector<16xf32>
      %slice3A_2781 = vector.extract_strided_slice %and3A_95 {offsets = [10], sizes = [1], strides = [1]} : vector<16xi32> to vector<1xi32>
      %squeeze3A_2782 = vector.extract %slice3A_2781[0] : i32 from vector<1xi32>
      %slice3A_2783 = vector.extract_strided_slice %and3A_98 {offsets = [10], sizes = [1], strides = [1]} : vector<16xi32> to vector<1xi32>
      %squeeze3A_2784 = vector.extract %slice3A_2783[0] : i32 from vector<1xi32>
      %get3A_2785 = arith.constant 10 : i32
      %get3A_2786 = arith.index_cast %get3A_2785 : i32 to index
      %get3A_2787 = arith.index_cast %squeeze3A_2782 : i32 to index
      %get3A_2788 = arith.constant 0 : index
      %get3A_2789 = tpu.vector_load %arg8[%get3A_2786, %get3A_2787, %get3A_2788] {strides = array<i32>} : memref<32x8x32xf32, #tpu.memory_space<vmem>>, vector<1x1x16xf32>,
      %get3A_2790 = vector.shape_cast %get3A_2789 : vector<1x1x16xf32> to vector<16xf32>
      %get3A_2791 = arith.constant 10 : i32
      %get3A_2792 = arith.index_cast %get3A_2791 : i32 to index
      %get3A_2793 = arith.index_cast %squeeze3A_2784 : i32 to index
      %get3A_2794 = arith.constant 0 : index
      %get3A_2795 = tpu.vector_load %arg9[%get3A_2792, %get3A_2793, %get3A_2794] {strides = array<i32>} : memref<32x8x32xf32, #tpu.memory_space<vmem>>, vector<1x1x16xf32>,
      %get3A_2796 = vector.shape_cast %get3A_2795 : vector<1x1x16xf32> to vector<16xf32>
      %mul3A_2797 = arith.mulf %get3A_2790, %get3A_2796 : vector<16xf32>
      %mul3A_2798 = arith.mulf %mul3A_2797, %get3A_27 : vector<16xf32>
      %get3A_2799 = arith.constant 10 : i32
      %get3A_2800 = arith.index_cast %get3A_2799 : i32 to index
      %get3A_2801 = arith.index_cast %squeeze3A_2782 : i32 to index
      %get3A_2802 = arith.constant 16 : index
      %get3A_2803 = tpu.vector_load %arg8[%get3A_2800, %get3A_2801, %get3A_2802] {strides = array<i32>} : memref<32x8x32xf32, #tpu.memory_space<vmem>>, vector<1x1x16xf32>,
      %get3A_2804 = vector.shape_cast %get3A_2803 : vector<1x1x16xf32> to vector<16xf32>
      %get3A_2805 = arith.constant 10 : i32
      %get3A_2806 = arith.index_cast %get3A_2805 : i32 to index
      %get3A_2807 = arith.index_cast %squeeze3A_2784 : i32 to index
      %get3A_2808 = arith.constant 16 : index
      %get3A_2809 = tpu.vector_load %arg9[%get3A_2806, %get3A_2807, %get3A_2808] {strides = array<i32>} : memref<32x8x32xf32, #tpu.memory_space<vmem>>, vector<1x1x16xf32>,
      %get3A_2810 = vector.shape_cast %get3A_2809 : vector<1x1x16xf32> to vector<16xf32>
      %mul3A_2811 = arith.mulf %get3A_2804, %get3A_2810 : vector<16xf32>
      %mul3A_2812 = arith.mulf %mul3A_2811, %get3A_30 : vector<16xf32>
      %add3A_2813 = arith.addf %mul3A_2798, %mul3A_2812 : vector<16xf32>
      %slice3A_2814 = vector.extract_strided_slice %and3A_95 {offsets = [11], sizes = [1], strides = [1]} : vector<16xi32> to vector<1xi32>
      %squeeze3A_2815 = vector.extract %slice3A_2814[0] : i32 from vector<1xi32>
      %slice3A_2816 = vector.extract_strided_slice %and3A_98 {offsets = [11], sizes = [1], strides = [1]} : vector<16xi32> to vector<1xi32>
      %squeeze3A_2817 = vector.extract %slice3A_2816[0] : i32 from vector<1xi32>
      %get3A_2818 = arith.constant 11 : i32
      %get3A_2819 = arith.index_cast %get3A_2818 : i32 to index
      %get3A_2820 = arith.index_cast %squeeze3A_2815 : i32 to index
      %get3A_2821 = arith.constant 0 : index
      %get3A_2822 = tpu.vector_load %arg8[%get3A_2819, %get3A_2820, %get3A_2821] {strides = array<i32>} : memref<32x8x32xf32, #tpu.memory_space<vmem>>, vector<1x1x16xf32>,
      %get3A_2823 = vector.shape_cast %get3A_2822 : vector<1x1x16xf32> to vector<16xf32>
      %get3A_2824 = arith.constant 11 : i32
      %get3A_2825 = arith.index_cast %get3A_2824 : i32 to index
      %get3A_2826 = arith.index_cast %squeeze3A_2817 : i32 to index
      %get3A_2827 = arith.constant 0 : index
      %get3A_2828 = tpu.vector_load %arg9[%get3A_2825, %get3A_2826, %get3A_2827] {strides = array<i32>} : memref<32x8x32xf32, #tpu.memory_space<vmem>>, vector<1x1x16xf32>,
      %get3A_2829 = vector.shape_cast %get3A_2828 : vector<1x1x16xf32> to vector<16xf32>
      %mul3A_2830 = arith.mulf %get3A_2823, %get3A_2829 : vector<16xf32>
      %mul3A_2831 = arith.mulf %mul3A_2830, %get3A_27 : vector<16xf32>
      %get3A_2832 = arith.constant 11 : i32
      %get3A_2833 = arith.index_cast %get3A_2832 : i32 to index
      %get3A_2834 = arith.index_cast %squeeze3A_2815 : i32 to index
      %get3A_2835 = arith.constant 16 : index
      %get3A_2836 = tpu.vector_load %arg8[%get3A_2833, %get3A_2834, %get3A_2835] {strides = array<i32>} : memref<32x8x32xf32, #tpu.memory_space<vmem>>, vector<1x1x16xf32>,
      %get3A_2837 = vector.shape_cast %get3A_2836 : vector<1x1x16xf32> to vector<16xf32>
      %get3A_2838 = arith.constant 11 : i32
      %get3A_2839 = arith.index_cast %get3A_2838 : i32 to index
      %get3A_2840 = arith.index_cast %squeeze3A_2817 : i32 to index
      %get3A_2841 = arith.constant 16 : index
      %get3A_2842 = tpu.vector_load %arg9[%get3A_2839, %get3A_2840, %get3A_2841] {strides = array<i32>} : memref<32x8x32xf32, #tpu.memory_space<vmem>>, vector<1x1x16xf32>,
      %get3A_2843 = vector.shape_cast %get3A_2842 : vector<1x1x16xf32> to vector<16xf32>
      %mul3A_2844 = arith.mulf %get3A_2837, %get3A_2843 : vector<16xf32>
      %mul3A_2845 = arith.mulf %mul3A_2844, %get3A_30 : vector<16xf32>
      %add3A_2846 = arith.addf %mul3A_2831, %mul3A_2845 : vector<16xf32>
      %slice3A_2847 = vector.extract_strided_slice %and3A_95 {offsets = [12], sizes = [1], strides = [1]} : vector<16xi32> to vector<1xi32>
      %squeeze3A_2848 = vector.extract %slice3A_2847[0] : i32 from vector<1xi32>
      %slice3A_2849 = vector.extract_strided_slice %and3A_98 {offsets = [12], sizes = [1], strides = [1]} : vector<16xi32> to vector<1xi32>
      %squeeze3A_2850 = vector.extract %slice3A_2849[0] : i32 from vector<1xi32>
      %get3A_2851 = arith.constant 12 : i32
      %get3A_2852 = arith.index_cast %get3A_2851 : i32 to index
      %get3A_2853 = arith.index_cast %squeeze3A_2848 : i32 to index
      %get3A_2854 = arith.constant 0 : index
      %get3A_2855 = tpu.vector_load %arg8[%get3A_2852, %get3A_2853, %get3A_2854] {strides = array<i32>} : memref<32x8x32xf32, #tpu.memory_space<vmem>>, vector<1x1x16xf32>,
      %get3A_2856 = vector.shape_cast %get3A_2855 : vector<1x1x16xf32> to vector<16xf32>
      %get3A_2857 = arith.constant 12 : i32
      %get3A_2858 = arith.index_cast %get3A_2857 : i32 to index
      %get3A_2859 = arith.index_cast %squeeze3A_2850 : i32 to index
      %get3A_2860 = arith.constant 0 : index
      %get3A_2861 = tpu.vector_load %arg9[%get3A_2858, %get3A_2859, %get3A_2860] {strides = array<i32>} : memref<32x8x32xf32, #tpu.memory_space<vmem>>, vector<1x1x16xf32>,
      %get3A_2862 = vector.shape_cast %get3A_2861 : vector<1x1x16xf32> to vector<16xf32>
      %mul3A_2863 = arith.mulf %get3A_2856, %get3A_2862 : vector<16xf32>
      %mul3A_2864 = arith.mulf %mul3A_2863, %get3A_27 : vector<16xf32>
      %get3A_2865 = arith.constant 12 : i32
      %get3A_2866 = arith.index_cast %get3A_2865 : i32 to index
      %get3A_2867 = arith.index_cast %squeeze3A_2848 : i32 to index
      %get3A_2868 = arith.constant 16 : index
      %get3A_2869 = tpu.vector_load %arg8[%get3A_2866, %get3A_2867, %get3A_2868] {strides = array<i32>} : memref<32x8x32xf32, #tpu.memory_space<vmem>>, vector<1x1x16xf32>,
      %get3A_2870 = vector.shape_cast %get3A_2869 : vector<1x1x16xf32> to vector<16xf32>
      %get3A_2871 = arith.constant 12 : i32
      %get3A_2872 = arith.index_cast %get3A_2871 : i32 to index
      %get3A_2873 = arith.index_cast %squeeze3A_2850 : i32 to index
      %get3A_2874 = arith.constant 16 : index
      %get3A_2875 = tpu.vector_load %arg9[%get3A_2872, %get3A_2873, %get3A_2874] {strides = array<i32>} : memref<32x8x32xf32, #tpu.memory_space<vmem>>, vector<1x1x16xf32>,
      %get3A_2876 = vector.shape_cast %get3A_2875 : vector<1x1x16xf32> to vector<16xf32>
      %mul3A_2877 = arith.mulf %get3A_2870, %get3A_2876 : vector<16xf32>
      %mul3A_2878 = arith.mulf %mul3A_2877, %get3A_30 : vector<16xf32>
      %add3A_2879 = arith.addf %mul3A_2864, %mul3A_2878 : vector<16xf32>
      %slice3A_2880 = vector.extract_strided_slice %and3A_95 {offsets = [13], sizes = [1], strides = [1]} : vector<16xi32> to vector<1xi32>
      %squeeze3A_2881 = vector.extract %slice3A_2880[0] : i32 from vector<1xi32>
      %slice3A_2882 = vector.extract_strided_slice %and3A_98 {offsets = [13], sizes = [1], strides = [1]} : vector<16xi32> to vector<1xi32>
      %squeeze3A_2883 = vector.extract %slice3A_2882[0] : i32 from vector<1xi32>
      %get3A_2884 = arith.constant 13 : i32
      %get3A_2885 = arith.index_cast %get3A_2884 : i32 to index
      %get3A_2886 = arith.index_cast %squeeze3A_2881 : i32 to index
      %get3A_2887 = arith.constant 0 : index
      %get3A_2888 = tpu.vector_load %arg8[%get3A_2885, %get3A_2886, %get3A_2887] {strides = array<i32>} : memref<32x8x32xf32, #tpu.memory_space<vmem>>, vector<1x1x16xf32>,
      %get3A_2889 = vector.shape_cast %get3A_2888 : vector<1x1x16xf32> to vector<16xf32>
      %get3A_2890 = arith.constant 13 : i32
      %get3A_2891 = arith.index_cast %get3A_2890 : i32 to index
      %get3A_2892 = arith.index_cast %squeeze3A_2883 : i32 to index
      %get3A_2893 = arith.constant 0 : index
      %get3A_2894 = tpu.vector_load %arg9[%get3A_2891, %get3A_2892, %get3A_2893] {strides = array<i32>} : memref<32x8x32xf32, #tpu.memory_space<vmem>>, vector<1x1x16xf32>,
      %get3A_2895 = vector.shape_cast %get3A_2894 : vector<1x1x16xf32> to vector<16xf32>
      %mul3A_2896 = arith.mulf %get3A_2889, %get3A_2895 : vector<16xf32>
      %mul3A_2897 = arith.mulf %mul3A_2896, %get3A_27 : vector<16xf32>
      %get3A_2898 = arith.constant 13 : i32
      %get3A_2899 = arith.index_cast %get3A_2898 : i32 to index
      %get3A_2900 = arith.index_cast %squeeze3A_2881 : i32 to index
      %get3A_2901 = arith.constant 16 : index
      %get3A_2902 = tpu.vector_load %arg8[%get3A_2899, %get3A_2900, %get3A_2901] {strides = array<i32>} : memref<32x8x32xf32, #tpu.memory_space<vmem>>, vector<1x1x16xf32>,
      %get3A_2903 = vector.shape_cast %get3A_2902 : vector<1x1x16xf32> to vector<16xf32>
      %get3A_2904 = arith.constant 13 : i32
      %get3A_2905 = arith.index_cast %get3A_2904 : i32 to index
      %get3A_2906 = arith.index_cast %squeeze3A_2883 : i32 to index
      %get3A_2907 = arith.constant 16 : index
      %get3A_2908 = tpu.vector_load %arg9[%get3A_2905, %get3A_2906, %get3A_2907] {strides = array<i32>} : memref<32x8x32xf32, #tpu.memory_space<vmem>>, vector<1x1x16xf32>,
      %get3A_2909 = vector.shape_cast %get3A_2908 : vector<1x1x16xf32> to vector<16xf32>
      %mul3A_2910 = arith.mulf %get3A_2903, %get3A_2909 : vector<16xf32>
      %mul3A_2911 = arith.mulf %mul3A_2910, %get3A_30 : vector<16xf32>
      %add3A_2912 = arith.addf %mul3A_2897, %mul3A_2911 : vector<16xf32>
      %slice3A_2913 = vector.extract_strided_slice %and3A_95 {offsets = [14], sizes = [1], strides = [1]} : vector<16xi32> to vector<1xi32>
      %squeeze3A_2914 = vector.extract %slice3A_2913[0] : i32 from vector<1xi32>
      %slice3A_2915 = vector.extract_strided_slice %and3A_98 {offsets = [14], sizes = [1], strides = [1]} : vector<16xi32> to vector<1xi32>
      %squeeze3A_2916 = vector.extract %slice3A_2915[0] : i32 from vector<1xi32>
      %get3A_2917 = arith.constant 14 : i32
      %get3A_2918 = arith.index_cast %get3A_2917 : i32 to index
      %get3A_2919 = arith.index_cast %squeeze3A_2914 : i32 to index
      %get3A_2920 = arith.constant 0 : index
      %get3A_2921 = tpu.vector_load %arg8[%get3A_2918, %get3A_2919, %get3A_2920] {strides = array<i32>} : memref<32x8x32xf32, #tpu.memory_space<vmem>>, vector<1x1x16xf32>,
      %get3A_2922 = vector.shape_cast %get3A_2921 : vector<1x1x16xf32> to vector<16xf32>
      %get3A_2923 = arith.constant 14 : i32
      %get3A_2924 = arith.index_cast %get3A_2923 : i32 to index
      %get3A_2925 = arith.index_cast %squeeze3A_2916 : i32 to index
      %get3A_2926 = arith.constant 0 : index
      %get3A_2927 = tpu.vector_load %arg9[%get3A_2924, %get3A_2925, %get3A_2926] {strides = array<i32>} : memref<32x8x32xf32, #tpu.memory_space<vmem>>, vector<1x1x16xf32>,
      %get3A_2928 = vector.shape_cast %get3A_2927 : vector<1x1x16xf32> to vector<16xf32>
      %mul3A_2929 = arith.mulf %get3A_2922, %get3A_2928 : vector<16xf32>
      %mul3A_2930 = arith.mulf %mul3A_2929, %get3A_27 : vector<16xf32>
      %get3A_2931 = arith.constant 14 : i32
      %get3A_2932 = arith.index_cast %get3A_2931 : i32 to index
      %get3A_2933 = arith.index_cast %squeeze3A_2914 : i32 to index
      %get3A_2934 = arith.constant 16 : index
      %get3A_2935 = tpu.vector_load %arg8[%get3A_2932, %get3A_2933, %get3A_2934] {strides = array<i32>} : memref<32x8x32xf32, #tpu.memory_space<vmem>>, vector<1x1x16xf32>,
      %get3A_2936 = vector.shape_cast %get3A_2935 : vector<1x1x16xf32> to vector<16xf32>
      %get3A_2937 = arith.constant 14 : i32
      %get3A_2938 = arith.index_cast %get3A_2937 : i32 to index
      %get3A_2939 = arith.index_cast %squeeze3A_2916 : i32 to index
      %get3A_2940 = arith.constant 16 : index
      %get3A_2941 = tpu.vector_load %arg9[%get3A_2938, %get3A_2939, %get3A_2940] {strides = array<i32>} : memref<32x8x32xf32, #tpu.memory_space<vmem>>, vector<1x1x16xf32>,
      %get3A_2942 = vector.shape_cast %get3A_2941 : vector<1x1x16xf32> to vector<16xf32>
      %mul3A_2943 = arith.mulf %get3A_2936, %get3A_2942 : vector<16xf32>
      %mul3A_2944 = arith.mulf %mul3A_2943, %get3A_30 : vector<16xf32>
      %add3A_2945 = arith.addf %mul3A_2930, %mul3A_2944 : vector<16xf32>
      %slice3A_2946 = vector.extract_strided_slice %and3A_95 {offsets = [15], sizes = [1], strides = [1]} : vector<16xi32> to vector<1xi32>
      %squeeze3A_2947 = vector.extract %slice3A_2946[0] : i32 from vector<1xi32>
      %slice3A_2948 = vector.extract_strided_slice %and3A_98 {offsets = [15], sizes = [1], strides = [1]} : vector<16xi32> to vector<1xi32>
      %squeeze3A_2949 = vector.extract %slice3A_2948[0] : i32 from vector<1xi32>
      %get3A_2950 = arith.constant 15 : i32
      %get3A_2951 = arith.index_cast %get3A_2950 : i32 to index
      %get3A_2952 = arith.index_cast %squeeze3A_2947 : i32 to index
      %get3A_2953 = arith.constant 0 : index
      %get3A_2954 = tpu.vector_load %arg8[%get3A_2951, %get3A_2952, %get3A_2953] {strides = array<i32>} : memref<32x8x32xf32, #tpu.memory_space<vmem>>, vector<1x1x16xf32>,
      %get3A_2955 = vector.shape_cast %get3A_2954 : vector<1x1x16xf32> to vector<16xf32>
      %get3A_2956 = arith.constant 15 : i32
      %get3A_2957 = arith.index_cast %get3A_2956 : i32 to index
      %get3A_2958 = arith.index_cast %squeeze3A_2949 : i32 to index
      %get3A_2959 = arith.constant 0 : index
      %get3A_2960 = tpu.vector_load %arg9[%get3A_2957, %get3A_2958, %get3A_2959] {strides = array<i32>} : memref<32x8x32xf32, #tpu.memory_space<vmem>>, vector<1x1x16xf32>,
      %get3A_2961 = vector.shape_cast %get3A_2960 : vector<1x1x16xf32> to vector<16xf32>
      %mul3A_2962 = arith.mulf %get3A_2955, %get3A_2961 : vector<16xf32>
      %mul3A_2963 = arith.mulf %mul3A_2962, %get3A_27 : vector<16xf32>
      %get3A_2964 = arith.constant 15 : i32
      %get3A_2965 = arith.index_cast %get3A_2964 : i32 to index
      %get3A_2966 = arith.index_cast %squeeze3A_2947 : i32 to index
      %get3A_2967 = arith.constant 16 : index
      %get3A_2968 = tpu.vector_load %arg8[%get3A_2965, %get3A_2966, %get3A_2967] {strides = array<i32>} : memref<32x8x32xf32, #tpu.memory_space<vmem>>, vector<1x1x16xf32>,
      %get3A_2969 = vector.shape_cast %get3A_2968 : vector<1x1x16xf32> to vector<16xf32>
      %get3A_2970 = arith.constant 15 : i32
      %get3A_2971 = arith.index_cast %get3A_2970 : i32 to index
      %get3A_2972 = arith.index_cast %squeeze3A_2949 : i32 to index
      %get3A_2973 = arith.constant 16 : index
      %get3A_2974 = tpu.vector_load %arg9[%get3A_2971, %get3A_2972, %get3A_2973] {strides = array<i32>} : memref<32x8x32xf32, #tpu.memory_space<vmem>>, vector<1x1x16xf32>,
      %get3A_2975 = vector.shape_cast %get3A_2974 : vector<1x1x16xf32> to vector<16xf32>
      %mul3A_2976 = arith.mulf %get3A_2969, %get3A_2975 : vector<16xf32>
      %mul3A_2977 = arith.mulf %mul3A_2976, %get3A_30 : vector<16xf32>
      %add3A_2978 = arith.addf %mul3A_2963, %mul3A_2977 : vector<16xf32>
      %and3A_2979 = arith.constant 8 : i32
      %and3A_2980 = vector.broadcast %and3A_2979 : i32 to vector<16xi32>
      %and3A_2981 = arith.andi %iota3A, %and3A_2980 : vector<16xi32>
      %eq3A_2982 = arith.constant 0 : i32
      %eq3A_2983 = vector.broadcast %eq3A_2982 : i32 to vector<16xi32>
      %eq3A_2984 = arith.cmpi eq, %and3A_2981, %eq3A_2983 : vector<16xi32>
      %xor3A = arith.constant 8 : i32
      %xor3A_2985 = vector.broadcast %xor3A : i32 to vector<16xi32>
      %xor3A_2986 = arith.xori %iota3A, %xor3A_2985 : vector<16xi32>
      %broadcast_in_dim3A_2987 = vector.shape_cast %xor3A_2986 : vector<16xi32> to vector<16x1xi32>
      %gather3A_2988 = vector.shape_cast %broadcast_in_dim3A_2987 : vector<16x1xi32> to vector<16xi32>
      %gather3A_2989 = tpu.dynamic_gather %add3A_2483[%gather3A_2988] in [0] : vector<16xf32>, vector<16xi32> -> vector<16xf32>
      %add3A_2990 = arith.addf %add3A_2483, %gather3A_2989 : vector<16xf32>
      %xor3A_2991 = arith.constant 8 : i32
      %xor3A_2992 = vector.broadcast %xor3A_2991 : i32 to vector<16xi32>
      %xor3A_2993 = arith.xori %iota3A, %xor3A_2992 : vector<16xi32>
      %broadcast_in_dim3A_2994 = vector.shape_cast %xor3A_2993 : vector<16xi32> to vector<16x1xi32>
      %gather3A_2995 = vector.shape_cast %broadcast_in_dim3A_2994 : vector<16x1xi32> to vector<16xi32>
      %gather3A_2996 = tpu.dynamic_gather %add3A_2516[%gather3A_2995] in [0] : vector<16xf32>, vector<16xi32> -> vector<16xf32>
      %add3A_2997 = arith.addf %add3A_2516, %gather3A_2996 : vector<16xf32>
      %select_n3A_2998 = arith.select %eq3A_2984, %add3A_2990, %add3A_2997 : vector<16xi1>, vector<16xf32>
      %xor3A_2999 = arith.constant 8 : i32
      %xor3A_3000 = vector.broadcast %xor3A_2999 : i32 to vector<16xi32>
      %xor3A_3001 = arith.xori %iota3A, %xor3A_3000 : vector<16xi32>
      %broadcast_in_dim3A_3002 = vector.shape_cast %xor3A_3001 : vector<16xi32> to vector<16x1xi32>
      %gather3A_3003 = vector.shape_cast %broadcast_in_dim3A_3002 : vector<16x1xi32> to vector<16xi32>
      %gather3A_3004 = tpu.dynamic_gather %add3A_2549[%gather3A_3003] in [0] : vector<16xf32>, vector<16xi32> -> vector<16xf32>
      %add3A_3005 = arith.addf %add3A_2549, %gather3A_3004 : vector<16xf32>
      %xor3A_3006 = arith.constant 8 : i32
      %xor3A_3007 = vector.broadcast %xor3A_3006 : i32 to vector<16xi32>
      %xor3A_3008 = arith.xori %iota3A, %xor3A_3007 : vector<16xi32>
      %broadcast_in_dim3A_3009 = vector.shape_cast %xor3A_3008 : vector<16xi32> to vector<16x1xi32>
      %gather3A_3010 = vector.shape_cast %broadcast_in_dim3A_3009 : vector<16x1xi32> to vector<16xi32>
      %gather3A_3011 = tpu.dynamic_gather %add3A_2582[%gather3A_3010] in [0] : vector<16xf32>, vector<16xi32> -> vector<16xf32>
      %add3A_3012 = arith.addf %add3A_2582, %gather3A_3011 : vector<16xf32>
      %select_n3A_3013 = arith.select %eq3A_2984, %add3A_3005, %add3A_3012 : vector<16xi1>, vector<16xf32>
      %xor3A_3014 = arith.constant 8 : i32
      %xor3A_3015 = vector.broadcast %xor3A_3014 : i32 to vector<16xi32>
      %xor3A_3016 = arith.xori %iota3A, %xor3A_3015 : vector<16xi32>
      %broadcast_in_dim3A_3017 = vector.shape_cast %xor3A_3016 : vector<16xi32> to vector<16x1xi32>
      %gather3A_3018 = vector.shape_cast %broadcast_in_dim3A_3017 : vector<16x1xi32> to vector<16xi32>
      %gather3A_3019 = tpu.dynamic_gather %add3A_2615[%gather3A_3018] in [0] : vector<16xf32>, vector<16xi32> -> vector<16xf32>
      %add3A_3020 = arith.addf %add3A_2615, %gather3A_3019 : vector<16xf32>
      %xor3A_3021 = arith.constant 8 : i32
      %xor3A_3022 = vector.broadcast %xor3A_3021 : i32 to vector<16xi32>
      %xor3A_3023 = arith.xori %iota3A, %xor3A_3022 : vector<16xi32>
      %broadcast_in_dim3A_3024 = vector.shape_cast %xor3A_3023 : vector<16xi32> to vector<16x1xi32>
      %gather3A_3025 = vector.shape_cast %broadcast_in_dim3A_3024 : vector<16x1xi32> to vector<16xi32>
      %gather3A_3026 = tpu.dynamic_gather %add3A_2648[%gather3A_3025] in [0] : vector<16xf32>, vector<16xi32> -> vector<16xf32>
      %add3A_3027 = arith.addf %add3A_2648, %gather3A_3026 : vector<16xf32>
      %select_n3A_3028 = arith.select %eq3A_2984, %add3A_3020, %add3A_3027 : vector<16xi1>, vector<16xf32>
      %xor3A_3029 = arith.constant 8 : i32
      %xor3A_3030 = vector.broadcast %xor3A_3029 : i32 to vector<16xi32>
      %xor3A_3031 = arith.xori %iota3A, %xor3A_3030 : vector<16xi32>
      %broadcast_in_dim3A_3032 = vector.shape_cast %xor3A_3031 : vector<16xi32> to vector<16x1xi32>
      %gather3A_3033 = vector.shape_cast %broadcast_in_dim3A_3032 : vector<16x1xi32> to vector<16xi32>
      %gather3A_3034 = tpu.dynamic_gather %add3A_2681[%gather3A_3033] in [0] : vector<16xf32>, vector<16xi32> -> vector<16xf32>
      %add3A_3035 = arith.addf %add3A_2681, %gather3A_3034 : vector<16xf32>
      %xor3A_3036 = arith.constant 8 : i32
      %xor3A_3037 = vector.broadcast %xor3A_3036 : i32 to vector<16xi32>
      %xor3A_3038 = arith.xori %iota3A, %xor3A_3037 : vector<16xi32>
      %broadcast_in_dim3A_3039 = vector.shape_cast %xor3A_3038 : vector<16xi32> to vector<16x1xi32>
      %gather3A_3040 = vector.shape_cast %broadcast_in_dim3A_3039 : vector<16x1xi32> to vector<16xi32>
      %gather3A_3041 = tpu.dynamic_gather %add3A_2714[%gather3A_3040] in [0] : vector<16xf32>, vector<16xi32> -> vector<16xf32>
      %add3A_3042 = arith.addf %add3A_2714, %gather3A_3041 : vector<16xf32>
      %select_n3A_3043 = arith.select %eq3A_2984, %add3A_3035, %add3A_3042 : vector<16xi1>, vector<16xf32>
      %xor3A_3044 = arith.constant 8 : i32
      %xor3A_3045 = vector.broadcast %xor3A_3044 : i32 to vector<16xi32>
      %xor3A_3046 = arith.xori %iota3A, %xor3A_3045 : vector<16xi32>
      %broadcast_in_dim3A_3047 = vector.shape_cast %xor3A_3046 : vector<16xi32> to vector<16x1xi32>
      %gather3A_3048 = vector.shape_cast %broadcast_in_dim3A_3047 : vector<16x1xi32> to vector<16xi32>
      %gather3A_3049 = tpu.dynamic_gather %add3A_2747[%gather3A_3048] in [0] : vector<16xf32>, vector<16xi32> -> vector<16xf32>
      %add3A_3050 = arith.addf %add3A_2747, %gather3A_3049 : vector<16xf32>
      %xor3A_3051 = arith.constant 8 : i32
      %xor3A_3052 = vector.broadcast %xor3A_3051 : i32 to vector<16xi32>
      %xor3A_3053 = arith.xori %iota3A, %xor3A_3052 : vector<16xi32>
      %broadcast_in_dim3A_3054 = vector.shape_cast %xor3A_3053 : vector<16xi32> to vector<16x1xi32>
      %gather3A_3055 = vector.shape_cast %broadcast_in_dim3A_3054 : vector<16x1xi32> to vector<16xi32>
      %gather3A_3056 = tpu.dynamic_gather %add3A_2780[%gather3A_3055] in [0] : vector<16xf32>, vector<16xi32> -> vector<16xf32>
      %add3A_3057 = arith.addf %add3A_2780, %gather3A_3056 : vector<16xf32>
      %select_n3A_3058 = arith.select %eq3A_2984, %add3A_3050, %add3A_3057 : vector<16xi1>, vector<16xf32>
      %xor3A_3059 = arith.constant 8 : i32
      %xor3A_3060 = vector.broadcast %xor3A_3059 : i32 to vector<16xi32>
      %xor3A_3061 = arith.xori %iota3A, %xor3A_3060 : vector<16xi32>
      %broadcast_in_dim3A_3062 = vector.shape_cast %xor3A_3061 : vector<16xi32> to vector<16x1xi32>
      %gather3A_3063 = vector.shape_cast %broadcast_in_dim3A_3062 : vector<16x1xi32> to vector<16xi32>
      %gather3A_3064 = tpu.dynamic_gather %add3A_2813[%gather3A_3063] in [0] : vector<16xf32>, vector<16xi32> -> vector<16xf32>
      %add3A_3065 = arith.addf %add3A_2813, %gather3A_3064 : vector<16xf32>
      %xor3A_3066 = arith.constant 8 : i32
      %xor3A_3067 = vector.broadcast %xor3A_3066 : i32 to vector<16xi32>
      %xor3A_3068 = arith.xori %iota3A, %xor3A_3067 : vector<16xi32>
      %broadcast_in_dim3A_3069 = vector.shape_cast %xor3A_3068 : vector<16xi32> to vector<16x1xi32>
      %gather3A_3070 = vector.shape_cast %broadcast_in_dim3A_3069 : vector<16x1xi32> to vector<16xi32>
      %gather3A_3071 = tpu.dynamic_gather %add3A_2846[%gather3A_3070] in [0] : vector<16xf32>, vector<16xi32> -> vector<16xf32>
      %add3A_3072 = arith.addf %add3A_2846, %gather3A_3071 : vector<16xf32>
      %select_n3A_3073 = arith.select %eq3A_2984, %add3A_3065, %add3A_3072 : vector<16xi1>, vector<16xf32>
      %xor3A_3074 = arith.constant 8 : i32
      %xor3A_3075 = vector.broadcast %xor3A_3074 : i32 to vector<16xi32>
      %xor3A_3076 = arith.xori %iota3A, %xor3A_3075 : vector<16xi32>
      %broadcast_in_dim3A_3077 = vector.shape_cast %xor3A_3076 : vector<16xi32> to vector<16x1xi32>
      %gather3A_3078 = vector.shape_cast %broadcast_in_dim3A_3077 : vector<16x1xi32> to vector<16xi32>
      %gather3A_3079 = tpu.dynamic_gather %add3A_2879[%gather3A_3078] in [0] : vector<16xf32>, vector<16xi32> -> vector<16xf32>
      %add3A_3080 = arith.addf %add3A_2879, %gather3A_3079 : vector<16xf32>
      %xor3A_3081 = arith.constant 8 : i32
      %xor3A_3082 = vector.broadcast %xor3A_3081 : i32 to vector<16xi32>
      %xor3A_3083 = arith.xori %iota3A, %xor3A_3082 : vector<16xi32>
      %broadcast_in_dim3A_3084 = vector.shape_cast %xor3A_3083 : vector<16xi32> to vector<16x1xi32>
      %gather3A_3085 = vector.shape_cast %broadcast_in_dim3A_3084 : vector<16x1xi32> to vector<16xi32>
      %gather3A_3086 = tpu.dynamic_gather %add3A_2912[%gather3A_3085] in [0] : vector<16xf32>, vector<16xi32> -> vector<16xf32>
      %add3A_3087 = arith.addf %add3A_2912, %gather3A_3086 : vector<16xf32>
      %select_n3A_3088 = arith.select %eq3A_2984, %add3A_3080, %add3A_3087 : vector<16xi1>, vector<16xf32>
      %xor3A_3089 = arith.constant 8 : i32
      %xor3A_3090 = vector.broadcast %xor3A_3089 : i32 to vector<16xi32>
      %xor3A_3091 = arith.xori %iota3A, %xor3A_3090 : vector<16xi32>
      %broadcast_in_dim3A_3092 = vector.shape_cast %xor3A_3091 : vector<16xi32> to vector<16x1xi32>
      %gather3A_3093 = vector.shape_cast %broadcast_in_dim3A_3092 : vector<16x1xi32> to vector<16xi32>
      %gather3A_3094 = tpu.dynamic_gather %add3A_2945[%gather3A_3093] in [0] : vector<16xf32>, vector<16xi32> -> vector<16xf32>
      %add3A_3095 = arith.addf %add3A_2945, %gather3A_3094 : vector<16xf32>
      %xor3A_3096 = arith.constant 8 : i32
      %xor3A_3097 = vector.broadcast %xor3A_3096 : i32 to vector<16xi32>
      %xor3A_3098 = arith.xori %iota3A, %xor3A_3097 : vector<16xi32>
      %broadcast_in_dim3A_3099 = vector.shape_cast %xor3A_3098 : vector<16xi32> to vector<16x1xi32>
      %gather3A_3100 = vector.shape_cast %broadcast_in_dim3A_3099 : vector<16x1xi32> to vector<16xi32>
      %gather3A_3101 = tpu.dynamic_gather %add3A_2978[%gather3A_3100] in [0] : vector<16xf32>, vector<16xi32> -> vector<16xf32>
      %add3A_3102 = arith.addf %add3A_2978, %gather3A_3101 : vector<16xf32>
      %select_n3A_3103 = arith.select %eq3A_2984, %add3A_3095, %add3A_3102 : vector<16xi1>, vector<16xf32>
      %and3A_3104 = arith.constant 4 : i32
      %and3A_3105 = vector.broadcast %and3A_3104 : i32 to vector<16xi32>
      %and3A_3106 = arith.andi %iota3A, %and3A_3105 : vector<16xi32>
      %eq3A_3107 = arith.constant 0 : i32
      %eq3A_3108 = vector.broadcast %eq3A_3107 : i32 to vector<16xi32>
      %eq3A_3109 = arith.cmpi eq, %and3A_3106, %eq3A_3108 : vector<16xi32>
      %xor3A_3110 = arith.constant 4 : i32
      %xor3A_3111 = vector.broadcast %xor3A_3110 : i32 to vector<16xi32>
      %xor3A_3112 = arith.xori %iota3A, %xor3A_3111 : vector<16xi32>
      %broadcast_in_dim3A_3113 = vector.shape_cast %xor3A_3112 : vector<16xi32> to vector<16x1xi32>
      %gather3A_3114 = vector.shape_cast %broadcast_in_dim3A_3113 : vector<16x1xi32> to vector<16xi32>
      %gather3A_3115 = tpu.dynamic_gather %select_n3A_2998[%gather3A_3114] in [0] : vector<16xf32>, vector<16xi32> -> vector<16xf32>
      %add3A_3116 = arith.addf %select_n3A_2998, %gather3A_3115 : vector<16xf32>
      %xor3A_3117 = arith.constant 4 : i32
      %xor3A_3118 = vector.broadcast %xor3A_3117 : i32 to vector<16xi32>
      %xor3A_3119 = arith.xori %iota3A, %xor3A_3118 : vector<16xi32>
      %broadcast_in_dim3A_3120 = vector.shape_cast %xor3A_3119 : vector<16xi32> to vector<16x1xi32>
      %gather3A_3121 = vector.shape_cast %broadcast_in_dim3A_3120 : vector<16x1xi32> to vector<16xi32>
      %gather3A_3122 = tpu.dynamic_gather %select_n3A_3013[%gather3A_3121] in [0] : vector<16xf32>, vector<16xi32> -> vector<16xf32>
      %add3A_3123 = arith.addf %select_n3A_3013, %gather3A_3122 : vector<16xf32>
      %select_n3A_3124 = arith.select %eq3A_3109, %add3A_3116, %add3A_3123 : vector<16xi1>, vector<16xf32>
      %xor3A_3125 = arith.constant 4 : i32
      %xor3A_3126 = vector.broadcast %xor3A_3125 : i32 to vector<16xi32>
      %xor3A_3127 = arith.xori %iota3A, %xor3A_3126 : vector<16xi32>
      %broadcast_in_dim3A_3128 = vector.shape_cast %xor3A_3127 : vector<16xi32> to vector<16x1xi32>
      %gather3A_3129 = vector.shape_cast %broadcast_in_dim3A_3128 : vector<16x1xi32> to vector<16xi32>
      %gather3A_3130 = tpu.dynamic_gather %select_n3A_3028[%gather3A_3129] in [0] : vector<16xf32>, vector<16xi32> -> vector<16xf32>
      %add3A_3131 = arith.addf %select_n3A_3028, %gather3A_3130 : vector<16xf32>
      %xor3A_3132 = arith.constant 4 : i32
      %xor3A_3133 = vector.broadcast %xor3A_3132 : i32 to vector<16xi32>
      %xor3A_3134 = arith.xori %iota3A, %xor3A_3133 : vector<16xi32>
      %broadcast_in_dim3A_3135 = vector.shape_cast %xor3A_3134 : vector<16xi32> to vector<16x1xi32>
      %gather3A_3136 = vector.shape_cast %broadcast_in_dim3A_3135 : vector<16x1xi32> to vector<16xi32>
      %gather3A_3137 = tpu.dynamic_gather %select_n3A_3043[%gather3A_3136] in [0] : vector<16xf32>, vector<16xi32> -> vector<16xf32>
      %add3A_3138 = arith.addf %select_n3A_3043, %gather3A_3137 : vector<16xf32>
      %select_n3A_3139 = arith.select %eq3A_3109, %add3A_3131, %add3A_3138 : vector<16xi1>, vector<16xf32>
      %xor3A_3140 = arith.constant 4 : i32
      %xor3A_3141 = vector.broadcast %xor3A_3140 : i32 to vector<16xi32>
      %xor3A_3142 = arith.xori %iota3A, %xor3A_3141 : vector<16xi32>
      %broadcast_in_dim3A_3143 = vector.shape_cast %xor3A_3142 : vector<16xi32> to vector<16x1xi32>
      %gather3A_3144 = vector.shape_cast %broadcast_in_dim3A_3143 : vector<16x1xi32> to vector<16xi32>
      %gather3A_3145 = tpu.dynamic_gather %select_n3A_3058[%gather3A_3144] in [0] : vector<16xf32>, vector<16xi32> -> vector<16xf32>
      %add3A_3146 = arith.addf %select_n3A_3058, %gather3A_3145 : vector<16xf32>
      %xor3A_3147 = arith.constant 4 : i32
      %xor3A_3148 = vector.broadcast %xor3A_3147 : i32 to vector<16xi32>
      %xor3A_3149 = arith.xori %iota3A, %xor3A_3148 : vector<16xi32>
      %broadcast_in_dim3A_3150 = vector.shape_cast %xor3A_3149 : vector<16xi32> to vector<16x1xi32>
      %gather3A_3151 = vector.shape_cast %broadcast_in_dim3A_3150 : vector<16x1xi32> to vector<16xi32>
      %gather3A_3152 = tpu.dynamic_gather %select_n3A_3073[%gather3A_3151] in [0] : vector<16xf32>, vector<16xi32> -> vector<16xf32>
      %add3A_3153 = arith.addf %select_n3A_3073, %gather3A_3152 : vector<16xf32>
      %select_n3A_3154 = arith.select %eq3A_3109, %add3A_3146, %add3A_3153 : vector<16xi1>, vector<16xf32>
      %xor3A_3155 = arith.constant 4 : i32
      %xor3A_3156 = vector.broadcast %xor3A_3155 : i32 to vector<16xi32>
      %xor3A_3157 = arith.xori %iota3A, %xor3A_3156 : vector<16xi32>
      %broadcast_in_dim3A_3158 = vector.shape_cast %xor3A_3157 : vector<16xi32> to vector<16x1xi32>
      %gather3A_3159 = vector.shape_cast %broadcast_in_dim3A_3158 : vector<16x1xi32> to vector<16xi32>
      %gather3A_3160 = tpu.dynamic_gather %select_n3A_3088[%gather3A_3159] in [0] : vector<16xf32>, vector<16xi32> -> vector<16xf32>
      %add3A_3161 = arith.addf %select_n3A_3088, %gather3A_3160 : vector<16xf32>
      %xor3A_3162 = arith.constant 4 : i32
      %xor3A_3163 = vector.broadcast %xor3A_3162 : i32 to vector<16xi32>
      %xor3A_3164 = arith.xori %iota3A, %xor3A_3163 : vector<16xi32>
      %broadcast_in_dim3A_3165 = vector.shape_cast %xor3A_3164 : vector<16xi32> to vector<16x1xi32>
      %gather3A_3166 = vector.shape_cast %broadcast_in_dim3A_3165 : vector<16x1xi32> to vector<16xi32>
      %gather3A_3167 = tpu.dynamic_gather %select_n3A_3103[%gather3A_3166] in [0] : vector<16xf32>, vector<16xi32> -> vector<16xf32>
      %add3A_3168 = arith.addf %select_n3A_3103, %gather3A_3167 : vector<16xf32>
      %select_n3A_3169 = arith.select %eq3A_3109, %add3A_3161, %add3A_3168 : vector<16xi1>, vector<16xf32>
      %and3A_3170 = arith.constant 2 : i32
      %and3A_3171 = vector.broadcast %and3A_3170 : i32 to vector<16xi32>
      %and3A_3172 = arith.andi %iota3A, %and3A_3171 : vector<16xi32>
      %eq3A_3173 = arith.constant 0 : i32
      %eq3A_3174 = vector.broadcast %eq3A_3173 : i32 to vector<16xi32>
      %eq3A_3175 = arith.cmpi eq, %and3A_3172, %eq3A_3174 : vector<16xi32>
      %xor3A_3176 = arith.constant 2 : i32
      %xor3A_3177 = vector.broadcast %xor3A_3176 : i32 to vector<16xi32>
      %xor3A_3178 = arith.xori %iota3A, %xor3A_3177 : vector<16xi32>
      %broadcast_in_dim3A_3179 = vector.shape_cast %xor3A_3178 : vector<16xi32> to vector<16x1xi32>
      %gather3A_3180 = vector.shape_cast %broadcast_in_dim3A_3179 : vector<16x1xi32> to vector<16xi32>
      %gather3A_3181 = tpu.dynamic_gather %select_n3A_3124[%gather3A_3180] in [0] : vector<16xf32>, vector<16xi32> -> vector<16xf32>
      %add3A_3182 = arith.addf %select_n3A_3124, %gather3A_3181 : vector<16xf32>
      %xor3A_3183 = arith.constant 2 : i32
      %xor3A_3184 = vector.broadcast %xor3A_3183 : i32 to vector<16xi32>
      %xor3A_3185 = arith.xori %iota3A, %xor3A_3184 : vector<16xi32>
      %broadcast_in_dim3A_3186 = vector.shape_cast %xor3A_3185 : vector<16xi32> to vector<16x1xi32>
      %gather3A_3187 = vector.shape_cast %broadcast_in_dim3A_3186 : vector<16x1xi32> to vector<16xi32>
      %gather3A_3188 = tpu.dynamic_gather %select_n3A_3139[%gather3A_3187] in [0] : vector<16xf32>, vector<16xi32> -> vector<16xf32>
      %add3A_3189 = arith.addf %select_n3A_3139, %gather3A_3188 : vector<16xf32>
      %select_n3A_3190 = arith.select %eq3A_3175, %add3A_3182, %add3A_3189 : vector<16xi1>, vector<16xf32>
      %xor3A_3191 = arith.constant 2 : i32
      %xor3A_3192 = vector.broadcast %xor3A_3191 : i32 to vector<16xi32>
      %xor3A_3193 = arith.xori %iota3A, %xor3A_3192 : vector<16xi32>
      %broadcast_in_dim3A_3194 = vector.shape_cast %xor3A_3193 : vector<16xi32> to vector<16x1xi32>
      %gather3A_3195 = vector.shape_cast %broadcast_in_dim3A_3194 : vector<16x1xi32> to vector<16xi32>
      %gather3A_3196 = tpu.dynamic_gather %select_n3A_3154[%gather3A_3195] in [0] : vector<16xf32>, vector<16xi32> -> vector<16xf32>
      %add3A_3197 = arith.addf %select_n3A_3154, %gather3A_3196 : vector<16xf32>
      %xor3A_3198 = arith.constant 2 : i32
      %xor3A_3199 = vector.broadcast %xor3A_3198 : i32 to vector<16xi32>
      %xor3A_3200 = arith.xori %iota3A, %xor3A_3199 : vector<16xi32>
      %broadcast_in_dim3A_3201 = vector.shape_cast %xor3A_3200 : vector<16xi32> to vector<16x1xi32>
      %gather3A_3202 = vector.shape_cast %broadcast_in_dim3A_3201 : vector<16x1xi32> to vector<16xi32>
      %gather3A_3203 = tpu.dynamic_gather %select_n3A_3169[%gather3A_3202] in [0] : vector<16xf32>, vector<16xi32> -> vector<16xf32>
      %add3A_3204 = arith.addf %select_n3A_3169, %gather3A_3203 : vector<16xf32>
      %select_n3A_3205 = arith.select %eq3A_3175, %add3A_3197, %add3A_3204 : vector<16xi1>, vector<16xf32>
      %and3A_3206 = arith.constant 1 : i32
      %and3A_3207 = vector.broadcast %and3A_3206 : i32 to vector<16xi32>
      %and3A_3208 = arith.andi %iota3A, %and3A_3207 : vector<16xi32>
      %eq3A_3209 = arith.constant 0 : i32
      %eq3A_3210 = vector.broadcast %eq3A_3209 : i32 to vector<16xi32>
      %eq3A_3211 = arith.cmpi eq, %and3A_3208, %eq3A_3210 : vector<16xi32>
      %xor3A_3212 = arith.constant 1 : i32
      %xor3A_3213 = vector.broadcast %xor3A_3212 : i32 to vector<16xi32>
      %xor3A_3214 = arith.xori %iota3A, %xor3A_3213 : vector<16xi32>
      %broadcast_in_dim3A_3215 = vector.shape_cast %xor3A_3214 : vector<16xi32> to vector<16x1xi32>
      %gather3A_3216 = vector.shape_cast %broadcast_in_dim3A_3215 : vector<16x1xi32> to vector<16xi32>
      %gather3A_3217 = tpu.dynamic_gather %select_n3A_3190[%gather3A_3216] in [0] : vector<16xf32>, vector<16xi32> -> vector<16xf32>
      %add3A_3218 = arith.addf %select_n3A_3190, %gather3A_3217 : vector<16xf32>
      %xor3A_3219 = arith.constant 1 : i32
      %xor3A_3220 = vector.broadcast %xor3A_3219 : i32 to vector<16xi32>
      %xor3A_3221 = arith.xori %iota3A, %xor3A_3220 : vector<16xi32>
      %broadcast_in_dim3A_3222 = vector.shape_cast %xor3A_3221 : vector<16xi32> to vector<16x1xi32>
      %gather3A_3223 = vector.shape_cast %broadcast_in_dim3A_3222 : vector<16x1xi32> to vector<16xi32>
      %gather3A_3224 = tpu.dynamic_gather %select_n3A_3205[%gather3A_3223] in [0] : vector<16xf32>, vector<16xi32> -> vector<16xf32>
      %add3A_3225 = arith.addf %select_n3A_3205, %gather3A_3224 : vector<16xf32>
      %select_n3A_3226 = arith.select %eq3A_3211, %add3A_3218, %add3A_3225 : vector<16xi1>, vector<16xf32>
      %broadcast_in_dim3A_3227 = vector.shape_cast %or3A_54 : vector<16xi32> to vector<16x1xi32>
      %gather3A_3228 = vector.shape_cast %broadcast_in_dim3A_3227 : vector<16x1xi32> to vector<16xi32>
      %gather3A_3229 = tpu.dynamic_gather %select_n3A_3226[%gather3A_3228] in [0] : vector<16xf32>, vector<16xi32> -> vector<16xf32>
      %mul3A_3230 = arith.constant 32 : i32
      %mul3A_3231 = arith.muli %scan3A_60, %mul3A_3230 : i32
      %add3A_3232 = arith.constant 0 : i32
      %add3A_3233 = arith.addi %mul3A_3231, %add3A_3232 : i32
      %swap3A = arith.index_cast %add3A_3233 : i32 to index
      %swap3A_3234 = tpu.vector_load %arg11[%swap3A] {strides = array<i32>} : memref<512xf32, #tpu.memory_space<vmem>>, vector<16xf32>,
      %swap3A_3235 = vector.shape_cast %swap3A_3234 : vector<16xf32> to vector<16xf32>
      %swap3A_3236 = vector.shape_cast %gather3A_3229 : vector<16xf32> to vector<16xf32>
      tpu.vector_store %arg11[%swap3A], %swap3A_3236 {strides = array<i32>} : memref<512xf32, #tpu.memory_space<vmem>>, vector<16xf32>,
      %slice3A_3237 = vector.extract_strided_slice %and3A_746 {offsets = [0], sizes = [1], strides = [1]} : vector<16xi32> to vector<1xi32>
      %squeeze3A_3238 = vector.extract %slice3A_3237[0] : i32 from vector<1xi32>
      %slice3A_3239 = vector.extract_strided_slice %and3A_749 {offsets = [0], sizes = [1], strides = [1]} : vector<16xi32> to vector<1xi32>
      %squeeze3A_3240 = vector.extract %slice3A_3239[0] : i32 from vector<1xi32>
      %get3A_3241 = arith.constant 16 : i32
      %get3A_3242 = arith.index_cast %get3A_3241 : i32 to index
      %get3A_3243 = arith.index_cast %squeeze3A_3238 : i32 to index
      %get3A_3244 = arith.constant 0 : index
      %get3A_3245 = tpu.vector_load %arg8[%get3A_3242, %get3A_3243, %get3A_3244] {strides = array<i32>} : memref<32x8x32xf32, #tpu.memory_space<vmem>>, vector<1x1x16xf32>,
      %get3A_3246 = vector.shape_cast %get3A_3245 : vector<1x1x16xf32> to vector<16xf32>
      %get3A_3247 = arith.constant 16 : i32
      %get3A_3248 = arith.index_cast %get3A_3247 : i32 to index
      %get3A_3249 = arith.index_cast %squeeze3A_3240 : i32 to index
      %get3A_3250 = arith.constant 0 : index
      %get3A_3251 = tpu.vector_load %arg9[%get3A_3248, %get3A_3249, %get3A_3250] {strides = array<i32>} : memref<32x8x32xf32, #tpu.memory_space<vmem>>, vector<1x1x16xf32>,
      %get3A_3252 = vector.shape_cast %get3A_3251 : vector<1x1x16xf32> to vector<16xf32>
      %mul3A_3253 = arith.mulf %get3A_3246, %get3A_3252 : vector<16xf32>
      %mul3A_3254 = arith.mulf %mul3A_3253, %get3A_27 : vector<16xf32>
      %get3A_3255 = arith.constant 16 : i32
      %get3A_3256 = arith.index_cast %get3A_3255 : i32 to index
      %get3A_3257 = arith.index_cast %squeeze3A_3238 : i32 to index
      %get3A_3258 = arith.constant 16 : index
      %get3A_3259 = tpu.vector_load %arg8[%get3A_3256, %get3A_3257, %get3A_3258] {strides = array<i32>} : memref<32x8x32xf32, #tpu.memory_space<vmem>>, vector<1x1x16xf32>,
      %get3A_3260 = vector.shape_cast %get3A_3259 : vector<1x1x16xf32> to vector<16xf32>
      %get3A_3261 = arith.constant 16 : i32
      %get3A_3262 = arith.index_cast %get3A_3261 : i32 to index
      %get3A_3263 = arith.index_cast %squeeze3A_3240 : i32 to index
      %get3A_3264 = arith.constant 16 : index
      %get3A_3265 = tpu.vector_load %arg9[%get3A_3262, %get3A_3263, %get3A_3264] {strides = array<i32>} : memref<32x8x32xf32, #tpu.memory_space<vmem>>, vector<1x1x16xf32>,
      %get3A_3266 = vector.shape_cast %get3A_3265 : vector<1x1x16xf32> to vector<16xf32>
      %mul3A_3267 = arith.mulf %get3A_3260, %get3A_3266 : vector<16xf32>
      %mul3A_3268 = arith.mulf %mul3A_3267, %get3A_30 : vector<16xf32>
      %add3A_3269 = arith.addf %mul3A_3254, %mul3A_3268 : vector<16xf32>
      %slice3A_3270 = vector.extract_strided_slice %and3A_746 {offsets = [1], sizes = [1], strides = [1]} : vector<16xi32> to vector<1xi32>
      %squeeze3A_3271 = vector.extract %slice3A_3270[0] : i32 from vector<1xi32>
      %slice3A_3272 = vector.extract_strided_slice %and3A_749 {offsets = [1], sizes = [1], strides = [1]} : vector<16xi32> to vector<1xi32>
      %squeeze3A_3273 = vector.extract %slice3A_3272[0] : i32 from vector<1xi32>
      %get3A_3274 = arith.constant 17 : i32
      %get3A_3275 = arith.index_cast %get3A_3274 : i32 to index
      %get3A_3276 = arith.index_cast %squeeze3A_3271 : i32 to index
      %get3A_3277 = arith.constant 0 : index
      %get3A_3278 = tpu.vector_load %arg8[%get3A_3275, %get3A_3276, %get3A_3277] {strides = array<i32>} : memref<32x8x32xf32, #tpu.memory_space<vmem>>, vector<1x1x16xf32>,
      %get3A_3279 = vector.shape_cast %get3A_3278 : vector<1x1x16xf32> to vector<16xf32>
      %get3A_3280 = arith.constant 17 : i32
      %get3A_3281 = arith.index_cast %get3A_3280 : i32 to index
      %get3A_3282 = arith.index_cast %squeeze3A_3273 : i32 to index
      %get3A_3283 = arith.constant 0 : index
      %get3A_3284 = tpu.vector_load %arg9[%get3A_3281, %get3A_3282, %get3A_3283] {strides = array<i32>} : memref<32x8x32xf32, #tpu.memory_space<vmem>>, vector<1x1x16xf32>,
      %get3A_3285 = vector.shape_cast %get3A_3284 : vector<1x1x16xf32> to vector<16xf32>
      %mul3A_3286 = arith.mulf %get3A_3279, %get3A_3285 : vector<16xf32>
      %mul3A_3287 = arith.mulf %mul3A_3286, %get3A_27 : vector<16xf32>
      %get3A_3288 = arith.constant 17 : i32
      %get3A_3289 = arith.index_cast %get3A_3288 : i32 to index
      %get3A_3290 = arith.index_cast %squeeze3A_3271 : i32 to index
      %get3A_3291 = arith.constant 16 : index
      %get3A_3292 = tpu.vector_load %arg8[%get3A_3289, %get3A_3290, %get3A_3291] {strides = array<i32>} : memref<32x8x32xf32, #tpu.memory_space<vmem>>, vector<1x1x16xf32>,
      %get3A_3293 = vector.shape_cast %get3A_3292 : vector<1x1x16xf32> to vector<16xf32>
      %get3A_3294 = arith.constant 17 : i32
      %get3A_3295 = arith.index_cast %get3A_3294 : i32 to index
      %get3A_3296 = arith.index_cast %squeeze3A_3273 : i32 to index
      %get3A_3297 = arith.constant 16 : index
      %get3A_3298 = tpu.vector_load %arg9[%get3A_3295, %get3A_3296, %get3A_3297] {strides = array<i32>} : memref<32x8x32xf32, #tpu.memory_space<vmem>>, vector<1x1x16xf32>,
      %get3A_3299 = vector.shape_cast %get3A_3298 : vector<1x1x16xf32> to vector<16xf32>
      %mul3A_3300 = arith.mulf %get3A_3293, %get3A_3299 : vector<16xf32>
      %mul3A_3301 = arith.mulf %mul3A_3300, %get3A_30 : vector<16xf32>
      %add3A_3302 = arith.addf %mul3A_3287, %mul3A_3301 : vector<16xf32>
      %slice3A_3303 = vector.extract_strided_slice %and3A_746 {offsets = [2], sizes = [1], strides = [1]} : vector<16xi32> to vector<1xi32>
      %squeeze3A_3304 = vector.extract %slice3A_3303[0] : i32 from vector<1xi32>
      %slice3A_3305 = vector.extract_strided_slice %and3A_749 {offsets = [2], sizes = [1], strides = [1]} : vector<16xi32> to vector<1xi32>
      %squeeze3A_3306 = vector.extract %slice3A_3305[0] : i32 from vector<1xi32>
      %get3A_3307 = arith.constant 18 : i32
      %get3A_3308 = arith.index_cast %get3A_3307 : i32 to index
      %get3A_3309 = arith.index_cast %squeeze3A_3304 : i32 to index
      %get3A_3310 = arith.constant 0 : index
      %get3A_3311 = tpu.vector_load %arg8[%get3A_3308, %get3A_3309, %get3A_3310] {strides = array<i32>} : memref<32x8x32xf32, #tpu.memory_space<vmem>>, vector<1x1x16xf32>,
      %get3A_3312 = vector.shape_cast %get3A_3311 : vector<1x1x16xf32> to vector<16xf32>
      %get3A_3313 = arith.constant 18 : i32
      %get3A_3314 = arith.index_cast %get3A_3313 : i32 to index
      %get3A_3315 = arith.index_cast %squeeze3A_3306 : i32 to index
      %get3A_3316 = arith.constant 0 : index
      %get3A_3317 = tpu.vector_load %arg9[%get3A_3314, %get3A_3315, %get3A_3316] {strides = array<i32>} : memref<32x8x32xf32, #tpu.memory_space<vmem>>, vector<1x1x16xf32>,
      %get3A_3318 = vector.shape_cast %get3A_3317 : vector<1x1x16xf32> to vector<16xf32>
      %mul3A_3319 = arith.mulf %get3A_3312, %get3A_3318 : vector<16xf32>
      %mul3A_3320 = arith.mulf %mul3A_3319, %get3A_27 : vector<16xf32>
      %get3A_3321 = arith.constant 18 : i32
      %get3A_3322 = arith.index_cast %get3A_3321 : i32 to index
      %get3A_3323 = arith.index_cast %squeeze3A_3304 : i32 to index
      %get3A_3324 = arith.constant 16 : index
      %get3A_3325 = tpu.vector_load %arg8[%get3A_3322, %get3A_3323, %get3A_3324] {strides = array<i32>} : memref<32x8x32xf32, #tpu.memory_space<vmem>>, vector<1x1x16xf32>,
      %get3A_3326 = vector.shape_cast %get3A_3325 : vector<1x1x16xf32> to vector<16xf32>
      %get3A_3327 = arith.constant 18 : i32
      %get3A_3328 = arith.index_cast %get3A_3327 : i32 to index
      %get3A_3329 = arith.index_cast %squeeze3A_3306 : i32 to index
      %get3A_3330 = arith.constant 16 : index
      %get3A_3331 = tpu.vector_load %arg9[%get3A_3328, %get3A_3329, %get3A_3330] {strides = array<i32>} : memref<32x8x32xf32, #tpu.memory_space<vmem>>, vector<1x1x16xf32>,
      %get3A_3332 = vector.shape_cast %get3A_3331 : vector<1x1x16xf32> to vector<16xf32>
      %mul3A_3333 = arith.mulf %get3A_3326, %get3A_3332 : vector<16xf32>
      %mul3A_3334 = arith.mulf %mul3A_3333, %get3A_30 : vector<16xf32>
      %add3A_3335 = arith.addf %mul3A_3320, %mul3A_3334 : vector<16xf32>
      %slice3A_3336 = vector.extract_strided_slice %and3A_746 {offsets = [3], sizes = [1], strides = [1]} : vector<16xi32> to vector<1xi32>
      %squeeze3A_3337 = vector.extract %slice3A_3336[0] : i32 from vector<1xi32>
      %slice3A_3338 = vector.extract_strided_slice %and3A_749 {offsets = [3], sizes = [1], strides = [1]} : vector<16xi32> to vector<1xi32>
      %squeeze3A_3339 = vector.extract %slice3A_3338[0] : i32 from vector<1xi32>
      %get3A_3340 = arith.constant 19 : i32
      %get3A_3341 = arith.index_cast %get3A_3340 : i32 to index
      %get3A_3342 = arith.index_cast %squeeze3A_3337 : i32 to index
      %get3A_3343 = arith.constant 0 : index
      %get3A_3344 = tpu.vector_load %arg8[%get3A_3341, %get3A_3342, %get3A_3343] {strides = array<i32>} : memref<32x8x32xf32, #tpu.memory_space<vmem>>, vector<1x1x16xf32>,
      %get3A_3345 = vector.shape_cast %get3A_3344 : vector<1x1x16xf32> to vector<16xf32>
      %get3A_3346 = arith.constant 19 : i32
      %get3A_3347 = arith.index_cast %get3A_3346 : i32 to index
      %get3A_3348 = arith.index_cast %squeeze3A_3339 : i32 to index
      %get3A_3349 = arith.constant 0 : index
      %get3A_3350 = tpu.vector_load %arg9[%get3A_3347, %get3A_3348, %get3A_3349] {strides = array<i32>} : memref<32x8x32xf32, #tpu.memory_space<vmem>>, vector<1x1x16xf32>,
      %get3A_3351 = vector.shape_cast %get3A_3350 : vector<1x1x16xf32> to vector<16xf32>
      %mul3A_3352 = arith.mulf %get3A_3345, %get3A_3351 : vector<16xf32>
      %mul3A_3353 = arith.mulf %mul3A_3352, %get3A_27 : vector<16xf32>
      %get3A_3354 = arith.constant 19 : i32
      %get3A_3355 = arith.index_cast %get3A_3354 : i32 to index
      %get3A_3356 = arith.index_cast %squeeze3A_3337 : i32 to index
      %get3A_3357 = arith.constant 16 : index
      %get3A_3358 = tpu.vector_load %arg8[%get3A_3355, %get3A_3356, %get3A_3357] {strides = array<i32>} : memref<32x8x32xf32, #tpu.memory_space<vmem>>, vector<1x1x16xf32>,
      %get3A_3359 = vector.shape_cast %get3A_3358 : vector<1x1x16xf32> to vector<16xf32>
      %get3A_3360 = arith.constant 19 : i32
      %get3A_3361 = arith.index_cast %get3A_3360 : i32 to index
      %get3A_3362 = arith.index_cast %squeeze3A_3339 : i32 to index
      %get3A_3363 = arith.constant 16 : index
      %get3A_3364 = tpu.vector_load %arg9[%get3A_3361, %get3A_3362, %get3A_3363] {strides = array<i32>} : memref<32x8x32xf32, #tpu.memory_space<vmem>>, vector<1x1x16xf32>,
      %get3A_3365 = vector.shape_cast %get3A_3364 : vector<1x1x16xf32> to vector<16xf32>
      %mul3A_3366 = arith.mulf %get3A_3359, %get3A_3365 : vector<16xf32>
      %mul3A_3367 = arith.mulf %mul3A_3366, %get3A_30 : vector<16xf32>
      %add3A_3368 = arith.addf %mul3A_3353, %mul3A_3367 : vector<16xf32>
      %slice3A_3369 = vector.extract_strided_slice %and3A_746 {offsets = [4], sizes = [1], strides = [1]} : vector<16xi32> to vector<1xi32>
      %squeeze3A_3370 = vector.extract %slice3A_3369[0] : i32 from vector<1xi32>
      %slice3A_3371 = vector.extract_strided_slice %and3A_749 {offsets = [4], sizes = [1], strides = [1]} : vector<16xi32> to vector<1xi32>
      %squeeze3A_3372 = vector.extract %slice3A_3371[0] : i32 from vector<1xi32>
      %get3A_3373 = arith.constant 20 : i32
      %get3A_3374 = arith.index_cast %get3A_3373 : i32 to index
      %get3A_3375 = arith.index_cast %squeeze3A_3370 : i32 to index
      %get3A_3376 = arith.constant 0 : index
      %get3A_3377 = tpu.vector_load %arg8[%get3A_3374, %get3A_3375, %get3A_3376] {strides = array<i32>} : memref<32x8x32xf32, #tpu.memory_space<vmem>>, vector<1x1x16xf32>,
      %get3A_3378 = vector.shape_cast %get3A_3377 : vector<1x1x16xf32> to vector<16xf32>
      %get3A_3379 = arith.constant 20 : i32
      %get3A_3380 = arith.index_cast %get3A_3379 : i32 to index
      %get3A_3381 = arith.index_cast %squeeze3A_3372 : i32 to index
      %get3A_3382 = arith.constant 0 : index
      %get3A_3383 = tpu.vector_load %arg9[%get3A_3380, %get3A_3381, %get3A_3382] {strides = array<i32>} : memref<32x8x32xf32, #tpu.memory_space<vmem>>, vector<1x1x16xf32>,
      %get3A_3384 = vector.shape_cast %get3A_3383 : vector<1x1x16xf32> to vector<16xf32>
      %mul3A_3385 = arith.mulf %get3A_3378, %get3A_3384 : vector<16xf32>
      %mul3A_3386 = arith.mulf %mul3A_3385, %get3A_27 : vector<16xf32>
      %get3A_3387 = arith.constant 20 : i32
      %get3A_3388 = arith.index_cast %get3A_3387 : i32 to index
      %get3A_3389 = arith.index_cast %squeeze3A_3370 : i32 to index
      %get3A_3390 = arith.constant 16 : index
      %get3A_3391 = tpu.vector_load %arg8[%get3A_3388, %get3A_3389, %get3A_3390] {strides = array<i32>} : memref<32x8x32xf32, #tpu.memory_space<vmem>>, vector<1x1x16xf32>,
      %get3A_3392 = vector.shape_cast %get3A_3391 : vector<1x1x16xf32> to vector<16xf32>
      %get3A_3393 = arith.constant 20 : i32
      %get3A_3394 = arith.index_cast %get3A_3393 : i32 to index
      %get3A_3395 = arith.index_cast %squeeze3A_3372 : i32 to index
      %get3A_3396 = arith.constant 16 : index
      %get3A_3397 = tpu.vector_load %arg9[%get3A_3394, %get3A_3395, %get3A_3396] {strides = array<i32>} : memref<32x8x32xf32, #tpu.memory_space<vmem>>, vector<1x1x16xf32>,
      %get3A_3398 = vector.shape_cast %get3A_3397 : vector<1x1x16xf32> to vector<16xf32>
      %mul3A_3399 = arith.mulf %get3A_3392, %get3A_3398 : vector<16xf32>
      %mul3A_3400 = arith.mulf %mul3A_3399, %get3A_30 : vector<16xf32>
      %add3A_3401 = arith.addf %mul3A_3386, %mul3A_3400 : vector<16xf32>
      %slice3A_3402 = vector.extract_strided_slice %and3A_746 {offsets = [5], sizes = [1], strides = [1]} : vector<16xi32> to vector<1xi32>
      %squeeze3A_3403 = vector.extract %slice3A_3402[0] : i32 from vector<1xi32>
      %slice3A_3404 = vector.extract_strided_slice %and3A_749 {offsets = [5], sizes = [1], strides = [1]} : vector<16xi32> to vector<1xi32>
      %squeeze3A_3405 = vector.extract %slice3A_3404[0] : i32 from vector<1xi32>
      %get3A_3406 = arith.constant 21 : i32
      %get3A_3407 = arith.index_cast %get3A_3406 : i32 to index
      %get3A_3408 = arith.index_cast %squeeze3A_3403 : i32 to index
      %get3A_3409 = arith.constant 0 : index
      %get3A_3410 = tpu.vector_load %arg8[%get3A_3407, %get3A_3408, %get3A_3409] {strides = array<i32>} : memref<32x8x32xf32, #tpu.memory_space<vmem>>, vector<1x1x16xf32>,
      %get3A_3411 = vector.shape_cast %get3A_3410 : vector<1x1x16xf32> to vector<16xf32>
      %get3A_3412 = arith.constant 21 : i32
      %get3A_3413 = arith.index_cast %get3A_3412 : i32 to index
      %get3A_3414 = arith.index_cast %squeeze3A_3405 : i32 to index
      %get3A_3415 = arith.constant 0 : index
      %get3A_3416 = tpu.vector_load %arg9[%get3A_3413, %get3A_3414, %get3A_3415] {strides = array<i32>} : memref<32x8x32xf32, #tpu.memory_space<vmem>>, vector<1x1x16xf32>,
      %get3A_3417 = vector.shape_cast %get3A_3416 : vector<1x1x16xf32> to vector<16xf32>
      %mul3A_3418 = arith.mulf %get3A_3411, %get3A_3417 : vector<16xf32>
      %mul3A_3419 = arith.mulf %mul3A_3418, %get3A_27 : vector<16xf32>
      %get3A_3420 = arith.constant 21 : i32
      %get3A_3421 = arith.index_cast %get3A_3420 : i32 to index
      %get3A_3422 = arith.index_cast %squeeze3A_3403 : i32 to index
      %get3A_3423 = arith.constant 16 : index
      %get3A_3424 = tpu.vector_load %arg8[%get3A_3421, %get3A_3422, %get3A_3423] {strides = array<i32>} : memref<32x8x32xf32, #tpu.memory_space<vmem>>, vector<1x1x16xf32>,
      %get3A_3425 = vector.shape_cast %get3A_3424 : vector<1x1x16xf32> to vector<16xf32>
      %get3A_3426 = arith.constant 21 : i32
      %get3A_3427 = arith.index_cast %get3A_3426 : i32 to index
      %get3A_3428 = arith.index_cast %squeeze3A_3405 : i32 to index
      %get3A_3429 = arith.constant 16 : index
      %get3A_3430 = tpu.vector_load %arg9[%get3A_3427, %get3A_3428, %get3A_3429] {strides = array<i32>} : memref<32x8x32xf32, #tpu.memory_space<vmem>>, vector<1x1x16xf32>,
      %get3A_3431 = vector.shape_cast %get3A_3430 : vector<1x1x16xf32> to vector<16xf32>
      %mul3A_3432 = arith.mulf %get3A_3425, %get3A_3431 : vector<16xf32>
      %mul3A_3433 = arith.mulf %mul3A_3432, %get3A_30 : vector<16xf32>
      %add3A_3434 = arith.addf %mul3A_3419, %mul3A_3433 : vector<16xf32>
      %slice3A_3435 = vector.extract_strided_slice %and3A_746 {offsets = [6], sizes = [1], strides = [1]} : vector<16xi32> to vector<1xi32>
      %squeeze3A_3436 = vector.extract %slice3A_3435[0] : i32 from vector<1xi32>
      %slice3A_3437 = vector.extract_strided_slice %and3A_749 {offsets = [6], sizes = [1], strides = [1]} : vector<16xi32> to vector<1xi32>
      %squeeze3A_3438 = vector.extract %slice3A_3437[0] : i32 from vector<1xi32>
      %get3A_3439 = arith.constant 22 : i32
      %get3A_3440 = arith.index_cast %get3A_3439 : i32 to index
      %get3A_3441 = arith.index_cast %squeeze3A_3436 : i32 to index
      %get3A_3442 = arith.constant 0 : index
      %get3A_3443 = tpu.vector_load %arg8[%get3A_3440, %get3A_3441, %get3A_3442] {strides = array<i32>} : memref<32x8x32xf32, #tpu.memory_space<vmem>>, vector<1x1x16xf32>,
      %get3A_3444 = vector.shape_cast %get3A_3443 : vector<1x1x16xf32> to vector<16xf32>
      %get3A_3445 = arith.constant 22 : i32
      %get3A_3446 = arith.index_cast %get3A_3445 : i32 to index
      %get3A_3447 = arith.index_cast %squeeze3A_3438 : i32 to index
      %get3A_3448 = arith.constant 0 : index
      %get3A_3449 = tpu.vector_load %arg9[%get3A_3446, %get3A_3447, %get3A_3448] {strides = array<i32>} : memref<32x8x32xf32, #tpu.memory_space<vmem>>, vector<1x1x16xf32>,
      %get3A_3450 = vector.shape_cast %get3A_3449 : vector<1x1x16xf32> to vector<16xf32>
      %mul3A_3451 = arith.mulf %get3A_3444, %get3A_3450 : vector<16xf32>
      %mul3A_3452 = arith.mulf %mul3A_3451, %get3A_27 : vector<16xf32>
      %get3A_3453 = arith.constant 22 : i32
      %get3A_3454 = arith.index_cast %get3A_3453 : i32 to index
      %get3A_3455 = arith.index_cast %squeeze3A_3436 : i32 to index
      %get3A_3456 = arith.constant 16 : index
      %get3A_3457 = tpu.vector_load %arg8[%get3A_3454, %get3A_3455, %get3A_3456] {strides = array<i32>} : memref<32x8x32xf32, #tpu.memory_space<vmem>>, vector<1x1x16xf32>,
      %get3A_3458 = vector.shape_cast %get3A_3457 : vector<1x1x16xf32> to vector<16xf32>
      %get3A_3459 = arith.constant 22 : i32
      %get3A_3460 = arith.index_cast %get3A_3459 : i32 to index
      %get3A_3461 = arith.index_cast %squeeze3A_3438 : i32 to index
      %get3A_3462 = arith.constant 16 : index
      %get3A_3463 = tpu.vector_load %arg9[%get3A_3460, %get3A_3461, %get3A_3462] {strides = array<i32>} : memref<32x8x32xf32, #tpu.memory_space<vmem>>, vector<1x1x16xf32>,
      %get3A_3464 = vector.shape_cast %get3A_3463 : vector<1x1x16xf32> to vector<16xf32>
      %mul3A_3465 = arith.mulf %get3A_3458, %get3A_3464 : vector<16xf32>
      %mul3A_3466 = arith.mulf %mul3A_3465, %get3A_30 : vector<16xf32>
      %add3A_3467 = arith.addf %mul3A_3452, %mul3A_3466 : vector<16xf32>
      %slice3A_3468 = vector.extract_strided_slice %and3A_746 {offsets = [7], sizes = [1], strides = [1]} : vector<16xi32> to vector<1xi32>
      %squeeze3A_3469 = vector.extract %slice3A_3468[0] : i32 from vector<1xi32>
      %slice3A_3470 = vector.extract_strided_slice %and3A_749 {offsets = [7], sizes = [1], strides = [1]} : vector<16xi32> to vector<1xi32>
      %squeeze3A_3471 = vector.extract %slice3A_3470[0] : i32 from vector<1xi32>
      %get3A_3472 = arith.constant 23 : i32
      %get3A_3473 = arith.index_cast %get3A_3472 : i32 to index
      %get3A_3474 = arith.index_cast %squeeze3A_3469 : i32 to index
      %get3A_3475 = arith.constant 0 : index
      %get3A_3476 = tpu.vector_load %arg8[%get3A_3473, %get3A_3474, %get3A_3475] {strides = array<i32>} : memref<32x8x32xf32, #tpu.memory_space<vmem>>, vector<1x1x16xf32>,
      %get3A_3477 = vector.shape_cast %get3A_3476 : vector<1x1x16xf32> to vector<16xf32>
      %get3A_3478 = arith.constant 23 : i32
      %get3A_3479 = arith.index_cast %get3A_3478 : i32 to index
      %get3A_3480 = arith.index_cast %squeeze3A_3471 : i32 to index
      %get3A_3481 = arith.constant 0 : index
      %get3A_3482 = tpu.vector_load %arg9[%get3A_3479, %get3A_3480, %get3A_3481] {strides = array<i32>} : memref<32x8x32xf32, #tpu.memory_space<vmem>>, vector<1x1x16xf32>,
      %get3A_3483 = vector.shape_cast %get3A_3482 : vector<1x1x16xf32> to vector<16xf32>
      %mul3A_3484 = arith.mulf %get3A_3477, %get3A_3483 : vector<16xf32>
      %mul3A_3485 = arith.mulf %mul3A_3484, %get3A_27 : vector<16xf32>
      %get3A_3486 = arith.constant 23 : i32
      %get3A_3487 = arith.index_cast %get3A_3486 : i32 to index
      %get3A_3488 = arith.index_cast %squeeze3A_3469 : i32 to index
      %get3A_3489 = arith.constant 16 : index
      %get3A_3490 = tpu.vector_load %arg8[%get3A_3487, %get3A_3488, %get3A_3489] {strides = array<i32>} : memref<32x8x32xf32, #tpu.memory_space<vmem>>, vector<1x1x16xf32>,
      %get3A_3491 = vector.shape_cast %get3A_3490 : vector<1x1x16xf32> to vector<16xf32>
      %get3A_3492 = arith.constant 23 : i32
      %get3A_3493 = arith.index_cast %get3A_3492 : i32 to index
      %get3A_3494 = arith.index_cast %squeeze3A_3471 : i32 to index
      %get3A_3495 = arith.constant 16 : index
      %get3A_3496 = tpu.vector_load %arg9[%get3A_3493, %get3A_3494, %get3A_3495] {strides = array<i32>} : memref<32x8x32xf32, #tpu.memory_space<vmem>>, vector<1x1x16xf32>,
      %get3A_3497 = vector.shape_cast %get3A_3496 : vector<1x1x16xf32> to vector<16xf32>
      %mul3A_3498 = arith.mulf %get3A_3491, %get3A_3497 : vector<16xf32>
      %mul3A_3499 = arith.mulf %mul3A_3498, %get3A_30 : vector<16xf32>
      %add3A_3500 = arith.addf %mul3A_3485, %mul3A_3499 : vector<16xf32>
      %slice3A_3501 = vector.extract_strided_slice %and3A_746 {offsets = [8], sizes = [1], strides = [1]} : vector<16xi32> to vector<1xi32>
      %squeeze3A_3502 = vector.extract %slice3A_3501[0] : i32 from vector<1xi32>
      %slice3A_3503 = vector.extract_strided_slice %and3A_749 {offsets = [8], sizes = [1], strides = [1]} : vector<16xi32> to vector<1xi32>
      %squeeze3A_3504 = vector.extract %slice3A_3503[0] : i32 from vector<1xi32>
      %get3A_3505 = arith.constant 24 : i32
      %get3A_3506 = arith.index_cast %get3A_3505 : i32 to index
      %get3A_3507 = arith.index_cast %squeeze3A_3502 : i32 to index
      %get3A_3508 = arith.constant 0 : index
      %get3A_3509 = tpu.vector_load %arg8[%get3A_3506, %get3A_3507, %get3A_3508] {strides = array<i32>} : memref<32x8x32xf32, #tpu.memory_space<vmem>>, vector<1x1x16xf32>,
      %get3A_3510 = vector.shape_cast %get3A_3509 : vector<1x1x16xf32> to vector<16xf32>
      %get3A_3511 = arith.constant 24 : i32
      %get3A_3512 = arith.index_cast %get3A_3511 : i32 to index
      %get3A_3513 = arith.index_cast %squeeze3A_3504 : i32 to index
      %get3A_3514 = arith.constant 0 : index
      %get3A_3515 = tpu.vector_load %arg9[%get3A_3512, %get3A_3513, %get3A_3514] {strides = array<i32>} : memref<32x8x32xf32, #tpu.memory_space<vmem>>, vector<1x1x16xf32>,
      %get3A_3516 = vector.shape_cast %get3A_3515 : vector<1x1x16xf32> to vector<16xf32>
      %mul3A_3517 = arith.mulf %get3A_3510, %get3A_3516 : vector<16xf32>
      %mul3A_3518 = arith.mulf %mul3A_3517, %get3A_27 : vector<16xf32>
      %get3A_3519 = arith.constant 24 : i32
      %get3A_3520 = arith.index_cast %get3A_3519 : i32 to index
      %get3A_3521 = arith.index_cast %squeeze3A_3502 : i32 to index
      %get3A_3522 = arith.constant 16 : index
      %get3A_3523 = tpu.vector_load %arg8[%get3A_3520, %get3A_3521, %get3A_3522] {strides = array<i32>} : memref<32x8x32xf32, #tpu.memory_space<vmem>>, vector<1x1x16xf32>,
      %get3A_3524 = vector.shape_cast %get3A_3523 : vector<1x1x16xf32> to vector<16xf32>
      %get3A_3525 = arith.constant 24 : i32
      %get3A_3526 = arith.index_cast %get3A_3525 : i32 to index
      %get3A_3527 = arith.index_cast %squeeze3A_3504 : i32 to index
      %get3A_3528 = arith.constant 16 : index
      %get3A_3529 = tpu.vector_load %arg9[%get3A_3526, %get3A_3527, %get3A_3528] {strides = array<i32>} : memref<32x8x32xf32, #tpu.memory_space<vmem>>, vector<1x1x16xf32>,
      %get3A_3530 = vector.shape_cast %get3A_3529 : vector<1x1x16xf32> to vector<16xf32>
      %mul3A_3531 = arith.mulf %get3A_3524, %get3A_3530 : vector<16xf32>
      %mul3A_3532 = arith.mulf %mul3A_3531, %get3A_30 : vector<16xf32>
      %add3A_3533 = arith.addf %mul3A_3518, %mul3A_3532 : vector<16xf32>
      %slice3A_3534 = vector.extract_strided_slice %and3A_746 {offsets = [9], sizes = [1], strides = [1]} : vector<16xi32> to vector<1xi32>
      %squeeze3A_3535 = vector.extract %slice3A_3534[0] : i32 from vector<1xi32>
      %slice3A_3536 = vector.extract_strided_slice %and3A_749 {offsets = [9], sizes = [1], strides = [1]} : vector<16xi32> to vector<1xi32>
      %squeeze3A_3537 = vector.extract %slice3A_3536[0] : i32 from vector<1xi32>
      %get3A_3538 = arith.constant 25 : i32
      %get3A_3539 = arith.index_cast %get3A_3538 : i32 to index
      %get3A_3540 = arith.index_cast %squeeze3A_3535 : i32 to index
      %get3A_3541 = arith.constant 0 : index
      %get3A_3542 = tpu.vector_load %arg8[%get3A_3539, %get3A_3540, %get3A_3541] {strides = array<i32>} : memref<32x8x32xf32, #tpu.memory_space<vmem>>, vector<1x1x16xf32>,
      %get3A_3543 = vector.shape_cast %get3A_3542 : vector<1x1x16xf32> to vector<16xf32>
      %get3A_3544 = arith.constant 25 : i32
      %get3A_3545 = arith.index_cast %get3A_3544 : i32 to index
      %get3A_3546 = arith.index_cast %squeeze3A_3537 : i32 to index
      %get3A_3547 = arith.constant 0 : index
      %get3A_3548 = tpu.vector_load %arg9[%get3A_3545, %get3A_3546, %get3A_3547] {strides = array<i32>} : memref<32x8x32xf32, #tpu.memory_space<vmem>>, vector<1x1x16xf32>,
      %get3A_3549 = vector.shape_cast %get3A_3548 : vector<1x1x16xf32> to vector<16xf32>
      %mul3A_3550 = arith.mulf %get3A_3543, %get3A_3549 : vector<16xf32>
      %mul3A_3551 = arith.mulf %mul3A_3550, %get3A_27 : vector<16xf32>
      %get3A_3552 = arith.constant 25 : i32
      %get3A_3553 = arith.index_cast %get3A_3552 : i32 to index
      %get3A_3554 = arith.index_cast %squeeze3A_3535 : i32 to index
      %get3A_3555 = arith.constant 16 : index
      %get3A_3556 = tpu.vector_load %arg8[%get3A_3553, %get3A_3554, %get3A_3555] {strides = array<i32>} : memref<32x8x32xf32, #tpu.memory_space<vmem>>, vector<1x1x16xf32>,
      %get3A_3557 = vector.shape_cast %get3A_3556 : vector<1x1x16xf32> to vector<16xf32>
      %get3A_3558 = arith.constant 25 : i32
      %get3A_3559 = arith.index_cast %get3A_3558 : i32 to index
      %get3A_3560 = arith.index_cast %squeeze3A_3537 : i32 to index
      %get3A_3561 = arith.constant 16 : index
      %get3A_3562 = tpu.vector_load %arg9[%get3A_3559, %get3A_3560, %get3A_3561] {strides = array<i32>} : memref<32x8x32xf32, #tpu.memory_space<vmem>>, vector<1x1x16xf32>,
      %get3A_3563 = vector.shape_cast %get3A_3562 : vector<1x1x16xf32> to vector<16xf32>
      %mul3A_3564 = arith.mulf %get3A_3557, %get3A_3563 : vector<16xf32>
      %mul3A_3565 = arith.mulf %mul3A_3564, %get3A_30 : vector<16xf32>
      %add3A_3566 = arith.addf %mul3A_3551, %mul3A_3565 : vector<16xf32>
      %slice3A_3567 = vector.extract_strided_slice %and3A_746 {offsets = [10], sizes = [1], strides = [1]} : vector<16xi32> to vector<1xi32>
      %squeeze3A_3568 = vector.extract %slice3A_3567[0] : i32 from vector<1xi32>
      %slice3A_3569 = vector.extract_strided_slice %and3A_749 {offsets = [10], sizes = [1], strides = [1]} : vector<16xi32> to vector<1xi32>
      %squeeze3A_3570 = vector.extract %slice3A_3569[0] : i32 from vector<1xi32>
      %get3A_3571 = arith.constant 26 : i32
      %get3A_3572 = arith.index_cast %get3A_3571 : i32 to index
      %get3A_3573 = arith.index_cast %squeeze3A_3568 : i32 to index
      %get3A_3574 = arith.constant 0 : index
      %get3A_3575 = tpu.vector_load %arg8[%get3A_3572, %get3A_3573, %get3A_3574] {strides = array<i32>} : memref<32x8x32xf32, #tpu.memory_space<vmem>>, vector<1x1x16xf32>,
      %get3A_3576 = vector.shape_cast %get3A_3575 : vector<1x1x16xf32> to vector<16xf32>
      %get3A_3577 = arith.constant 26 : i32
      %get3A_3578 = arith.index_cast %get3A_3577 : i32 to index
      %get3A_3579 = arith.index_cast %squeeze3A_3570 : i32 to index
      %get3A_3580 = arith.constant 0 : index
      %get3A_3581 = tpu.vector_load %arg9[%get3A_3578, %get3A_3579, %get3A_3580] {strides = array<i32>} : memref<32x8x32xf32, #tpu.memory_space<vmem>>, vector<1x1x16xf32>,
      %get3A_3582 = vector.shape_cast %get3A_3581 : vector<1x1x16xf32> to vector<16xf32>
      %mul3A_3583 = arith.mulf %get3A_3576, %get3A_3582 : vector<16xf32>
      %mul3A_3584 = arith.mulf %mul3A_3583, %get3A_27 : vector<16xf32>
      %get3A_3585 = arith.constant 26 : i32
      %get3A_3586 = arith.index_cast %get3A_3585 : i32 to index
      %get3A_3587 = arith.index_cast %squeeze3A_3568 : i32 to index
      %get3A_3588 = arith.constant 16 : index
      %get3A_3589 = tpu.vector_load %arg8[%get3A_3586, %get3A_3587, %get3A_3588] {strides = array<i32>} : memref<32x8x32xf32, #tpu.memory_space<vmem>>, vector<1x1x16xf32>,
      %get3A_3590 = vector.shape_cast %get3A_3589 : vector<1x1x16xf32> to vector<16xf32>
      %get3A_3591 = arith.constant 26 : i32
      %get3A_3592 = arith.index_cast %get3A_3591 : i32 to index
      %get3A_3593 = arith.index_cast %squeeze3A_3570 : i32 to index
      %get3A_3594 = arith.constant 16 : index
      %get3A_3595 = tpu.vector_load %arg9[%get3A_3592, %get3A_3593, %get3A_3594] {strides = array<i32>} : memref<32x8x32xf32, #tpu.memory_space<vmem>>, vector<1x1x16xf32>,
      %get3A_3596 = vector.shape_cast %get3A_3595 : vector<1x1x16xf32> to vector<16xf32>
      %mul3A_3597 = arith.mulf %get3A_3590, %get3A_3596 : vector<16xf32>
      %mul3A_3598 = arith.mulf %mul3A_3597, %get3A_30 : vector<16xf32>
      %add3A_3599 = arith.addf %mul3A_3584, %mul3A_3598 : vector<16xf32>
      %slice3A_3600 = vector.extract_strided_slice %and3A_746 {offsets = [11], sizes = [1], strides = [1]} : vector<16xi32> to vector<1xi32>
      %squeeze3A_3601 = vector.extract %slice3A_3600[0] : i32 from vector<1xi32>
      %slice3A_3602 = vector.extract_strided_slice %and3A_749 {offsets = [11], sizes = [1], strides = [1]} : vector<16xi32> to vector<1xi32>
      %squeeze3A_3603 = vector.extract %slice3A_3602[0] : i32 from vector<1xi32>
      %get3A_3604 = arith.constant 27 : i32
      %get3A_3605 = arith.index_cast %get3A_3604 : i32 to index
      %get3A_3606 = arith.index_cast %squeeze3A_3601 : i32 to index
      %get3A_3607 = arith.constant 0 : index
      %get3A_3608 = tpu.vector_load %arg8[%get3A_3605, %get3A_3606, %get3A_3607] {strides = array<i32>} : memref<32x8x32xf32, #tpu.memory_space<vmem>>, vector<1x1x16xf32>,
      %get3A_3609 = vector.shape_cast %get3A_3608 : vector<1x1x16xf32> to vector<16xf32>
      %get3A_3610 = arith.constant 27 : i32
      %get3A_3611 = arith.index_cast %get3A_3610 : i32 to index
      %get3A_3612 = arith.index_cast %squeeze3A_3603 : i32 to index
      %get3A_3613 = arith.constant 0 : index
      %get3A_3614 = tpu.vector_load %arg9[%get3A_3611, %get3A_3612, %get3A_3613] {strides = array<i32>} : memref<32x8x32xf32, #tpu.memory_space<vmem>>, vector<1x1x16xf32>,
      %get3A_3615 = vector.shape_cast %get3A_3614 : vector<1x1x16xf32> to vector<16xf32>
      %mul3A_3616 = arith.mulf %get3A_3609, %get3A_3615 : vector<16xf32>
      %mul3A_3617 = arith.mulf %mul3A_3616, %get3A_27 : vector<16xf32>
      %get3A_3618 = arith.constant 27 : i32
      %get3A_3619 = arith.index_cast %get3A_3618 : i32 to index
      %get3A_3620 = arith.index_cast %squeeze3A_3601 : i32 to index
      %get3A_3621 = arith.constant 16 : index
      %get3A_3622 = tpu.vector_load %arg8[%get3A_3619, %get3A_3620, %get3A_3621] {strides = array<i32>} : memref<32x8x32xf32, #tpu.memory_space<vmem>>, vector<1x1x16xf32>,
      %get3A_3623 = vector.shape_cast %get3A_3622 : vector<1x1x16xf32> to vector<16xf32>
      %get3A_3624 = arith.constant 27 : i32
      %get3A_3625 = arith.index_cast %get3A_3624 : i32 to index
      %get3A_3626 = arith.index_cast %squeeze3A_3603 : i32 to index
      %get3A_3627 = arith.constant 16 : index
      %get3A_3628 = tpu.vector_load %arg9[%get3A_3625, %get3A_3626, %get3A_3627] {strides = array<i32>} : memref<32x8x32xf32, #tpu.memory_space<vmem>>, vector<1x1x16xf32>,
      %get3A_3629 = vector.shape_cast %get3A_3628 : vector<1x1x16xf32> to vector<16xf32>
      %mul3A_3630 = arith.mulf %get3A_3623, %get3A_3629 : vector<16xf32>
      %mul3A_3631 = arith.mulf %mul3A_3630, %get3A_30 : vector<16xf32>
      %add3A_3632 = arith.addf %mul3A_3617, %mul3A_3631 : vector<16xf32>
      %slice3A_3633 = vector.extract_strided_slice %and3A_746 {offsets = [12], sizes = [1], strides = [1]} : vector<16xi32> to vector<1xi32>
      %squeeze3A_3634 = vector.extract %slice3A_3633[0] : i32 from vector<1xi32>
      %slice3A_3635 = vector.extract_strided_slice %and3A_749 {offsets = [12], sizes = [1], strides = [1]} : vector<16xi32> to vector<1xi32>
      %squeeze3A_3636 = vector.extract %slice3A_3635[0] : i32 from vector<1xi32>
      %get3A_3637 = arith.constant 28 : i32
      %get3A_3638 = arith.index_cast %get3A_3637 : i32 to index
      %get3A_3639 = arith.index_cast %squeeze3A_3634 : i32 to index
      %get3A_3640 = arith.constant 0 : index
      %get3A_3641 = tpu.vector_load %arg8[%get3A_3638, %get3A_3639, %get3A_3640] {strides = array<i32>} : memref<32x8x32xf32, #tpu.memory_space<vmem>>, vector<1x1x16xf32>,
      %get3A_3642 = vector.shape_cast %get3A_3641 : vector<1x1x16xf32> to vector<16xf32>
      %get3A_3643 = arith.constant 28 : i32
      %get3A_3644 = arith.index_cast %get3A_3643 : i32 to index
      %get3A_3645 = arith.index_cast %squeeze3A_3636 : i32 to index
      %get3A_3646 = arith.constant 0 : index
      %get3A_3647 = tpu.vector_load %arg9[%get3A_3644, %get3A_3645, %get3A_3646] {strides = array<i32>} : memref<32x8x32xf32, #tpu.memory_space<vmem>>, vector<1x1x16xf32>,
      %get3A_3648 = vector.shape_cast %get3A_3647 : vector<1x1x16xf32> to vector<16xf32>
      %mul3A_3649 = arith.mulf %get3A_3642, %get3A_3648 : vector<16xf32>
      %mul3A_3650 = arith.mulf %mul3A_3649, %get3A_27 : vector<16xf32>
      %get3A_3651 = arith.constant 28 : i32
      %get3A_3652 = arith.index_cast %get3A_3651 : i32 to index
      %get3A_3653 = arith.index_cast %squeeze3A_3634 : i32 to index
      %get3A_3654 = arith.constant 16 : index
      %get3A_3655 = tpu.vector_load %arg8[%get3A_3652, %get3A_3653, %get3A_3654] {strides = array<i32>} : memref<32x8x32xf32, #tpu.memory_space<vmem>>, vector<1x1x16xf32>,
      %get3A_3656 = vector.shape_cast %get3A_3655 : vector<1x1x16xf32> to vector<16xf32>
      %get3A_3657 = arith.constant 28 : i32
      %get3A_3658 = arith.index_cast %get3A_3657 : i32 to index
      %get3A_3659 = arith.index_cast %squeeze3A_3636 : i32 to index
      %get3A_3660 = arith.constant 16 : index
      %get3A_3661 = tpu.vector_load %arg9[%get3A_3658, %get3A_3659, %get3A_3660] {strides = array<i32>} : memref<32x8x32xf32, #tpu.memory_space<vmem>>, vector<1x1x16xf32>,
      %get3A_3662 = vector.shape_cast %get3A_3661 : vector<1x1x16xf32> to vector<16xf32>
      %mul3A_3663 = arith.mulf %get3A_3656, %get3A_3662 : vector<16xf32>
      %mul3A_3664 = arith.mulf %mul3A_3663, %get3A_30 : vector<16xf32>
      %add3A_3665 = arith.addf %mul3A_3650, %mul3A_3664 : vector<16xf32>
      %slice3A_3666 = vector.extract_strided_slice %and3A_746 {offsets = [13], sizes = [1], strides = [1]} : vector<16xi32> to vector<1xi32>
      %squeeze3A_3667 = vector.extract %slice3A_3666[0] : i32 from vector<1xi32>
      %slice3A_3668 = vector.extract_strided_slice %and3A_749 {offsets = [13], sizes = [1], strides = [1]} : vector<16xi32> to vector<1xi32>
      %squeeze3A_3669 = vector.extract %slice3A_3668[0] : i32 from vector<1xi32>
      %get3A_3670 = arith.constant 29 : i32
      %get3A_3671 = arith.index_cast %get3A_3670 : i32 to index
      %get3A_3672 = arith.index_cast %squeeze3A_3667 : i32 to index
      %get3A_3673 = arith.constant 0 : index
      %get3A_3674 = tpu.vector_load %arg8[%get3A_3671, %get3A_3672, %get3A_3673] {strides = array<i32>} : memref<32x8x32xf32, #tpu.memory_space<vmem>>, vector<1x1x16xf32>,
      %get3A_3675 = vector.shape_cast %get3A_3674 : vector<1x1x16xf32> to vector<16xf32>
      %get3A_3676 = arith.constant 29 : i32
      %get3A_3677 = arith.index_cast %get3A_3676 : i32 to index
      %get3A_3678 = arith.index_cast %squeeze3A_3669 : i32 to index
      %get3A_3679 = arith.constant 0 : index
      %get3A_3680 = tpu.vector_load %arg9[%get3A_3677, %get3A_3678, %get3A_3679] {strides = array<i32>} : memref<32x8x32xf32, #tpu.memory_space<vmem>>, vector<1x1x16xf32>,
      %get3A_3681 = vector.shape_cast %get3A_3680 : vector<1x1x16xf32> to vector<16xf32>
      %mul3A_3682 = arith.mulf %get3A_3675, %get3A_3681 : vector<16xf32>
      %mul3A_3683 = arith.mulf %mul3A_3682, %get3A_27 : vector<16xf32>
      %get3A_3684 = arith.constant 29 : i32
      %get3A_3685 = arith.index_cast %get3A_3684 : i32 to index
      %get3A_3686 = arith.index_cast %squeeze3A_3667 : i32 to index
      %get3A_3687 = arith.constant 16 : index
      %get3A_3688 = tpu.vector_load %arg8[%get3A_3685, %get3A_3686, %get3A_3687] {strides = array<i32>} : memref<32x8x32xf32, #tpu.memory_space<vmem>>, vector<1x1x16xf32>,
      %get3A_3689 = vector.shape_cast %get3A_3688 : vector<1x1x16xf32> to vector<16xf32>
      %get3A_3690 = arith.constant 29 : i32
      %get3A_3691 = arith.index_cast %get3A_3690 : i32 to index
      %get3A_3692 = arith.index_cast %squeeze3A_3669 : i32 to index
      %get3A_3693 = arith.constant 16 : index
      %get3A_3694 = tpu.vector_load %arg9[%get3A_3691, %get3A_3692, %get3A_3693] {strides = array<i32>} : memref<32x8x32xf32, #tpu.memory_space<vmem>>, vector<1x1x16xf32>,
      %get3A_3695 = vector.shape_cast %get3A_3694 : vector<1x1x16xf32> to vector<16xf32>
      %mul3A_3696 = arith.mulf %get3A_3689, %get3A_3695 : vector<16xf32>
      %mul3A_3697 = arith.mulf %mul3A_3696, %get3A_30 : vector<16xf32>
      %add3A_3698 = arith.addf %mul3A_3683, %mul3A_3697 : vector<16xf32>
      %slice3A_3699 = vector.extract_strided_slice %and3A_746 {offsets = [14], sizes = [1], strides = [1]} : vector<16xi32> to vector<1xi32>
      %squeeze3A_3700 = vector.extract %slice3A_3699[0] : i32 from vector<1xi32>
      %slice3A_3701 = vector.extract_strided_slice %and3A_749 {offsets = [14], sizes = [1], strides = [1]} : vector<16xi32> to vector<1xi32>
      %squeeze3A_3702 = vector.extract %slice3A_3701[0] : i32 from vector<1xi32>
      %get3A_3703 = arith.constant 30 : i32
      %get3A_3704 = arith.index_cast %get3A_3703 : i32 to index
      %get3A_3705 = arith.index_cast %squeeze3A_3700 : i32 to index
      %get3A_3706 = arith.constant 0 : index
      %get3A_3707 = tpu.vector_load %arg8[%get3A_3704, %get3A_3705, %get3A_3706] {strides = array<i32>} : memref<32x8x32xf32, #tpu.memory_space<vmem>>, vector<1x1x16xf32>,
      %get3A_3708 = vector.shape_cast %get3A_3707 : vector<1x1x16xf32> to vector<16xf32>
      %get3A_3709 = arith.constant 30 : i32
      %get3A_3710 = arith.index_cast %get3A_3709 : i32 to index
      %get3A_3711 = arith.index_cast %squeeze3A_3702 : i32 to index
      %get3A_3712 = arith.constant 0 : index
      %get3A_3713 = tpu.vector_load %arg9[%get3A_3710, %get3A_3711, %get3A_3712] {strides = array<i32>} : memref<32x8x32xf32, #tpu.memory_space<vmem>>, vector<1x1x16xf32>,
      %get3A_3714 = vector.shape_cast %get3A_3713 : vector<1x1x16xf32> to vector<16xf32>
      %mul3A_3715 = arith.mulf %get3A_3708, %get3A_3714 : vector<16xf32>
      %mul3A_3716 = arith.mulf %mul3A_3715, %get3A_27 : vector<16xf32>
      %get3A_3717 = arith.constant 30 : i32
      %get3A_3718 = arith.index_cast %get3A_3717 : i32 to index
      %get3A_3719 = arith.index_cast %squeeze3A_3700 : i32 to index
      %get3A_3720 = arith.constant 16 : index
      %get3A_3721 = tpu.vector_load %arg8[%get3A_3718, %get3A_3719, %get3A_3720] {strides = array<i32>} : memref<32x8x32xf32, #tpu.memory_space<vmem>>, vector<1x1x16xf32>,
      %get3A_3722 = vector.shape_cast %get3A_3721 : vector<1x1x16xf32> to vector<16xf32>
      %get3A_3723 = arith.constant 30 : i32
      %get3A_3724 = arith.index_cast %get3A_3723 : i32 to index
      %get3A_3725 = arith.index_cast %squeeze3A_3702 : i32 to index
      %get3A_3726 = arith.constant 16 : index
      %get3A_3727 = tpu.vector_load %arg9[%get3A_3724, %get3A_3725, %get3A_3726] {strides = array<i32>} : memref<32x8x32xf32, #tpu.memory_space<vmem>>, vector<1x1x16xf32>,
      %get3A_3728 = vector.shape_cast %get3A_3727 : vector<1x1x16xf32> to vector<16xf32>
      %mul3A_3729 = arith.mulf %get3A_3722, %get3A_3728 : vector<16xf32>
      %mul3A_3730 = arith.mulf %mul3A_3729, %get3A_30 : vector<16xf32>
      %add3A_3731 = arith.addf %mul3A_3716, %mul3A_3730 : vector<16xf32>
      %slice3A_3732 = vector.extract_strided_slice %and3A_746 {offsets = [15], sizes = [1], strides = [1]} : vector<16xi32> to vector<1xi32>
      %squeeze3A_3733 = vector.extract %slice3A_3732[0] : i32 from vector<1xi32>
      %slice3A_3734 = vector.extract_strided_slice %and3A_749 {offsets = [15], sizes = [1], strides = [1]} : vector<16xi32> to vector<1xi32>
      %squeeze3A_3735 = vector.extract %slice3A_3734[0] : i32 from vector<1xi32>
      %get3A_3736 = arith.constant 31 : i32
      %get3A_3737 = arith.index_cast %get3A_3736 : i32 to index
      %get3A_3738 = arith.index_cast %squeeze3A_3733 : i32 to index
      %get3A_3739 = arith.constant 0 : index
      %get3A_3740 = tpu.vector_load %arg8[%get3A_3737, %get3A_3738, %get3A_3739] {strides = array<i32>} : memref<32x8x32xf32, #tpu.memory_space<vmem>>, vector<1x1x16xf32>,
      %get3A_3741 = vector.shape_cast %get3A_3740 : vector<1x1x16xf32> to vector<16xf32>
      %get3A_3742 = arith.constant 31 : i32
      %get3A_3743 = arith.index_cast %get3A_3742 : i32 to index
      %get3A_3744 = arith.index_cast %squeeze3A_3735 : i32 to index
      %get3A_3745 = arith.constant 0 : index
      %get3A_3746 = tpu.vector_load %arg9[%get3A_3743, %get3A_3744, %get3A_3745] {strides = array<i32>} : memref<32x8x32xf32, #tpu.memory_space<vmem>>, vector<1x1x16xf32>,
      %get3A_3747 = vector.shape_cast %get3A_3746 : vector<1x1x16xf32> to vector<16xf32>
      %mul3A_3748 = arith.mulf %get3A_3741, %get3A_3747 : vector<16xf32>
      %mul3A_3749 = arith.mulf %mul3A_3748, %get3A_27 : vector<16xf32>
      %get3A_3750 = arith.constant 31 : i32
      %get3A_3751 = arith.index_cast %get3A_3750 : i32 to index
      %get3A_3752 = arith.index_cast %squeeze3A_3733 : i32 to index
      %get3A_3753 = arith.constant 16 : index
      %get3A_3754 = tpu.vector_load %arg8[%get3A_3751, %get3A_3752, %get3A_3753] {strides = array<i32>} : memref<32x8x32xf32, #tpu.memory_space<vmem>>, vector<1x1x16xf32>,
      %get3A_3755 = vector.shape_cast %get3A_3754 : vector<1x1x16xf32> to vector<16xf32>
      %get3A_3756 = arith.constant 31 : i32
      %get3A_3757 = arith.index_cast %get3A_3756 : i32 to index
      %get3A_3758 = arith.index_cast %squeeze3A_3735 : i32 to index
      %get3A_3759 = arith.constant 16 : index
      %get3A_3760 = tpu.vector_load %arg9[%get3A_3757, %get3A_3758, %get3A_3759] {strides = array<i32>} : memref<32x8x32xf32, #tpu.memory_space<vmem>>, vector<1x1x16xf32>,
      %get3A_3761 = vector.shape_cast %get3A_3760 : vector<1x1x16xf32> to vector<16xf32>
      %mul3A_3762 = arith.mulf %get3A_3755, %get3A_3761 : vector<16xf32>
      %mul3A_3763 = arith.mulf %mul3A_3762, %get3A_30 : vector<16xf32>
      %add3A_3764 = arith.addf %mul3A_3749, %mul3A_3763 : vector<16xf32>
      %and3A_3765 = arith.constant 8 : i32
      %and3A_3766 = vector.broadcast %and3A_3765 : i32 to vector<16xi32>
      %and3A_3767 = arith.andi %iota3A, %and3A_3766 : vector<16xi32>
      %eq3A_3768 = arith.constant 0 : i32
      %eq3A_3769 = vector.broadcast %eq3A_3768 : i32 to vector<16xi32>
      %eq3A_3770 = arith.cmpi eq, %and3A_3767, %eq3A_3769 : vector<16xi32>
      %xor3A_3771 = arith.constant 8 : i32
      %xor3A_3772 = vector.broadcast %xor3A_3771 : i32 to vector<16xi32>
      %xor3A_3773 = arith.xori %iota3A, %xor3A_3772 : vector<16xi32>
      %broadcast_in_dim3A_3774 = vector.shape_cast %xor3A_3773 : vector<16xi32> to vector<16x1xi32>
      %gather3A_3775 = vector.shape_cast %broadcast_in_dim3A_3774 : vector<16x1xi32> to vector<16xi32>
      %gather3A_3776 = tpu.dynamic_gather %add3A_3269[%gather3A_3775] in [0] : vector<16xf32>, vector<16xi32> -> vector<16xf32>
      %add3A_3777 = arith.addf %add3A_3269, %gather3A_3776 : vector<16xf32>
      %xor3A_3778 = arith.constant 8 : i32
      %xor3A_3779 = vector.broadcast %xor3A_3778 : i32 to vector<16xi32>
      %xor3A_3780 = arith.xori %iota3A, %xor3A_3779 : vector<16xi32>
      %broadcast_in_dim3A_3781 = vector.shape_cast %xor3A_3780 : vector<16xi32> to vector<16x1xi32>
      %gather3A_3782 = vector.shape_cast %broadcast_in_dim3A_3781 : vector<16x1xi32> to vector<16xi32>
      %gather3A_3783 = tpu.dynamic_gather %add3A_3302[%gather3A_3782] in [0] : vector<16xf32>, vector<16xi32> -> vector<16xf32>
      %add3A_3784 = arith.addf %add3A_3302, %gather3A_3783 : vector<16xf32>
      %select_n3A_3785 = arith.select %eq3A_3770, %add3A_3777, %add3A_3784 : vector<16xi1>, vector<16xf32>
      %xor3A_3786 = arith.constant 8 : i32
      %xor3A_3787 = vector.broadcast %xor3A_3786 : i32 to vector<16xi32>
      %xor3A_3788 = arith.xori %iota3A, %xor3A_3787 : vector<16xi32>
      %broadcast_in_dim3A_3789 = vector.shape_cast %xor3A_3788 : vector<16xi32> to vector<16x1xi32>
      %gather3A_3790 = vector.shape_cast %broadcast_in_dim3A_3789 : vector<16x1xi32> to vector<16xi32>
      %gather3A_3791 = tpu.dynamic_gather %add3A_3335[%gather3A_3790] in [0] : vector<16xf32>, vector<16xi32> -> vector<16xf32>
      %add3A_3792 = arith.addf %add3A_3335, %gather3A_3791 : vector<16xf32>
      %xor3A_3793 = arith.constant 8 : i32
      %xor3A_3794 = vector.broadcast %xor3A_3793 : i32 to vector<16xi32>
      %xor3A_3795 = arith.xori %iota3A, %xor3A_3794 : vector<16xi32>
      %broadcast_in_dim3A_3796 = vector.shape_cast %xor3A_3795 : vector<16xi32> to vector<16x1xi32>
      %gather3A_3797 = vector.shape_cast %broadcast_in_dim3A_3796 : vector<16x1xi32> to vector<16xi32>
      %gather3A_3798 = tpu.dynamic_gather %add3A_3368[%gather3A_3797] in [0] : vector<16xf32>, vector<16xi32> -> vector<16xf32>
      %add3A_3799 = arith.addf %add3A_3368, %gather3A_3798 : vector<16xf32>
      %select_n3A_3800 = arith.select %eq3A_3770, %add3A_3792, %add3A_3799 : vector<16xi1>, vector<16xf32>
      %xor3A_3801 = arith.constant 8 : i32
      %xor3A_3802 = vector.broadcast %xor3A_3801 : i32 to vector<16xi32>
      %xor3A_3803 = arith.xori %iota3A, %xor3A_3802 : vector<16xi32>
      %broadcast_in_dim3A_3804 = vector.shape_cast %xor3A_3803 : vector<16xi32> to vector<16x1xi32>
      %gather3A_3805 = vector.shape_cast %broadcast_in_dim3A_3804 : vector<16x1xi32> to vector<16xi32>
      %gather3A_3806 = tpu.dynamic_gather %add3A_3401[%gather3A_3805] in [0] : vector<16xf32>, vector<16xi32> -> vector<16xf32>
      %add3A_3807 = arith.addf %add3A_3401, %gather3A_3806 : vector<16xf32>
      %xor3A_3808 = arith.constant 8 : i32
      %xor3A_3809 = vector.broadcast %xor3A_3808 : i32 to vector<16xi32>
      %xor3A_3810 = arith.xori %iota3A, %xor3A_3809 : vector<16xi32>
      %broadcast_in_dim3A_3811 = vector.shape_cast %xor3A_3810 : vector<16xi32> to vector<16x1xi32>
      %gather3A_3812 = vector.shape_cast %broadcast_in_dim3A_3811 : vector<16x1xi32> to vector<16xi32>
      %gather3A_3813 = tpu.dynamic_gather %add3A_3434[%gather3A_3812] in [0] : vector<16xf32>, vector<16xi32> -> vector<16xf32>
      %add3A_3814 = arith.addf %add3A_3434, %gather3A_3813 : vector<16xf32>
      %select_n3A_3815 = arith.select %eq3A_3770, %add3A_3807, %add3A_3814 : vector<16xi1>, vector<16xf32>
      %xor3A_3816 = arith.constant 8 : i32
      %xor3A_3817 = vector.broadcast %xor3A_3816 : i32 to vector<16xi32>
      %xor3A_3818 = arith.xori %iota3A, %xor3A_3817 : vector<16xi32>
      %broadcast_in_dim3A_3819 = vector.shape_cast %xor3A_3818 : vector<16xi32> to vector<16x1xi32>
      %gather3A_3820 = vector.shape_cast %broadcast_in_dim3A_3819 : vector<16x1xi32> to vector<16xi32>
      %gather3A_3821 = tpu.dynamic_gather %add3A_3467[%gather3A_3820] in [0] : vector<16xf32>, vector<16xi32> -> vector<16xf32>
      %add3A_3822 = arith.addf %add3A_3467, %gather3A_3821 : vector<16xf32>
      %xor3A_3823 = arith.constant 8 : i32
      %xor3A_3824 = vector.broadcast %xor3A_3823 : i32 to vector<16xi32>
      %xor3A_3825 = arith.xori %iota3A, %xor3A_3824 : vector<16xi32>
      %broadcast_in_dim3A_3826 = vector.shape_cast %xor3A_3825 : vector<16xi32> to vector<16x1xi32>
      %gather3A_3827 = vector.shape_cast %broadcast_in_dim3A_3826 : vector<16x1xi32> to vector<16xi32>
      %gather3A_3828 = tpu.dynamic_gather %add3A_3500[%gather3A_3827] in [0] : vector<16xf32>, vector<16xi32> -> vector<16xf32>
      %add3A_3829 = arith.addf %add3A_3500, %gather3A_3828 : vector<16xf32>
      %select_n3A_3830 = arith.select %eq3A_3770, %add3A_3822, %add3A_3829 : vector<16xi1>, vector<16xf32>
      %xor3A_3831 = arith.constant 8 : i32
      %xor3A_3832 = vector.broadcast %xor3A_3831 : i32 to vector<16xi32>
      %xor3A_3833 = arith.xori %iota3A, %xor3A_3832 : vector<16xi32>
      %broadcast_in_dim3A_3834 = vector.shape_cast %xor3A_3833 : vector<16xi32> to vector<16x1xi32>
      %gather3A_3835 = vector.shape_cast %broadcast_in_dim3A_3834 : vector<16x1xi32> to vector<16xi32>
      %gather3A_3836 = tpu.dynamic_gather %add3A_3533[%gather3A_3835] in [0] : vector<16xf32>, vector<16xi32> -> vector<16xf32>
      %add3A_3837 = arith.addf %add3A_3533, %gather3A_3836 : vector<16xf32>
      %xor3A_3838 = arith.constant 8 : i32
      %xor3A_3839 = vector.broadcast %xor3A_3838 : i32 to vector<16xi32>
      %xor3A_3840 = arith.xori %iota3A, %xor3A_3839 : vector<16xi32>
      %broadcast_in_dim3A_3841 = vector.shape_cast %xor3A_3840 : vector<16xi32> to vector<16x1xi32>
      %gather3A_3842 = vector.shape_cast %broadcast_in_dim3A_3841 : vector<16x1xi32> to vector<16xi32>
      %gather3A_3843 = tpu.dynamic_gather %add3A_3566[%gather3A_3842] in [0] : vector<16xf32>, vector<16xi32> -> vector<16xf32>
      %add3A_3844 = arith.addf %add3A_3566, %gather3A_3843 : vector<16xf32>
      %select_n3A_3845 = arith.select %eq3A_3770, %add3A_3837, %add3A_3844 : vector<16xi1>, vector<16xf32>
      %xor3A_3846 = arith.constant 8 : i32
      %xor3A_3847 = vector.broadcast %xor3A_3846 : i32 to vector<16xi32>
      %xor3A_3848 = arith.xori %iota3A, %xor3A_3847 : vector<16xi32>
      %broadcast_in_dim3A_3849 = vector.shape_cast %xor3A_3848 : vector<16xi32> to vector<16x1xi32>
      %gather3A_3850 = vector.shape_cast %broadcast_in_dim3A_3849 : vector<16x1xi32> to vector<16xi32>
      %gather3A_3851 = tpu.dynamic_gather %add3A_3599[%gather3A_3850] in [0] : vector<16xf32>, vector<16xi32> -> vector<16xf32>
      %add3A_3852 = arith.addf %add3A_3599, %gather3A_3851 : vector<16xf32>
      %xor3A_3853 = arith.constant 8 : i32
      %xor3A_3854 = vector.broadcast %xor3A_3853 : i32 to vector<16xi32>
      %xor3A_3855 = arith.xori %iota3A, %xor3A_3854 : vector<16xi32>
      %broadcast_in_dim3A_3856 = vector.shape_cast %xor3A_3855 : vector<16xi32> to vector<16x1xi32>
      %gather3A_3857 = vector.shape_cast %broadcast_in_dim3A_3856 : vector<16x1xi32> to vector<16xi32>
      %gather3A_3858 = tpu.dynamic_gather %add3A_3632[%gather3A_3857] in [0] : vector<16xf32>, vector<16xi32> -> vector<16xf32>
      %add3A_3859 = arith.addf %add3A_3632, %gather3A_3858 : vector<16xf32>
      %select_n3A_3860 = arith.select %eq3A_3770, %add3A_3852, %add3A_3859 : vector<16xi1>, vector<16xf32>
      %xor3A_3861 = arith.constant 8 : i32
      %xor3A_3862 = vector.broadcast %xor3A_3861 : i32 to vector<16xi32>
      %xor3A_3863 = arith.xori %iota3A, %xor3A_3862 : vector<16xi32>
      %broadcast_in_dim3A_3864 = vector.shape_cast %xor3A_3863 : vector<16xi32> to vector<16x1xi32>
      %gather3A_3865 = vector.shape_cast %broadcast_in_dim3A_3864 : vector<16x1xi32> to vector<16xi32>
      %gather3A_3866 = tpu.dynamic_gather %add3A_3665[%gather3A_3865] in [0] : vector<16xf32>, vector<16xi32> -> vector<16xf32>
      %add3A_3867 = arith.addf %add3A_3665, %gather3A_3866 : vector<16xf32>
      %xor3A_3868 = arith.constant 8 : i32
      %xor3A_3869 = vector.broadcast %xor3A_3868 : i32 to vector<16xi32>
      %xor3A_3870 = arith.xori %iota3A, %xor3A_3869 : vector<16xi32>
      %broadcast_in_dim3A_3871 = vector.shape_cast %xor3A_3870 : vector<16xi32> to vector<16x1xi32>
      %gather3A_3872 = vector.shape_cast %broadcast_in_dim3A_3871 : vector<16x1xi32> to vector<16xi32>
      %gather3A_3873 = tpu.dynamic_gather %add3A_3698[%gather3A_3872] in [0] : vector<16xf32>, vector<16xi32> -> vector<16xf32>
      %add3A_3874 = arith.addf %add3A_3698, %gather3A_3873 : vector<16xf32>
      %select_n3A_3875 = arith.select %eq3A_3770, %add3A_3867, %add3A_3874 : vector<16xi1>, vector<16xf32>
      %xor3A_3876 = arith.constant 8 : i32
      %xor3A_3877 = vector.broadcast %xor3A_3876 : i32 to vector<16xi32>
      %xor3A_3878 = arith.xori %iota3A, %xor3A_3877 : vector<16xi32>
      %broadcast_in_dim3A_3879 = vector.shape_cast %xor3A_3878 : vector<16xi32> to vector<16x1xi32>
      %gather3A_3880 = vector.shape_cast %broadcast_in_dim3A_3879 : vector<16x1xi32> to vector<16xi32>
      %gather3A_3881 = tpu.dynamic_gather %add3A_3731[%gather3A_3880] in [0] : vector<16xf32>, vector<16xi32> -> vector<16xf32>
      %add3A_3882 = arith.addf %add3A_3731, %gather3A_3881 : vector<16xf32>
      %xor3A_3883 = arith.constant 8 : i32
      %xor3A_3884 = vector.broadcast %xor3A_3883 : i32 to vector<16xi32>
      %xor3A_3885 = arith.xori %iota3A, %xor3A_3884 : vector<16xi32>
      %broadcast_in_dim3A_3886 = vector.shape_cast %xor3A_3885 : vector<16xi32> to vector<16x1xi32>
      %gather3A_3887 = vector.shape_cast %broadcast_in_dim3A_3886 : vector<16x1xi32> to vector<16xi32>
      %gather3A_3888 = tpu.dynamic_gather %add3A_3764[%gather3A_3887] in [0] : vector<16xf32>, vector<16xi32> -> vector<16xf32>
      %add3A_3889 = arith.addf %add3A_3764, %gather3A_3888 : vector<16xf32>
      %select_n3A_3890 = arith.select %eq3A_3770, %add3A_3882, %add3A_3889 : vector<16xi1>, vector<16xf32>
      %and3A_3891 = arith.constant 4 : i32
      %and3A_3892 = vector.broadcast %and3A_3891 : i32 to vector<16xi32>
      %and3A_3893 = arith.andi %iota3A, %and3A_3892 : vector<16xi32>
      %eq3A_3894 = arith.constant 0 : i32
      %eq3A_3895 = vector.broadcast %eq3A_3894 : i32 to vector<16xi32>
      %eq3A_3896 = arith.cmpi eq, %and3A_3893, %eq3A_3895 : vector<16xi32>
      %xor3A_3897 = arith.constant 4 : i32
      %xor3A_3898 = vector.broadcast %xor3A_3897 : i32 to vector<16xi32>
      %xor3A_3899 = arith.xori %iota3A, %xor3A_3898 : vector<16xi32>
      %broadcast_in_dim3A_3900 = vector.shape_cast %xor3A_3899 : vector<16xi32> to vector<16x1xi32>
      %gather3A_3901 = vector.shape_cast %broadcast_in_dim3A_3900 : vector<16x1xi32> to vector<16xi32>
      %gather3A_3902 = tpu.dynamic_gather %select_n3A_3785[%gather3A_3901] in [0] : vector<16xf32>, vector<16xi32> -> vector<16xf32>
      %add3A_3903 = arith.addf %select_n3A_3785, %gather3A_3902 : vector<16xf32>
      %xor3A_3904 = arith.constant 4 : i32
      %xor3A_3905 = vector.broadcast %xor3A_3904 : i32 to vector<16xi32>
      %xor3A_3906 = arith.xori %iota3A, %xor3A_3905 : vector<16xi32>
      %broadcast_in_dim3A_3907 = vector.shape_cast %xor3A_3906 : vector<16xi32> to vector<16x1xi32>
      %gather3A_3908 = vector.shape_cast %broadcast_in_dim3A_3907 : vector<16x1xi32> to vector<16xi32>
      %gather3A_3909 = tpu.dynamic_gather %select_n3A_3800[%gather3A_3908] in [0] : vector<16xf32>, vector<16xi32> -> vector<16xf32>
      %add3A_3910 = arith.addf %select_n3A_3800, %gather3A_3909 : vector<16xf32>
      %select_n3A_3911 = arith.select %eq3A_3896, %add3A_3903, %add3A_3910 : vector<16xi1>, vector<16xf32>
      %xor3A_3912 = arith.constant 4 : i32
      %xor3A_3913 = vector.broadcast %xor3A_3912 : i32 to vector<16xi32>
      %xor3A_3914 = arith.xori %iota3A, %xor3A_3913 : vector<16xi32>
      %broadcast_in_dim3A_3915 = vector.shape_cast %xor3A_3914 : vector<16xi32> to vector<16x1xi32>
      %gather3A_3916 = vector.shape_cast %broadcast_in_dim3A_3915 : vector<16x1xi32> to vector<16xi32>
      %gather3A_3917 = tpu.dynamic_gather %select_n3A_3815[%gather3A_3916] in [0] : vector<16xf32>, vector<16xi32> -> vector<16xf32>
      %add3A_3918 = arith.addf %select_n3A_3815, %gather3A_3917 : vector<16xf32>
      %xor3A_3919 = arith.constant 4 : i32
      %xor3A_3920 = vector.broadcast %xor3A_3919 : i32 to vector<16xi32>
      %xor3A_3921 = arith.xori %iota3A, %xor3A_3920 : vector<16xi32>
      %broadcast_in_dim3A_3922 = vector.shape_cast %xor3A_3921 : vector<16xi32> to vector<16x1xi32>
      %gather3A_3923 = vector.shape_cast %broadcast_in_dim3A_3922 : vector<16x1xi32> to vector<16xi32>
      %gather3A_3924 = tpu.dynamic_gather %select_n3A_3830[%gather3A_3923] in [0] : vector<16xf32>, vector<16xi32> -> vector<16xf32>
      %add3A_3925 = arith.addf %select_n3A_3830, %gather3A_3924 : vector<16xf32>
      %select_n3A_3926 = arith.select %eq3A_3896, %add3A_3918, %add3A_3925 : vector<16xi1>, vector<16xf32>
      %xor3A_3927 = arith.constant 4 : i32
      %xor3A_3928 = vector.broadcast %xor3A_3927 : i32 to vector<16xi32>
      %xor3A_3929 = arith.xori %iota3A, %xor3A_3928 : vector<16xi32>
      %broadcast_in_dim3A_3930 = vector.shape_cast %xor3A_3929 : vector<16xi32> to vector<16x1xi32>
      %gather3A_3931 = vector.shape_cast %broadcast_in_dim3A_3930 : vector<16x1xi32> to vector<16xi32>
      %gather3A_3932 = tpu.dynamic_gather %select_n3A_3845[%gather3A_3931] in [0] : vector<16xf32>, vector<16xi32> -> vector<16xf32>
      %add3A_3933 = arith.addf %select_n3A_3845, %gather3A_3932 : vector<16xf32>
      %xor3A_3934 = arith.constant 4 : i32
      %xor3A_3935 = vector.broadcast %xor3A_3934 : i32 to vector<16xi32>
      %xor3A_3936 = arith.xori %iota3A, %xor3A_3935 : vector<16xi32>
      %broadcast_in_dim3A_3937 = vector.shape_cast %xor3A_3936 : vector<16xi32> to vector<16x1xi32>
      %gather3A_3938 = vector.shape_cast %broadcast_in_dim3A_3937 : vector<16x1xi32> to vector<16xi32>
      %gather3A_3939 = tpu.dynamic_gather %select_n3A_3860[%gather3A_3938] in [0] : vector<16xf32>, vector<16xi32> -> vector<16xf32>
      %add3A_3940 = arith.addf %select_n3A_3860, %gather3A_3939 : vector<16xf32>
      %select_n3A_3941 = arith.select %eq3A_3896, %add3A_3933, %add3A_3940 : vector<16xi1>, vector<16xf32>
      %xor3A_3942 = arith.constant 4 : i32
      %xor3A_3943 = vector.broadcast %xor3A_3942 : i32 to vector<16xi32>
      %xor3A_3944 = arith.xori %iota3A, %xor3A_3943 : vector<16xi32>
      %broadcast_in_dim3A_3945 = vector.shape_cast %xor3A_3944 : vector<16xi32> to vector<16x1xi32>
      %gather3A_3946 = vector.shape_cast %broadcast_in_dim3A_3945 : vector<16x1xi32> to vector<16xi32>
      %gather3A_3947 = tpu.dynamic_gather %select_n3A_3875[%gather3A_3946] in [0] : vector<16xf32>, vector<16xi32> -> vector<16xf32>
      %add3A_3948 = arith.addf %select_n3A_3875, %gather3A_3947 : vector<16xf32>
      %xor3A_3949 = arith.constant 4 : i32
      %xor3A_3950 = vector.broadcast %xor3A_3949 : i32 to vector<16xi32>
      %xor3A_3951 = arith.xori %iota3A, %xor3A_3950 : vector<16xi32>
      %broadcast_in_dim3A_3952 = vector.shape_cast %xor3A_3951 : vector<16xi32> to vector<16x1xi32>
      %gather3A_3953 = vector.shape_cast %broadcast_in_dim3A_3952 : vector<16x1xi32> to vector<16xi32>
      %gather3A_3954 = tpu.dynamic_gather %select_n3A_3890[%gather3A_3953] in [0] : vector<16xf32>, vector<16xi32> -> vector<16xf32>
      %add3A_3955 = arith.addf %select_n3A_3890, %gather3A_3954 : vector<16xf32>
      %select_n3A_3956 = arith.select %eq3A_3896, %add3A_3948, %add3A_3955 : vector<16xi1>, vector<16xf32>
      %and3A_3957 = arith.constant 2 : i32
      %and3A_3958 = vector.broadcast %and3A_3957 : i32 to vector<16xi32>
      %and3A_3959 = arith.andi %iota3A, %and3A_3958 : vector<16xi32>
      %eq3A_3960 = arith.constant 0 : i32
      %eq3A_3961 = vector.broadcast %eq3A_3960 : i32 to vector<16xi32>
      %eq3A_3962 = arith.cmpi eq, %and3A_3959, %eq3A_3961 : vector<16xi32>
      %xor3A_3963 = arith.constant 2 : i32
      %xor3A_3964 = vector.broadcast %xor3A_3963 : i32 to vector<16xi32>
      %xor3A_3965 = arith.xori %iota3A, %xor3A_3964 : vector<16xi32>
      %broadcast_in_dim3A_3966 = vector.shape_cast %xor3A_3965 : vector<16xi32> to vector<16x1xi32>
      %gather3A_3967 = vector.shape_cast %broadcast_in_dim3A_3966 : vector<16x1xi32> to vector<16xi32>
      %gather3A_3968 = tpu.dynamic_gather %select_n3A_3911[%gather3A_3967] in [0] : vector<16xf32>, vector<16xi32> -> vector<16xf32>
      %add3A_3969 = arith.addf %select_n3A_3911, %gather3A_3968 : vector<16xf32>
      %xor3A_3970 = arith.constant 2 : i32
      %xor3A_3971 = vector.broadcast %xor3A_3970 : i32 to vector<16xi32>
      %xor3A_3972 = arith.xori %iota3A, %xor3A_3971 : vector<16xi32>
      %broadcast_in_dim3A_3973 = vector.shape_cast %xor3A_3972 : vector<16xi32> to vector<16x1xi32>
      %gather3A_3974 = vector.shape_cast %broadcast_in_dim3A_3973 : vector<16x1xi32> to vector<16xi32>
      %gather3A_3975 = tpu.dynamic_gather %select_n3A_3926[%gather3A_3974] in [0] : vector<16xf32>, vector<16xi32> -> vector<16xf32>
      %add3A_3976 = arith.addf %select_n3A_3926, %gather3A_3975 : vector<16xf32>
      %select_n3A_3977 = arith.select %eq3A_3962, %add3A_3969, %add3A_3976 : vector<16xi1>, vector<16xf32>
      %xor3A_3978 = arith.constant 2 : i32
      %xor3A_3979 = vector.broadcast %xor3A_3978 : i32 to vector<16xi32>
      %xor3A_3980 = arith.xori %iota3A, %xor3A_3979 : vector<16xi32>
      %broadcast_in_dim3A_3981 = vector.shape_cast %xor3A_3980 : vector<16xi32> to vector<16x1xi32>
      %gather3A_3982 = vector.shape_cast %broadcast_in_dim3A_3981 : vector<16x1xi32> to vector<16xi32>
      %gather3A_3983 = tpu.dynamic_gather %select_n3A_3941[%gather3A_3982] in [0] : vector<16xf32>, vector<16xi32> -> vector<16xf32>
      %add3A_3984 = arith.addf %select_n3A_3941, %gather3A_3983 : vector<16xf32>
      %xor3A_3985 = arith.constant 2 : i32
      %xor3A_3986 = vector.broadcast %xor3A_3985 : i32 to vector<16xi32>
      %xor3A_3987 = arith.xori %iota3A, %xor3A_3986 : vector<16xi32>
      %broadcast_in_dim3A_3988 = vector.shape_cast %xor3A_3987 : vector<16xi32> to vector<16x1xi32>
      %gather3A_3989 = vector.shape_cast %broadcast_in_dim3A_3988 : vector<16x1xi32> to vector<16xi32>
      %gather3A_3990 = tpu.dynamic_gather %select_n3A_3956[%gather3A_3989] in [0] : vector<16xf32>, vector<16xi32> -> vector<16xf32>
      %add3A_3991 = arith.addf %select_n3A_3956, %gather3A_3990 : vector<16xf32>
      %select_n3A_3992 = arith.select %eq3A_3962, %add3A_3984, %add3A_3991 : vector<16xi1>, vector<16xf32>
      %and3A_3993 = arith.constant 1 : i32
      %and3A_3994 = vector.broadcast %and3A_3993 : i32 to vector<16xi32>
      %and3A_3995 = arith.andi %iota3A, %and3A_3994 : vector<16xi32>
      %eq3A_3996 = arith.constant 0 : i32
      %eq3A_3997 = vector.broadcast %eq3A_3996 : i32 to vector<16xi32>
      %eq3A_3998 = arith.cmpi eq, %and3A_3995, %eq3A_3997 : vector<16xi32>
      %xor3A_3999 = arith.constant 1 : i32
      %xor3A_4000 = vector.broadcast %xor3A_3999 : i32 to vector<16xi32>
      %xor3A_4001 = arith.xori %iota3A, %xor3A_4000 : vector<16xi32>
      %broadcast_in_dim3A_4002 = vector.shape_cast %xor3A_4001 : vector<16xi32> to vector<16x1xi32>
      %gather3A_4003 = vector.shape_cast %broadcast_in_dim3A_4002 : vector<16x1xi32> to vector<16xi32>
      %gather3A_4004 = tpu.dynamic_gather %select_n3A_3977[%gather3A_4003] in [0] : vector<16xf32>, vector<16xi32> -> vector<16xf32>
      %add3A_4005 = arith.addf %select_n3A_3977, %gather3A_4004 : vector<16xf32>
      %xor3A_4006 = arith.constant 1 : i32
      %xor3A_4007 = vector.broadcast %xor3A_4006 : i32 to vector<16xi32>
      %xor3A_4008 = arith.xori %iota3A, %xor3A_4007 : vector<16xi32>
      %broadcast_in_dim3A_4009 = vector.shape_cast %xor3A_4008 : vector<16xi32> to vector<16x1xi32>
      %gather3A_4010 = vector.shape_cast %broadcast_in_dim3A_4009 : vector<16x1xi32> to vector<16xi32>
      %gather3A_4011 = tpu.dynamic_gather %select_n3A_3992[%gather3A_4010] in [0] : vector<16xf32>, vector<16xi32> -> vector<16xf32>
      %add3A_4012 = arith.addf %select_n3A_3992, %gather3A_4011 : vector<16xf32>
      %select_n3A_4013 = arith.select %eq3A_3998, %add3A_4005, %add3A_4012 : vector<16xi1>, vector<16xf32>
      %broadcast_in_dim3A_4014 = vector.shape_cast %or3A_54 : vector<16xi32> to vector<16x1xi32>
      %gather3A_4015 = vector.shape_cast %broadcast_in_dim3A_4014 : vector<16x1xi32> to vector<16xi32>
      %gather3A_4016 = tpu.dynamic_gather %select_n3A_4013[%gather3A_4015] in [0] : vector<16xf32>, vector<16xi32> -> vector<16xf32>
      %mul3A_4017 = arith.constant 32 : i32
      %mul3A_4018 = arith.muli %scan3A_60, %mul3A_4017 : i32
      %add3A_4019 = arith.constant 16 : i32
      %add3A_4020 = arith.addi %mul3A_4018, %add3A_4019 : i32
      %swap3A_4021 = arith.index_cast %add3A_4020 : i32 to index
      %swap3A_4022 = tpu.vector_load %arg11[%swap3A_4021] {strides = array<i32>} : memref<512xf32, #tpu.memory_space<vmem>>, vector<16xf32>,
      %swap3A_4023 = vector.shape_cast %swap3A_4022 : vector<16xf32> to vector<16xf32>
      %swap3A_4024 = vector.shape_cast %gather3A_4016 : vector<16xf32> to vector<16xf32>
      tpu.vector_store %arg11[%swap3A_4021], %swap3A_4024 {strides = array<i32>} : memref<512xf32, #tpu.memory_space<vmem>>, vector<16xf32>,
    }
    %scan3A_59 = arith.constant 16 : i32
    "tpu.region"() ({
      %run_scoped3A = tpu.sem_alloc : memref<!tpu.dma_semaphore, #tpu.memory_space<semaphore_mem>>
      %dma_start3A = tpu.memref_slice %arg6[%mul3A_2] : memref<16384xf32, #tpu.memory_space<hbm>> -> memref<512xf32, #tpu.memory_space<hbm>>
      %dma_start3A_60 = tpu.memref_slice %arg6[%mul3A_2] : memref<16384xf32, #tpu.memory_space<hbm>> -> memref<512xf32, #tpu.memory_space<hbm>>
      tpu.enqueue_dma source(%arg11 : memref<512xf32, #tpu.memory_space<vmem>>) target(%dma_start3A_60 : memref<512xf32, #tpu.memory_space<hbm>>) target_semaphore(%run_scoped3A : memref<!tpu.dma_semaphore, #tpu.memory_space<semaphore_mem>>)
      %dma_wait3A = tpu.memref_slice %arg6[%mul3A_2] : memref<16384xf32, #tpu.memory_space<hbm>> -> memref<512xf32, #tpu.memory_space<hbm>>
      %dma_wait3A_61 = tpu.memref_slice %arg6[%mul3A_2] : memref<16384xf32, #tpu.memory_space<hbm>> -> memref<512xf32, #tpu.memory_space<hbm>>
      tpu.wait_dma2 semaphore(%run_scoped3A : memref<!tpu.dma_semaphore, #tpu.memory_space<semaphore_mem>>) src(%arg11 : memref<512xf32, #tpu.memory_space<vmem>>) dst(%dma_wait3A_61 : memref<512xf32, #tpu.memory_space<hbm>>)
      tpu.yield
    }) : () -> ()
    return
  }
}

</mosaic_0001>

<sc_bundles>
// kernel: _gmf.3.cloned.1.call-start
scs
__scs_entry_jumppad:
0x0: {  	(pc) =	sbr.rel $0x88, $3  }
0x1: {  	(tag) =	ssettag $0x0;
	lr =	simm.s32 $0x1  }
0x2: {  	[smem:$0x3F9D] =	sst lr;
	_ =	strace $0xD0000000  }
0x3: {  	_ = 	snop  }
0x4: {  	_ = 	snop  }
0x5: {  	_ = 	snop  }
0x6: {  	_ = 	snop  }
0x7: {  	_ = 	snop  }
__scs_overlays_trampoline_lowered:
0x8: {  	[smem:$0x3FAC] =	sst s0  }
0x9: {  	[smem:$0x3FAD] =	sst s1  }
0xa: {  	[smem:$0x3FAE] =	sst s2  }
0xb: {  	[smem:$0x3FAF] =	sst s3  }
0xc: {  	[smem:$0x3FB0] =	sst s4  }
0xd: {  	[smem:$0x3FB1] =	sst s5  }
0xe: {  	[smem:$0x3FB2] =	sst s6  }
0xf: {  	[smem:$0x3FB3] =	sst s7  }
0x10: {  	[smem:$0x3FB4] =	sst s8  }
0x11: {  	[smem:$0x3FB5] =	sst s9;
	s0 =	simm.s32 @!p0 $0x0  }
0x12: {  	s1 =	sld [smem:$0x3F9B];
	s0 =	simm.s32 @p0 $0x1  }
0x13: {  	[smem:$0x3FB6] =	sst s0;
	s0 =	simm.s32 @!p1 $0x0  }
0x14: {  	s2 =	sld [smem:$0x3F9A];
	s0 =	simm.s32 @p1 $0x1  }
0x15: {  	[smem:$0x3FB7] =	sst s0;
	s0 =	simm.s32 @!p2 $0x0  }
0x16: {  	s3 =	sld [smem:$0x3FDB];
	s0 =	simm.s32 @p2 $0x1  }
0x17: {  	s4 =	simm.s32 $0x1BF5;
	[smem:$0x3FB9] =	sst s0  }
0x18: {  	s0 =	sld [smem:$0x3F9C];
	_ =	swait.ge [sflag:s4], $0x0  }
0x19: {  	s7 =	sld [smem:$0x3F9D]  }
0x1a: {  	s8 =	sadd.s32 $0xFFFFE003, lr  }
0x1b: {  	s9 =	sadd.s32 $0xFFFFFEF7, lr;
	s5 =	simm.s32 $0xFFFFFFFF;
	p2 =	slt.u32 s8, $0xFFFFF086  }
0x1c: {  	p1 =	slt.u32 s9, $0xF7A;
	s5 =	simm.s32 @!p2 $0x0  }
0x1d: {  	s5 =	simm.s32 @p1 $0x1;
	p0 =	seq.s32 s7, s2  }
0x1e: {  	s7 =	smul.u32 @!p0 $0xF7A, s2;
	p2 =	seq.s32 @!p0 s5, $0x0  }
0x1f: {  	s9 =	smul.u32 $0xF7A, s1;
	s8 =	simm.s32 @!p0 $0x1BF5;
	p2 =	por !p2, p0  }
0x20: {  	[sflag:s8] =	ssyncset.s32 @!p0 $0xFFFFF086;
	s6 =	sadd.s32 @!p0 s3, s7;
	s7 =	simm.s32 @!p0 $0x108  }
0x21: {  	s3 =	sadd.s32 s3, s9;
	s6 =	sadd.s32 @!p0 $0x88, s6;
	s7 =	simm.s32 @p2 $0x1082  }
0x22: {  	[simem:s7], [sflag:s8] =	dma.local @!p0 [hbm:s6], $0xF7A  }
0x23: {  	s9 =	sor.u32 $0xD0000000, s2;
	s6 =	simm.s32 $0x108;
	_ =	swait.ge @!p0 [sflag:s8], $0x0  }
0x24: {  	s3 =	sadd.s32 $0x88, s3;
	s6 =	simm.s32 @!p1 $0x1082;
	[sflag:s4] =	ssyncset.s32 $0xFFFFF086  }
0x25: {  	[simem:s6], [sflag:s4] =	dma.local [hbm:s3], $0xF7A  }
0x26: {  	[smem:$0x3F9D] =	sst s1;
	(tag) =	ssettag s2;
	_ =	strace s9  }
0x27: {  	s1 =	sld [smem:$0x3FAD]  }
0x28: {  	s2 =	sld [smem:$0x3FAE]  }
0x29: {  	s4 =	sld [smem:$0x3FB0]  }
0x2a: {  	p0 =	seq.s32 s5, $0x0;
	s5 =	sld [smem:$0x3FB1]  }
0x2b: {  	s6 =	sld [smem:$0x3FB2]  }
0x2c: {  	s7 =	sld [smem:$0x3FB3]  }
0x2d: {  	s3 =	simm.s32 $0x108;
	s8 =	sld [smem:$0x3FB4]  }
0x2e: {  	s3 =	simm.s32 @!p0 $0x1082;
	s9 =	sld [smem:$0x3FB5]  }
0x2f: {  	lr =	sadd.s32 s0, s3;
	s0 =	sld [smem:$0x3FAC]  }
0x30: {  	s3 =	sld [smem:$0x3FAF]  }
0x31: {  	[smem:$0x3FB8] =	sst s10  }
0x32: {  	s10 =	sld [smem:$0x3FB6];
	_ =	sdelay $0x3  }
0x33: {  	p0 =	seq.s32 s10, $0x1;
	s10 =	sld [smem:$0x3FB8];
	_ =	sdelay $0x3  }
0x34: {  	[smem:$0x3FB8] =	sst s10  }
0x35: {  	s10 =	sld [smem:$0x3FB7];
	_ =	sdelay $0x3  }
0x36: {  	p1 =	seq.s32 s10, $0x1;
	s10 =	sld [smem:$0x3FB8];
	_ =	sdelay $0x3  }
0x37: {  	[smem:$0x3FB8] =	sst s10  }
0x38: {  	s10 =	sld [smem:$0x3FB9]  }
0x39: {  	_ = 	snop;
	(pc) =	sbr.ind lr, $3  }
0x3a: {  	_ = 	snop  }
0x3b: {  	_ = 	snop  }
0x3c: {  	p2 =	seq.s32 s10, $0x1;
	s10 =	sld [smem:$0x3FB8]  }
0x3d: {  	_ =	shalt  }
0x3e: {  	_ =	shalt  }
0x3f: {  	_ =	shalt  }
0x40: {  	_ =	shalt  }
0x41: {  	_ =	shalt  }
0x42: {  	_ =	shalt  }
0x43: {  	_ =	shalt  }
0x44: {  	_ =	shalt  }
0x45: {  	_ =	shalt  }
0x46: {  	_ =	shalt  }
0x47: {  	_ =	shalt  }
0x48: {  	_ =	shalt  }
0x49: {  	_ =	shalt  }
0x4a: {  	_ =	shalt  }
0x4b: {  	_ =	shalt  }
0x4c: {  	_ =	shalt  }
0x4d: {  	_ =	shalt  }
0x4e: {  	_ =	shalt  }
0x4f: {  	_ =	shalt  }
0x50: {  	_ =	shalt  }
0x51: {  	_ =	shalt  }
0x52: {  	_ =	shalt  }
0x53: {  	_ =	shalt  }
0x54: {  	_ =	shalt  }
0x55: {  	_ =	shalt  }
0x56: {  	_ =	shalt  }
0x57: {  	_ =	shalt  }
0x58: {  	_ =	shalt  }
0x59: {  	_ =	shalt  }
0x5a: {  	_ =	shalt  }
0x5b: {  	_ =	shalt  }
0x5c: {  	_ =	shalt  }
0x5d: {  	_ =	shalt  }
0x5e: {  	_ =	shalt  }
0x5f: {  	_ =	shalt  }
0x60: {  	_ =	shalt  }
0x61: {  	_ =	shalt  }
0x62: {  	_ =	shalt  }
0x63: {  	_ =	shalt  }
0x64: {  	_ =	shalt  }
0x65: {  	_ =	shalt  }
0x66: {  	_ =	shalt  }
0x67: {  	_ =	shalt  }
0x68: {  	_ =	shalt  }
0x69: {  	_ =	shalt  }
0x6a: {  	_ =	shalt  }
0x6b: {  	_ =	shalt  }
0x6c: {  	_ =	shalt  }
0x6d: {  	_ =	shalt  }
0x6e: {  	_ =	shalt  }
0x6f: {  	_ =	shalt  }
0x70: {  	_ =	shalt  }
0x71: {  	_ =	shalt  }
0x72: {  	_ =	shalt  }
0x73: {  	_ =	shalt  }
0x74: {  	_ =	shalt  }
0x75: {  	_ =	shalt  }
0x76: {  	_ =	shalt  }
0x77: {  	_ =	shalt  }
0x78: {  	_ =	shalt  }
0x79: {  	_ =	shalt  }
0x7a: {  	_ =	shalt  }
0x7b: {  	_ =	shalt  }
0x7c: {  	_ =	shalt  }
0x7d: {  	_ =	shalt  }
0x7e: {  	_ =	shalt  }
0x7f: {  	_ =	shalt  }
0x80: {  	_ =	shalt  }
0x81: {  	_ =	shalt  }
0x82: {  	_ =	shalt  }
0x83: {  	_ =	shalt  }
0x84: {  	_ =	shalt  }
0x85: {  	_ =	shalt  }
0x86: {  	_ =	shalt  }
0x87: {  	_ =	shalt  }
.Lfunc_end0:
.L_simem_size_0:
called_computation_lowered:
.L_overlay_start_0:
0x88: {  	s2 =	sld [smem:$0x3FD9]  }
0x89: {  	s3 =	sld [smem:$0x3FFE];
	_ =	sdelay $0x1  }
0x8a: {  	s1 =	srdreg.scid  }
0x8b: {  	s0 =	sand.u32 $0x1, s1  }
0x8c: {  	s17 =	sshll.u32 s0, $0xA;
	s2 =	sadd.s32 s3, s2  }
0x8d: {  	s2 =	sadd.s32 s2, s17  }
0x8e: {  	[smem:$0x3FC4] =	sst s2  }
0x8f: {  	_ = 	snop  }
0x90: {  	s2 =	sld [smem:$0x3FC9]  }
0x91: {  	s18 =	sld [smem:$0x3FC8]  }
0x92: {  	s4 =	sld [smem:$0x3FD0];
	(tm) =	ssettm $0x1  }
0x93: {  	s5 =	sld [smem:$0x3FFB];
	_ =	sdelay $0x3  }
0x94: {  	_ =	strace s5  }
0x95: {  	s5 =	sld [smem:$0x3FFC];
	_ =	sdelay $0x3  }
0x96: {  	_ =	strace s5  }
0x97: {  	s5 =	sld [smem:$0x3FFD];
	_ =	sdelay $0x3  }
0x98: {  	_ =	strace s5  }
0x99: {  	_ =	strace $0x8FFFFFFF  }
0x9a: {  	s19 =	sld [smem:$0x3FDB];
	_ =	sdelay $0x1  }
0x9b: {  	s6 =	simm.s32 $_scs_section_size  }
0x9c: {  	s7 =	simm.s32 $_size__tile_overlayer_lowered;
	s8 =	simm.s32 $_tile_overlayer_lowered  }
0x9d: {  	s22 =	simm.s32 $0x1BFF;
	s21 =	sshll.u32 s8, $0x1;
	s5 =	sadd.s32 s6, s19  }
0x9e: {  	s9 =	simm.s32 $0x0;
	s20 =	sshll.u32 s7, $0x1;
	s7 =	sadd.s32 s21, s5  }
0x9f: {  	[timem:s9], [sflag:s22] =	dma.local [hbm:s7], s20  }
0xa0: {  	_ =	swait.ge [sflag:s22], s20  }
0xa1: {  	s6 =	ssub.s32 $0x0, s20;
	[sflag:s22] =	ssyncset.done $0x0  }
0xa2: {  	[sflag:s22] =	ssyncadd.s32 s6;
	_ =	sdelay $0x1  }
0xa3: {  	s23 =	simm.s32 $0x1B8B  }
0xa4: {  	_ =	swait.ge [sflag:s23], $0x1  }
0xa5: {  	[sflag:s23] =	ssyncset.done $0x0  }
0xa6: {  	s25 =	simm.s32 $0x1B8E;
	s24 =	sld [smem:$0x3FFE];
	[sflag:s23] =	ssyncadd.s32 $0xFFFFFFFF  }
0xa7: {  	s26 =	simm.s32 $execute0_lowered;
	[smem:$0x3FD2] =	sst s25  }
0xa8: {  	s7 =	sshll.u32 s26, $0x1;
	_ =	strace $0x80000046;
	[dreg:$0x1] =	wrdreg $0xFFFFFFFF  }
0xa9: {  	s28 =	simm.s32 $_size_execute0_lowered;
	s5 =	sadd.s32 s5, s7;
	[dreg:$0x0] =	wrdreg $0x0  }
0xaa: {  	s7 =	sshll.u32 s28, $0x1;
	[dreg:$0x2] =	wrdreg s5  }
0xab: {  	[dreg:$0x3] =	wrdreg s7  }
0xac: {  	[dreg:$0x4] =	wrdreg $0xC0  }
0xad: {  	_ =	task [dreg:s9], $0x5FFFF  }
0xae: {  	[dreg:$0x1] =	wrdreg $0xFFFFFFFF  }
0xaf: {  	[dreg:$0x0] =	wrdreg $0x60  }
0xb0: {  	[dreg:$0x2] =	wrdreg s2  }
0xb1: {  	[dreg:$0x3] =	wrdreg s18  }
0xb2: {  	[dreg:$0x4] =	wrdreg s24  }
0xb3: {  	[dreg:$0x5] =	wrdreg s4  }
0xb4: {  	[dreg:$0x6] =	wrdreg $0x9  }
0xb5: {  	_ =	task.clear_ibuf [dreg:s9], $0x7FFFF;
	_ =	strace $0x90000046  }
0xb6: {  	s29 =	simm.s32 $0x9;
	_ =	strace $0x80000048  }
0xb7: {  	_ =	swait.ge [sflag:s29], $0x1  }
0xb8: {  	[sflag:s29] =	ssyncadd.s32 $0xFFFFFFFF  }
0xb9: {  	_ =	strace $0x90000048  }
0xba: {  	_ =	sfence  }
0xbb: {  	s30 =	sld [smem:$0x0];
	_ =	sdelay $0x2  }
0xbc: {  	s31 =	sshll.u32 s1, $0xD;
	s1 =	sshrl.u32 s1, $0x2  }
0xbd: {  	s3 =	sand.u32 $0x4000, s31;
	s1 =	sadd.s32 s1, s30  }
0xbe: {  	s0 =	sor.u32 s3, s0;
	s1 =	sshll.u32 s1, $0x11  }
0xbf: {  	s0 =	sor.u32 s1, s0  }
0xc0: {  	s0 =	sadd.s32 $0x8F2B, s0  }
0xc1: {  	[sflag:s0] =	ssyncadd.remote.s32 $0x1  }
0xc2: {  	_ =	sfence.sel $0xFFFF  }
0xc3: {  	[dreg:$0x0] =	wrdreg $0xFFFFFFFF;
	(pc) =	sbr.abs _section_cstart, $3  }
0xc4: {  	[dreg:$0x1] =	wrdreg $0xFFFFFFFF  }
0xc5: {  	_ =	task.clear_ibuf [dreg:s9], $0x2FFFF;
	_ =	strace $0x9FFFFFFF  }
0xc6: {  	(tm) =	ssettm $0x7FFFFFFF  }
0xc7: {  	_ =	shalt  }
tec
execute0_lowered:
.L_overlay_start_1:
0x0: {  	(tag) =	ssettag $0x1  }
0x1: {  	s6 =	rddreg [dreg:$0x0]  }
0x2: {  	s1 =	rddreg [dreg:$0x1]  }
0x3: {  	s4 =	rddreg [dreg:$0x2]  }
0x4: {  	s7 =	rddreg [dreg:$0x3]  }
0x5: {  	s0 =	rddreg [dreg:$0x4];
	s2 =	simm.s32 $0x0  }
0x6: {  	s3 =	simm.s32 $0x400;
	[smem:$0x7FF] =	sst s2  }
0x7: {  	s17 =	simm.s32 $0x8400;
	_ =	strace $0x80000047;
	[dreg:$0x5] =	wrdreg s3  }
0x8: {  	s18 =	simm.s32 $0x800;
	[dreg:$0x6] =	wrdreg s17  }
0x9: {  	s19 =	simm.s32 $0x8800;
	[dreg:$0x7] =	wrdreg s18  }
0xa: {  	s20 =	simm.s32 $0xC00;
	[dreg:$0x8] =	wrdreg s19  }
0xb: {  	s21 =	simm.s32 $0x8C00;
	[dreg:$0x9] =	wrdreg s20  }
0xc: {  	s22 =	simm.s32 $0x1000;
	[dreg:$0xa] =	wrdreg s21  }
0xd: {  	s23 =	simm.s32 $0x9000;
	[dreg:$0xb] =	wrdreg s22  }
0xe: {  	s24 =	simm.s32 $0x1400;
	[dreg:$0xc] =	wrdreg s23  }
0xf: {  	s25 =	simm.s32 $0x9400;
	[dreg:$0xd] =	wrdreg s24  }
0x10: {  	s26 =	simm.s32 $0x1800;
	[dreg:$0xe] =	wrdreg s25  }
0x11: {  	s28 =	simm.s32 $0x9800;
	[dreg:$0xf] =	wrdreg s26  }
0x12: {  	s29 =	simm.s32 $0x1C00;
	[dreg:$0x10] =	wrdreg s28  }
0x13: {  	s30 =	simm.s32 $0x9C00;
	[dreg:$0x11] =	wrdreg s29  }
0x14: {  	s31 =	simm.s32 $0x2000;
	[dreg:$0x12] =	wrdreg s30  }
0x15: {  	s5 =	simm.s32 $0xA000;
	[dreg:$0x13] =	wrdreg s31  }
0x16: {  	s8 =	simm.s32 $0x2400;
	[dreg:$0x14] =	wrdreg s5  }
0x17: {  	s9 =	simm.s32 $0xA400;
	[dreg:$0x15] =	wrdreg s8  }
0x18: {  	s10 =	simm.s32 $0x2800;
	[dreg:$0x16] =	wrdreg s9  }
0x19: {  	s11 =	simm.s32 $0xA800;
	[dreg:$0x17] =	wrdreg s10  }
0x1a: {  	s12 =	simm.s32 $0x2C00;
	[dreg:$0x18] =	wrdreg s11  }
0x1b: {  	s13 =	simm.s32 $0xAC00;
	[dreg:$0x19] =	wrdreg s12  }
0x1c: {  	s14 =	simm.s32 $0x3000;
	[dreg:$0x1a] =	wrdreg s13  }
0x1d: {  	s15 =	simm.s32 $0xB000;
	[dreg:$0x1b] =	wrdreg s14  }
0x1e: {  	s16 =	simm.s32 $0x3400;
	[dreg:$0x1c] =	wrdreg s15  }
0x1f: {  	[dreg:$0x1d] =	wrdreg s16;
	s17 =	simm.s32 $0xB400  }
0x20: {  	s18 =	simm.s32 $0x3800;
	[dreg:$0x1e] =	wrdreg s17  }
0x21: {  	s19 =	simm.s32 $0xB800;
	[dreg:$0x1f] =	wrdreg s18  }
0x22: {  	s20 =	simm.s32 $0x3C00;
	[smem:$0x7D9] =	sst s19  }
0x23: {  	s21 =	simm.s32 $0xBC00;
	[smem:$0x7DA] =	sst s20  }
0x24: {  	s22 =	simm.s32 $0x4000;
	[smem:$0x7DB] =	sst s21  }
0x25: {  	s23 =	simm.s32 $0xC000;
	[smem:$0x7DC] =	sst s22  }
0x26: {  	s24 =	simm.s32 $0x4400;
	[smem:$0x7DD] =	sst s23  }
0x27: {  	s25 =	simm.s32 $0xC400;
	[smem:$0x7DE] =	sst s24  }
0x28: {  	s26 =	simm.s32 $0x4800;
	[smem:$0x7DF] =	sst s25  }
0x29: {  	s28 =	simm.s32 $0xC800;
	[smem:$0x7E0] =	sst s26  }
0x2a: {  	s29 =	simm.s32 $0x4C00;
	[smem:$0x7E1] =	sst s28  }
0x2b: {  	s30 =	simm.s32 $0xCC00;
	[smem:$0x7E2] =	sst s29  }
0x2c: {  	s31 =	simm.s32 $0x5000;
	[smem:$0x7E3] =	sst s30  }
0x2d: {  	s5 =	simm.s32 $0xD000;
	[smem:$0x7E4] =	sst s31  }
0x2e: {  	s8 =	simm.s32 $0x5400;
	[smem:$0x7E5] =	sst s5  }
0x2f: {  	s9 =	simm.s32 $0xD400;
	[smem:$0x7E6] =	sst s8  }
0x30: {  	s10 =	simm.s32 $0x5800;
	[smem:$0x7E7] =	sst s9  }
0x31: {  	s11 =	simm.s32 $0xD800;
	[smem:$0x7E8] =	sst s10  }
0x32: {  	v1 =	vimm.s32 $0x76543210;
	v2 =	vimm.s32 $0xFEDCBA98;
	s12 =	simm.s32 $0x5C00;
	[smem:$0x7E9] =	sst s11  }
0x33: {  	v3 =	vimm.s32 $0xBA98FEDC;
	v4 =	vimm.s32 $0x32107654;
	s13 =	simm.s32 $0xDC00;
	[smem:$0x7EA] =	sst s12  }
0x34: {  	v0 =	vlaneseq.u32;
	v6 =	vimm.s32 $0x54761032;
	vm0 =	vcmask $0x2F20;
	s14 =	simm.s32 $0x6000;
	[smem:$0x7EB] =	sst s13  }
0x35: {  	vm1 =	vcmask $0xF00;
	vm2 =	vcmask $0x700;
	vm3 =	vcmask $0x300;
	s15 =	simm.s32 $0x6400;
	[smem:$0x7EC] =	sst s14  }
0x36: {  	v1 =	vunpack.c.l.s4.s8 v1;
	v2 =	vunpack.c.l.s4.s8 v2;
	v3 =	vunpack.c.l.s4.s8 v3;
	s16 =	simm.s32 $0xE400;
	[smem:$0x7EE] =	sst s15  }
0x37: {  	v5 =	vand.u32 $0x7, v0;
	vm0 =	vmor vm1, vm0;
	vm1 =	vcmask $0x1710;
	s5 =	simm.s32 $0xE000;
	[smem:$0x7EF] =	sst s16  }
0x38: {  	v0 =	vunpack.c.l.s4.s8 v4;
	v6 =	vunpack.c.l.s4.s8 v6;
	vm1 =	vmor vm2, vm1;
	s9 =	simm.s32 $0x6800;
	[smem:$0x7ED] =	sst s5  }
0x39: {  	vm2 =	vcmask $0x2720;
	v1 =	vunpack.c.0.s8.s32 v1;
	v2 =	vunpack.c.0.s8.s32 v2;
	s17 =	simm.s32 $0xE800;
	[smem:$0x7F0] =	sst s9  }
0x3a: {  	v3 =	vunpack.c.0.s8.s32 v3;
	v4 =	vunpack.c.0.s8.s32 v0;
	v0 =	vimm.s32 $0xDCFE98BA;
	s18 =	simm.s32 $0x6C00;
	[smem:$0x7F1] =	sst s17  }
0x3b: {  	s19 =	simm.s32 $0xEC00;
	vm1 =	vmor vm1, vm2;
	vm2 =	vcmask $0x3730;
	v7 =	vunpack.c.l.s4.s8 v0;
	[smem:$0x7F2] =	sst s18  }
0x3c: {  	s3 =	sadd.s32 $0x400, s4;
	s20 =	simm.s32 $0x7000;
	[smem:$0x7F3] =	sst s19;
	vm1 =	vmor vm1, vm2;
	vm2 =	vcmask $0xB08;
	v2 =	vand.u32 $0xF, v2  }
0x3d: {  	s4 =	sadd.s32 $0xF42800, s4;
	s21 =	simm.s32 $0xF000;
	[smem:$0x7F4] =	sst s20;
	v0 =	vcombine.low v2, v1;
	v1 =	vunpack.c.0.s8.s32 v7;
	v2 =	vunpack.c.0.s8.s32 v6  }
0x3e: {  	s8 =	srdreg.scid;
	s23 =	simm.s32 $0x7400;
	[smem:$0x7F5] =	sst s21;
	v3 =	vcombine.low v4, v3;
	vm2 =	vmor vm3, vm2;
	vm3 =	vcmask $0x1310  }
0x3f: {  	s24 =	simm.s32 $0xF400;
	s25 =	simm.s32 $0x7800;
	[smem:$0x7F6] =	sst s23;
	vm2 =	vmor vm2, vm3;
	v4 =	vcombine.low v2, v1;
	v1 =	vimm.s32 $0xEFCDAB89  }
0x40: {  	s26 =	simm.s32 $0xF800;
	s28 =	simm.s32 $0x7C00;
	[smem:$0x7F7] =	sst s24;
	vm3 =	vcmask $0x1B18;
	v2 =	vimm.s32 $0x67452301;
	v1 =	vunpack.c.l.s4.s8 v1  }
0x41: {  	s29 =	simm.s32 $0xFC00;
	s30 =	simm.s32 $0x8000;
	[smem:$0x7F8] =	sst s25;
	v7 =	vimm.s32 $0xE6A2C480;
	vm2 =	vmor vm2, vm3;
	v2 =	vunpack.c.l.s4.s8 v2  }
0x42: {  	s31 =	simm.s32 $0x10000;
	s12 =	simm.s32 $0x2;
	[smem:$0x7F9] =	sst s26;
	v7 =	vunpack.c.l.s4.s8 v7;
	v6 =	vunpack.c.0.s8.s32 v1;
	v1 =	vimm.s32 $0xF7B3D591  }
0x43: {  	s13 =	simm.s32 $0x10480;
	s14 =	simm.s32 $0x0;
	[smem:$0x7FA] =	sst s28;
	vm3 =	vcmask $0x2320;
	v2 =	vunpack.c.0.s8.s32 v2;
	v8 =	vunpack.c.l.s4.s8 v1  }
0x44: {  	vm4 =	vcmask $0x2B28;
	s5 =	stileid.u32;
	s8 =	sand.u32 $0x1, s8;
	[smem:$0x7FB] =	sst s29;
	vm3 =	vmor vm2, vm3;
	v7 =	vunpack.c.0.s8.s32 v7  }
0x45: {  	s9 =	simm.s32 $0x3;
	s10 =	ssub.s32 $0x2, s8;
	s22 =	sshll.u32 s5, $0x1;
	v1 =	vmul.u32 $0x2, v5;
	v5 =	vcombine.low v2, v6;
	v6 =	vunpack.c.0.s8.s32 v8  }
0x46: {  	[smem:$0x7FC] =	sst s30;
	s11 =	sshrl.u32 s10, $0x1;
	s8 =	sor.u32 s8, s22;
	v3 =	vand.u32 $0xF, v3;
	vm3 =	vmor vm3, vm4;
	vm4 =	vcmask $0x3330  }
0x47: {  	s10 =	ssub.s32 s10, s11;
	s11 =	sshll.u32 s8, $0x7;
	s8 =	sshll.u32 s8, $0x6;
	vm3 =	vmor vm3, vm4;
	vm4 =	vcmask $0x3B38;
	v6 =	vcombine.low v7, v6  }
0x48: {  	[smem:$0x7FD] =	sst s31;
	s6 =	sadd.s32 s6, s11;
	s7 =	sadd.s32 s7, s8;
	vm2 =	vmmov $0xff;
	v4 =	vand.u32 $0xF, v4;
	vm3 =	vmor vm3, vm4  }
0x49: {  	s8 =	smax.u32 s10, $0x1;
	s10 =	simm.s32 $0x10400;
	s11 =	simm.s32 $0x1;
	v2 =	vor.u32 $0x1, v1;
	v5 =	vand.u32 $0xF, v5;
	v6 =	vand.u32 $0xF, v6  }
.LBB2_1:
0x4a: {  	[tilespmem:s2], [sflag:$0x3] =	stream.linear.gather [hbm4b:s6+s2], $0x400, $0x38;
	[tilespmem:$0x10680] =	vst v63  }
0x4b: {  	_ =	swait.ge [sflag:s9], $0x400  }
0x4c: {  	[sflag:s9] =	ssyncset.done $0x0  }
0x4d: {  	[sflag:s9] =	ssyncadd.s32 $0xFFFFFC00  }
0x4e: {  	[tilespmem:s10], [sflag:$0x3] =	stream.linear.gather [hbm4b:s1+s2], $0x80, $0x38;
	[tilespmem:$0x10680] =	vst v63  }
0x4f: {  	_ =	swait.ge [sflag:s9], $0x80  }
0x50: {  	[sflag:s9] =	ssyncset.done $0x0  }
0x51: {  	[sflag:s9] =	ssyncadd.s32 $0xFFFFFF80  }
0x52: {  	v7 =	vld [tilespmem:$0x10400]  }
0x53: {  	s15 =	simm.s32 $0x20;
	s16 =	simm.s32 $0x0;
	v8 =	vld [tilespmem:$0x10410]  }
.LBB2_2:
0x54: {  	v9 =	vld [tilespmem:s15+$0xFFFFFFE0]  }
0x55: {  	v11 =	vld [tilespmem:s15+$0xFFFFFFF0];
	_ =	sdelay $0x4  }
0x56: {  	v10 =	vperm.xlane v9, v1;
	v12 =	vperm.xlane v11, v1  }
0x57: {  	v9 =	vperm.xlane v9, v2;
	v11 =	vperm.xlane v11, v2  }
0x58: {  	v10 =	vsel vm2, v10, v12  }
0x59: {  	v11 =	vsel vm2, v9, v11;
	v12 =	vshrl.u32 v10, $0x3  }
0x5a: {  	v9 =	vshrl.u32 v11, $0x3;
	v12 =	vshll.u32 v12, $0x7  }
0x5b: {  	v9 =	vshll.u32 v9, $0x7;
	(v2sf) =	vpush v12, $0x0  }
0x5c: {  	(v2sf) =	vpush v9, $0x0  }
0x5d: {  	(v2sf) =	vpush v12, $0x1;
	_ =	sdelay $0x1  }
0x5e: {  	(v2sf) =	vpush v9, $0x1  }
0x5f: {  	(v2sf) =	vpush v12, $0x2;
	_ =	sdelay $0x1  }
0x60: {  	(v2sf) =	vpush v9, $0x2;
	_ =	sdelay $0x1  }
0x61: {  	(v2sf) =	vpush v12, $0x3;
	_ =	sdelay $0x2  }
0x62: {  	(v2sf) =	vpush v9, $0x3;
	_ =	sdelay $0x2  }
0x63: {  	s17 =	spop (v2sf)  }
0x64: {  	s17 =	sand.u32 $0x1FFFFF80, s17;
	s25 =	spop (v2sf)  }
0x65: {  	s18 =	rddreg [dreg:$0x5];
	s17 =	sadd.s32 s3, s17;
	s28 =	spop (v2sf)  }
0x66: {  	[tilespmem:s18], [sflag:$0x1] =	stream.linear.gather [hbm4b:s17+s2], $0x400, $0x38;
	[tilespmem:$0x10680] =	vst v63  }
0x67: {  	s30 =	spop (v2sf)  }
0x68: {  	s19 =	spop (v2sf);
	(v2sf) =	vpush v12, $0x4  }
0x69: {  	s17 =	sand.u32 $0x1FFFFF80, s25  }
0x6a: {  	s26 =	rddreg [dreg:$0x6];
	s17 =	sadd.s32 s4, s17;
	s21 =	spop (v2sf);
	(v2sf) =	vpush v9, $0x4  }
0x6b: {  	[tilespmem:s26], [sflag:$0x2] =	stream.linear.gather [hbm4b:s17+s2], $0x400, $0x38;
	[tilespmem:$0x10680] =	vst v63  }
0x6c: {  	s17 =	sand.u32 $0x1FFFFF80, s28;
	s23 =	spop (v2sf);
	(v2sf) =	vpush v12, $0x5  }
0x6d: {  	s29 =	rddreg [dreg:$0x7];
	s17 =	sadd.s32 s3, s17  }
0x6e: {  	[tilespmem:s29], [sflag:$0x1] =	stream.linear.gather [hbm4b:s17+s2], $0x400, $0x38;
	[tilespmem:$0x10680] =	vst v63  }
0x6f: {  	s25 =	spop (v2sf);
	(v2sf) =	vpush v9, $0x5  }
0x70: {  	s17 =	sand.u32 $0x1FFFFF80, s30  }
0x71: {  	s31 =	rddreg [dreg:$0x8];
	s17 =	sadd.s32 s4, s17  }
0x72: {  	[tilespmem:s31], [sflag:$0x2] =	stream.linear.gather [hbm4b:s17+s2], $0x400, $0x38;
	[tilespmem:$0x10680] =	vst v63  }
0x73: {  	s17 =	sand.u32 $0x1FFFFF80, s19  }
0x74: {  	s20 =	rddreg [dreg:$0x9];
	s17 =	sadd.s32 s3, s17  }
0x75: {  	[tilespmem:s20], [sflag:$0x1] =	stream.linear.gather [hbm4b:s17+s2], $0x400, $0x38;
	[tilespmem:$0x10680] =	vst v63  }
0x76: {  	s17 =	sand.u32 $0x1FFFFF80, s21  }
0x77: {  	s22 =	rddreg [dreg:$0xa];
	s17 =	sadd.s32 s4, s17;
	s28 =	spop (v2sf);
	(v2sf) =	vpush v12, $0x6  }
0x78: {  	[tilespmem:s22], [sflag:$0x2] =	stream.linear.gather [hbm4b:s17+s2], $0x400, $0x38;
	[tilespmem:$0x10680] =	vst v63  }
0x79: {  	s30 =	spop (v2sf);
	(v2sf) =	vpush v9, $0x6  }
0x7a: {  	s17 =	sand.u32 $0x1FFFFF80, s23  }
0x7b: {  	s24 =	rddreg [dreg:$0xb];
	s17 =	sadd.s32 s3, s17;
	s19 =	spop (v2sf);
	(v2sf) =	vpush v12, $0x7  }
0x7c: {  	[tilespmem:s24], [sflag:$0x1] =	stream.linear.gather [hbm4b:s17+s2], $0x400, $0x38;
	[tilespmem:$0x10680] =	vst v63  }
0x7d: {  	s17 =	sand.u32 $0x1FFFFF80, s25  }
0x7e: {  	s26 =	rddreg [dreg:$0xc];
	s17 =	sadd.s32 s4, s17;
	s21 =	spop (v2sf);
	(v2sf) =	vpush v9, $0x7  }
0x7f: {  	[tilespmem:s26], [sflag:$0x2] =	stream.linear.gather [hbm4b:s17+s2], $0x400, $0x38;
	[tilespmem:$0x10680] =	vst v63  }
0x80: {  	s17 =	sand.u32 $0x1FFFFF80, s28  }
0x81: {  	s29 =	rddreg [dreg:$0xd];
	s17 =	sadd.s32 s3, s17  }
0x82: {  	[tilespmem:s29], [sflag:$0x1] =	stream.linear.gather [hbm4b:s17+s2], $0x400, $0x38;
	[tilespmem:$0x10680] =	vst v63  }
0x83: {  	s17 =	sand.u32 $0x1FFFFF80, s30  }
0x84: {  	s31 =	rddreg [dreg:$0xe];
	s17 =	sadd.s32 s4, s17  }
0x85: {  	[tilespmem:s31], [sflag:$0x2] =	stream.linear.gather [hbm4b:s17+s2], $0x400, $0x38;
	[tilespmem:$0x10680] =	vst v63  }
0x86: {  	s23 =	spop (v2sf);
	(v2sf) =	vpush v12, $0x8  }
0x87: {  	s17 =	sand.u32 $0x1FFFFF80, s19  }
0x88: {  	s20 =	rddreg [dreg:$0xf];
	s17 =	sadd.s32 s3, s17;
	s25 =	spop (v2sf);
	(v2sf) =	vpush v9, $0x8  }
0x89: {  	[tilespmem:s20], [sflag:$0x1] =	stream.linear.gather [hbm4b:s17+s2], $0x400, $0x38;
	[tilespmem:$0x10680] =	vst v63  }
0x8a: {  	s17 =	sand.u32 $0x1FFFFF80, s21;
	s28 =	spop (v2sf);
	(v2sf) =	vpush v12, $0x9  }
0x8b: {  	s22 =	rddreg [dreg:$0x10];
	s17 =	sadd.s32 s4, s17  }
0x8c: {  	[tilespmem:s22], [sflag:$0x2] =	stream.linear.gather [hbm4b:s17+s2], $0x400, $0x38;
	[tilespmem:$0x10680] =	vst v63  }
0x8d: {  	s30 =	spop (v2sf);
	(v2sf) =	vpush v9, $0x9  }
0x8e: {  	s17 =	sand.u32 $0x1FFFFF80, s23  }
0x8f: {  	s24 =	rddreg [dreg:$0x11];
	s17 =	sadd.s32 s3, s17  }
0x90: {  	[tilespmem:s24], [sflag:$0x1] =	stream.linear.gather [hbm4b:s17+s2], $0x400, $0x38;
	[tilespmem:$0x10680] =	vst v63  }
0x91: {  	s17 =	sand.u32 $0x1FFFFF80, s25  }
0x92: {  	s26 =	rddreg [dreg:$0x12];
	s17 =	sadd.s32 s4, s17  }
0x93: {  	[tilespmem:s26], [sflag:$0x2] =	stream.linear.gather [hbm4b:s17+s2], $0x400, $0x38;
	[tilespmem:$0x10680] =	vst v63  }
0x94: {  	s17 =	sand.u32 $0x1FFFFF80, s28  }
0x95: {  	s29 =	rddreg [dreg:$0x13];
	s17 =	sadd.s32 s3, s17;
	s19 =	spop (v2sf);
	(v2sf) =	vpush v12, $0xA  }
0x96: {  	[tilespmem:s29], [sflag:$0x1] =	stream.linear.gather [hbm4b:s17+s2], $0x400, $0x38;
	[tilespmem:$0x10680] =	vst v63  }
0x97: {  	s21 =	spop (v2sf);
	(v2sf) =	vpush v9, $0xA  }
0x98: {  	s17 =	sand.u32 $0x1FFFFF80, s30  }
0x99: {  	s31 =	rddreg [dreg:$0x14];
	s17 =	sadd.s32 s4, s17;
	s23 =	spop (v2sf);
	(v2sf) =	vpush v12, $0xB  }
0x9a: {  	[tilespmem:s31], [sflag:$0x2] =	stream.linear.gather [hbm4b:s17+s2], $0x400, $0x38;
	[tilespmem:$0x10680] =	vst v63  }
0x9b: {  	s17 =	sand.u32 $0x1FFFFF80, s19  }
0x9c: {  	s20 =	rddreg [dreg:$0x15];
	s17 =	sadd.s32 s3, s17;
	s25 =	spop (v2sf);
	(v2sf) =	vpush v9, $0xB  }
0x9d: {  	[tilespmem:s20], [sflag:$0x1] =	stream.linear.gather [hbm4b:s17+s2], $0x400, $0x38;
	[tilespmem:$0x10680] =	vst v63  }
0x9e: {  	s17 =	sand.u32 $0x1FFFFF80, s21  }
0x9f: {  	s22 =	rddreg [dreg:$0x16];
	s17 =	sadd.s32 s4, s17  }
0xa0: {  	[tilespmem:s22], [sflag:$0x2] =	stream.linear.gather [hbm4b:s17+s2], $0x400, $0x38;
	[tilespmem:$0x10680] =	vst v63  }
0xa1: {  	s17 =	sand.u32 $0x1FFFFF80, s23  }
0xa2: {  	s24 =	rddreg [dreg:$0x17];
	s17 =	sadd.s32 s3, s17  }
0xa3: {  	[tilespmem:s24], [sflag:$0x1] =	stream.linear.gather [hbm4b:s17+s2], $0x400, $0x38;
	[tilespmem:$0x10680] =	vst v63  }
0xa4: {  	s28 =	spop (v2sf);
	(v2sf) =	vpush v12, $0xC  }
0xa5: {  	s17 =	sand.u32 $0x1FFFFF80, s25  }
0xa6: {  	s26 =	rddreg [dreg:$0x18];
	s17 =	sadd.s32 s4, s17;
	s30 =	spop (v2sf);
	(v2sf) =	vpush v9, $0xC  }
0xa7: {  	[tilespmem:s26], [sflag:$0x2] =	stream.linear.gather [hbm4b:s17+s2], $0x400, $0x38;
	[tilespmem:$0x10680] =	vst v63  }
0xa8: {  	s17 =	sand.u32 $0x1FFFFF80, s28;
	s19 =	spop (v2sf);
	(v2sf) =	vpush v12, $0xD  }
0xa9: {  	s29 =	rddreg [dreg:$0x19];
	s17 =	sadd.s32 s3, s17  }
0xaa: {  	[tilespmem:s29], [sflag:$0x1] =	stream.linear.gather [hbm4b:s17+s2], $0x400, $0x38;
	[tilespmem:$0x10680] =	vst v63  }
0xab: {  	s21 =	spop (v2sf);
	(v2sf) =	vpush v9, $0xD  }
0xac: {  	s17 =	sand.u32 $0x1FFFFF80, s30  }
0xad: {  	s31 =	rddreg [dreg:$0x1a];
	s17 =	sadd.s32 s4, s17  }
0xae: {  	[tilespmem:s31], [sflag:$0x2] =	stream.linear.gather [hbm4b:s17+s2], $0x400, $0x38;
	[tilespmem:$0x10680] =	vst v63  }
0xaf: {  	s17 =	sand.u32 $0x1FFFFF80, s19  }
0xb0: {  	s20 =	rddreg [dreg:$0x1b];
	s17 =	sadd.s32 s3, s17  }
0xb1: {  	[tilespmem:s20], [sflag:$0x1] =	stream.linear.gather [hbm4b:s17+s2], $0x400, $0x38;
	[tilespmem:$0x10680] =	vst v63  }
0xb2: {  	s17 =	sand.u32 $0x1FFFFF80, s21  }
0xb3: {  	s22 =	rddreg [dreg:$0x1c];
	s17 =	sadd.s32 s4, s17;
	s23 =	spop (v2sf);
	(v2sf) =	vpush v12, $0xE  }
0xb4: {  	[tilespmem:s22], [sflag:$0x2] =	stream.linear.gather [hbm4b:s17+s2], $0x400, $0x38;
	[tilespmem:$0x10680] =	vst v63  }
0xb5: {  	s25 =	spop (v2sf);
	(v2sf) =	vpush v9, $0xE  }
0xb6: {  	s17 =	sand.u32 $0x1FFFFF80, s23  }
0xb7: {  	s24 =	rddreg [dreg:$0x1d];
	s17 =	sadd.s32 s3, s17;
	s28 =	spop (v2sf)  }
0xb8: {  	(v2sf) =	vpush v12, $0xF;
	[tilespmem:s24], [sflag:$0x1] =	stream.linear.gather [hbm4b:s17+s2], $0x400, $0x38;
	[tilespmem:$0x10680] =	vst v63  }
0xb9: {  	s17 =	sand.u32 $0x1FFFFF80, s25  }
0xba: {  	s26 =	rddreg [dreg:$0x1e];
	s30 =	spop (v2sf);
	s17 =	sadd.s32 s4, s17  }
0xbb: {  	(v2sf) =	vpush v9, $0xF;
	[tilespmem:s26], [sflag:$0x2] =	stream.linear.gather [hbm4b:s17+s2], $0x400, $0x38;
	[tilespmem:$0x10680] =	vst v63  }
0xbc: {  	s29 =	rddreg [dreg:$0x1f];
	s17 =	sand.u32 $0x1FFFFF80, s28  }
0xbd: {  	s31 =	sld [smem:$0x7D9];
	s17 =	sadd.s32 s3, s17  }
0xbe: {  	[tilespmem:s29], [sflag:$0x1] =	stream.linear.gather [hbm4b:s17+s2], $0x400, $0x38;
	[tilespmem:$0x10680] =	vst v63  }
0xbf: {  	s17 =	sand.u32 $0x1FFFFF80, s30  }
0xc0: {  	s17 =	sadd.s32 s4, s17  }
0xc1: {  	[tilespmem:s31], [sflag:$0x2] =	stream.linear.gather [hbm4b:s17+s2], $0x400, $0x38;
	[tilespmem:$0x10680] =	vst v63  }
0xc2: {  	s20 =	sld [smem:$0x7DA];
	s19 =	spop (v2sf)  }
0xc3: {  	s17 =	sand.u32 $0x1FFFFF80, s19  }
0xc4: {  	s22 =	sld [smem:$0x7DB];
	s21 =	spop (v2sf);
	s17 =	sadd.s32 s3, s17  }
0xc5: {  	[tilespmem:s20], [sflag:$0x1] =	stream.linear.gather [hbm4b:s17+s2], $0x400, $0x38;
	[tilespmem:$0x10680] =	vst v63  }
0xc6: {  	s17 =	sand.u32 $0x1FFFFF80, s21  }
0xc7: {  	s24 =	sld [smem:$0x7DC];
	s23 =	spop (v2sf);
	s17 =	sadd.s32 s4, s17  }
0xc8: {  	[tilespmem:s22], [sflag:$0x2] =	stream.linear.gather [hbm4b:s17+s2], $0x400, $0x38;
	[tilespmem:$0x10680] =	vst v63  }
0xc9: {  	s17 =	sand.u32 $0x1FFFFF80, s23  }
0xca: {  	s26 =	sld [smem:$0x7DD];
	s25 =	spop (v2sf);
	s17 =	sadd.s32 s3, s17  }
0xcb: {  	[tilespmem:s24], [sflag:$0x1] =	stream.linear.gather [hbm4b:s17+s2], $0x400, $0x38;
	[tilespmem:$0x10680] =	vst v63  }
0xcc: {  	s17 =	sand.u32 $0x1FFFFF80, s25  }
0xcd: {  	s17 =	sadd.s32 s4, s17  }
0xce: {  	[tilespmem:s26], [sflag:$0x2] =	stream.linear.gather [hbm4b:s17+s2], $0x400, $0x38;
	[tilespmem:$0x10680] =	vst v63  }
0xcf: {  	v9 =	vld [tilespmem:s15+$0x0]  }
0xd0: {  	v13 =	vld [tilespmem:s15+$0x10];
	_ =	sdelay $0x4  }
0xd1: {  	v60 =	vperm.xlane v9, v1;
	v14 =	vperm.xlane v13, v1;
	_ =	sdelay $0x1  }
0xd2: {  	v9 =	vperm.xlane v9, v2;
	v13 =	vperm.xlane v13, v2;
	v12 =	vsel vm2, v60, v14  }
0xd3: {  	v14 =	vshrl.u32 v12, $0x3  }
0xd4: {  	v9 =	vsel vm2, v9, v13;
	v14 =	vshll.u32 v14, $0x7  }
0xd5: {  	v13 =	vshrl.u32 v9, $0x3;
	(v2sf) =	vpush v14, $0x0  }
0xd6: {  	v13 =	vshll.u32 v13, $0x7  }
0xd7: {  	(v2sf) =	vpush v13, $0x0;
	_ =	sdelay $0x2  }
0xd8: {  	(v2sf) =	vpush v14, $0x1;
	_ =	sdelay $0x2  }
0xd9: {  	(v2sf) =	vpush v13, $0x1;
	_ =	sdelay $0x6  }
0xda: {  	s29 =	sld [smem:$0x7DE];
	s28 =	spop (v2sf)  }
0xdb: {  	s17 =	sand.u32 $0x1FFFFF80, s28  }
0xdc: {  	s31 =	sld [smem:$0x7DF];
	s30 =	spop (v2sf);
	s17 =	sadd.s32 s3, s17  }
0xdd: {  	[tilespmem:s29], [sflag:$0x1] =	stream.linear.gather [hbm4b:s17+s2], $0x400, $0x38;
	[tilespmem:$0x10680] =	vst v63  }
0xde: {  	s17 =	sand.u32 $0x1FFFFF80, s30  }
0xdf: {  	s19 =	sld [smem:$0x7E0];
	s18 =	spop (v2sf);
	s17 =	sadd.s32 s4, s17  }
0xe0: {  	[tilespmem:s31], [sflag:$0x2] =	stream.linear.gather [hbm4b:s17+s2], $0x400, $0x38;
	[tilespmem:$0x10680] =	vst v63  }
0xe1: {  	s17 =	sand.u32 $0x1FFFFF80, s18  }
0xe2: {  	s20 =	spop (v2sf);
	s17 =	sadd.s32 s3, s17  }
0xe3: {  	[tilespmem:s19], [sflag:$0x1] =	stream.linear.gather [hbm4b:s17+s2], $0x400, $0x38;
	[tilespmem:$0x10680] =	vst v63  }
0xe4: {  	s18 =	sld [smem:$0x7E1];
	(v2sf) =	vpush v14, $0x2;
	_ =	sdelay $0x1  }
0xe5: {  	(v2sf) =	vpush v13, $0x2;
	_ =	sdelay $0x1  }
0xe6: {  	(v2sf) =	vpush v14, $0x3;
	_ =	sdelay $0x2  }
0xe7: {  	(v2sf) =	vpush v13, $0x3;
	_ =	sdelay $0x7  }
0xe8: {  	s21 =	spop (v2sf);
	(v2sf) =	vpush v14, $0x4;
	_ =	sdelay $0x1  }
0xe9: {  	s23 =	spop (v2sf);
	(v2sf) =	vpush v13, $0x4;
	_ =	sdelay $0x1  }
0xea: {  	s25 =	spop (v2sf);
	(v2sf) =	vpush v14, $0x5;
	_ =	sdelay $0x2  }
0xeb: {  	s28 =	spop (v2sf);
	(v2sf) =	vpush v13, $0x5  }
0xec: {  	s17 =	sand.u32 $0x1FFFFF80, s20  }
0xed: {  	s17 =	sadd.s32 s4, s17;
	s22 =	sld [smem:$0x7E2]  }
0xee: {  	[tilespmem:s18], [sflag:$0x2] =	stream.linear.gather [hbm4b:s17+s2], $0x400, $0x38;
	[tilespmem:$0x10680] =	vst v63  }
0xef: {  	s17 =	sand.u32 $0x1FFFFF80, s21  }
0xf0: {  	s24 =	sld [smem:$0x7E3];
	s17 =	sadd.s32 s3, s17  }
0xf1: {  	[tilespmem:s22], [sflag:$0x1] =	stream.linear.gather [hbm4b:s17+s2], $0x400, $0x38;
	[tilespmem:$0x10680] =	vst v63  }
0xf2: {  	s17 =	sand.u32 $0x1FFFFF80, s23  }
0xf3: {  	s17 =	sadd.s32 s4, s17;
	s30 =	spop (v2sf);
	(v2sf) =	vpush v14, $0x6  }
0xf4: {  	[tilespmem:s24], [sflag:$0x2] =	stream.linear.gather [hbm4b:s17+s2], $0x400, $0x38;
	[tilespmem:$0x10680] =	vst v63  }
0xf5: {  	s26 =	sld [smem:$0x7E4];
	s19 =	spop (v2sf);
	(v2sf) =	vpush v13, $0x6  }
0xf6: {  	s17 =	sand.u32 $0x1FFFFF80, s25  }
0xf7: {  	s29 =	sld [smem:$0x7E5];
	s17 =	sadd.s32 s3, s17;
	s21 =	spop (v2sf);
	(v2sf) =	vpush v14, $0x7  }
0xf8: {  	[tilespmem:s26], [sflag:$0x1] =	stream.linear.gather [hbm4b:s17+s2], $0x400, $0x38;
	[tilespmem:$0x10680] =	vst v63  }
0xf9: {  	s17 =	sand.u32 $0x1FFFFF80, s28  }
0xfa: {  	s31 =	sld [smem:$0x7E6];
	s17 =	sadd.s32 s4, s17;
	s23 =	spop (v2sf);
	(v2sf) =	vpush v13, $0x7  }
0xfb: {  	[tilespmem:s29], [sflag:$0x2] =	stream.linear.gather [hbm4b:s17+s2], $0x400, $0x38;
	[tilespmem:$0x10680] =	vst v63  }
0xfc: {  	s17 =	sand.u32 $0x1FFFFF80, s30  }
0xfd: {  	s20 =	sld [smem:$0x7E7];
	s17 =	sadd.s32 s3, s17  }
0xfe: {  	[tilespmem:s31], [sflag:$0x1] =	stream.linear.gather [hbm4b:s17+s2], $0x400, $0x38;
	[tilespmem:$0x10680] =	vst v63  }
0xff: {  	s17 =	sand.u32 $0x1FFFFF80, s19  }
0x100: {  	s17 =	sadd.s32 s4, s17  }
0x101: {  	[tilespmem:s20], [sflag:$0x2] =	stream.linear.gather [hbm4b:s17+s2], $0x400, $0x38;
	[tilespmem:$0x10680] =	vst v63  }
0x102: {  	s22 =	sld [smem:$0x7E8];
	s25 =	spop (v2sf);
	(v2sf) =	vpush v14, $0x8  }
0x103: {  	s17 =	sand.u32 $0x1FFFFF80, s21  }
0x104: {  	s24 =	sld [smem:$0x7E9];
	s17 =	sadd.s32 s3, s17;
	s28 =	spop (v2sf);
	(v2sf) =	vpush v13, $0x8  }
0x105: {  	[tilespmem:s22], [sflag:$0x1] =	stream.linear.gather [hbm4b:s17+s2], $0x400, $0x38;
	[tilespmem:$0x10680] =	vst v63  }
0x106: {  	s17 =	sand.u32 $0x1FFFFF80, s23;
	s30 =	spop (v2sf);
	(v2sf) =	vpush v14, $0x9  }
0x107: {  	s17 =	sadd.s32 s4, s17  }
0x108: {  	[tilespmem:s24], [sflag:$0x2] =	stream.linear.gather [hbm4b:s17+s2], $0x400, $0x38;
	[tilespmem:$0x10680] =	vst v63  }
0x109: {  	s26 =	sld [smem:$0x7EA];
	s19 =	spop (v2sf);
	(v2sf) =	vpush v13, $0x9  }
0x10a: {  	s17 =	sand.u32 $0x1FFFFF80, s25  }
0x10b: {  	s29 =	sld [smem:$0x7EB];
	s17 =	sadd.s32 s3, s17  }
0x10c: {  	[tilespmem:s26], [sflag:$0x1] =	stream.linear.gather [hbm4b:s17+s2], $0x400, $0x38;
	[tilespmem:$0x10680] =	vst v63  }
0x10d: {  	s17 =	sand.u32 $0x1FFFFF80, s28  }
0x10e: {  	s31 =	sld [smem:$0x7EC];
	s17 =	sadd.s32 s4, s17  }
0x10f: {  	[tilespmem:s29], [sflag:$0x2] =	stream.linear.gather [hbm4b:s17+s2], $0x400, $0x38;
	[tilespmem:$0x10680] =	vst v63  }
0x110: {  	s17 =	sand.u32 $0x1FFFFF80, s30  }
0x111: {  	s17 =	sadd.s32 s3, s17;
	s21 =	spop (v2sf);
	(v2sf) =	vpush v14, $0xA  }
0x112: {  	[tilespmem:s31], [sflag:$0x1] =	stream.linear.gather [hbm4b:s17+s2], $0x400, $0x38;
	[tilespmem:$0x10680] =	vst v63  }
0x113: {  	s20 =	sld [smem:$0x7ED];
	s23 =	spop (v2sf);
	(v2sf) =	vpush v13, $0xA  }
0x114: {  	s17 =	sand.u32 $0x1FFFFF80, s19  }
0x115: {  	s22 =	sld [smem:$0x7EE];
	s17 =	sadd.s32 s4, s17;
	s25 =	spop (v2sf);
	(v2sf) =	vpush v14, $0xB  }
0x116: {  	[tilespmem:s20], [sflag:$0x2] =	stream.linear.gather [hbm4b:s17+s2], $0x400, $0x38;
	[tilespmem:$0x10680] =	vst v63  }
0x117: {  	s17 =	sand.u32 $0x1FFFFF80, s21  }
0x118: {  	s24 =	sld [smem:$0x7EF];
	s17 =	sadd.s32 s3, s17;
	s28 =	spop (v2sf);
	(v2sf) =	vpush v13, $0xB  }
0x119: {  	[tilespmem:s22], [sflag:$0x1] =	stream.linear.gather [hbm4b:s17+s2], $0x400, $0x38;
	[tilespmem:$0x10680] =	vst v63  }
0x11a: {  	s17 =	sand.u32 $0x1FFFFF80, s23  }
0x11b: {  	s26 =	sld [smem:$0x7F0];
	s17 =	sadd.s32 s4, s17  }
0x11c: {  	[tilespmem:s24], [sflag:$0x2] =	stream.linear.gather [hbm4b:s17+s2], $0x400, $0x38;
	[tilespmem:$0x10680] =	vst v63  }
0x11d: {  	s17 =	sand.u32 $0x1FFFFF80, s25  }
0x11e: {  	s17 =	sadd.s32 s3, s17  }
0x11f: {  	[tilespmem:s26], [sflag:$0x1] =	stream.linear.gather [hbm4b:s17+s2], $0x400, $0x38;
	[tilespmem:$0x10680] =	vst v63  }
0x120: {  	s29 =	sld [smem:$0x7F1];
	s30 =	spop (v2sf);
	(v2sf) =	vpush v14, $0xC  }
0x121: {  	s17 =	sand.u32 $0x1FFFFF80, s28  }
0x122: {  	s31 =	sld [smem:$0x7F2];
	s17 =	sadd.s32 s4, s17;
	s19 =	spop (v2sf);
	(v2sf) =	vpush v13, $0xC  }
0x123: {  	[tilespmem:s29], [sflag:$0x2] =	stream.linear.gather [hbm4b:s17+s2], $0x400, $0x38;
	[tilespmem:$0x10680] =	vst v63  }
0x124: {  	s17 =	sand.u32 $0x1FFFFF80, s30;
	s21 =	spop (v2sf);
	(v2sf) =	vpush v14, $0xD  }
0x125: {  	s17 =	sadd.s32 s3, s17  }
0x126: {  	[tilespmem:s31], [sflag:$0x1] =	stream.linear.gather [hbm4b:s17+s2], $0x400, $0x38;
	[tilespmem:$0x10680] =	vst v63  }
0x127: {  	s20 =	sld [smem:$0x7F3];
	s23 =	spop (v2sf);
	(v2sf) =	vpush v13, $0xD  }
0x128: {  	s17 =	sand.u32 $0x1FFFFF80, s19  }
0x129: {  	s22 =	sld [smem:$0x7F4];
	s17 =	sadd.s32 s4, s17  }
0x12a: {  	[tilespmem:s20], [sflag:$0x2] =	stream.linear.gather [hbm4b:s17+s2], $0x400, $0x38;
	[tilespmem:$0x10680] =	vst v63  }
0x12b: {  	s17 =	sand.u32 $0x1FFFFF80, s21  }
0x12c: {  	s24 =	sld [smem:$0x7F5];
	s17 =	sadd.s32 s3, s17  }
0x12d: {  	[tilespmem:s22], [sflag:$0x1] =	stream.linear.gather [hbm4b:s17+s2], $0x400, $0x38;
	[tilespmem:$0x10680] =	vst v63  }
0x12e: {  	s17 =	sand.u32 $0x1FFFFF80, s23  }
0x12f: {  	s17 =	sadd.s32 s4, s17;
	s25 =	spop (v2sf);
	(v2sf) =	vpush v14, $0xE  }
0x130: {  	[tilespmem:s24], [sflag:$0x2] =	stream.linear.gather [hbm4b:s17+s2], $0x400, $0x38;
	[tilespmem:$0x10680] =	vst v63  }
0x131: {  	s26 =	sld [smem:$0x7F6];
	s28 =	spop (v2sf);
	(v2sf) =	vpush v13, $0xE  }
0x132: {  	s17 =	sand.u32 $0x1FFFFF80, s25  }
0x133: {  	s29 =	sld [smem:$0x7F7];
	s17 =	sadd.s32 s3, s17;
	s30 =	spop (v2sf)  }
0x134: {  	(v2sf) =	vpush v14, $0xF;
	[tilespmem:s26], [sflag:$0x1] =	stream.linear.gather [hbm4b:s17+s2], $0x400, $0x38;
	[tilespmem:$0x10680] =	vst v63  }
0x135: {  	s17 =	sand.u32 $0x1FFFFF80, s28  }
0x136: {  	s31 =	sld [smem:$0x7F8];
	s18 =	spop (v2sf);
	s17 =	sadd.s32 s4, s17  }
0x137: {  	(v2sf) =	vpush v13, $0xF;
	[tilespmem:s29], [sflag:$0x2] =	stream.linear.gather [hbm4b:s17+s2], $0x400, $0x38;
	[tilespmem:$0x10680] =	vst v63  }
0x138: {  	s17 =	sand.u32 $0x1FFFFF80, s30  }
0x139: {  	s19 =	sld [smem:$0x7F9];
	s17 =	sadd.s32 s3, s17  }
0x13a: {  	[tilespmem:s31], [sflag:$0x1] =	stream.linear.gather [hbm4b:s17+s2], $0x400, $0x38;
	[tilespmem:$0x10680] =	vst v63  }
0x13b: {  	s17 =	sand.u32 $0x1FFFFF80, s18  }
0x13c: {  	s17 =	sadd.s32 s4, s17  }
0x13d: {  	[tilespmem:s19], [sflag:$0x2] =	stream.linear.gather [hbm4b:s17+s2], $0x400, $0x38;
	[tilespmem:$0x10680] =	vst v63  }
0x13e: {  	s21 =	sld [smem:$0x7FA];
	s20 =	spop (v2sf)  }
0x13f: {  	s17 =	sand.u32 $0x1FFFFF80, s20  }
0x140: {  	s23 =	sld [smem:$0x7FB];
	s22 =	spop (v2sf);
	s17 =	sadd.s32 s3, s17  }
0x141: {  	[tilespmem:s21], [sflag:$0x1] =	stream.linear.gather [hbm4b:s17+s2], $0x400, $0x38;
	[tilespmem:$0x10680] =	vst v63  }
0x142: {  	s17 =	sand.u32 $0x1FFFFF80, s22  }
0x143: {  	s25 =	sld [smem:$0x7FC];
	s24 =	spop (v2sf);
	s17 =	sadd.s32 s4, s17  }
0x144: {  	[tilespmem:s23], [sflag:$0x2] =	stream.linear.gather [hbm4b:s17+s2], $0x400, $0x38;
	[tilespmem:$0x10680] =	vst v63  }
0x145: {  	s17 =	sand.u32 $0x1FFFFF80, s24  }
0x146: {  	s28 =	sld [smem:$0x7FD];
	s26 =	spop (v2sf);
	s17 =	sadd.s32 s3, s17  }
0x147: {  	[tilespmem:s25], [sflag:$0x1] =	stream.linear.gather [hbm4b:s17+s2], $0x400, $0x38;
	[tilespmem:$0x10680] =	vst v63  }
0x148: {  	s17 =	sand.u32 $0x1FFFFF80, s26  }
0x149: {  	s17 =	sadd.s32 s4, s17  }
0x14a: {  	[tilespmem:s28], [sflag:$0x2] =	stream.linear.gather [hbm4b:s17+s2], $0x400, $0x38;
	[tilespmem:$0x10680] =	vst v63  }
0x14b: {  	_ =	swait.ge [sflag:s11], $0x400  }
0x14c: {  	[sflag:s11] =	ssyncset.done $0x0  }
0x14d: {  	[sflag:s11] =	ssyncadd.s32 $0xFFFFFC00  }
0x14e: {  	_ =	swait.ge [sflag:s12], $0x400  }
0x14f: {  	[sflag:s12] =	ssyncset.done $0x0  }
0x150: {  	[sflag:s12] =	ssyncadd.s32 $0xFFFFFC00  }
0x151: {  	_ =	swait.ge [sflag:s11], $0x400  }
0x152: {  	[sflag:s11] =	ssyncset.done $0x0  }
0x153: {  	[sflag:s11] =	ssyncadd.s32 $0xFFFFFC00  }
0x154: {  	_ =	swait.ge [sflag:s12], $0x400  }
0x155: {  	[sflag:s12] =	ssyncset.done $0x0  }
0x156: {  	[sflag:s12] =	ssyncadd.s32 $0xFFFFFC00  }
0x157: {  	_ =	swait.ge [sflag:s11], $0x400  }
0x158: {  	[sflag:s11] =	ssyncset.done $0x0  }
0x159: {  	[sflag:s11] =	ssyncadd.s32 $0xFFFFFC00  }
0x15a: {  	_ =	swait.ge [sflag:s12], $0x400  }
0x15b: {  	[sflag:s12] =	ssyncset.done $0x0  }
0x15c: {  	[sflag:s12] =	ssyncadd.s32 $0xFFFFFC00  }
0x15d: {  	_ =	swait.ge [sflag:s11], $0x400  }
0x15e: {  	[sflag:s11] =	ssyncset.done $0x0  }
0x15f: {  	[sflag:s11] =	ssyncadd.s32 $0xFFFFFC00  }
0x160: {  	_ =	swait.ge [sflag:s12], $0x400  }
0x161: {  	[sflag:s12] =	ssyncset.done $0x0  }
0x162: {  	[sflag:s12] =	ssyncadd.s32 $0xFFFFFC00  }
0x163: {  	_ =	swait.ge [sflag:s11], $0x400  }
0x164: {  	[sflag:s11] =	ssyncset.done $0x0  }
0x165: {  	[sflag:s11] =	ssyncadd.s32 $0xFFFFFC00  }
0x166: {  	_ =	swait.ge [sflag:s12], $0x400  }
0x167: {  	[sflag:s12] =	ssyncset.done $0x0  }
0x168: {  	[sflag:s12] =	ssyncadd.s32 $0xFFFFFC00  }
0x169: {  	_ =	swait.ge [sflag:s11], $0x400  }
0x16a: {  	[sflag:s11] =	ssyncset.done $0x0  }
0x16b: {  	[sflag:s11] =	ssyncadd.s32 $0xFFFFFC00  }
0x16c: {  	_ =	swait.ge [sflag:s12], $0x400  }
0x16d: {  	[sflag:s12] =	ssyncset.done $0x0  }
0x16e: {  	[sflag:s12] =	ssyncadd.s32 $0xFFFFFC00  }
0x16f: {  	_ =	swait.ge [sflag:s11], $0x400  }
0x170: {  	[sflag:s11] =	ssyncset.done $0x0  }
0x171: {  	[sflag:s11] =	ssyncadd.s32 $0xFFFFFC00  }
0x172: {  	_ =	swait.ge [sflag:s12], $0x400  }
0x173: {  	[sflag:s12] =	ssyncset.done $0x0  }
0x174: {  	[sflag:s12] =	ssyncadd.s32 $0xFFFFFC00  }
0x175: {  	_ =	swait.ge [sflag:s11], $0x400  }
0x176: {  	[sflag:s11] =	ssyncset.done $0x0  }
0x177: {  	[sflag:s11] =	ssyncadd.s32 $0xFFFFFC00  }
0x178: {  	_ =	swait.ge [sflag:s12], $0x400  }
0x179: {  	[sflag:s12] =	ssyncset.done $0x0  }
0x17a: {  	[sflag:s12] =	ssyncadd.s32 $0xFFFFFC00  }
0x17b: {  	_ =	swait.ge [sflag:s11], $0x400  }
0x17c: {  	[sflag:s11] =	ssyncset.done $0x0  }
0x17d: {  	[sflag:s11] =	ssyncadd.s32 $0xFFFFFC00  }
0x17e: {  	_ =	swait.ge [sflag:s12], $0x400  }
0x17f: {  	[sflag:s12] =	ssyncset.done $0x0  }
0x180: {  	[sflag:s12] =	ssyncadd.s32 $0xFFFFFC00  }
0x181: {  	_ =	swait.ge [sflag:s11], $0x400  }
0x182: {  	[sflag:s11] =	ssyncset.done $0x0  }
0x183: {  	[sflag:s11] =	ssyncadd.s32 $0xFFFFFC00  }
0x184: {  	_ =	swait.ge [sflag:s12], $0x400  }
0x185: {  	[sflag:s12] =	ssyncset.done $0x0  }
0x186: {  	[sflag:s12] =	ssyncadd.s32 $0xFFFFFC00  }
0x187: {  	_ =	swait.ge [sflag:s11], $0x400  }
0x188: {  	[sflag:s11] =	ssyncset.done $0x0  }
0x189: {  	[sflag:s11] =	ssyncadd.s32 $0xFFFFFC00  }
0x18a: {  	_ =	swait.ge [sflag:s12], $0x400  }
0x18b: {  	[sflag:s12] =	ssyncset.done $0x0  }
0x18c: {  	[sflag:s12] =	ssyncadd.s32 $0xFFFFFC00  }
0x18d: {  	_ =	swait.ge [sflag:s11], $0x400  }
0x18e: {  	[sflag:s11] =	ssyncset.done $0x0  }
0x18f: {  	[sflag:s11] =	ssyncadd.s32 $0xFFFFFC00  }
0x190: {  	_ =	swait.ge [sflag:s12], $0x400  }
0x191: {  	[sflag:s12] =	ssyncset.done $0x0  }
0x192: {  	[sflag:s12] =	ssyncadd.s32 $0xFFFFFC00  }
0x193: {  	_ =	swait.ge [sflag:s11], $0x400  }
0x194: {  	[sflag:s11] =	ssyncset.done $0x0  }
0x195: {  	[sflag:s11] =	ssyncadd.s32 $0xFFFFFC00  }
0x196: {  	_ =	swait.ge [sflag:s12], $0x400  }
0x197: {  	[sflag:s12] =	ssyncset.done $0x0  }
0x198: {  	[sflag:s12] =	ssyncadd.s32 $0xFFFFFC00  }
0x199: {  	_ =	swait.ge [sflag:s11], $0x400  }
0x19a: {  	[sflag:s11] =	ssyncset.done $0x0  }
0x19b: {  	[sflag:s11] =	ssyncadd.s32 $0xFFFFFC00  }
0x19c: {  	_ =	swait.ge [sflag:s12], $0x400  }
0x19d: {  	[sflag:s12] =	ssyncset.done $0x0  }
0x19e: {  	[sflag:s12] =	ssyncadd.s32 $0xFFFFFC00  }
0x19f: {  	_ =	swait.ge [sflag:s11], $0x400  }
0x1a0: {  	[sflag:s11] =	ssyncset.done $0x0  }
0x1a1: {  	[sflag:s11] =	ssyncadd.s32 $0xFFFFFC00  }
0x1a2: {  	_ =	swait.ge [sflag:s12], $0x400  }
0x1a3: {  	[sflag:s12] =	ssyncset.done $0x0  }
0x1a4: {  	[sflag:s12] =	ssyncadd.s32 $0xFFFFFC00  }
0x1a5: {  	_ =	swait.ge [sflag:s11], $0x400  }
0x1a6: {  	[sflag:s11] =	ssyncset.done $0x0  }
0x1a7: {  	[sflag:s11] =	ssyncadd.s32 $0xFFFFFC00  }
0x1a8: {  	_ =	swait.ge [sflag:s12], $0x400  }
0x1a9: {  	[sflag:s12] =	ssyncset.done $0x0  }
0x1aa: {  	[sflag:s12] =	ssyncadd.s32 $0xFFFFFC00  }
0x1ab: {  	_ =	swait.ge [sflag:s11], $0x400  }
0x1ac: {  	[sflag:s11] =	ssyncset.done $0x0  }
0x1ad: {  	[sflag:s11] =	ssyncadd.s32 $0xFFFFFC00  }
0x1ae: {  	_ =	swait.ge [sflag:s12], $0x400  }
0x1af: {  	[sflag:s12] =	ssyncset.done $0x0  }
0x1b0: {  	[sflag:s12] =	ssyncadd.s32 $0xFFFFFC00  }
0x1b1: {  	_ =	swait.ge [sflag:s11], $0x400  }
0x1b2: {  	[sflag:s11] =	ssyncset.done $0x0  }
0x1b3: {  	[sflag:s11] =	ssyncadd.s32 $0xFFFFFC00  }
0x1b4: {  	_ =	swait.ge [sflag:s12], $0x400  }
0x1b5: {  	[sflag:s12] =	ssyncset.done $0x0  }
0x1b6: {  	[sflag:s12] =	ssyncadd.s32 $0xFFFFFC00  }
0x1b7: {  	_ =	swait.ge [sflag:s11], $0x400  }
0x1b8: {  	[sflag:s11] =	ssyncset.done $0x0  }
0x1b9: {  	[sflag:s11] =	ssyncadd.s32 $0xFFFFFC00  }
0x1ba: {  	_ =	swait.ge [sflag:s12], $0x400  }
0x1bb: {  	[sflag:s12] =	ssyncset.done $0x0  }
0x1bc: {  	[sflag:s12] =	ssyncadd.s32 $0xFFFFFC00  }
0x1bd: {  	_ =	swait.ge [sflag:s11], $0x400  }
0x1be: {  	[sflag:s11] =	ssyncset.done $0x0  }
0x1bf: {  	[sflag:s11] =	ssyncadd.s32 $0xFFFFFC00  }
0x1c0: {  	_ =	swait.ge [sflag:s12], $0x400  }
0x1c1: {  	[sflag:s12] =	ssyncset.done $0x0  }
0x1c2: {  	[sflag:s12] =	ssyncadd.s32 $0xFFFFFC00  }
0x1c3: {  	_ =	swait.ge [sflag:s11], $0x400  }
0x1c4: {  	[sflag:s11] =	ssyncset.done $0x0  }
0x1c5: {  	[sflag:s11] =	ssyncadd.s32 $0xFFFFFC00  }
0x1c6: {  	_ =	swait.ge [sflag:s12], $0x400  }
0x1c7: {  	[sflag:s12] =	ssyncset.done $0x0  }
0x1c8: {  	[sflag:s12] =	ssyncadd.s32 $0xFFFFFC00  }
0x1c9: {  	_ =	swait.ge [sflag:s11], $0x400  }
0x1ca: {  	[sflag:s11] =	ssyncset.done $0x0  }
0x1cb: {  	[sflag:s11] =	ssyncadd.s32 $0xFFFFFC00  }
0x1cc: {  	_ =	swait.ge [sflag:s12], $0x400  }
0x1cd: {  	[sflag:s12] =	ssyncset.done $0x0  }
0x1ce: {  	[sflag:s12] =	ssyncadd.s32 $0xFFFFFC00  }
0x1cf: {  	_ =	swait.ge [sflag:s11], $0x400  }
0x1d0: {  	[sflag:s11] =	ssyncset.done $0x0  }
0x1d1: {  	[sflag:s11] =	ssyncadd.s32 $0xFFFFFC00  }
0x1d2: {  	_ =	swait.ge [sflag:s12], $0x400  }
0x1d3: {  	[sflag:s12] =	ssyncset.done $0x0  }
0x1d4: {  	[sflag:s12] =	ssyncadd.s32 $0xFFFFFC00  }
0x1d5: {  	_ =	swait.ge [sflag:s11], $0x400  }
0x1d6: {  	[sflag:s11] =	ssyncset.done $0x0  }
0x1d7: {  	[sflag:s11] =	ssyncadd.s32 $0xFFFFFC00  }
0x1d8: {  	_ =	swait.ge [sflag:s12], $0x400  }
0x1d9: {  	[sflag:s12] =	ssyncset.done $0x0  }
0x1da: {  	[sflag:s12] =	ssyncadd.s32 $0xFFFFFC00  }
0x1db: {  	_ =	swait.ge [sflag:s11], $0x400  }
0x1dc: {  	[sflag:s11] =	ssyncset.done $0x0  }
0x1dd: {  	[sflag:s11] =	ssyncadd.s32 $0xFFFFFC00  }
0x1de: {  	_ =	swait.ge [sflag:s12], $0x400  }
0x1df: {  	[sflag:s12] =	ssyncset.done $0x0  }
0x1e0: {  	[sflag:s12] =	ssyncadd.s32 $0xFFFFFC00  }
0x1e1: {  	_ =	swait.ge [sflag:s11], $0x400  }
0x1e2: {  	[sflag:s11] =	ssyncset.done $0x0  }
0x1e3: {  	[sflag:s11] =	ssyncadd.s32 $0xFFFFFC00  }
0x1e4: {  	_ =	swait.ge [sflag:s12], $0x400  }
0x1e5: {  	[sflag:s12] =	ssyncset.done $0x0  }
0x1e6: {  	[sflag:s12] =	ssyncadd.s32 $0xFFFFFC00  }
0x1e7: {  	_ =	swait.ge [sflag:s11], $0x400  }
0x1e8: {  	[sflag:s11] =	ssyncset.done $0x0  }
0x1e9: {  	[sflag:s11] =	ssyncadd.s32 $0xFFFFFC00  }
0x1ea: {  	_ =	swait.ge [sflag:s12], $0x400  }
0x1eb: {  	[sflag:s12] =	ssyncset.done $0x0  }
0x1ec: {  	[sflag:s12] =	ssyncadd.s32 $0xFFFFFC00  }
0x1ed: {  	_ =	swait.ge [sflag:s11], $0x400  }
0x1ee: {  	[sflag:s11] =	ssyncset.done $0x0  }
0x1ef: {  	[sflag:s11] =	ssyncadd.s32 $0xFFFFFC00  }
0x1f0: {  	_ =	swait.ge [sflag:s12], $0x400  }
0x1f1: {  	[sflag:s12] =	ssyncset.done $0x0  }
0x1f2: {  	[sflag:s12] =	ssyncadd.s32 $0xFFFFFC00  }
0x1f3: {  	_ =	swait.ge [sflag:s11], $0x400  }
0x1f4: {  	[sflag:s11] =	ssyncset.done $0x0  }
0x1f5: {  	[sflag:s11] =	ssyncadd.s32 $0xFFFFFC00  }
0x1f6: {  	_ =	swait.ge [sflag:s12], $0x400  }
0x1f7: {  	[sflag:s12] =	ssyncset.done $0x0  }
0x1f8: {  	[sflag:s12] =	ssyncadd.s32 $0xFFFFFC00  }
0x1f9: {  	_ =	swait.ge [sflag:s11], $0x400  }
0x1fa: {  	[sflag:s11] =	ssyncset.done $0x0  }
0x1fb: {  	[sflag:s11] =	ssyncadd.s32 $0xFFFFFC00  }
0x1fc: {  	_ =	swait.ge [sflag:s12], $0x400  }
0x1fd: {  	[sflag:s12] =	ssyncset.done $0x0  }
0x1fe: {  	[sflag:s12] =	ssyncadd.s32 $0xFFFFFC00  }
0x1ff: {  	_ =	swait.ge [sflag:s11], $0x400  }
0x200: {  	[sflag:s11] =	ssyncset.done $0x0  }
0x201: {  	[sflag:s11] =	ssyncadd.s32 $0xFFFFFC00  }
0x202: {  	_ =	swait.ge [sflag:s12], $0x400  }
0x203: {  	[sflag:s12] =	ssyncset.done $0x0  }
0x204: {  	[sflag:s12] =	ssyncadd.s32 $0xFFFFFC00  }
0x205: {  	_ =	swait.ge [sflag:s11], $0x400  }
0x206: {  	[sflag:s11] =	ssyncset.done $0x0  }
0x207: {  	v10 =	vand.u32 $0x7, v10;
	[sflag:s11] =	ssyncadd.s32 $0xFFFFFC00  }
0x208: {  	v10 =	vshll.u32 v10, $0x7;
	_ =	swait.ge [sflag:s12], $0x400  }
0x209: {  	(v2sf) =	vpush v10, $0x1;
	_ =	sdelay $0x1  }
0x20a: {  	v11 =	vand.u32 $0x7, v11;
	(v2sf) =	vpush v10, $0x0  }
0x20b: {  	v11 =	vshll.u32 v11, $0x7  }
0x20c: {  	(v2sf) =	vpush v11, $0x1;
	_ =	sdelay $0x1  }
0x20d: {  	(v2sf) =	vpush v11, $0x0;
	_ =	sdelay $0x1  }
0x20e: {  	(v2sf) =	vpush v10, $0x3;
	_ =	sdelay $0x1  }
0x20f: {  	(v2sf) =	vpush v10, $0x2;
	_ =	sdelay $0x1  }
0x210: {  	(v2sf) =	vpush v11, $0x3;
	_ =	sdelay $0x1  }
0x211: {  	[sflag:s12] =	ssyncset.done $0x0;
	(v2sf) =	vpush v11, $0x2  }
0x212: {  	[sflag:s12] =	ssyncadd.s32 $0xFFFFFC00;
	s29 =	spop (v2sf)  }
0x213: {  	(v2sf) =	vpush v10, $0x5;
	v17 =	vld [tilespmem:s29+$0x800]  }
0x214: {  	s30 =	spop (v2sf);
	v19 =	vld [tilespmem:s29+$0x810]  }
0x215: {  	(v2sf) =	vpush v10, $0x4;
	v61 =	vld [tilespmem:s30+$0x400]  }
0x216: {  	s19 =	spop (v2sf);
	v15 =	vld [tilespmem:s30+$0x410]  }
0x217: {  	(v2sf) =	vpush v11, $0x5;
	v18 =	vld [tilespmem:s19+$0x8800]  }
0x218: {  	s20 =	spop (v2sf);
	v20 =	vld [tilespmem:s19+$0x8810]  }
0x219: {  	(v2sf) =	vpush v11, $0x4;
	v62 =	vld [tilespmem:s20+$0x8400]  }
0x21a: {  	v16 =	vld [tilespmem:s20+$0x8410];
	s31 =	spop (v2sf)  }
0x21b: {  	(v2sf) =	vpush v10, $0x7;
	v25 =	vld [tilespmem:s31+$0x1000]  }
0x21c: {  	s21 =	spop (v2sf);
	v27 =	vld [tilespmem:s31+$0x1010]  }
0x21d: {  	(v2sf) =	vpush v10, $0x6;
	v21 =	vld [tilespmem:s21+$0xC00]  }
0x21e: {  	s22 =	spop (v2sf);
	v23 =	vld [tilespmem:s21+$0xC10]  }
0x21f: {  	(v2sf) =	vpush v11, $0x7;
	v26 =	vld [tilespmem:s22+$0x9000]  }
0x220: {  	s23 =	spop (v2sf);
	v28 =	vld [tilespmem:s22+$0x9010]  }
0x221: {  	(v2sf) =	vpush v11, $0x6;
	v22 =	vld [tilespmem:s23+$0x8C00]  }
0x222: {  	v24 =	vld [tilespmem:s23+$0x8C10];
	s24 =	spop (v2sf)  }
0x223: {  	(v2sf) =	vpush v10, $0x9;
	v33 =	vld [tilespmem:s24+$0x1800]  }
0x224: {  	s25 =	spop (v2sf);
	v35 =	vld [tilespmem:s24+$0x1810]  }
0x225: {  	(v2sf) =	vpush v10, $0x8;
	v29 =	vld [tilespmem:s25+$0x1400]  }
0x226: {  	s26 =	spop (v2sf);
	v31 =	vld [tilespmem:s25+$0x1410]  }
0x227: {  	(v2sf) =	vpush v11, $0x9;
	v34 =	vld [tilespmem:s26+$0x9800]  }
0x228: {  	s28 =	spop (v2sf);
	v36 =	vld [tilespmem:s26+$0x9810]  }
0x229: {  	(v2sf) =	vpush v11, $0x8;
	v30 =	vld [tilespmem:s28+$0x9400]  }
0x22a: {  	v32 =	vld [tilespmem:s28+$0x9410];
	s29 =	spop (v2sf)  }
0x22b: {  	(v2sf) =	vpush v10, $0xB;
	v41 =	vld [tilespmem:s29+$0x2000]  }
0x22c: {  	s30 =	spop (v2sf);
	v43 =	vld [tilespmem:s29+$0x2010]  }
0x22d: {  	(v2sf) =	vpush v10, $0xA;
	v37 =	vld [tilespmem:s30+$0x1C00]  }
0x22e: {  	s31 =	spop (v2sf);
	v39 =	vld [tilespmem:s30+$0x1C10]  }
0x22f: {  	(v2sf) =	vpush v11, $0xB;
	v42 =	vld [tilespmem:s31+$0xA000]  }
0x230: {  	s21 =	spop (v2sf);
	v44 =	vld [tilespmem:s31+$0xA010]  }
0x231: {  	(v2sf) =	vpush v11, $0xA;
	v38 =	vld [tilespmem:s21+$0x9C00]  }
0x232: {  	v40 =	vld [tilespmem:s21+$0x9C10];
	s22 =	spop (v2sf)  }
0x233: {  	v13 =	vmul.f32 v62, v61;
	(v2sf) =	vpush v10, $0xD;
	v49 =	vld [tilespmem:s22+$0x2800]  }
0x234: {  	v63 =	vmul.f32 v16, v15;
	s23 =	spop (v2sf);
	v51 =	vld [tilespmem:s22+$0x2810]  }
0x235: {  	v52 =	vmul.f32 v20, v19;
	v13 =	vmul.f32 v13, v7;
	(v2sf) =	vpush v10, $0xC;
	v45 =	vld [tilespmem:s23+$0x2400]  }
0x236: {  	v14 =	vmul.f32 v63, v8;
	v55 =	vmul.f32 v26, v25;
	s24 =	spop (v2sf);
	v47 =	vld [tilespmem:s23+$0x2410]  }
0x237: {  	v56 =	vmul.f32 v28, v27;
	v53 =	vmul.f32 v22, v21;
	(v2sf) =	vpush v11, $0xD;
	v50 =	vld [tilespmem:s24+$0xA800]  }
0x238: {  	v54 =	vmul.f32 v24, v23;
	v22 =	vmul.f32 v55, v7;
	s25 =	spop (v2sf);
	v15 =	vld [tilespmem:s24+$0xA810]  }
0x239: {  	v23 =	vmul.f32 v56, v8;
	v19 =	vmul.f32 v53, v7;
	(v2sf) =	vpush v11, $0xC;
	v46 =	vld [tilespmem:s25+$0xA400]  }
0x23a: {  	v20 =	vmul.f32 v54, v8;
	v59 =	vmul.f32 v34, v33;
	v48 =	vld [tilespmem:s25+$0xA410];
	s26 =	spop (v2sf)  }
0x23b: {  	v60 =	vmul.f32 v36, v35;
	v57 =	vmul.f32 v30, v29;
	(v2sf) =	vpush v10, $0xF;
	v24 =	vld [tilespmem:s26+$0x3000]  }
0x23c: {  	v58 =	vmul.f32 v32, v31;
	v30 =	vmul.f32 v59, v7;
	s28 =	spop (v2sf);
	v26 =	vld [tilespmem:s26+$0x3010]  }
0x23d: {  	v31 =	vmul.f32 v60, v8;
	(v2sf) =	vpush v10, $0xE;
	v10 =	vmul.f32 v18, v17;
	v17 =	vld [tilespmem:s28+$0x2C00]  }
0x23e: {  	v27 =	vmul.f32 v57, v7;
	v63 =	vmul.f32 v42, v41;
	s29 =	spop (v2sf);
	v16 =	vld [tilespmem:s28+$0x2C10]  }
0x23f: {  	v61 =	vmul.f32 v38, v37;
	v62 =	vmul.f32 v40, v39;
	(v2sf) =	vpush v11, $0xF;
	v25 =	vld [tilespmem:s29+$0xB000]  }
0x240: {  	v28 =	vmul.f32 v58, v8;
	v38 =	vmul.f32 v63, v7;
	s30 =	spop (v2sf);
	(v2sf) =	vpush v11, $0xE;
	v29 =	vld [tilespmem:s29+$0xB010]  }
0x241: {  	v35 =	vmul.f32 v61, v7;
	v36 =	vmul.f32 v62, v8;
	v18 =	vld [tilespmem:s30+$0xAC00]  }
0x242: {  	v12 =	vand.u32 $0x7, v12;
	v11 =	vmul.f32 v52, v8;
	v52 =	vmul.f32 v44, v43;
	v21 =	vld [tilespmem:s30+$0xAC10];
	s31 =	spop (v2sf)  }
0x243: {  	v9 =	vand.u32 $0x7, v9;
	v10 =	vmul.f32 v10, v7;
	v56 =	vmul.f32 v50, v49;
	v40 =	vld [tilespmem:s31+$0x3800]  }
0x244: {  	v12 =	vshll.u32 v12, $0x7;
	v15 =	vmul.f32 v15, v51;
	v39 =	vmul.f32 v52, v8;
	s21 =	spop (v2sf);
	v42 =	vld [tilespmem:s31+$0x3810]  }
0x245: {  	v9 =	vshll.u32 v9, $0x7;
	v53 =	vmul.f32 v46, v45;
	v54 =	vmul.f32 v48, v47;
	v32 =	vld [tilespmem:s21+$0x3400]  }
0x246: {  	v13 =	vadd.f32 v14, v13;
	v57 =	vmul.f32 v56, v7;
	v15 =	vmul.f32 v15, v8;
	s22 =	spop (v2sf);
	v34 =	vld [tilespmem:s21+$0x3410]  }
0x247: {  	v52 =	vadd.f32 v36, v35;
	v43 =	vmul.f32 v53, v7;
	v44 =	vmul.f32 v54, v8;
	v41 =	vld [tilespmem:s22+$0xB800]  }
0x248: {  	v22 =	vadd.f32 v23, v22;
	v59 =	vmul.f32 v25, v24;
	v60 =	vmul.f32 v29, v26;
	s23 =	spop (v2sf);
	v55 =	vld [tilespmem:s22+$0xB810]  }
0x249: {  	v10 =	vadd.f32 v11, v10;
	v35 =	vperm.xlane v52, v0;
	v11 =	vmul.f32 v18, v17;
	v33 =	vld [tilespmem:s23+$0xB400]  }
0x24a: {  	v18 =	vadd.f32 v20, v19;
	v19 =	vmul.f32 v59, v7;
	v20 =	vmul.f32 v60, v8;
	v37 =	vld [tilespmem:s23+$0xB410];
	s24 =	spop (v2sf)  }
0x24b: {  	v24 =	vadd.f32 v28, v27;
	v26 =	vadd.f32 v31, v30;
	v16 =	vmul.f32 v21, v16;
	v61 =	vld [tilespmem:s24+$0x4000]  }
0x24c: {  	v14 =	vadd.f32 v15, v57;
	v29 =	vperm.xlane v22, v0;
	v19 =	vadd.f32 v20, v19;
	s25 =	spop (v2sf);
	v63 =	vld [tilespmem:s24+$0x4010]  }
0x24d: {  	v11 =	vmul.f32 v11, v7;
	v16 =	vmul.f32 v16, v8;
	(v2sf) =	vpush v12, $0x1;
	v47 =	vld [tilespmem:s25+$0x3C00]  }
0x24e: {  	v56 =	vadd.f32 v44, v43;
	(v2sf) =	vpush v12, $0x0;
	v43 =	vperm.xlane v19, v0;
	s26 =	spop (v2sf);
	v46 =	vld [tilespmem:s25+$0x3C10]  }
0x24f: {  	v11 =	vadd.f32 v16, v11;
	s28 =	spop (v2sf);
	v51 =	vld [tilespmem:s26+$0xC010];
	v53 =	vmul.f32 v41, v40;
	v54 =	vmul.f32 v55, v42  }
0x250: {  	(v2sf) =	vpush v9, $0x1;
	v48 =	vld [tilespmem:s28+$0xBC00];
	v40 =	vperm.xlane v56, v0;
	v41 =	vperm.xlane v14, v0  }
0x251: {  	v58 =	vld [tilespmem:s28+$0xBC10];
	v55 =	vadd.f32 v39, v38;
	v42 =	vperm.xlane v11, v0;
	v49 =	vmul.f32 v33, v32  }
0x252: {  	v19 =	vadd.f32 v43, v19;
	v62 =	vld [tilespmem:s26+$0xC000];
	v50 =	vmul.f32 v37, v34;
	v31 =	vmul.f32 v53, v7  }
0x253: {  	v38 =	vadd.f32 v35, v52;
	v32 =	vmul.f32 v54, v8;
	v36 =	vperm.xlane v55, v0  }
0x254: {  	v11 =	vadd.f32 v42, v11;
	v27 =	vmul.f32 v49, v7;
	v28 =	vmul.f32 v50, v8  }
0x255: {  	v14 =	vadd.f32 v41, v14;
	v59 =	vmul.f32 v51, v63;
	v63 =	vperm.xlane v10, v0  }
0x256: {  	v11 =	vsel vm2, v11, v19;
	v57 =	vmul.f32 v48, v47;
	v17 =	vmul.f32 v58, v46  }
0x257: {  	v58 =	vmul.f32 v62, v61;
	v60 =	vadd.f32 v28, v27;
	v62 =	vperm.xlane v13, v0  }
0x258: {  	v61 =	vadd.f32 v32, v31;
	v28 =	vperm.xlane v18, v0;
	v32 =	vperm.xlane v26, v0  }
0x259: {  	v39 =	vadd.f32 v36, v55;
	v55 =	vperm.xlane v11, v3;
	v21 =	vmul.f32 v59, v8  }
0x25a: {  	v10 =	vadd.f32 v63, v10;
	v15 =	vmul.f32 v57, v7;
	v17 =	vmul.f32 v17, v8  }
0x25b: {  	v16 =	vmul.f32 v58, v7;
	v13 =	vadd.f32 v62, v13;
	v37 =	vadd.f32 v32, v26  }
0x25c: {  	v31 =	vperm.xlane v24, v0;
	v11 =	vadd.f32 v55, v11;
	v15 =	vadd.f32 v17, v15  }
0x25d: {  	v44 =	vperm.xlane v60, v0;
	v16 =	vadd.f32 v21, v16;
	v17 =	vadd.f32 v28, v18  }
0x25e: {  	v45 =	vperm.xlane v61, v0;
	v21 =	vadd.f32 v29, v22;
	v18 =	vadd.f32 v31, v24  }
0x25f: {  	v10 =	vsel vm2, v13, v10;
	v13 =	vsel vm2, v38, v39;
	v20 =	vadd.f32 v44, v60  }
0x260: {  	v48 =	vadd.f32 v45, v61;
	v50 =	vperm.xlane v10, v3;
	v53 =	vperm.xlane v13, v3  }
0x261: {  	v17 =	vsel vm2, v17, v21;
	v46 =	vperm.xlane v15, v0;
	v47 =	vperm.xlane v16, v0  }
0x262: {  	v18 =	vsel vm2, v18, v37;
	v21 =	vadd.f32 v40, v56;
	v49 =	vsel vm2, v20, v48  }
0x263: {  	v51 =	vperm.xlane v17, v3;
	v15 =	vadd.f32 v46, v15;
	v16 =	vadd.f32 v47, v16  }
0x264: {  	v52 =	vperm.xlane v18, v3;
	v10 =	vadd.f32 v50, v10;
	v13 =	vadd.f32 v53, v13  }
0x265: {  	v56 =	vperm.xlane v49, v3;
	v14 =	vsel vm2, v21, v14;
	v15 =	vsel vm2, v15, v16  }
0x266: {  	v17 =	vadd.f32 v51, v17;
	v54 =	vperm.xlane v14, v3;
	v57 =	vperm.xlane v15, v3  }
0x267: {  	v19 =	vadd.f32 v56, v49;
	v16 =	vadd.f32 v52, v18  }
0x268: {  	v14 =	vadd.f32 v54, v14;
	v10 =	vsel vm0, v10, v17;
	v15 =	vadd.f32 v57, v15  }
0x269: {  	(v2sf) =	vpush v9, $0x0;
	v13 =	vsel vm0, v16, v13;
	v59 =	vperm.xlane v10, v4  }
0x26a: {  	v11 =	vsel vm0, v14, v11;
	v16 =	vperm.xlane v13, v4;
	v58 =	vsel vm0, v19, v15  }
0x26b: {  	v60 =	vperm.xlane v11, v4;
	v61 =	vperm.xlane v58, v4  }
0x26c: {  	v10 =	vadd.f32 v59, v10;
	v13 =	vadd.f32 v16, v13  }
0x26d: {  	v11 =	vadd.f32 v60, v11;
	v14 =	vadd.f32 v61, v58  }
0x26e: {  	(v2sf) =	vpush v12, $0x3  }
0x26f: {  	(v2sf) =	vpush v12, $0x2;
	v10 =	vsel vm1, v10, v13;
	v11 =	vsel vm1, v11, v14  }
0x270: {  	(v2sf) =	vpush v9, $0x3;
	v13 =	vperm.xlane v10, v5;
	v14 =	vperm.xlane v11, v5  }
0x271: {  	(v2sf) =	vpush v9, $0x2  }
0x272: {  	v10 =	vadd.f32 v13, v10;
	v11 =	vadd.f32 v14, v11;
	_ =	sdelay $0x1  }
0x273: {  	v10 =	vsel vm3, v10, v11  }
0x274: {  	s29 =	spop (v2sf);
	v10 =	vperm.xlane v10, v6  }
0x275: {  	s17 =	sshra.s32 s16, $0x2;
	s30 =	spop (v2sf)  }
0x276: {  	(v2sf) =	vpush v12, $0x5;
	s31 =	spop (v2sf);
	[tilespmem:s17+$0x10480] =	vst v10  }
0x277: {  	(v2sf) =	vpush v12, $0x4;
	s21 =	spop (v2sf);
	v10 =	vld [tilespmem:s30+$0x4400]  }
0x278: {  	v11 =	vld [tilespmem:s21+$0xC400]  }
0x279: {  	v13 =	vld [tilespmem:s30+$0x4410]  }
0x27a: {  	v14 =	vld [tilespmem:s21+$0xC410]  }
0x27b: {  	(v2sf) =	vpush v9, $0x5;
	v15 =	vld [tilespmem:s29+$0x4800]  }
0x27c: {  	s22 =	spop (v2sf);
	v16 =	vld [tilespmem:s31+$0xC800]  }
0x27d: {  	(v2sf) =	vpush v9, $0x4;
	s23 =	spop (v2sf);
	v17 =	vld [tilespmem:s29+$0x4810]  }
0x27e: {  	s24 =	spop (v2sf);
	v18 =	vld [tilespmem:s31+$0xC810]  }
0x27f: {  	(v2sf) =	vpush v12, $0x7;
	s25 =	spop (v2sf);
	v19 =	vld [tilespmem:s23+$0x4C00]  }
0x280: {  	v20 =	vld [tilespmem:s25+$0xCC00]  }
0x281: {  	(v2sf) =	vpush v12, $0x6;
	v21 =	vld [tilespmem:s23+$0x4C10]  }
0x282: {  	v22 =	vld [tilespmem:s25+$0xCC10]  }
0x283: {  	(v2sf) =	vpush v9, $0x7;
	v23 =	vld [tilespmem:s22+$0x5000]  }
0x284: {  	(v2sf) =	vpush v9, $0x6;
	v24 =	vld [tilespmem:s24+$0xD000]  }
0x285: {  	s26 =	spop (v2sf);
	v25 =	vld [tilespmem:s22+$0x5010]  }
0x286: {  	s28 =	spop (v2sf);
	v26 =	vld [tilespmem:s24+$0xD010]  }
0x287: {  	(v2sf) =	vpush v12, $0x9;
	v27 =	vld [tilespmem:s28+$0x5400]  }
0x288: {  	v29 =	vld [tilespmem:s28+$0x5410]  }
0x289: {  	(v2sf) =	vpush v12, $0x8;
	v31 =	vld [tilespmem:s26+$0x5800]  }
0x28a: {  	s29 =	spop (v2sf);
	v33 =	vld [tilespmem:s26+$0x5810]  }
0x28b: {  	(v2sf) =	vpush v9, $0x9;
	v32 =	vld [tilespmem:s29+$0xD800]  }
0x28c: {  	s30 =	spop (v2sf);
	v34 =	vld [tilespmem:s29+$0xD810]  }
0x28d: {  	(v2sf) =	vpush v9, $0x8;
	v28 =	vld [tilespmem:s30+$0xD400]  }
0x28e: {  	v30 =	vld [tilespmem:s30+$0xD410];
	s31 =	spop (v2sf)  }
0x28f: {  	(v2sf) =	vpush v12, $0xB;
	v39 =	vld [tilespmem:s31+$0x6000]  }
0x290: {  	s21 =	spop (v2sf);
	v41 =	vld [tilespmem:s31+$0x6010]  }
0x291: {  	(v2sf) =	vpush v12, $0xA;
	v35 =	vld [tilespmem:s21+$0x5C00]  }
0x292: {  	s22 =	spop (v2sf);
	(v2sf) =	vpush v9, $0xB;
	v37 =	vld [tilespmem:s21+$0x5C10]  }
0x293: {  	s23 =	spop (v2sf);
	(v2sf) =	vpush v9, $0xA;
	v40 =	vld [tilespmem:s22+$0xE000]  }
0x294: {  	v42 =	vld [tilespmem:s22+$0xE010]  }
0x295: {  	v36 =	vld [tilespmem:s23+$0xDC00]  }
0x296: {  	v38 =	vld [tilespmem:s23+$0xDC10];
	s24 =	spop (v2sf)  }
0x297: {  	(v2sf) =	vpush v12, $0xD;
	v47 =	vld [tilespmem:s24+$0x6800]  }
0x298: {  	s25 =	spop (v2sf);
	v49 =	vld [tilespmem:s24+$0x6810]  }
0x299: {  	v10 =	vmul.f32 v11, v10;
	v11 =	vmul.f32 v14, v13;
	(v2sf) =	vpush v12, $0xC;
	v43 =	vld [tilespmem:s25+$0x6400]  }
0x29a: {  	v14 =	vmul.f32 v16, v15;
	v15 =	vmul.f32 v18, v17;
	v45 =	vld [tilespmem:s25+$0x6410];
	s26 =	spop (v2sf)  }
0x29b: {  	v17 =	vmul.f32 v20, v19;
	v18 =	vmul.f32 v22, v21;
	(v2sf) =	vpush v9, $0xD;
	v48 =	vld [tilespmem:s26+$0xE800]  }
0x29c: {  	v20 =	vmul.f32 v24, v23;
	v21 =	vmul.f32 v26, v25;
	s28 =	spop (v2sf);
	v50 =	vld [tilespmem:s26+$0xE810]  }
0x29d: {  	v26 =	vmul.f32 v32, v31;
	v23 =	vmul.f32 v28, v27;
	(v2sf) =	vpush v9, $0xC;
	v44 =	vld [tilespmem:s28+$0xE400]  }
0x29e: {  	v24 =	vmul.f32 v30, v29;
	v27 =	vmul.f32 v34, v33;
	v46 =	vld [tilespmem:s28+$0xE410];
	s29 =	spop (v2sf)  }
0x29f: {  	v10 =	vmul.f32 v10, v7;
	v11 =	vmul.f32 v11, v8;
	(v2sf) =	vpush v12, $0xF;
	v53 =	vld [tilespmem:s29+$0x7000]  }
0x2a0: {  	v14 =	vmul.f32 v14, v7;
	v15 =	vmul.f32 v15, v8;
	s30 =	spop (v2sf);
	(v2sf) =	vpush v12, $0xE;
	v55 =	vld [tilespmem:s29+$0x7010]  }
0x2a1: {  	v17 =	vmul.f32 v17, v7;
	v18 =	vmul.f32 v18, v8;
	s31 =	spop (v2sf);
	v12 =	vld [tilespmem:s30+$0x6C00];
	(v2sf) =	vpush v9, $0xF  }
0x2a2: {  	v20 =	vmul.f32 v20, v7;
	v21 =	vmul.f32 v21, v8;
	s22 =	spop (v2sf);
	(v2sf) =	vpush v9, $0xE;
	v9 =	vld [tilespmem:s30+$0x6C10]  }
0x2a3: {  	v10 =	vadd.f32 v11, v10;
	v11 =	vmul.f32 v23, v7;
	v34 =	vmul.f32 v24, v8;
	v54 =	vld [tilespmem:s31+$0xF000]  }
0x2a4: {  	v32 =	vmul.f32 v40, v39;
	v33 =	vmul.f32 v42, v41;
	v56 =	vld [tilespmem:s31+$0xF010]  }
0x2a5: {  	v20 =	vadd.f32 v21, v20;
	v40 =	vmul.f32 v27, v8;
	v29 =	vmul.f32 v36, v35;
	v51 =	vld [tilespmem:s22+$0xEC00]  }
0x2a6: {  	v30 =	vmul.f32 v38, v37;
	v37 =	vmul.f32 v26, v7;
	v52 =	vld [tilespmem:s22+$0xEC10];
	s23 =	spop (v2sf)  }
0x2a7: {  	v11 =	vadd.f32 v34, v11;
	v34 =	vperm.xlane v20, v0;
	v41 =	vmul.f32 v29, v7;
	v61 =	vld [tilespmem:s23+$0x7800]  }
0x2a8: {  	v14 =	vadd.f32 v15, v14;
	v38 =	vmul.f32 v48, v47;
	v39 =	vmul.f32 v50, v49;
	s24 =	spop (v2sf);
	v16 =	vld [tilespmem:s23+$0x7810]  }
0x2a9: {  	v17 =	vadd.f32 v18, v17;
	v47 =	vmul.f32 v32, v7;
	v48 =	vmul.f32 v33, v8;
	v57 =	vld [tilespmem:s24+$0x7400]  }
0x2aa: {  	v32 =	vperm.xlane v14, v0;
	v35 =	vmul.f32 v44, v43;
	v59 =	vld [tilespmem:s24+$0x7410];
	s25 =	spop (v2sf)  }
0x2ab: {  	v33 =	vperm.xlane v17, v0;
	v36 =	vmul.f32 v46, v45;
	v13 =	vld [tilespmem:s25+$0xF800]  }
0x2ac: {  	v46 =	vmul.f32 v30, v8;
	v49 =	vmul.f32 v35, v7;
	s26 =	spop (v2sf);
	v19 =	vld [tilespmem:s25+$0xF810]  }
0x2ad: {  	v12 =	vmul.f32 v51, v12;
	v9 =	vmul.f32 v52, v9;
	v58 =	vld [tilespmem:s26+$0xF400]  }
0x2ae: {  	v21 =	vadd.f32 v48, v47;
	v35 =	vperm.xlane v11, v0;
	v54 =	vmul.f32 v54, v53;
	v60 =	vld [tilespmem:s26+$0xF410];
	s28 =	spop (v2sf)  }
0x2af: {  	v18 =	vadd.f32 v46, v41;
	v12 =	vmul.f32 v12, v7;
	v9 =	vmul.f32 v9, v8;
	v62 =	vld [tilespmem:s28+$0x8000]  }
0x2b0: {  	v15 =	vadd.f32 v40, v37;
	v56 =	vmul.f32 v56, v55;
	v41 =	vperm.xlane v21, v0;
	s29 =	spop (v2sf);
	v50 =	vld [tilespmem:s28+$0x8010]  }
0x2b1: {  	v51 =	vmul.f32 v38, v7;
	v40 =	vperm.xlane v18, v0;
	v9 =	vadd.f32 v9, v12;
	s30 =	spop (v2sf);
	v22 =	vld [tilespmem:s29+$0x7C00]  }
0x2b2: {  	v53 =	vmul.f32 v54, v7;
	v54 =	vmul.f32 v56, v8;
	v63 =	vld [tilespmem:s30+$0x10000]  }
0x2b3: {  	v44 =	vperm.xlane v9, v0;
	v52 =	vld [tilespmem:s30+$0x10010];
	v13 =	vmul.f32 v13, v61  }
0x2b4: {  	v37 =	vadd.f32 v34, v20;
	v28 =	vld [tilespmem:s29+$0x7C10];
	s31 =	spop (v2sf);
	v16 =	vmul.f32 v19, v16;
	v58 =	vmul.f32 v58, v57  }
0x2b5: {  	v14 =	vadd.f32 v32, v14;
	v25 =	vld [tilespmem:s31+$0xFC00];
	v59 =	vmul.f32 v60, v59;
	v13 =	vmul.f32 v13, v7  }
0x2b6: {  	v11 =	vadd.f32 v35, v11;
	v31 =	vld [tilespmem:s31+$0xFC10];
	v16 =	vmul.f32 v16, v8;
	v55 =	vmul.f32 v58, v7  }
0x2b7: {  	v9 =	vadd.f32 v44, v9;
	v56 =	vmul.f32 v59, v8;
	v62 =	vmul.f32 v63, v62  }
0x2b8: {  	v59 =	vadd.f32 v54, v53;
	v63 =	vmul.f32 v52, v50;
	v50 =	vmul.f32 v36, v8  }
0x2b9: {  	v52 =	vmul.f32 v39, v8;
	v13 =	vadd.f32 v16, v13;
	v36 =	vperm.xlane v15, v0  }
0x2ba: {  	v16 =	vadd.f32 v33, v17;
	v17 =	vadd.f32 v41, v21;
	v60 =	vmul.f32 v25, v22  }
0x2bb: {  	v61 =	vmul.f32 v31, v28;
	v45 =	vperm.xlane v59, v0;
	v23 =	vadd.f32 v50, v49  }
0x2bc: {  	v24 =	vadd.f32 v52, v51;
	v25 =	vmul.f32 v62, v7;
	v62 =	vperm.xlane v10, v0  }
0x2bd: {  	v38 =	vadd.f32 v36, v15;
	v39 =	vsel vm2, v16, v37;
	v47 =	vperm.xlane v13, v0  }
0x2be: {  	v16 =	vadd.f32 v40, v18;
	v57 =	vmul.f32 v60, v7;
	v58 =	vmul.f32 v61, v8  }
0x2bf: {  	v60 =	vmul.f32 v63, v8;
	v61 =	vadd.f32 v56, v55;
	v21 =	vadd.f32 v45, v59  }
0x2c0: {  	v53 =	vperm.xlane v39, v3;
	v10 =	vadd.f32 v62, v10;
	v11 =	vsel vm2, v11, v38  }
0x2c1: {  	v42 =	vperm.xlane v23, v0;
	v43 =	vperm.xlane v24, v0;
	v13 =	vadd.f32 v47, v13  }
0x2c2: {  	v16 =	vsel vm2, v16, v17;
	v12 =	vadd.f32 v58, v57;
	v63 =	vadd.f32 v60, v25  }
0x2c3: {  	v46 =	vperm.xlane v61, v0;
	v9 =	vsel vm2, v9, v21;
	v54 =	vperm.xlane v11, v3  }
0x2c4: {  	v15 =	vadd.f32 v53, v39;
	v55 =	vperm.xlane v16, v3;
	v10 =	vsel vm2, v10, v14  }
0x2c5: {  	v14 =	vadd.f32 v42, v23;
	v48 =	vperm.xlane v12, v0;
	v49 =	vperm.xlane v63, v0  }
0x2c6: {  	v20 =	vadd.f32 v43, v24;
	v57 =	vperm.xlane v9, v3;
	v50 =	vadd.f32 v46, v61  }
0x2c7: {  	v52 =	vperm.xlane v10, v3;
	v12 =	vadd.f32 v48, v12;
	v51 =	vadd.f32 v49, v63  }
0x2c8: {  	v11 =	vadd.f32 v54, v11;
	v16 =	vadd.f32 v55, v16;
	v14 =	vsel vm2, v14, v20  }
0x2c9: {  	v13 =	vsel vm2, v50, v13;
	v56 =	vperm.xlane v14, v3;
	v12 =	vsel vm2, v12, v51  }
0x2ca: {  	v9 =	vadd.f32 v57, v9;
	v58 =	vperm.xlane v13, v3;
	v59 =	vperm.xlane v12, v3  }
0x2cb: {  	v10 =	vadd.f32 v52, v10;
	v14 =	vadd.f32 v56, v14  }
0x2cc: {  	v11 =	vsel vm0, v11, v16;
	v13 =	vadd.f32 v58, v13;
	v12 =	vadd.f32 v59, v12  }
0x2cd: {  	v61 =	vperm.xlane v11, v4;
	v10 =	vsel vm0, v10, v15  }
0x2ce: {  	v60 =	vperm.xlane v10, v4;
	v9 =	vsel vm0, v14, v9;
	v12 =	vsel vm0, v13, v12  }
0x2cf: {  	v62 =	vperm.xlane v9, v4;
	v63 =	vperm.xlane v12, v4  }
0x2d0: {  	v11 =	vadd.f32 v61, v11;
	v10 =	vadd.f32 v60, v10  }
0x2d1: {  	v9 =	vadd.f32 v62, v9;
	v12 =	vadd.f32 v63, v12;
	_ =	sdelay $0x1  }
0x2d2: {  	v10 =	vsel vm1, v10, v11;
	v9 =	vsel vm1, v9, v12  }
0x2d3: {  	v11 =	vperm.xlane v10, v5;
	v12 =	vperm.xlane v9, v5;
	_ =	sdelay $0x1  }
0x2d4: {  	p0 =	sne.s32 s16, $0x780;
	v10 =	vadd.f32 v11, v10;
	v9 =	vadd.f32 v12, v9  }
.Ltmp0:
0x2d5: {  	_ = 	snop;
	(pc) =	sbr.rel @p0 .LBB2_2-.Ltmp0, $3  }
0x2d6: {  	v9 =	vsel vm3, v10, v9  }
0x2d7: {  	v9 =	vperm.xlane v9, v6;
	_ =	sdelay $0x1  }
0x2d8: {  	s15 =	sadd.s32 $0x40, s15;
	s16 =	sadd.s32 $0x80, s16;
	[tilespmem:s17+$0x10490] =	vst v9  }
0x2d9: {  	s14 =	sadd.s32 $0x1, s14  }
0x2da: {  	p0 =	sne.s32 s14, s8  }
.Ltmp1:
0x2db: {  	_ = 	snop;
	(pc) =	sbr.rel @p0 .LBB2_1-.Ltmp1, $4  }
0x2dc: {  	[hbm4b:s7+s2] =	stream.linear.scatter [tilespmem:s13], [sflag:$0x3], $0x200, $0x38;
	[tilespmem:$0x10680] =	vst v63  }
0x2dd: {  	_ =	swait.ge [sflag:s9], $0x200  }
0x2de: {  	[sflag:s9] =	ssyncset.done $0x0  }
0x2df: {  	[sflag:s9] =	ssyncadd.s32 $0xFFFFFE00  }
0x2e0: {  	_ =	sfence.sel $0x180000  }
0x2e1: {  	[bflag:$0x0] =	sbarrier.arrive $0xFFFF  }
0x2e2: {  	p0 =	sne.s32 s5, $0x0;
	_ =	strace $0x90000047  }
0x2e3: {  	s0 =	sadd.s32 @!p0 $0x100000, s0;
	[bflag:$0x2] =	sbarrier.arrive $0xFFFF  }
0x2e4: {  	[sflag:s0] =	ssyncadd.tile.s32 @!p0 $0x1;
	_ =	shalt  }
.Lfunc_end2:
_tile_overlayer_lowered:
.L_overlay_start_2:
0x2e5: {  	(tag) =	ssettag $0x2  }
0x2e6: {  	s0 =	rddreg [dreg:$0x0];
	s2 =	stileid.u32  }
0x2e7: {  	s1 =	rddreg [dreg:$0x1];
	p0 =	sne.s32 s2, $0x0  }
0x2e8: {  	s3 =	rddreg [dreg:$0x2];
	[bflag:$0x3] =	sbarrier.arrive $0xFFFF;
	s2 =	simm.s32 @!p0 $0x1C03  }
0x2e9: {  	[timem:s3], [sflag:s2] =	dma.local @!p0 [hbm:s0], s1  }
0x2ea: {  	s0 =	simm.s32 @!p0 $0x3  }
0x2eb: {  	_ =	swait.ge @!p0 [sflag:s0], s1  }
0x2ec: {  	s1 =	ssub.s32 @!p0 $0x0, s1;
	[sflag:s0] =	ssyncset.done @!p0 $0x0  }
0x2ed: {  	[sflag:s0] =	ssyncadd.s32 @!p0 s1  }
0x2ee: {  	[bflag:$0x3] =	sbarrier.arrive $0xFFFF  }
0x2ef: {  	_ =	shalt  }

</sc_bundles>
